<compile_context>
chip_gen: v7x
topology: tpu7x:2x2x1
jax: 0.10.2.dev20260603
libtpu: 0.0.44.dev20260713+nightly
codegen_flags: <defaults>
</compile_context>

<pallas_src>
import functools

import jax
import jax.numpy as jnp
from jax import lax
from jax.experimental import pallas as pl
from jax.experimental.pallas import tpu as pltpu
from jax.experimental.pallas import tpu_sc as plsc

T = 128
NC, NS = 2, 16
NW = NC * NS
CHUNK = 32
NBUF = 3
L = 16


def _row_indices(tile_e_v, counts_v, offs_v, ntoffs_v, order_v, h, S, B):
    r = h & (T - 1)
    bb = (h >> (T.bit_length() - 1)) & (B - 1)
    t = h >> ((B * T).bit_length() - 1)
    e = plsc.load_gather(tile_e_v, [t])
    cnt = plsc.load_gather(counts_v, [e])
    off = plsc.load_gather(offs_v, [e])
    nt_off = plsc.load_gather(ntoffs_v, [e])
    jr = (t - nt_off) * T + r
    valid = jr < cnt
    p = jnp.minimum(off + jr, S - 1)
    tok = plsc.load_gather(order_v, [p])
    return tok + bb * S, valid


def _sc_gather(x2, order, tile_e32, counts, offs, ntoffs, ucvec, G, NT2):
    R, D = x2.shape
    S = order.shape[0]
    B = R // S
    per_w = G // NW
    n_chunks = per_w // CHUNK
    assert per_w * NW == G and n_chunks * CHUNK == per_w

    mesh = plsc.VectorSubcoreMesh(core_axis_name="c", subcore_axis_name="s")

    @functools.partial(
        pl.kernel,
        out_type=jax.ShapeDtypeStruct((G, D), jnp.float32),
        mesh=mesh,
        compiler_params=pltpu.CompilerParams(needs_layout_passes=False),
        scratch_types=[
            pltpu.VMEM((S,), jnp.int32),
            pltpu.VMEM((NT2,), jnp.int32),
            pltpu.VMEM((L,), jnp.int32),
            pltpu.VMEM((L,), jnp.int32),
            pltpu.VMEM((L,), jnp.int32),
            pltpu.VMEM((L,), jnp.int32),
            pltpu.VMEM((n_chunks, CHUNK), jnp.int32),
            pltpu.VMEM((NBUF, CHUNK, D), jnp.float32),
            pltpu.SemaphoreType.DMA,
            pltpu.SemaphoreType.DMA,
        ],
    )
    def k(x_hbm, order_hbm, tile_e_hbm, counts_hbm, offs_hbm, ntoffs_hbm,
          uc_hbm, out_hbm, order_v, tile_e_v, counts_v, offs_v, ntoffs_v,
          uc_v, idx_v, rows_v, gsem, osem):
        wid = lax.axis_index("s") * NC + lax.axis_index("c")
        pltpu.sync_copy(order_hbm, order_v)
        pltpu.sync_copy(tile_e_hbm, tile_e_v)
        pltpu.sync_copy(counts_hbm, counts_v)
        pltpu.sync_copy(offs_hbm, offs_v)
        pltpu.sync_copy(ntoffs_hbm, ntoffs_v)
        pltpu.sync_copy(uc_hbm, uc_v)
        uc = jnp.max(uc_v[...])
        per_c = CHUNK // L
        for v in range(per_w // L):
            c, g = v // per_c, v % per_c
            h = (wid + NW * c) * CHUNK + g * L + lax.iota(jnp.int32, L)
            gidx, _ = _row_indices(tile_e_v, counts_v, offs_v, ntoffs_v, order_v, h, S, B)
            idx_v[c, pl.ds(g * L, L)] = gidx

        def in_copy(c):
            return pltpu.make_async_copy(x_hbm.at[idx_v.at[c]],
                                         rows_v.at[c % NBUF], gsem)

        def out_copy(c):
            off = (wid + NW * c) * CHUNK
            return pltpu.make_async_copy(rows_v.at[c % NBUF],
                                         out_hbm.at[pl.ds(off, CHUNK)], osem)

        def act(c):
            return (wid + NW * c) < uc

        for c in range(n_chunks):
            if c >= NBUF:
                @pl.when(act(c - NBUF))
                def _wo():
                    out_copy(c - NBUF).wait()

            @pl.when(act(c))
            def _si():
                in_copy(c).start()
            if c >= 1:
                @pl.when(act(c - 1))
                def _wi():
                    in_copy(c - 1).wait()
                    out_copy(c - 1).start()

        @pl.when(act(n_chunks - 1))
        def _tail1():
            in_copy(n_chunks - 1).wait()
            out_copy(n_chunks - 1).start()
        for c in range(max(n_chunks - NBUF + 1, 0), n_chunks):
            @pl.when(act(c))
            def _tailo():
                out_copy(c).wait()

    return k(x2, order, tile_e32, counts, offs, ntoffs, ucvec)


def _sc_out_gather(ys, order, mi, offs, ntoffs, n_out_rows, S, B):
    G, D = ys.shape
    per_w = n_out_rows // NW
    OCH = 32
    n_chunks = per_w // OCH
    assert per_w * NW == n_out_rows and n_chunks * OCH == per_w

    mesh = plsc.VectorSubcoreMesh(core_axis_name="c", subcore_axis_name="s")

    @functools.partial(
        pl.kernel,
        out_type=jax.ShapeDtypeStruct((n_out_rows, D), jnp.float32),
        mesh=mesh,
        compiler_params=pltpu.CompilerParams(needs_layout_passes=False),
        scratch_types=[
            pltpu.VMEM((S,), jnp.int32),
            pltpu.VMEM((S,), jnp.int32),
            pltpu.VMEM((S,), jnp.int32),
            pltpu.VMEM((L,), jnp.int32),
            pltpu.VMEM((L,), jnp.int32),
            pltpu.VMEM((n_chunks, OCH), jnp.int32),
            pltpu.VMEM((2, OCH, D), jnp.float32),
            pltpu.SemaphoreType.DMA,
            pltpu.SemaphoreType.DMA,
        ],
    )
    def k(ys_hbm, order_hbm, mi_hbm, offs_hbm, ntoffs_hbm, out_hbm,
          order_v, mi_v, inv_v, offs_v, ntoffs_v, idx_v, rows_v, isem, osem):
        wid = lax.axis_index("s") * NC + lax.axis_index("c")
        base = wid * per_w
        pltpu.sync_copy(order_hbm, order_v)
        pltpu.sync_copy(mi_hbm, mi_v)
        pltpu.sync_copy(offs_hbm, offs_v)
        pltpu.sync_copy(ntoffs_hbm, ntoffs_v)
        for g in range(S // L):
            pvec = g * L + lax.iota(jnp.int32, L)
            toks = order_v[pl.ds(g * L, L)]
            plsc.store_scatter(inv_v, [toks], pvec)
        sshift = S.bit_length() - 1
        for v in range(per_w // L):
            m = base + v * L + lax.iota(jnp.int32, L)
            i = m & (S - 1)
            b = m >> sshift
            e = plsc.load_gather(mi_v, [i])
            rank = plsc.load_gather(inv_v, [i])
            q = rank - plsc.load_gather(offs_v, [e])
            tile = plsc.load_gather(ntoffs_v, [e]) + (q >> (T.bit_length() - 1))
            hsrc = tile * (B * T) + b * T + (q & (T - 1))
            idx_v[v // (OCH // L), pl.ds((v % (OCH // L)) * L, L)] = hsrc

        def start_in(c):
            return pltpu.async_copy(ys_hbm.at[idx_v.at[c]],
                                    rows_v.at[c % 2], isem)

        def start_out(c):
            off = base + c * OCH
            return pltpu.async_copy(rows_v.at[c % 2],
                                    out_hbm.at[pl.ds(off, OCH)], osem)

        copies_in = [None] * n_chunks
        copies_out = [None] * n_chunks
        for c in range(n_chunks):
            if c >= 2:
                copies_out[c - 2].wait()
            copies_in[c] = start_in(c)
            if c >= 1:
                copies_in[c - 1].wait()
                copies_out[c - 1] = start_out(c - 1)
        copies_in[n_chunks - 1].wait()
        copies_out[n_chunks - 1] = start_out(n_chunks - 1)
        if n_chunks >= 2:
            copies_out[n_chunks - 2].wait()
        copies_out[n_chunks - 1].wait()

    return k(ys, order, mi, offs, ntoffs)


def _tc_grouped_matmul(xs, W, b3, meta2, n_tiles, rows_per_tile):
    D = xs.shape[1]
    Dout = W.shape[2]
    R = rows_per_tile

    def body(m_ref, xs_ref, w_ref, b_ref, o_ref):
        del m_ref
        acc = jnp.dot(xs_ref[...].astype(jnp.bfloat16), w_ref[0],
                      preferred_element_type=jnp.float32)
        o_ref[...] = acc + b_ref[0]

    grid_spec = pltpu.PrefetchScalarGridSpec(
        num_scalar_prefetch=1,
        grid=(n_tiles,),
        in_specs=[
            pl.BlockSpec((R, D), lambda t, m: (m[0, t], 0)),
            pl.BlockSpec((1, D, Dout), lambda t, m: (m[1, t], 0, 0)),
            pl.BlockSpec((1, 1, Dout), lambda t, m: (m[1, t], 0, 0)),
        ],
        out_specs=pl.BlockSpec((R, Dout), lambda t, m: (m[0, t], 0)),
    )
    return pl.pallas_call(
        body,
        grid_spec=grid_spec,
        out_shape=jax.ShapeDtypeStruct((n_tiles * R, Dout), jnp.float32),
    )(meta2, xs, W, b3)


def kernel(x, module_indices, W, b):
    B, S, D = x.shape
    E, _, Dout = W.shape
    NT = S // T + E
    R = B * T
    G = NT * R

    mi = module_indices.astype(jnp.int32)
    order = jnp.argsort(mi).astype(jnp.int32)
    counts = jnp.sum((mi[None, :] == jnp.arange(E, dtype=jnp.int32)[:, None])
                     .astype(jnp.int32), axis=1)
    ccum = jnp.cumsum(counts)
    offs = ccum - counts
    nt = (counts + T - 1) // T
    ntcum = jnp.cumsum(nt)
    nt_offs = ntcum - nt
    tclamp = jnp.minimum(jnp.arange(NT, dtype=jnp.int32), ntcum[-1] - 1)
    tile_e = jnp.minimum(
        jnp.sum((ntcum[None, :] <= tclamp[:, None]).astype(jnp.int32), axis=1),
        E - 1).astype(jnp.int32)

    NT2 = 2 * L
    tile_e32 = jnp.concatenate(
        [tile_e, jnp.full((NT2 - NT,), E - 1, jnp.int32)])
    pad = jnp.zeros((L - E,), jnp.int32)
    counts16 = jnp.concatenate([counts.astype(jnp.int32), pad])
    offs16 = jnp.concatenate([offs.astype(jnp.int32), pad])
    ntoffs16 = jnp.concatenate([nt_offs.astype(jnp.int32), pad])

    used_rows = ntcum[-1] * R
    uc = (used_rows + CHUNK - 1) // CHUNK
    uc16 = jnp.full((L,), uc, jnp.int32)
    x2 = x.reshape(B * S, D)
    xs = _sc_gather(x2, order, tile_e32, counts16, offs16, ntoffs16, uc16, G, NT2)
    b3 = b.reshape(E, 1, Dout)
    Wb = W.astype(jnp.bfloat16)
    meta2 = jnp.stack([tclamp, tile_e])
    ys = _tc_grouped_matmul(xs, Wb, b3, meta2, NT, R)
    out_buf = _sc_out_gather(ys, order, mi, offs16, ntoffs16, B * S, S, B)
    return out_buf.reshape(B, S, Dout)

# --- scband reference (transcript-rebuilt; emitter-appended) ---
"""Pipeline reference for scband-make-mo-e-66073776881834 (READ-ONLY COPY).

The authoritative reference and input builder live on the scoring server;
editing this copy changes nothing except your own understanding.
"""

import jax, jax.numpy as jnp
import numpy as np

B, S, D, E = 2, 2048, 1024, 8

def setup_inputs(seed: int = 0) -> dict:
    key = jax.random.key(seed)
    k1, k2, k3 = jax.random.split(key, 3)
    x = jax.random.normal(k1, (B, S, D), dtype=jnp.float32)
    module_indices = jax.random.randint(k2, (S,), 0, E)
    # Expert parameters: `budget` deep copies of a Linear(D, D) net.
    # (deepcopy means identical init in torch, but we keep separate tensors
    #  stacked along the expert axis so each expert is an independent param.)
    W = jax.random.normal(k3, (E, D, D), dtype=jnp.float32) * 0.02
    b = jnp.zeros((E, D), dtype=jnp.float32)
    return {"x": x, "module_indices": module_indices, "W": W, "b": b}

def reference(x, module_indices, W, b):
    # Original torch forward (second branch, x.shape[1] == len(module_indices)):
    #   out[:, i, :] = experts[module_indices[i]](x[:, i:i+1, :])
    # i.e. each sequence position i is processed by expert module_indices[i].
    # Equivalent dense formulation: run each expert over all positions and
    # select per-position outputs by the routing mask (same math, since the
    # expert net is a Linear layer applied independently per position).
    Enum = W.shape[0]
    out = jnp.zeros((x.shape[0], x.shape[1], W.shape[2]), dtype=x.dtype)
    for e in range(Enum):
        ye = jnp.einsum('bsd,df->bsf', x, W[e]) + b[e]
        mask = (module_indices == e)[None, :, None]
        out = out + jnp.where(mask, ye, jnp.zeros((), dtype=x.dtype))
    return out

if __name__ == "__main__":
    import jax
    _d = setup_inputs()
    print(jax.jit(kernel)(*tuple(_d.values())))

</pallas_src>

<mosaic_0001>
#map = affine_map<(d0, d1) -> (0, 0)>
#map1 = affine_map<(d0, d1) -> (0)>
module attributes {stable_mosaic.version = 14 : i64} {
  func.func @k(%arg0: i32, %arg1: i32, %arg2: memref<6144x1024xf32, #tpu.memory_space<hbm>>, %arg3: memref<2048xi32, #tpu.memory_space<hbm>>, %arg4: memref<2048xi32, #tpu.memory_space<hbm>>, %arg5: memref<16xi32, #tpu.memory_space<hbm>>, %arg6: memref<16xi32, #tpu.memory_space<hbm>>, %arg7: memref<4096x1024xf32, #tpu.memory_space<hbm>>, %arg8: memref<2048xi32, #tpu.memory_space<vmem>>, %arg9: memref<2048xi32, #tpu.memory_space<vmem>>, %arg10: memref<2048xi32, #tpu.memory_space<vmem>>, %arg11: memref<16xi32, #tpu.memory_space<vmem>>, %arg12: memref<16xi32, #tpu.memory_space<vmem>>, %arg13: memref<4x32xi32, #tpu.memory_space<vmem>>, %arg14: memref<2x32x1024xf32, #tpu.memory_space<vmem>>, %arg15: memref<!tpu.dma_semaphore, #tpu.memory_space<semaphore_mem>>, %arg16: memref<!tpu.dma_semaphore, #tpu.memory_space<semaphore_mem>>) attributes {dimension_semantics = [#tpu.dimension_semantics<core_parallel>, #tpu.dimension_semantics<subcore_parallel>], iteration_bounds = array<i64: 2, 16>, scalar_prefetch = 0 : i64, scratch_operands = 9 : i64, tpu.core_type = #tpu.core_type<sc_vector_subcore>, window_params = [{transform_indices = #map}, {transform_indices = #map1}, {transform_indices = #map1}, {transform_indices = #map1}, {transform_indices = #map1}, {transform_indices = #map}]} {
    %mul3A = arith.constant 2 : i32
    %mul3A_0 = arith.muli %arg1, %mul3A : i32
    %add3A = arith.addi %mul3A_0, %arg0 : i32
    %mul3A_1 = arith.constant 128 : i32
    %mul3A_2 = arith.muli %add3A, %mul3A_1 : i32
    "tpu.region"() ({
      %run_scoped3A = tpu.sem_alloc : memref<!tpu.dma_semaphore, #tpu.memory_space<semaphore_mem>>
      tpu.enqueue_dma source(%arg3 : memref<2048xi32, #tpu.memory_space<hbm>>) target(%arg8 : memref<2048xi32, #tpu.memory_space<vmem>>) target_semaphore(%run_scoped3A : memref<!tpu.dma_semaphore, #tpu.memory_space<semaphore_mem>>)
      tpu.wait_dma2 semaphore(%run_scoped3A : memref<!tpu.dma_semaphore, #tpu.memory_space<semaphore_mem>>) src(%arg3 : memref<2048xi32, #tpu.memory_space<hbm>>) dst(%arg8 : memref<2048xi32, #tpu.memory_space<vmem>>)
      tpu.yield
    }) : () -> ()
    "tpu.region"() ({
      %run_scoped3A = tpu.sem_alloc : memref<!tpu.dma_semaphore, #tpu.memory_space<semaphore_mem>>
      tpu.enqueue_dma source(%arg4 : memref<2048xi32, #tpu.memory_space<hbm>>) target(%arg9 : memref<2048xi32, #tpu.memory_space<vmem>>) target_semaphore(%run_scoped3A : memref<!tpu.dma_semaphore, #tpu.memory_space<semaphore_mem>>)
      tpu.wait_dma2 semaphore(%run_scoped3A : memref<!tpu.dma_semaphore, #tpu.memory_space<semaphore_mem>>) src(%arg4 : memref<2048xi32, #tpu.memory_space<hbm>>) dst(%arg9 : memref<2048xi32, #tpu.memory_space<vmem>>)
      tpu.yield
    }) : () -> ()
    "tpu.region"() ({
      %run_scoped3A = tpu.sem_alloc : memref<!tpu.dma_semaphore, #tpu.memory_space<semaphore_mem>>
      tpu.enqueue_dma source(%arg5 : memref<16xi32, #tpu.memory_space<hbm>>) target(%arg11 : memref<16xi32, #tpu.memory_space<vmem>>) target_semaphore(%run_scoped3A : memref<!tpu.dma_semaphore, #tpu.memory_space<semaphore_mem>>)
      tpu.wait_dma2 semaphore(%run_scoped3A : memref<!tpu.dma_semaphore, #tpu.memory_space<semaphore_mem>>) src(%arg5 : memref<16xi32, #tpu.memory_space<hbm>>) dst(%arg11 : memref<16xi32, #tpu.memory_space<vmem>>)
      tpu.yield
    }) : () -> ()
    "tpu.region"() ({
      %run_scoped3A = tpu.sem_alloc : memref<!tpu.dma_semaphore, #tpu.memory_space<semaphore_mem>>
      tpu.enqueue_dma source(%arg6 : memref<16xi32, #tpu.memory_space<hbm>>) target(%arg12 : memref<16xi32, #tpu.memory_space<vmem>>) target_semaphore(%run_scoped3A : memref<!tpu.dma_semaphore, #tpu.memory_space<semaphore_mem>>)
      tpu.wait_dma2 semaphore(%run_scoped3A : memref<!tpu.dma_semaphore, #tpu.memory_space<semaphore_mem>>) src(%arg6 : memref<16xi32, #tpu.memory_space<hbm>>) dst(%arg12 : memref<16xi32, #tpu.memory_space<vmem>>)
      tpu.yield
    }) : () -> ()
    %iota3A = tpu.iota {dimensions = array<i32: 0>} : vector<16xi32>
    %add3A_3 = arith.constant 0 : i32
    %add3A_4 = vector.broadcast %add3A_3 : i32 to vector<16xi32>
    %add3A_5 = arith.addi %add3A_4, %iota3A : vector<16xi32>
    %get3A = arith.constant 0 : index
    %get3A_6 = tpu.vector_load %arg8[%get3A] {strides = array<i32>} : memref<2048xi32, #tpu.memory_space<vmem>>, vector<16xi32>,
    tpu.vector_store_idx %arg10[%get3A_6], %add3A_5 : memref<2048xi32, #tpu.memory_space<vmem>>[vector<16xi32>], vector<16xi32>,
    %iota3A_7 = tpu.iota {dimensions = array<i32: 0>} : vector<16xi32>
    %add3A_8 = arith.constant 16 : i32
    %add3A_9 = vector.broadcast %add3A_8 : i32 to vector<16xi32>
    %add3A_10 = arith.addi %add3A_9, %iota3A_7 : vector<16xi32>
    %get3A_11 = arith.constant 16 : index
    %get3A_12 = tpu.vector_load %arg8[%get3A_11] {strides = array<i32>} : memref<2048xi32, #tpu.memory_space<vmem>>, vector<16xi32>,
    tpu.vector_store_idx %arg10[%get3A_12], %add3A_10 : memref<2048xi32, #tpu.memory_space<vmem>>[vector<16xi32>], vector<16xi32>,
    %iota3A_13 = tpu.iota {dimensions = array<i32: 0>} : vector<16xi32>
    %add3A_14 = arith.constant 32 : i32
    %add3A_15 = vector.broadcast %add3A_14 : i32 to vector<16xi32>
    %add3A_16 = arith.addi %add3A_15, %iota3A_13 : vector<16xi32>
    %get3A_17 = arith.constant 32 : index
    %get3A_18 = tpu.vector_load %arg8[%get3A_17] {strides = array<i32>} : memref<2048xi32, #tpu.memory_space<vmem>>, vector<16xi32>,
    tpu.vector_store_idx %arg10[%get3A_18], %add3A_16 : memref<2048xi32, #tpu.memory_space<vmem>>[vector<16xi32>], vector<16xi32>,
    %iota3A_19 = tpu.iota {dimensions = array<i32: 0>} : vector<16xi32>
    %add3A_20 = arith.constant 48 : i32
    %add3A_21 = vector.broadcast %add3A_20 : i32 to vector<16xi32>
    %add3A_22 = arith.addi %add3A_21, %iota3A_19 : vector<16xi32>
    %get3A_23 = arith.constant 48 : index
    %get3A_24 = tpu.vector_load %arg8[%get3A_23] {strides = array<i32>} : memref<2048xi32, #tpu.memory_space<vmem>>, vector<16xi32>,
    tpu.vector_store_idx %arg10[%get3A_24], %add3A_22 : memref<2048xi32, #tpu.memory_space<vmem>>[vector<16xi32>], vector<16xi32>,
    %iota3A_25 = tpu.iota {dimensions = array<i32: 0>} : vector<16xi32>
    %add3A_26 = arith.constant 64 : i32
    %add3A_27 = vector.broadcast %add3A_26 : i32 to vector<16xi32>
    %add3A_28 = arith.addi %add3A_27, %iota3A_25 : vector<16xi32>
    %get3A_29 = arith.constant 64 : index
    %get3A_30 = tpu.vector_load %arg8[%get3A_29] {strides = array<i32>} : memref<2048xi32, #tpu.memory_space<vmem>>, vector<16xi32>,
    tpu.vector_store_idx %arg10[%get3A_30], %add3A_28 : memref<2048xi32, #tpu.memory_space<vmem>>[vector<16xi32>], vector<16xi32>,
    %iota3A_31 = tpu.iota {dimensions = array<i32: 0>} : vector<16xi32>
    %add3A_32 = arith.constant 80 : i32
    %add3A_33 = vector.broadcast %add3A_32 : i32 to vector<16xi32>
    %add3A_34 = arith.addi %add3A_33, %iota3A_31 : vector<16xi32>
    %get3A_35 = arith.constant 80 : index
    %get3A_36 = tpu.vector_load %arg8[%get3A_35] {strides = array<i32>} : memref<2048xi32, #tpu.memory_space<vmem>>, vector<16xi32>,
    tpu.vector_store_idx %arg10[%get3A_36], %add3A_34 : memref<2048xi32, #tpu.memory_space<vmem>>[vector<16xi32>], vector<16xi32>,
    %iota3A_37 = tpu.iota {dimensions = array<i32: 0>} : vector<16xi32>
    %add3A_38 = arith.constant 96 : i32
    %add3A_39 = vector.broadcast %add3A_38 : i32 to vector<16xi32>
    %add3A_40 = arith.addi %add3A_39, %iota3A_37 : vector<16xi32>
    %get3A_41 = arith.constant 96 : index
    %get3A_42 = tpu.vector_load %arg8[%get3A_41] {strides = array<i32>} : memref<2048xi32, #tpu.memory_space<vmem>>, vector<16xi32>,
    tpu.vector_store_idx %arg10[%get3A_42], %add3A_40 : memref<2048xi32, #tpu.memory_space<vmem>>[vector<16xi32>], vector<16xi32>,
    %iota3A_43 = tpu.iota {dimensions = array<i32: 0>} : vector<16xi32>
    %add3A_44 = arith.constant 112 : i32
    %add3A_45 = vector.broadcast %add3A_44 : i32 to vector<16xi32>
    %add3A_46 = arith.addi %add3A_45, %iota3A_43 : vector<16xi32>
    %get3A_47 = arith.constant 112 : index
    %get3A_48 = tpu.vector_load %arg8[%get3A_47] {strides = array<i32>} : memref<2048xi32, #tpu.memory_space<vmem>>, vector<16xi32>,
    tpu.vector_store_idx %arg10[%get3A_48], %add3A_46 : memref<2048xi32, #tpu.memory_space<vmem>>[vector<16xi32>], vector<16xi32>,
    %iota3A_49 = tpu.iota {dimensions = array<i32: 0>} : vector<16xi32>
    %add3A_50 = arith.constant 128 : i32
    %add3A_51 = vector.broadcast %add3A_50 : i32 to vector<16xi32>
    %add3A_52 = arith.addi %add3A_51, %iota3A_49 : vector<16xi32>
    %get3A_53 = arith.constant 128 : index
    %get3A_54 = tpu.vector_load %arg8[%get3A_53] {strides = array<i32>} : memref<2048xi32, #tpu.memory_space<vmem>>, vector<16xi32>,
    tpu.vector_store_idx %arg10[%get3A_54], %add3A_52 : memref<2048xi32, #tpu.memory_space<vmem>>[vector<16xi32>], vector<16xi32>,
    %iota3A_55 = tpu.iota {dimensions = array<i32: 0>} : vector<16xi32>
    %add3A_56 = arith.constant 144 : i32
    %add3A_57 = vector.broadcast %add3A_56 : i32 to vector<16xi32>
    %add3A_58 = arith.addi %add3A_57, %iota3A_55 : vector<16xi32>
    %get3A_59 = arith.constant 144 : index
    %get3A_60 = tpu.vector_load %arg8[%get3A_59] {strides = array<i32>} : memref<2048xi32, #tpu.memory_space<vmem>>, vector<16xi32>,
    tpu.vector_store_idx %arg10[%get3A_60], %add3A_58 : memref<2048xi32, #tpu.memory_space<vmem>>[vector<16xi32>], vector<16xi32>,
    %iota3A_61 = tpu.iota {dimensions = array<i32: 0>} : vector<16xi32>
    %add3A_62 = arith.constant 160 : i32
    %add3A_63 = vector.broadcast %add3A_62 : i32 to vector<16xi32>
    %add3A_64 = arith.addi %add3A_63, %iota3A_61 : vector<16xi32>
    %get3A_65 = arith.constant 160 : index
    %get3A_66 = tpu.vector_load %arg8[%get3A_65] {strides = array<i32>} : memref<2048xi32, #tpu.memory_space<vmem>>, vector<16xi32>,
    tpu.vector_store_idx %arg10[%get3A_66], %add3A_64 : memref<2048xi32, #tpu.memory_space<vmem>>[vector<16xi32>], vector<16xi32>,
    %iota3A_67 = tpu.iota {dimensions = array<i32: 0>} : vector<16xi32>
    %add3A_68 = arith.constant 176 : i32
    %add3A_69 = vector.broadcast %add3A_68 : i32 to vector<16xi32>
    %add3A_70 = arith.addi %add3A_69, %iota3A_67 : vector<16xi32>
    %get3A_71 = arith.constant 176 : index
    %get3A_72 = tpu.vector_load %arg8[%get3A_71] {strides = array<i32>} : memref<2048xi32, #tpu.memory_space<vmem>>, vector<16xi32>,
    tpu.vector_store_idx %arg10[%get3A_72], %add3A_70 : memref<2048xi32, #tpu.memory_space<vmem>>[vector<16xi32>], vector<16xi32>,
    %iota3A_73 = tpu.iota {dimensions = array<i32: 0>} : vector<16xi32>
    %add3A_74 = arith.constant 192 : i32
    %add3A_75 = vector.broadcast %add3A_74 : i32 to vector<16xi32>
    %add3A_76 = arith.addi %add3A_75, %iota3A_73 : vector<16xi32>
    %get3A_77 = arith.constant 192 : index
    %get3A_78 = tpu.vector_load %arg8[%get3A_77] {strides = array<i32>} : memref<2048xi32, #tpu.memory_space<vmem>>, vector<16xi32>,
    tpu.vector_store_idx %arg10[%get3A_78], %add3A_76 : memref<2048xi32, #tpu.memory_space<vmem>>[vector<16xi32>], vector<16xi32>,
    %iota3A_79 = tpu.iota {dimensions = array<i32: 0>} : vector<16xi32>
    %add3A_80 = arith.constant 208 : i32
    %add3A_81 = vector.broadcast %add3A_80 : i32 to vector<16xi32>
    %add3A_82 = arith.addi %add3A_81, %iota3A_79 : vector<16xi32>
    %get3A_83 = arith.constant 208 : index
    %get3A_84 = tpu.vector_load %arg8[%get3A_83] {strides = array<i32>} : memref<2048xi32, #tpu.memory_space<vmem>>, vector<16xi32>,
    tpu.vector_store_idx %arg10[%get3A_84], %add3A_82 : memref<2048xi32, #tpu.memory_space<vmem>>[vector<16xi32>], vector<16xi32>,
    %iota3A_85 = tpu.iota {dimensions = array<i32: 0>} : vector<16xi32>
    %add3A_86 = arith.constant 224 : i32
    %add3A_87 = vector.broadcast %add3A_86 : i32 to vector<16xi32>
    %add3A_88 = arith.addi %add3A_87, %iota3A_85 : vector<16xi32>
    %get3A_89 = arith.constant 224 : index
    %get3A_90 = tpu.vector_load %arg8[%get3A_89] {strides = array<i32>} : memref<2048xi32, #tpu.memory_space<vmem>>, vector<16xi32>,
    tpu.vector_store_idx %arg10[%get3A_90], %add3A_88 : memref<2048xi32, #tpu.memory_space<vmem>>[vector<16xi32>], vector<16xi32>,
    %iota3A_91 = tpu.iota {dimensions = array<i32: 0>} : vector<16xi32>
    %add3A_92 = arith.constant 240 : i32
    %add3A_93 = vector.broadcast %add3A_92 : i32 to vector<16xi32>
    %add3A_94 = arith.addi %add3A_93, %iota3A_91 : vector<16xi32>
    %get3A_95 = arith.constant 240 : index
    %get3A_96 = tpu.vector_load %arg8[%get3A_95] {strides = array<i32>} : memref<2048xi32, #tpu.memory_space<vmem>>, vector<16xi32>,
    tpu.vector_store_idx %arg10[%get3A_96], %add3A_94 : memref<2048xi32, #tpu.memory_space<vmem>>[vector<16xi32>], vector<16xi32>,
    %iota3A_97 = tpu.iota {dimensions = array<i32: 0>} : vector<16xi32>
    %add3A_98 = arith.constant 256 : i32
    %add3A_99 = vector.broadcast %add3A_98 : i32 to vector<16xi32>
    %add3A_100 = arith.addi %add3A_99, %iota3A_97 : vector<16xi32>
    %get3A_101 = arith.constant 256 : index
    %get3A_102 = tpu.vector_load %arg8[%get3A_101] {strides = array<i32>} : memref<2048xi32, #tpu.memory_space<vmem>>, vector<16xi32>,
    tpu.vector_store_idx %arg10[%get3A_102], %add3A_100 : memref<2048xi32, #tpu.memory_space<vmem>>[vector<16xi32>], vector<16xi32>,
    %iota3A_103 = tpu.iota {dimensions = array<i32: 0>} : vector<16xi32>
    %add3A_104 = arith.constant 272 : i32
    %add3A_105 = vector.broadcast %add3A_104 : i32 to vector<16xi32>
    %add3A_106 = arith.addi %add3A_105, %iota3A_103 : vector<16xi32>
    %get3A_107 = arith.constant 272 : index
    %get3A_108 = tpu.vector_load %arg8[%get3A_107] {strides = array<i32>} : memref<2048xi32, #tpu.memory_space<vmem>>, vector<16xi32>,
    tpu.vector_store_idx %arg10[%get3A_108], %add3A_106 : memref<2048xi32, #tpu.memory_space<vmem>>[vector<16xi32>], vector<16xi32>,
    %iota3A_109 = tpu.iota {dimensions = array<i32: 0>} : vector<16xi32>
    %add3A_110 = arith.constant 288 : i32
    %add3A_111 = vector.broadcast %add3A_110 : i32 to vector<16xi32>
    %add3A_112 = arith.addi %add3A_111, %iota3A_109 : vector<16xi32>
    %get3A_113 = arith.constant 288 : index
    %get3A_114 = tpu.vector_load %arg8[%get3A_113] {strides = array<i32>} : memref<2048xi32, #tpu.memory_space<vmem>>, vector<16xi32>,
    tpu.vector_store_idx %arg10[%get3A_114], %add3A_112 : memref<2048xi32, #tpu.memory_space<vmem>>[vector<16xi32>], vector<16xi32>,
    %iota3A_115 = tpu.iota {dimensions = array<i32: 0>} : vector<16xi32>
    %add3A_116 = arith.constant 304 : i32
    %add3A_117 = vector.broadcast %add3A_116 : i32 to vector<16xi32>
    %add3A_118 = arith.addi %add3A_117, %iota3A_115 : vector<16xi32>
    %get3A_119 = arith.constant 304 : index
    %get3A_120 = tpu.vector_load %arg8[%get3A_119] {strides = array<i32>} : memref<2048xi32, #tpu.memory_space<vmem>>, vector<16xi32>,
    tpu.vector_store_idx %arg10[%get3A_120], %add3A_118 : memref<2048xi32, #tpu.memory_space<vmem>>[vector<16xi32>], vector<16xi32>,
    %iota3A_121 = tpu.iota {dimensions = array<i32: 0>} : vector<16xi32>
    %add3A_122 = arith.constant 320 : i32
    %add3A_123 = vector.broadcast %add3A_122 : i32 to vector<16xi32>
    %add3A_124 = arith.addi %add3A_123, %iota3A_121 : vector<16xi32>
    %get3A_125 = arith.constant 320 : index
    %get3A_126 = tpu.vector_load %arg8[%get3A_125] {strides = array<i32>} : memref<2048xi32, #tpu.memory_space<vmem>>, vector<16xi32>,
    tpu.vector_store_idx %arg10[%get3A_126], %add3A_124 : memref<2048xi32, #tpu.memory_space<vmem>>[vector<16xi32>], vector<16xi32>,
    %iota3A_127 = tpu.iota {dimensions = array<i32: 0>} : vector<16xi32>
    %add3A_128 = arith.constant 336 : i32
    %add3A_129 = vector.broadcast %add3A_128 : i32 to vector<16xi32>
    %add3A_130 = arith.addi %add3A_129, %iota3A_127 : vector<16xi32>
    %get3A_131 = arith.constant 336 : index
    %get3A_132 = tpu.vector_load %arg8[%get3A_131] {strides = array<i32>} : memref<2048xi32, #tpu.memory_space<vmem>>, vector<16xi32>,
    tpu.vector_store_idx %arg10[%get3A_132], %add3A_130 : memref<2048xi32, #tpu.memory_space<vmem>>[vector<16xi32>], vector<16xi32>,
    %iota3A_133 = tpu.iota {dimensions = array<i32: 0>} : vector<16xi32>
    %add3A_134 = arith.constant 352 : i32
    %add3A_135 = vector.broadcast %add3A_134 : i32 to vector<16xi32>
    %add3A_136 = arith.addi %add3A_135, %iota3A_133 : vector<16xi32>
    %get3A_137 = arith.constant 352 : index
    %get3A_138 = tpu.vector_load %arg8[%get3A_137] {strides = array<i32>} : memref<2048xi32, #tpu.memory_space<vmem>>, vector<16xi32>,
    tpu.vector_store_idx %arg10[%get3A_138], %add3A_136 : memref<2048xi32, #tpu.memory_space<vmem>>[vector<16xi32>], vector<16xi32>,
    %iota3A_139 = tpu.iota {dimensions = array<i32: 0>} : vector<16xi32>
    %add3A_140 = arith.constant 368 : i32
    %add3A_141 = vector.broadcast %add3A_140 : i32 to vector<16xi32>
    %add3A_142 = arith.addi %add3A_141, %iota3A_139 : vector<16xi32>
    %get3A_143 = arith.constant 368 : index
    %get3A_144 = tpu.vector_load %arg8[%get3A_143] {strides = array<i32>} : memref<2048xi32, #tpu.memory_space<vmem>>, vector<16xi32>,
    tpu.vector_store_idx %arg10[%get3A_144], %add3A_142 : memref<2048xi32, #tpu.memory_space<vmem>>[vector<16xi32>], vector<16xi32>,
    %iota3A_145 = tpu.iota {dimensions = array<i32: 0>} : vector<16xi32>
    %add3A_146 = arith.constant 384 : i32
    %add3A_147 = vector.broadcast %add3A_146 : i32 to vector<16xi32>
    %add3A_148 = arith.addi %add3A_147, %iota3A_145 : vector<16xi32>
    %get3A_149 = arith.constant 384 : index
    %get3A_150 = tpu.vector_load %arg8[%get3A_149] {strides = array<i32>} : memref<2048xi32, #tpu.memory_space<vmem>>, vector<16xi32>,
    tpu.vector_store_idx %arg10[%get3A_150], %add3A_148 : memref<2048xi32, #tpu.memory_space<vmem>>[vector<16xi32>], vector<16xi32>,
    %iota3A_151 = tpu.iota {dimensions = array<i32: 0>} : vector<16xi32>
    %add3A_152 = arith.constant 400 : i32
    %add3A_153 = vector.broadcast %add3A_152 : i32 to vector<16xi32>
    %add3A_154 = arith.addi %add3A_153, %iota3A_151 : vector<16xi32>
    %get3A_155 = arith.constant 400 : index
    %get3A_156 = tpu.vector_load %arg8[%get3A_155] {strides = array<i32>} : memref<2048xi32, #tpu.memory_space<vmem>>, vector<16xi32>,
    tpu.vector_store_idx %arg10[%get3A_156], %add3A_154 : memref<2048xi32, #tpu.memory_space<vmem>>[vector<16xi32>], vector<16xi32>,
    %iota3A_157 = tpu.iota {dimensions = array<i32: 0>} : vector<16xi32>
    %add3A_158 = arith.constant 416 : i32
    %add3A_159 = vector.broadcast %add3A_158 : i32 to vector<16xi32>
    %add3A_160 = arith.addi %add3A_159, %iota3A_157 : vector<16xi32>
    %get3A_161 = arith.constant 416 : index
    %get3A_162 = tpu.vector_load %arg8[%get3A_161] {strides = array<i32>} : memref<2048xi32, #tpu.memory_space<vmem>>, vector<16xi32>,
    tpu.vector_store_idx %arg10[%get3A_162], %add3A_160 : memref<2048xi32, #tpu.memory_space<vmem>>[vector<16xi32>], vector<16xi32>,
    %iota3A_163 = tpu.iota {dimensions = array<i32: 0>} : vector<16xi32>
    %add3A_164 = arith.constant 432 : i32
    %add3A_165 = vector.broadcast %add3A_164 : i32 to vector<16xi32>
    %add3A_166 = arith.addi %add3A_165, %iota3A_163 : vector<16xi32>
    %get3A_167 = arith.constant 432 : index
    %get3A_168 = tpu.vector_load %arg8[%get3A_167] {strides = array<i32>} : memref<2048xi32, #tpu.memory_space<vmem>>, vector<16xi32>,
    tpu.vector_store_idx %arg10[%get3A_168], %add3A_166 : memref<2048xi32, #tpu.memory_space<vmem>>[vector<16xi32>], vector<16xi32>,
    %iota3A_169 = tpu.iota {dimensions = array<i32: 0>} : vector<16xi32>
    %add3A_170 = arith.constant 448 : i32
    %add3A_171 = vector.broadcast %add3A_170 : i32 to vector<16xi32>
    %add3A_172 = arith.addi %add3A_171, %iota3A_169 : vector<16xi32>
    %get3A_173 = arith.constant 448 : index
    %get3A_174 = tpu.vector_load %arg8[%get3A_173] {strides = array<i32>} : memref<2048xi32, #tpu.memory_space<vmem>>, vector<16xi32>,
    tpu.vector_store_idx %arg10[%get3A_174], %add3A_172 : memref<2048xi32, #tpu.memory_space<vmem>>[vector<16xi32>], vector<16xi32>,
    %iota3A_175 = tpu.iota {dimensions = array<i32: 0>} : vector<16xi32>
    %add3A_176 = arith.constant 464 : i32
    %add3A_177 = vector.broadcast %add3A_176 : i32 to vector<16xi32>
    %add3A_178 = arith.addi %add3A_177, %iota3A_175 : vector<16xi32>
    %get3A_179 = arith.constant 464 : index
    %get3A_180 = tpu.vector_load %arg8[%get3A_179] {strides = array<i32>} : memref<2048xi32, #tpu.memory_space<vmem>>, vector<16xi32>,
    tpu.vector_store_idx %arg10[%get3A_180], %add3A_178 : memref<2048xi32, #tpu.memory_space<vmem>>[vector<16xi32>], vector<16xi32>,
    %iota3A_181 = tpu.iota {dimensions = array<i32: 0>} : vector<16xi32>
    %add3A_182 = arith.constant 480 : i32
    %add3A_183 = vector.broadcast %add3A_182 : i32 to vector<16xi32>
    %add3A_184 = arith.addi %add3A_183, %iota3A_181 : vector<16xi32>
    %get3A_185 = arith.constant 480 : index
    %get3A_186 = tpu.vector_load %arg8[%get3A_185] {strides = array<i32>} : memref<2048xi32, #tpu.memory_space<vmem>>, vector<16xi32>,
    tpu.vector_store_idx %arg10[%get3A_186], %add3A_184 : memref<2048xi32, #tpu.memory_space<vmem>>[vector<16xi32>], vector<16xi32>,
    %iota3A_187 = tpu.iota {dimensions = array<i32: 0>} : vector<16xi32>
    %add3A_188 = arith.constant 496 : i32
    %add3A_189 = vector.broadcast %add3A_188 : i32 to vector<16xi32>
    %add3A_190 = arith.addi %add3A_189, %iota3A_187 : vector<16xi32>
    %get3A_191 = arith.constant 496 : index
    %get3A_192 = tpu.vector_load %arg8[%get3A_191] {strides = array<i32>} : memref<2048xi32, #tpu.memory_space<vmem>>, vector<16xi32>,
    tpu.vector_store_idx %arg10[%get3A_192], %add3A_190 : memref<2048xi32, #tpu.memory_space<vmem>>[vector<16xi32>], vector<16xi32>,
    %iota3A_193 = tpu.iota {dimensions = array<i32: 0>} : vector<16xi32>
    %add3A_194 = arith.constant 512 : i32
    %add3A_195 = vector.broadcast %add3A_194 : i32 to vector<16xi32>
    %add3A_196 = arith.addi %add3A_195, %iota3A_193 : vector<16xi32>
    %get3A_197 = arith.constant 512 : index
    %get3A_198 = tpu.vector_load %arg8[%get3A_197] {strides = array<i32>} : memref<2048xi32, #tpu.memory_space<vmem>>, vector<16xi32>,
    tpu.vector_store_idx %arg10[%get3A_198], %add3A_196 : memref<2048xi32, #tpu.memory_space<vmem>>[vector<16xi32>], vector<16xi32>,
    %iota3A_199 = tpu.iota {dimensions = array<i32: 0>} : vector<16xi32>
    %add3A_200 = arith.constant 528 : i32
    %add3A_201 = vector.broadcast %add3A_200 : i32 to vector<16xi32>
    %add3A_202 = arith.addi %add3A_201, %iota3A_199 : vector<16xi32>
    %get3A_203 = arith.constant 528 : index
    %get3A_204 = tpu.vector_load %arg8[%get3A_203] {strides = array<i32>} : memref<2048xi32, #tpu.memory_space<vmem>>, vector<16xi32>,
    tpu.vector_store_idx %arg10[%get3A_204], %add3A_202 : memref<2048xi32, #tpu.memory_space<vmem>>[vector<16xi32>], vector<16xi32>,
    %iota3A_205 = tpu.iota {dimensions = array<i32: 0>} : vector<16xi32>
    %add3A_206 = arith.constant 544 : i32
    %add3A_207 = vector.broadcast %add3A_206 : i32 to vector<16xi32>
    %add3A_208 = arith.addi %add3A_207, %iota3A_205 : vector<16xi32>
    %get3A_209 = arith.constant 544 : index
    %get3A_210 = tpu.vector_load %arg8[%get3A_209] {strides = array<i32>} : memref<2048xi32, #tpu.memory_space<vmem>>, vector<16xi32>,
    tpu.vector_store_idx %arg10[%get3A_210], %add3A_208 : memref<2048xi32, #tpu.memory_space<vmem>>[vector<16xi32>], vector<16xi32>,
    %iota3A_211 = tpu.iota {dimensions = array<i32: 0>} : vector<16xi32>
    %add3A_212 = arith.constant 560 : i32
    %add3A_213 = vector.broadcast %add3A_212 : i32 to vector<16xi32>
    %add3A_214 = arith.addi %add3A_213, %iota3A_211 : vector<16xi32>
    %get3A_215 = arith.constant 560 : index
    %get3A_216 = tpu.vector_load %arg8[%get3A_215] {strides = array<i32>} : memref<2048xi32, #tpu.memory_space<vmem>>, vector<16xi32>,
    tpu.vector_store_idx %arg10[%get3A_216], %add3A_214 : memref<2048xi32, #tpu.memory_space<vmem>>[vector<16xi32>], vector<16xi32>,
    %iota3A_217 = tpu.iota {dimensions = array<i32: 0>} : vector<16xi32>
    %add3A_218 = arith.constant 576 : i32
    %add3A_219 = vector.broadcast %add3A_218 : i32 to vector<16xi32>
    %add3A_220 = arith.addi %add3A_219, %iota3A_217 : vector<16xi32>
    %get3A_221 = arith.constant 576 : index
    %get3A_222 = tpu.vector_load %arg8[%get3A_221] {strides = array<i32>} : memref<2048xi32, #tpu.memory_space<vmem>>, vector<16xi32>,
    tpu.vector_store_idx %arg10[%get3A_222], %add3A_220 : memref<2048xi32, #tpu.memory_space<vmem>>[vector<16xi32>], vector<16xi32>,
    %iota3A_223 = tpu.iota {dimensions = array<i32: 0>} : vector<16xi32>
    %add3A_224 = arith.constant 592 : i32
    %add3A_225 = vector.broadcast %add3A_224 : i32 to vector<16xi32>
    %add3A_226 = arith.addi %add3A_225, %iota3A_223 : vector<16xi32>
    %get3A_227 = arith.constant 592 : index
    %get3A_228 = tpu.vector_load %arg8[%get3A_227] {strides = array<i32>} : memref<2048xi32, #tpu.memory_space<vmem>>, vector<16xi32>,
    tpu.vector_store_idx %arg10[%get3A_228], %add3A_226 : memref<2048xi32, #tpu.memory_space<vmem>>[vector<16xi32>], vector<16xi32>,
    %iota3A_229 = tpu.iota {dimensions = array<i32: 0>} : vector<16xi32>
    %add3A_230 = arith.constant 608 : i32
    %add3A_231 = vector.broadcast %add3A_230 : i32 to vector<16xi32>
    %add3A_232 = arith.addi %add3A_231, %iota3A_229 : vector<16xi32>
    %get3A_233 = arith.constant 608 : index
    %get3A_234 = tpu.vector_load %arg8[%get3A_233] {strides = array<i32>} : memref<2048xi32, #tpu.memory_space<vmem>>, vector<16xi32>,
    tpu.vector_store_idx %arg10[%get3A_234], %add3A_232 : memref<2048xi32, #tpu.memory_space<vmem>>[vector<16xi32>], vector<16xi32>,
    %iota3A_235 = tpu.iota {dimensions = array<i32: 0>} : vector<16xi32>
    %add3A_236 = arith.constant 624 : i32
    %add3A_237 = vector.broadcast %add3A_236 : i32 to vector<16xi32>
    %add3A_238 = arith.addi %add3A_237, %iota3A_235 : vector<16xi32>
    %get3A_239 = arith.constant 624 : index
    %get3A_240 = tpu.vector_load %arg8[%get3A_239] {strides = array<i32>} : memref<2048xi32, #tpu.memory_space<vmem>>, vector<16xi32>,
    tpu.vector_store_idx %arg10[%get3A_240], %add3A_238 : memref<2048xi32, #tpu.memory_space<vmem>>[vector<16xi32>], vector<16xi32>,
    %iota3A_241 = tpu.iota {dimensions = array<i32: 0>} : vector<16xi32>
    %add3A_242 = arith.constant 640 : i32
    %add3A_243 = vector.broadcast %add3A_242 : i32 to vector<16xi32>
    %add3A_244 = arith.addi %add3A_243, %iota3A_241 : vector<16xi32>
    %get3A_245 = arith.constant 640 : index
    %get3A_246 = tpu.vector_load %arg8[%get3A_245] {strides = array<i32>} : memref<2048xi32, #tpu.memory_space<vmem>>, vector<16xi32>,
    tpu.vector_store_idx %arg10[%get3A_246], %add3A_244 : memref<2048xi32, #tpu.memory_space<vmem>>[vector<16xi32>], vector<16xi32>,
    %iota3A_247 = tpu.iota {dimensions = array<i32: 0>} : vector<16xi32>
    %add3A_248 = arith.constant 656 : i32
    %add3A_249 = vector.broadcast %add3A_248 : i32 to vector<16xi32>
    %add3A_250 = arith.addi %add3A_249, %iota3A_247 : vector<16xi32>
    %get3A_251 = arith.constant 656 : index
    %get3A_252 = tpu.vector_load %arg8[%get3A_251] {strides = array<i32>} : memref<2048xi32, #tpu.memory_space<vmem>>, vector<16xi32>,
    tpu.vector_store_idx %arg10[%get3A_252], %add3A_250 : memref<2048xi32, #tpu.memory_space<vmem>>[vector<16xi32>], vector<16xi32>,
    %iota3A_253 = tpu.iota {dimensions = array<i32: 0>} : vector<16xi32>
    %add3A_254 = arith.constant 672 : i32
    %add3A_255 = vector.broadcast %add3A_254 : i32 to vector<16xi32>
    %add3A_256 = arith.addi %add3A_255, %iota3A_253 : vector<16xi32>
    %get3A_257 = arith.constant 672 : index
    %get3A_258 = tpu.vector_load %arg8[%get3A_257] {strides = array<i32>} : memref<2048xi32, #tpu.memory_space<vmem>>, vector<16xi32>,
    tpu.vector_store_idx %arg10[%get3A_258], %add3A_256 : memref<2048xi32, #tpu.memory_space<vmem>>[vector<16xi32>], vector<16xi32>,
    %iota3A_259 = tpu.iota {dimensions = array<i32: 0>} : vector<16xi32>
    %add3A_260 = arith.constant 688 : i32
    %add3A_261 = vector.broadcast %add3A_260 : i32 to vector<16xi32>
    %add3A_262 = arith.addi %add3A_261, %iota3A_259 : vector<16xi32>
    %get3A_263 = arith.constant 688 : index
    %get3A_264 = tpu.vector_load %arg8[%get3A_263] {strides = array<i32>} : memref<2048xi32, #tpu.memory_space<vmem>>, vector<16xi32>,
    tpu.vector_store_idx %arg10[%get3A_264], %add3A_262 : memref<2048xi32, #tpu.memory_space<vmem>>[vector<16xi32>], vector<16xi32>,
    %iota3A_265 = tpu.iota {dimensions = array<i32: 0>} : vector<16xi32>
    %add3A_266 = arith.constant 704 : i32
    %add3A_267 = vector.broadcast %add3A_266 : i32 to vector<16xi32>
    %add3A_268 = arith.addi %add3A_267, %iota3A_265 : vector<16xi32>
    %get3A_269 = arith.constant 704 : index
    %get3A_270 = tpu.vector_load %arg8[%get3A_269] {strides = array<i32>} : memref<2048xi32, #tpu.memory_space<vmem>>, vector<16xi32>,
    tpu.vector_store_idx %arg10[%get3A_270], %add3A_268 : memref<2048xi32, #tpu.memory_space<vmem>>[vector<16xi32>], vector<16xi32>,
    %iota3A_271 = tpu.iota {dimensions = array<i32: 0>} : vector<16xi32>
    %add3A_272 = arith.constant 720 : i32
    %add3A_273 = vector.broadcast %add3A_272 : i32 to vector<16xi32>
    %add3A_274 = arith.addi %add3A_273, %iota3A_271 : vector<16xi32>
    %get3A_275 = arith.constant 720 : index
    %get3A_276 = tpu.vector_load %arg8[%get3A_275] {strides = array<i32>} : memref<2048xi32, #tpu.memory_space<vmem>>, vector<16xi32>,
    tpu.vector_store_idx %arg10[%get3A_276], %add3A_274 : memref<2048xi32, #tpu.memory_space<vmem>>[vector<16xi32>], vector<16xi32>,
    %iota3A_277 = tpu.iota {dimensions = array<i32: 0>} : vector<16xi32>
    %add3A_278 = arith.constant 736 : i32
    %add3A_279 = vector.broadcast %add3A_278 : i32 to vector<16xi32>
    %add3A_280 = arith.addi %add3A_279, %iota3A_277 : vector<16xi32>
    %get3A_281 = arith.constant 736 : index
    %get3A_282 = tpu.vector_load %arg8[%get3A_281] {strides = array<i32>} : memref<2048xi32, #tpu.memory_space<vmem>>, vector<16xi32>,
    tpu.vector_store_idx %arg10[%get3A_282], %add3A_280 : memref<2048xi32, #tpu.memory_space<vmem>>[vector<16xi32>], vector<16xi32>,
    %iota3A_283 = tpu.iota {dimensions = array<i32: 0>} : vector<16xi32>
    %add3A_284 = arith.constant 752 : i32
    %add3A_285 = vector.broadcast %add3A_284 : i32 to vector<16xi32>
    %add3A_286 = arith.addi %add3A_285, %iota3A_283 : vector<16xi32>
    %get3A_287 = arith.constant 752 : index
    %get3A_288 = tpu.vector_load %arg8[%get3A_287] {strides = array<i32>} : memref<2048xi32, #tpu.memory_space<vmem>>, vector<16xi32>,
    tpu.vector_store_idx %arg10[%get3A_288], %add3A_286 : memref<2048xi32, #tpu.memory_space<vmem>>[vector<16xi32>], vector<16xi32>,
    %iota3A_289 = tpu.iota {dimensions = array<i32: 0>} : vector<16xi32>
    %add3A_290 = arith.constant 768 : i32
    %add3A_291 = vector.broadcast %add3A_290 : i32 to vector<16xi32>
    %add3A_292 = arith.addi %add3A_291, %iota3A_289 : vector<16xi32>
    %get3A_293 = arith.constant 768 : index
    %get3A_294 = tpu.vector_load %arg8[%get3A_293] {strides = array<i32>} : memref<2048xi32, #tpu.memory_space<vmem>>, vector<16xi32>,
    tpu.vector_store_idx %arg10[%get3A_294], %add3A_292 : memref<2048xi32, #tpu.memory_space<vmem>>[vector<16xi32>], vector<16xi32>,
    %iota3A_295 = tpu.iota {dimensions = array<i32: 0>} : vector<16xi32>
    %add3A_296 = arith.constant 784 : i32
    %add3A_297 = vector.broadcast %add3A_296 : i32 to vector<16xi32>
    %add3A_298 = arith.addi %add3A_297, %iota3A_295 : vector<16xi32>
    %get3A_299 = arith.constant 784 : index
    %get3A_300 = tpu.vector_load %arg8[%get3A_299] {strides = array<i32>} : memref<2048xi32, #tpu.memory_space<vmem>>, vector<16xi32>,
    tpu.vector_store_idx %arg10[%get3A_300], %add3A_298 : memref<2048xi32, #tpu.memory_space<vmem>>[vector<16xi32>], vector<16xi32>,
    %iota3A_301 = tpu.iota {dimensions = array<i32: 0>} : vector<16xi32>
    %add3A_302 = arith.constant 800 : i32
    %add3A_303 = vector.broadcast %add3A_302 : i32 to vector<16xi32>
    %add3A_304 = arith.addi %add3A_303, %iota3A_301 : vector<16xi32>
    %get3A_305 = arith.constant 800 : index
    %get3A_306 = tpu.vector_load %arg8[%get3A_305] {strides = array<i32>} : memref<2048xi32, #tpu.memory_space<vmem>>, vector<16xi32>,
    tpu.vector_store_idx %arg10[%get3A_306], %add3A_304 : memref<2048xi32, #tpu.memory_space<vmem>>[vector<16xi32>], vector<16xi32>,
    %iota3A_307 = tpu.iota {dimensions = array<i32: 0>} : vector<16xi32>
    %add3A_308 = arith.constant 816 : i32
    %add3A_309 = vector.broadcast %add3A_308 : i32 to vector<16xi32>
    %add3A_310 = arith.addi %add3A_309, %iota3A_307 : vector<16xi32>
    %get3A_311 = arith.constant 816 : index
    %get3A_312 = tpu.vector_load %arg8[%get3A_311] {strides = array<i32>} : memref<2048xi32, #tpu.memory_space<vmem>>, vector<16xi32>,
    tpu.vector_store_idx %arg10[%get3A_312], %add3A_310 : memref<2048xi32, #tpu.memory_space<vmem>>[vector<16xi32>], vector<16xi32>,
    %iota3A_313 = tpu.iota {dimensions = array<i32: 0>} : vector<16xi32>
    %add3A_314 = arith.constant 832 : i32
    %add3A_315 = vector.broadcast %add3A_314 : i32 to vector<16xi32>
    %add3A_316 = arith.addi %add3A_315, %iota3A_313 : vector<16xi32>
    %get3A_317 = arith.constant 832 : index
    %get3A_318 = tpu.vector_load %arg8[%get3A_317] {strides = array<i32>} : memref<2048xi32, #tpu.memory_space<vmem>>, vector<16xi32>,
    tpu.vector_store_idx %arg10[%get3A_318], %add3A_316 : memref<2048xi32, #tpu.memory_space<vmem>>[vector<16xi32>], vector<16xi32>,
    %iota3A_319 = tpu.iota {dimensions = array<i32: 0>} : vector<16xi32>
    %add3A_320 = arith.constant 848 : i32
    %add3A_321 = vector.broadcast %add3A_320 : i32 to vector<16xi32>
    %add3A_322 = arith.addi %add3A_321, %iota3A_319 : vector<16xi32>
    %get3A_323 = arith.constant 848 : index
    %get3A_324 = tpu.vector_load %arg8[%get3A_323] {strides = array<i32>} : memref<2048xi32, #tpu.memory_space<vmem>>, vector<16xi32>,
    tpu.vector_store_idx %arg10[%get3A_324], %add3A_322 : memref<2048xi32, #tpu.memory_space<vmem>>[vector<16xi32>], vector<16xi32>,
    %iota3A_325 = tpu.iota {dimensions = array<i32: 0>} : vector<16xi32>
    %add3A_326 = arith.constant 864 : i32
    %add3A_327 = vector.broadcast %add3A_326 : i32 to vector<16xi32>
    %add3A_328 = arith.addi %add3A_327, %iota3A_325 : vector<16xi32>
    %get3A_329 = arith.constant 864 : index
    %get3A_330 = tpu.vector_load %arg8[%get3A_329] {strides = array<i32>} : memref<2048xi32, #tpu.memory_space<vmem>>, vector<16xi32>,
    tpu.vector_store_idx %arg10[%get3A_330], %add3A_328 : memref<2048xi32, #tpu.memory_space<vmem>>[vector<16xi32>], vector<16xi32>,
    %iota3A_331 = tpu.iota {dimensions = array<i32: 0>} : vector<16xi32>
    %add3A_332 = arith.constant 880 : i32
    %add3A_333 = vector.broadcast %add3A_332 : i32 to vector<16xi32>
    %add3A_334 = arith.addi %add3A_333, %iota3A_331 : vector<16xi32>
    %get3A_335 = arith.constant 880 : index
    %get3A_336 = tpu.vector_load %arg8[%get3A_335] {strides = array<i32>} : memref<2048xi32, #tpu.memory_space<vmem>>, vector<16xi32>,
    tpu.vector_store_idx %arg10[%get3A_336], %add3A_334 : memref<2048xi32, #tpu.memory_space<vmem>>[vector<16xi32>], vector<16xi32>,
    %iota3A_337 = tpu.iota {dimensions = array<i32: 0>} : vector<16xi32>
    %add3A_338 = arith.constant 896 : i32
    %add3A_339 = vector.broadcast %add3A_338 : i32 to vector<16xi32>
    %add3A_340 = arith.addi %add3A_339, %iota3A_337 : vector<16xi32>
    %get3A_341 = arith.constant 896 : index
    %get3A_342 = tpu.vector_load %arg8[%get3A_341] {strides = array<i32>} : memref<2048xi32, #tpu.memory_space<vmem>>, vector<16xi32>,
    tpu.vector_store_idx %arg10[%get3A_342], %add3A_340 : memref<2048xi32, #tpu.memory_space<vmem>>[vector<16xi32>], vector<16xi32>,
    %iota3A_343 = tpu.iota {dimensions = array<i32: 0>} : vector<16xi32>
    %add3A_344 = arith.constant 912 : i32
    %add3A_345 = vector.broadcast %add3A_344 : i32 to vector<16xi32>
    %add3A_346 = arith.addi %add3A_345, %iota3A_343 : vector<16xi32>
    %get3A_347 = arith.constant 912 : index
    %get3A_348 = tpu.vector_load %arg8[%get3A_347] {strides = array<i32>} : memref<2048xi32, #tpu.memory_space<vmem>>, vector<16xi32>,
    tpu.vector_store_idx %arg10[%get3A_348], %add3A_346 : memref<2048xi32, #tpu.memory_space<vmem>>[vector<16xi32>], vector<16xi32>,
    %iota3A_349 = tpu.iota {dimensions = array<i32: 0>} : vector<16xi32>
    %add3A_350 = arith.constant 928 : i32
    %add3A_351 = vector.broadcast %add3A_350 : i32 to vector<16xi32>
    %add3A_352 = arith.addi %add3A_351, %iota3A_349 : vector<16xi32>
    %get3A_353 = arith.constant 928 : index
    %get3A_354 = tpu.vector_load %arg8[%get3A_353] {strides = array<i32>} : memref<2048xi32, #tpu.memory_space<vmem>>, vector<16xi32>,
    tpu.vector_store_idx %arg10[%get3A_354], %add3A_352 : memref<2048xi32, #tpu.memory_space<vmem>>[vector<16xi32>], vector<16xi32>,
    %iota3A_355 = tpu.iota {dimensions = array<i32: 0>} : vector<16xi32>
    %add3A_356 = arith.constant 944 : i32
    %add3A_357 = vector.broadcast %add3A_356 : i32 to vector<16xi32>
    %add3A_358 = arith.addi %add3A_357, %iota3A_355 : vector<16xi32>
    %get3A_359 = arith.constant 944 : index
    %get3A_360 = tpu.vector_load %arg8[%get3A_359] {strides = array<i32>} : memref<2048xi32, #tpu.memory_space<vmem>>, vector<16xi32>,
    tpu.vector_store_idx %arg10[%get3A_360], %add3A_358 : memref<2048xi32, #tpu.memory_space<vmem>>[vector<16xi32>], vector<16xi32>,
    %iota3A_361 = tpu.iota {dimensions = array<i32: 0>} : vector<16xi32>
    %add3A_362 = arith.constant 960 : i32
    %add3A_363 = vector.broadcast %add3A_362 : i32 to vector<16xi32>
    %add3A_364 = arith.addi %add3A_363, %iota3A_361 : vector<16xi32>
    %get3A_365 = arith.constant 960 : index
    %get3A_366 = tpu.vector_load %arg8[%get3A_365] {strides = array<i32>} : memref<2048xi32, #tpu.memory_space<vmem>>, vector<16xi32>,
    tpu.vector_store_idx %arg10[%get3A_366], %add3A_364 : memref<2048xi32, #tpu.memory_space<vmem>>[vector<16xi32>], vector<16xi32>,
    %iota3A_367 = tpu.iota {dimensions = array<i32: 0>} : vector<16xi32>
    %add3A_368 = arith.constant 976 : i32
    %add3A_369 = vector.broadcast %add3A_368 : i32 to vector<16xi32>
    %add3A_370 = arith.addi %add3A_369, %iota3A_367 : vector<16xi32>
    %get3A_371 = arith.constant 976 : index
    %get3A_372 = tpu.vector_load %arg8[%get3A_371] {strides = array<i32>} : memref<2048xi32, #tpu.memory_space<vmem>>, vector<16xi32>,
    tpu.vector_store_idx %arg10[%get3A_372], %add3A_370 : memref<2048xi32, #tpu.memory_space<vmem>>[vector<16xi32>], vector<16xi32>,
    %iota3A_373 = tpu.iota {dimensions = array<i32: 0>} : vector<16xi32>
    %add3A_374 = arith.constant 992 : i32
    %add3A_375 = vector.broadcast %add3A_374 : i32 to vector<16xi32>
    %add3A_376 = arith.addi %add3A_375, %iota3A_373 : vector<16xi32>
    %get3A_377 = arith.constant 992 : index
    %get3A_378 = tpu.vector_load %arg8[%get3A_377] {strides = array<i32>} : memref<2048xi32, #tpu.memory_space<vmem>>, vector<16xi32>,
    tpu.vector_store_idx %arg10[%get3A_378], %add3A_376 : memref<2048xi32, #tpu.memory_space<vmem>>[vector<16xi32>], vector<16xi32>,
    %iota3A_379 = tpu.iota {dimensions = array<i32: 0>} : vector<16xi32>
    %add3A_380 = arith.constant 1008 : i32
    %add3A_381 = vector.broadcast %add3A_380 : i32 to vector<16xi32>
    %add3A_382 = arith.addi %add3A_381, %iota3A_379 : vector<16xi32>
    %get3A_383 = arith.constant 1008 : index
    %get3A_384 = tpu.vector_load %arg8[%get3A_383] {strides = array<i32>} : memref<2048xi32, #tpu.memory_space<vmem>>, vector<16xi32>,
    tpu.vector_store_idx %arg10[%get3A_384], %add3A_382 : memref<2048xi32, #tpu.memory_space<vmem>>[vector<16xi32>], vector<16xi32>,
    %iota3A_385 = tpu.iota {dimensions = array<i32: 0>} : vector<16xi32>
    %add3A_386 = arith.constant 1024 : i32
    %add3A_387 = vector.broadcast %add3A_386 : i32 to vector<16xi32>
    %add3A_388 = arith.addi %add3A_387, %iota3A_385 : vector<16xi32>
    %get3A_389 = arith.constant 1024 : index
    %get3A_390 = tpu.vector_load %arg8[%get3A_389] {strides = array<i32>} : memref<2048xi32, #tpu.memory_space<vmem>>, vector<16xi32>,
    tpu.vector_store_idx %arg10[%get3A_390], %add3A_388 : memref<2048xi32, #tpu.memory_space<vmem>>[vector<16xi32>], vector<16xi32>,
    %iota3A_391 = tpu.iota {dimensions = array<i32: 0>} : vector<16xi32>
    %add3A_392 = arith.constant 1040 : i32
    %add3A_393 = vector.broadcast %add3A_392 : i32 to vector<16xi32>
    %add3A_394 = arith.addi %add3A_393, %iota3A_391 : vector<16xi32>
    %get3A_395 = arith.constant 1040 : index
    %get3A_396 = tpu.vector_load %arg8[%get3A_395] {strides = array<i32>} : memref<2048xi32, #tpu.memory_space<vmem>>, vector<16xi32>,
    tpu.vector_store_idx %arg10[%get3A_396], %add3A_394 : memref<2048xi32, #tpu.memory_space<vmem>>[vector<16xi32>], vector<16xi32>,
    %iota3A_397 = tpu.iota {dimensions = array<i32: 0>} : vector<16xi32>
    %add3A_398 = arith.constant 1056 : i32
    %add3A_399 = vector.broadcast %add3A_398 : i32 to vector<16xi32>
    %add3A_400 = arith.addi %add3A_399, %iota3A_397 : vector<16xi32>
    %get3A_401 = arith.constant 1056 : index
    %get3A_402 = tpu.vector_load %arg8[%get3A_401] {strides = array<i32>} : memref<2048xi32, #tpu.memory_space<vmem>>, vector<16xi32>,
    tpu.vector_store_idx %arg10[%get3A_402], %add3A_400 : memref<2048xi32, #tpu.memory_space<vmem>>[vector<16xi32>], vector<16xi32>,
    %iota3A_403 = tpu.iota {dimensions = array<i32: 0>} : vector<16xi32>
    %add3A_404 = arith.constant 1072 : i32
    %add3A_405 = vector.broadcast %add3A_404 : i32 to vector<16xi32>
    %add3A_406 = arith.addi %add3A_405, %iota3A_403 : vector<16xi32>
    %get3A_407 = arith.constant 1072 : index
    %get3A_408 = tpu.vector_load %arg8[%get3A_407] {strides = array<i32>} : memref<2048xi32, #tpu.memory_space<vmem>>, vector<16xi32>,
    tpu.vector_store_idx %arg10[%get3A_408], %add3A_406 : memref<2048xi32, #tpu.memory_space<vmem>>[vector<16xi32>], vector<16xi32>,
    %iota3A_409 = tpu.iota {dimensions = array<i32: 0>} : vector<16xi32>
    %add3A_410 = arith.constant 1088 : i32
    %add3A_411 = vector.broadcast %add3A_410 : i32 to vector<16xi32>
    %add3A_412 = arith.addi %add3A_411, %iota3A_409 : vector<16xi32>
    %get3A_413 = arith.constant 1088 : index
    %get3A_414 = tpu.vector_load %arg8[%get3A_413] {strides = array<i32>} : memref<2048xi32, #tpu.memory_space<vmem>>, vector<16xi32>,
    tpu.vector_store_idx %arg10[%get3A_414], %add3A_412 : memref<2048xi32, #tpu.memory_space<vmem>>[vector<16xi32>], vector<16xi32>,
    %iota3A_415 = tpu.iota {dimensions = array<i32: 0>} : vector<16xi32>
    %add3A_416 = arith.constant 1104 : i32
    %add3A_417 = vector.broadcast %add3A_416 : i32 to vector<16xi32>
    %add3A_418 = arith.addi %add3A_417, %iota3A_415 : vector<16xi32>
    %get3A_419 = arith.constant 1104 : index
    %get3A_420 = tpu.vector_load %arg8[%get3A_419] {strides = array<i32>} : memref<2048xi32, #tpu.memory_space<vmem>>, vector<16xi32>,
    tpu.vector_store_idx %arg10[%get3A_420], %add3A_418 : memref<2048xi32, #tpu.memory_space<vmem>>[vector<16xi32>], vector<16xi32>,
    %iota3A_421 = tpu.iota {dimensions = array<i32: 0>} : vector<16xi32>
    %add3A_422 = arith.constant 1120 : i32
    %add3A_423 = vector.broadcast %add3A_422 : i32 to vector<16xi32>
    %add3A_424 = arith.addi %add3A_423, %iota3A_421 : vector<16xi32>
    %get3A_425 = arith.constant 1120 : index
    %get3A_426 = tpu.vector_load %arg8[%get3A_425] {strides = array<i32>} : memref<2048xi32, #tpu.memory_space<vmem>>, vector<16xi32>,
    tpu.vector_store_idx %arg10[%get3A_426], %add3A_424 : memref<2048xi32, #tpu.memory_space<vmem>>[vector<16xi32>], vector<16xi32>,
    %iota3A_427 = tpu.iota {dimensions = array<i32: 0>} : vector<16xi32>
    %add3A_428 = arith.constant 1136 : i32
    %add3A_429 = vector.broadcast %add3A_428 : i32 to vector<16xi32>
    %add3A_430 = arith.addi %add3A_429, %iota3A_427 : vector<16xi32>
    %get3A_431 = arith.constant 1136 : index
    %get3A_432 = tpu.vector_load %arg8[%get3A_431] {strides = array<i32>} : memref<2048xi32, #tpu.memory_space<vmem>>, vector<16xi32>,
    tpu.vector_store_idx %arg10[%get3A_432], %add3A_430 : memref<2048xi32, #tpu.memory_space<vmem>>[vector<16xi32>], vector<16xi32>,
    %iota3A_433 = tpu.iota {dimensions = array<i32: 0>} : vector<16xi32>
    %add3A_434 = arith.constant 1152 : i32
    %add3A_435 = vector.broadcast %add3A_434 : i32 to vector<16xi32>
    %add3A_436 = arith.addi %add3A_435, %iota3A_433 : vector<16xi32>
    %get3A_437 = arith.constant 1152 : index
    %get3A_438 = tpu.vector_load %arg8[%get3A_437] {strides = array<i32>} : memref<2048xi32, #tpu.memory_space<vmem>>, vector<16xi32>,
    tpu.vector_store_idx %arg10[%get3A_438], %add3A_436 : memref<2048xi32, #tpu.memory_space<vmem>>[vector<16xi32>], vector<16xi32>,
    %iota3A_439 = tpu.iota {dimensions = array<i32: 0>} : vector<16xi32>
    %add3A_440 = arith.constant 1168 : i32
    %add3A_441 = vector.broadcast %add3A_440 : i32 to vector<16xi32>
    %add3A_442 = arith.addi %add3A_441, %iota3A_439 : vector<16xi32>
    %get3A_443 = arith.constant 1168 : index
    %get3A_444 = tpu.vector_load %arg8[%get3A_443] {strides = array<i32>} : memref<2048xi32, #tpu.memory_space<vmem>>, vector<16xi32>,
    tpu.vector_store_idx %arg10[%get3A_444], %add3A_442 : memref<2048xi32, #tpu.memory_space<vmem>>[vector<16xi32>], vector<16xi32>,
    %iota3A_445 = tpu.iota {dimensions = array<i32: 0>} : vector<16xi32>
    %add3A_446 = arith.constant 1184 : i32
    %add3A_447 = vector.broadcast %add3A_446 : i32 to vector<16xi32>
    %add3A_448 = arith.addi %add3A_447, %iota3A_445 : vector<16xi32>
    %get3A_449 = arith.constant 1184 : index
    %get3A_450 = tpu.vector_load %arg8[%get3A_449] {strides = array<i32>} : memref<2048xi32, #tpu.memory_space<vmem>>, vector<16xi32>,
    tpu.vector_store_idx %arg10[%get3A_450], %add3A_448 : memref<2048xi32, #tpu.memory_space<vmem>>[vector<16xi32>], vector<16xi32>,
    %iota3A_451 = tpu.iota {dimensions = array<i32: 0>} : vector<16xi32>
    %add3A_452 = arith.constant 1200 : i32
    %add3A_453 = vector.broadcast %add3A_452 : i32 to vector<16xi32>
    %add3A_454 = arith.addi %add3A_453, %iota3A_451 : vector<16xi32>
    %get3A_455 = arith.constant 1200 : index
    %get3A_456 = tpu.vector_load %arg8[%get3A_455] {strides = array<i32>} : memref<2048xi32, #tpu.memory_space<vmem>>, vector<16xi32>,
    tpu.vector_store_idx %arg10[%get3A_456], %add3A_454 : memref<2048xi32, #tpu.memory_space<vmem>>[vector<16xi32>], vector<16xi32>,
    %iota3A_457 = tpu.iota {dimensions = array<i32: 0>} : vector<16xi32>
    %add3A_458 = arith.constant 1216 : i32
    %add3A_459 = vector.broadcast %add3A_458 : i32 to vector<16xi32>
    %add3A_460 = arith.addi %add3A_459, %iota3A_457 : vector<16xi32>
    %get3A_461 = arith.constant 1216 : index
    %get3A_462 = tpu.vector_load %arg8[%get3A_461] {strides = array<i32>} : memref<2048xi32, #tpu.memory_space<vmem>>, vector<16xi32>,
    tpu.vector_store_idx %arg10[%get3A_462], %add3A_460 : memref<2048xi32, #tpu.memory_space<vmem>>[vector<16xi32>], vector<16xi32>,
    %iota3A_463 = tpu.iota {dimensions = array<i32: 0>} : vector<16xi32>
    %add3A_464 = arith.constant 1232 : i32
    %add3A_465 = vector.broadcast %add3A_464 : i32 to vector<16xi32>
    %add3A_466 = arith.addi %add3A_465, %iota3A_463 : vector<16xi32>
    %get3A_467 = arith.constant 1232 : index
    %get3A_468 = tpu.vector_load %arg8[%get3A_467] {strides = array<i32>} : memref<2048xi32, #tpu.memory_space<vmem>>, vector<16xi32>,
    tpu.vector_store_idx %arg10[%get3A_468], %add3A_466 : memref<2048xi32, #tpu.memory_space<vmem>>[vector<16xi32>], vector<16xi32>,
    %iota3A_469 = tpu.iota {dimensions = array<i32: 0>} : vector<16xi32>
    %add3A_470 = arith.constant 1248 : i32
    %add3A_471 = vector.broadcast %add3A_470 : i32 to vector<16xi32>
    %add3A_472 = arith.addi %add3A_471, %iota3A_469 : vector<16xi32>
    %get3A_473 = arith.constant 1248 : index
    %get3A_474 = tpu.vector_load %arg8[%get3A_473] {strides = array<i32>} : memref<2048xi32, #tpu.memory_space<vmem>>, vector<16xi32>,
    tpu.vector_store_idx %arg10[%get3A_474], %add3A_472 : memref<2048xi32, #tpu.memory_space<vmem>>[vector<16xi32>], vector<16xi32>,
    %iota3A_475 = tpu.iota {dimensions = array<i32: 0>} : vector<16xi32>
    %add3A_476 = arith.constant 1264 : i32
    %add3A_477 = vector.broadcast %add3A_476 : i32 to vector<16xi32>
    %add3A_478 = arith.addi %add3A_477, %iota3A_475 : vector<16xi32>
    %get3A_479 = arith.constant 1264 : index
    %get3A_480 = tpu.vector_load %arg8[%get3A_479] {strides = array<i32>} : memref<2048xi32, #tpu.memory_space<vmem>>, vector<16xi32>,
    tpu.vector_store_idx %arg10[%get3A_480], %add3A_478 : memref<2048xi32, #tpu.memory_space<vmem>>[vector<16xi32>], vector<16xi32>,
    %iota3A_481 = tpu.iota {dimensions = array<i32: 0>} : vector<16xi32>
    %add3A_482 = arith.constant 1280 : i32
    %add3A_483 = vector.broadcast %add3A_482 : i32 to vector<16xi32>
    %add3A_484 = arith.addi %add3A_483, %iota3A_481 : vector<16xi32>
    %get3A_485 = arith.constant 1280 : index
    %get3A_486 = tpu.vector_load %arg8[%get3A_485] {strides = array<i32>} : memref<2048xi32, #tpu.memory_space<vmem>>, vector<16xi32>,
    tpu.vector_store_idx %arg10[%get3A_486], %add3A_484 : memref<2048xi32, #tpu.memory_space<vmem>>[vector<16xi32>], vector<16xi32>,
    %iota3A_487 = tpu.iota {dimensions = array<i32: 0>} : vector<16xi32>
    %add3A_488 = arith.constant 1296 : i32
    %add3A_489 = vector.broadcast %add3A_488 : i32 to vector<16xi32>
    %add3A_490 = arith.addi %add3A_489, %iota3A_487 : vector<16xi32>
    %get3A_491 = arith.constant 1296 : index
    %get3A_492 = tpu.vector_load %arg8[%get3A_491] {strides = array<i32>} : memref<2048xi32, #tpu.memory_space<vmem>>, vector<16xi32>,
    tpu.vector_store_idx %arg10[%get3A_492], %add3A_490 : memref<2048xi32, #tpu.memory_space<vmem>>[vector<16xi32>], vector<16xi32>,
    %iota3A_493 = tpu.iota {dimensions = array<i32: 0>} : vector<16xi32>
    %add3A_494 = arith.constant 1312 : i32
    %add3A_495 = vector.broadcast %add3A_494 : i32 to vector<16xi32>
    %add3A_496 = arith.addi %add3A_495, %iota3A_493 : vector<16xi32>
    %get3A_497 = arith.constant 1312 : index
    %get3A_498 = tpu.vector_load %arg8[%get3A_497] {strides = array<i32>} : memref<2048xi32, #tpu.memory_space<vmem>>, vector<16xi32>,
    tpu.vector_store_idx %arg10[%get3A_498], %add3A_496 : memref<2048xi32, #tpu.memory_space<vmem>>[vector<16xi32>], vector<16xi32>,
    %iota3A_499 = tpu.iota {dimensions = array<i32: 0>} : vector<16xi32>
    %add3A_500 = arith.constant 1328 : i32
    %add3A_501 = vector.broadcast %add3A_500 : i32 to vector<16xi32>
    %add3A_502 = arith.addi %add3A_501, %iota3A_499 : vector<16xi32>
    %get3A_503 = arith.constant 1328 : index
    %get3A_504 = tpu.vector_load %arg8[%get3A_503] {strides = array<i32>} : memref<2048xi32, #tpu.memory_space<vmem>>, vector<16xi32>,
    tpu.vector_store_idx %arg10[%get3A_504], %add3A_502 : memref<2048xi32, #tpu.memory_space<vmem>>[vector<16xi32>], vector<16xi32>,
    %iota3A_505 = tpu.iota {dimensions = array<i32: 0>} : vector<16xi32>
    %add3A_506 = arith.constant 1344 : i32
    %add3A_507 = vector.broadcast %add3A_506 : i32 to vector<16xi32>
    %add3A_508 = arith.addi %add3A_507, %iota3A_505 : vector<16xi32>
    %get3A_509 = arith.constant 1344 : index
    %get3A_510 = tpu.vector_load %arg8[%get3A_509] {strides = array<i32>} : memref<2048xi32, #tpu.memory_space<vmem>>, vector<16xi32>,
    tpu.vector_store_idx %arg10[%get3A_510], %add3A_508 : memref<2048xi32, #tpu.memory_space<vmem>>[vector<16xi32>], vector<16xi32>,
    %iota3A_511 = tpu.iota {dimensions = array<i32: 0>} : vector<16xi32>
    %add3A_512 = arith.constant 1360 : i32
    %add3A_513 = vector.broadcast %add3A_512 : i32 to vector<16xi32>
    %add3A_514 = arith.addi %add3A_513, %iota3A_511 : vector<16xi32>
    %get3A_515 = arith.constant 1360 : index
    %get3A_516 = tpu.vector_load %arg8[%get3A_515] {strides = array<i32>} : memref<2048xi32, #tpu.memory_space<vmem>>, vector<16xi32>,
    tpu.vector_store_idx %arg10[%get3A_516], %add3A_514 : memref<2048xi32, #tpu.memory_space<vmem>>[vector<16xi32>], vector<16xi32>,
    %iota3A_517 = tpu.iota {dimensions = array<i32: 0>} : vector<16xi32>
    %add3A_518 = arith.constant 1376 : i32
    %add3A_519 = vector.broadcast %add3A_518 : i32 to vector<16xi32>
    %add3A_520 = arith.addi %add3A_519, %iota3A_517 : vector<16xi32>
    %get3A_521 = arith.constant 1376 : index
    %get3A_522 = tpu.vector_load %arg8[%get3A_521] {strides = array<i32>} : memref<2048xi32, #tpu.memory_space<vmem>>, vector<16xi32>,
    tpu.vector_store_idx %arg10[%get3A_522], %add3A_520 : memref<2048xi32, #tpu.memory_space<vmem>>[vector<16xi32>], vector<16xi32>,
    %iota3A_523 = tpu.iota {dimensions = array<i32: 0>} : vector<16xi32>
    %add3A_524 = arith.constant 1392 : i32
    %add3A_525 = vector.broadcast %add3A_524 : i32 to vector<16xi32>
    %add3A_526 = arith.addi %add3A_525, %iota3A_523 : vector<16xi32>
    %get3A_527 = arith.constant 1392 : index
    %get3A_528 = tpu.vector_load %arg8[%get3A_527] {strides = array<i32>} : memref<2048xi32, #tpu.memory_space<vmem>>, vector<16xi32>,
    tpu.vector_store_idx %arg10[%get3A_528], %add3A_526 : memref<2048xi32, #tpu.memory_space<vmem>>[vector<16xi32>], vector<16xi32>,
    %iota3A_529 = tpu.iota {dimensions = array<i32: 0>} : vector<16xi32>
    %add3A_530 = arith.constant 1408 : i32
    %add3A_531 = vector.broadcast %add3A_530 : i32 to vector<16xi32>
    %add3A_532 = arith.addi %add3A_531, %iota3A_529 : vector<16xi32>
    %get3A_533 = arith.constant 1408 : index
    %get3A_534 = tpu.vector_load %arg8[%get3A_533] {strides = array<i32>} : memref<2048xi32, #tpu.memory_space<vmem>>, vector<16xi32>,
    tpu.vector_store_idx %arg10[%get3A_534], %add3A_532 : memref<2048xi32, #tpu.memory_space<vmem>>[vector<16xi32>], vector<16xi32>,
    %iota3A_535 = tpu.iota {dimensions = array<i32: 0>} : vector<16xi32>
    %add3A_536 = arith.constant 1424 : i32
    %add3A_537 = vector.broadcast %add3A_536 : i32 to vector<16xi32>
    %add3A_538 = arith.addi %add3A_537, %iota3A_535 : vector<16xi32>
    %get3A_539 = arith.constant 1424 : index
    %get3A_540 = tpu.vector_load %arg8[%get3A_539] {strides = array<i32>} : memref<2048xi32, #tpu.memory_space<vmem>>, vector<16xi32>,
    tpu.vector_store_idx %arg10[%get3A_540], %add3A_538 : memref<2048xi32, #tpu.memory_space<vmem>>[vector<16xi32>], vector<16xi32>,
    %iota3A_541 = tpu.iota {dimensions = array<i32: 0>} : vector<16xi32>
    %add3A_542 = arith.constant 1440 : i32
    %add3A_543 = vector.broadcast %add3A_542 : i32 to vector<16xi32>
    %add3A_544 = arith.addi %add3A_543, %iota3A_541 : vector<16xi32>
    %get3A_545 = arith.constant 1440 : index
    %get3A_546 = tpu.vector_load %arg8[%get3A_545] {strides = array<i32>} : memref<2048xi32, #tpu.memory_space<vmem>>, vector<16xi32>,
    tpu.vector_store_idx %arg10[%get3A_546], %add3A_544 : memref<2048xi32, #tpu.memory_space<vmem>>[vector<16xi32>], vector<16xi32>,
    %iota3A_547 = tpu.iota {dimensions = array<i32: 0>} : vector<16xi32>
    %add3A_548 = arith.constant 1456 : i32
    %add3A_549 = vector.broadcast %add3A_548 : i32 to vector<16xi32>
    %add3A_550 = arith.addi %add3A_549, %iota3A_547 : vector<16xi32>
    %get3A_551 = arith.constant 1456 : index
    %get3A_552 = tpu.vector_load %arg8[%get3A_551] {strides = array<i32>} : memref<2048xi32, #tpu.memory_space<vmem>>, vector<16xi32>,
    tpu.vector_store_idx %arg10[%get3A_552], %add3A_550 : memref<2048xi32, #tpu.memory_space<vmem>>[vector<16xi32>], vector<16xi32>,
    %iota3A_553 = tpu.iota {dimensions = array<i32: 0>} : vector<16xi32>
    %add3A_554 = arith.constant 1472 : i32
    %add3A_555 = vector.broadcast %add3A_554 : i32 to vector<16xi32>
    %add3A_556 = arith.addi %add3A_555, %iota3A_553 : vector<16xi32>
    %get3A_557 = arith.constant 1472 : index
    %get3A_558 = tpu.vector_load %arg8[%get3A_557] {strides = array<i32>} : memref<2048xi32, #tpu.memory_space<vmem>>, vector<16xi32>,
    tpu.vector_store_idx %arg10[%get3A_558], %add3A_556 : memref<2048xi32, #tpu.memory_space<vmem>>[vector<16xi32>], vector<16xi32>,
    %iota3A_559 = tpu.iota {dimensions = array<i32: 0>} : vector<16xi32>
    %add3A_560 = arith.constant 1488 : i32
    %add3A_561 = vector.broadcast %add3A_560 : i32 to vector<16xi32>
    %add3A_562 = arith.addi %add3A_561, %iota3A_559 : vector<16xi32>
    %get3A_563 = arith.constant 1488 : index
    %get3A_564 = tpu.vector_load %arg8[%get3A_563] {strides = array<i32>} : memref<2048xi32, #tpu.memory_space<vmem>>, vector<16xi32>,
    tpu.vector_store_idx %arg10[%get3A_564], %add3A_562 : memref<2048xi32, #tpu.memory_space<vmem>>[vector<16xi32>], vector<16xi32>,
    %iota3A_565 = tpu.iota {dimensions = array<i32: 0>} : vector<16xi32>
    %add3A_566 = arith.constant 1504 : i32
    %add3A_567 = vector.broadcast %add3A_566 : i32 to vector<16xi32>
    %add3A_568 = arith.addi %add3A_567, %iota3A_565 : vector<16xi32>
    %get3A_569 = arith.constant 1504 : index
    %get3A_570 = tpu.vector_load %arg8[%get3A_569] {strides = array<i32>} : memref<2048xi32, #tpu.memory_space<vmem>>, vector<16xi32>,
    tpu.vector_store_idx %arg10[%get3A_570], %add3A_568 : memref<2048xi32, #tpu.memory_space<vmem>>[vector<16xi32>], vector<16xi32>,
    %iota3A_571 = tpu.iota {dimensions = array<i32: 0>} : vector<16xi32>
    %add3A_572 = arith.constant 1520 : i32
    %add3A_573 = vector.broadcast %add3A_572 : i32 to vector<16xi32>
    %add3A_574 = arith.addi %add3A_573, %iota3A_571 : vector<16xi32>
    %get3A_575 = arith.constant 1520 : index
    %get3A_576 = tpu.vector_load %arg8[%get3A_575] {strides = array<i32>} : memref<2048xi32, #tpu.memory_space<vmem>>, vector<16xi32>,
    tpu.vector_store_idx %arg10[%get3A_576], %add3A_574 : memref<2048xi32, #tpu.memory_space<vmem>>[vector<16xi32>], vector<16xi32>,
    %iota3A_577 = tpu.iota {dimensions = array<i32: 0>} : vector<16xi32>
    %add3A_578 = arith.constant 1536 : i32
    %add3A_579 = vector.broadcast %add3A_578 : i32 to vector<16xi32>
    %add3A_580 = arith.addi %add3A_579, %iota3A_577 : vector<16xi32>
    %get3A_581 = arith.constant 1536 : index
    %get3A_582 = tpu.vector_load %arg8[%get3A_581] {strides = array<i32>} : memref<2048xi32, #tpu.memory_space<vmem>>, vector<16xi32>,
    tpu.vector_store_idx %arg10[%get3A_582], %add3A_580 : memref<2048xi32, #tpu.memory_space<vmem>>[vector<16xi32>], vector<16xi32>,
    %iota3A_583 = tpu.iota {dimensions = array<i32: 0>} : vector<16xi32>
    %add3A_584 = arith.constant 1552 : i32
    %add3A_585 = vector.broadcast %add3A_584 : i32 to vector<16xi32>
    %add3A_586 = arith.addi %add3A_585, %iota3A_583 : vector<16xi32>
    %get3A_587 = arith.constant 1552 : index
    %get3A_588 = tpu.vector_load %arg8[%get3A_587] {strides = array<i32>} : memref<2048xi32, #tpu.memory_space<vmem>>, vector<16xi32>,
    tpu.vector_store_idx %arg10[%get3A_588], %add3A_586 : memref<2048xi32, #tpu.memory_space<vmem>>[vector<16xi32>], vector<16xi32>,
    %iota3A_589 = tpu.iota {dimensions = array<i32: 0>} : vector<16xi32>
    %add3A_590 = arith.constant 1568 : i32
    %add3A_591 = vector.broadcast %add3A_590 : i32 to vector<16xi32>
    %add3A_592 = arith.addi %add3A_591, %iota3A_589 : vector<16xi32>
    %get3A_593 = arith.constant 1568 : index
    %get3A_594 = tpu.vector_load %arg8[%get3A_593] {strides = array<i32>} : memref<2048xi32, #tpu.memory_space<vmem>>, vector<16xi32>,
    tpu.vector_store_idx %arg10[%get3A_594], %add3A_592 : memref<2048xi32, #tpu.memory_space<vmem>>[vector<16xi32>], vector<16xi32>,
    %iota3A_595 = tpu.iota {dimensions = array<i32: 0>} : vector<16xi32>
    %add3A_596 = arith.constant 1584 : i32
    %add3A_597 = vector.broadcast %add3A_596 : i32 to vector<16xi32>
    %add3A_598 = arith.addi %add3A_597, %iota3A_595 : vector<16xi32>
    %get3A_599 = arith.constant 1584 : index
    %get3A_600 = tpu.vector_load %arg8[%get3A_599] {strides = array<i32>} : memref<2048xi32, #tpu.memory_space<vmem>>, vector<16xi32>,
    tpu.vector_store_idx %arg10[%get3A_600], %add3A_598 : memref<2048xi32, #tpu.memory_space<vmem>>[vector<16xi32>], vector<16xi32>,
    %iota3A_601 = tpu.iota {dimensions = array<i32: 0>} : vector<16xi32>
    %add3A_602 = arith.constant 1600 : i32
    %add3A_603 = vector.broadcast %add3A_602 : i32 to vector<16xi32>
    %add3A_604 = arith.addi %add3A_603, %iota3A_601 : vector<16xi32>
    %get3A_605 = arith.constant 1600 : index
    %get3A_606 = tpu.vector_load %arg8[%get3A_605] {strides = array<i32>} : memref<2048xi32, #tpu.memory_space<vmem>>, vector<16xi32>,
    tpu.vector_store_idx %arg10[%get3A_606], %add3A_604 : memref<2048xi32, #tpu.memory_space<vmem>>[vector<16xi32>], vector<16xi32>,
    %iota3A_607 = tpu.iota {dimensions = array<i32: 0>} : vector<16xi32>
    %add3A_608 = arith.constant 1616 : i32
    %add3A_609 = vector.broadcast %add3A_608 : i32 to vector<16xi32>
    %add3A_610 = arith.addi %add3A_609, %iota3A_607 : vector<16xi32>
    %get3A_611 = arith.constant 1616 : index
    %get3A_612 = tpu.vector_load %arg8[%get3A_611] {strides = array<i32>} : memref<2048xi32, #tpu.memory_space<vmem>>, vector<16xi32>,
    tpu.vector_store_idx %arg10[%get3A_612], %add3A_610 : memref<2048xi32, #tpu.memory_space<vmem>>[vector<16xi32>], vector<16xi32>,
    %iota3A_613 = tpu.iota {dimensions = array<i32: 0>} : vector<16xi32>
    %add3A_614 = arith.constant 1632 : i32
    %add3A_615 = vector.broadcast %add3A_614 : i32 to vector<16xi32>
    %add3A_616 = arith.addi %add3A_615, %iota3A_613 : vector<16xi32>
    %get3A_617 = arith.constant 1632 : index
    %get3A_618 = tpu.vector_load %arg8[%get3A_617] {strides = array<i32>} : memref<2048xi32, #tpu.memory_space<vmem>>, vector<16xi32>,
    tpu.vector_store_idx %arg10[%get3A_618], %add3A_616 : memref<2048xi32, #tpu.memory_space<vmem>>[vector<16xi32>], vector<16xi32>,
    %iota3A_619 = tpu.iota {dimensions = array<i32: 0>} : vector<16xi32>
    %add3A_620 = arith.constant 1648 : i32
    %add3A_621 = vector.broadcast %add3A_620 : i32 to vector<16xi32>
    %add3A_622 = arith.addi %add3A_621, %iota3A_619 : vector<16xi32>
    %get3A_623 = arith.constant 1648 : index
    %get3A_624 = tpu.vector_load %arg8[%get3A_623] {strides = array<i32>} : memref<2048xi32, #tpu.memory_space<vmem>>, vector<16xi32>,
    tpu.vector_store_idx %arg10[%get3A_624], %add3A_622 : memref<2048xi32, #tpu.memory_space<vmem>>[vector<16xi32>], vector<16xi32>,
    %iota3A_625 = tpu.iota {dimensions = array<i32: 0>} : vector<16xi32>
    %add3A_626 = arith.constant 1664 : i32
    %add3A_627 = vector.broadcast %add3A_626 : i32 to vector<16xi32>
    %add3A_628 = arith.addi %add3A_627, %iota3A_625 : vector<16xi32>
    %get3A_629 = arith.constant 1664 : index
    %get3A_630 = tpu.vector_load %arg8[%get3A_629] {strides = array<i32>} : memref<2048xi32, #tpu.memory_space<vmem>>, vector<16xi32>,
    tpu.vector_store_idx %arg10[%get3A_630], %add3A_628 : memref<2048xi32, #tpu.memory_space<vmem>>[vector<16xi32>], vector<16xi32>,
    %iota3A_631 = tpu.iota {dimensions = array<i32: 0>} : vector<16xi32>
    %add3A_632 = arith.constant 1680 : i32
    %add3A_633 = vector.broadcast %add3A_632 : i32 to vector<16xi32>
    %add3A_634 = arith.addi %add3A_633, %iota3A_631 : vector<16xi32>
    %get3A_635 = arith.constant 1680 : index
    %get3A_636 = tpu.vector_load %arg8[%get3A_635] {strides = array<i32>} : memref<2048xi32, #tpu.memory_space<vmem>>, vector<16xi32>,
    tpu.vector_store_idx %arg10[%get3A_636], %add3A_634 : memref<2048xi32, #tpu.memory_space<vmem>>[vector<16xi32>], vector<16xi32>,
    %iota3A_637 = tpu.iota {dimensions = array<i32: 0>} : vector<16xi32>
    %add3A_638 = arith.constant 1696 : i32
    %add3A_639 = vector.broadcast %add3A_638 : i32 to vector<16xi32>
    %add3A_640 = arith.addi %add3A_639, %iota3A_637 : vector<16xi32>
    %get3A_641 = arith.constant 1696 : index
    %get3A_642 = tpu.vector_load %arg8[%get3A_641] {strides = array<i32>} : memref<2048xi32, #tpu.memory_space<vmem>>, vector<16xi32>,
    tpu.vector_store_idx %arg10[%get3A_642], %add3A_640 : memref<2048xi32, #tpu.memory_space<vmem>>[vector<16xi32>], vector<16xi32>,
    %iota3A_643 = tpu.iota {dimensions = array<i32: 0>} : vector<16xi32>
    %add3A_644 = arith.constant 1712 : i32
    %add3A_645 = vector.broadcast %add3A_644 : i32 to vector<16xi32>
    %add3A_646 = arith.addi %add3A_645, %iota3A_643 : vector<16xi32>
    %get3A_647 = arith.constant 1712 : index
    %get3A_648 = tpu.vector_load %arg8[%get3A_647] {strides = array<i32>} : memref<2048xi32, #tpu.memory_space<vmem>>, vector<16xi32>,
    tpu.vector_store_idx %arg10[%get3A_648], %add3A_646 : memref<2048xi32, #tpu.memory_space<vmem>>[vector<16xi32>], vector<16xi32>,
    %iota3A_649 = tpu.iota {dimensions = array<i32: 0>} : vector<16xi32>
    %add3A_650 = arith.constant 1728 : i32
    %add3A_651 = vector.broadcast %add3A_650 : i32 to vector<16xi32>
    %add3A_652 = arith.addi %add3A_651, %iota3A_649 : vector<16xi32>
    %get3A_653 = arith.constant 1728 : index
    %get3A_654 = tpu.vector_load %arg8[%get3A_653] {strides = array<i32>} : memref<2048xi32, #tpu.memory_space<vmem>>, vector<16xi32>,
    tpu.vector_store_idx %arg10[%get3A_654], %add3A_652 : memref<2048xi32, #tpu.memory_space<vmem>>[vector<16xi32>], vector<16xi32>,
    %iota3A_655 = tpu.iota {dimensions = array<i32: 0>} : vector<16xi32>
    %add3A_656 = arith.constant 1744 : i32
    %add3A_657 = vector.broadcast %add3A_656 : i32 to vector<16xi32>
    %add3A_658 = arith.addi %add3A_657, %iota3A_655 : vector<16xi32>
    %get3A_659 = arith.constant 1744 : index
    %get3A_660 = tpu.vector_load %arg8[%get3A_659] {strides = array<i32>} : memref<2048xi32, #tpu.memory_space<vmem>>, vector<16xi32>,
    tpu.vector_store_idx %arg10[%get3A_660], %add3A_658 : memref<2048xi32, #tpu.memory_space<vmem>>[vector<16xi32>], vector<16xi32>,
    %iota3A_661 = tpu.iota {dimensions = array<i32: 0>} : vector<16xi32>
    %add3A_662 = arith.constant 1760 : i32
    %add3A_663 = vector.broadcast %add3A_662 : i32 to vector<16xi32>
    %add3A_664 = arith.addi %add3A_663, %iota3A_661 : vector<16xi32>
    %get3A_665 = arith.constant 1760 : index
    %get3A_666 = tpu.vector_load %arg8[%get3A_665] {strides = array<i32>} : memref<2048xi32, #tpu.memory_space<vmem>>, vector<16xi32>,
    tpu.vector_store_idx %arg10[%get3A_666], %add3A_664 : memref<2048xi32, #tpu.memory_space<vmem>>[vector<16xi32>], vector<16xi32>,
    %iota3A_667 = tpu.iota {dimensions = array<i32: 0>} : vector<16xi32>
    %add3A_668 = arith.constant 1776 : i32
    %add3A_669 = vector.broadcast %add3A_668 : i32 to vector<16xi32>
    %add3A_670 = arith.addi %add3A_669, %iota3A_667 : vector<16xi32>
    %get3A_671 = arith.constant 1776 : index
    %get3A_672 = tpu.vector_load %arg8[%get3A_671] {strides = array<i32>} : memref<2048xi32, #tpu.memory_space<vmem>>, vector<16xi32>,
    tpu.vector_store_idx %arg10[%get3A_672], %add3A_670 : memref<2048xi32, #tpu.memory_space<vmem>>[vector<16xi32>], vector<16xi32>,
    %iota3A_673 = tpu.iota {dimensions = array<i32: 0>} : vector<16xi32>
    %add3A_674 = arith.constant 1792 : i32
    %add3A_675 = vector.broadcast %add3A_674 : i32 to vector<16xi32>
    %add3A_676 = arith.addi %add3A_675, %iota3A_673 : vector<16xi32>
    %get3A_677 = arith.constant 1792 : index
    %get3A_678 = tpu.vector_load %arg8[%get3A_677] {strides = array<i32>} : memref<2048xi32, #tpu.memory_space<vmem>>, vector<16xi32>,
    tpu.vector_store_idx %arg10[%get3A_678], %add3A_676 : memref<2048xi32, #tpu.memory_space<vmem>>[vector<16xi32>], vector<16xi32>,
    %iota3A_679 = tpu.iota {dimensions = array<i32: 0>} : vector<16xi32>
    %add3A_680 = arith.constant 1808 : i32
    %add3A_681 = vector.broadcast %add3A_680 : i32 to vector<16xi32>
    %add3A_682 = arith.addi %add3A_681, %iota3A_679 : vector<16xi32>
    %get3A_683 = arith.constant 1808 : index
    %get3A_684 = tpu.vector_load %arg8[%get3A_683] {strides = array<i32>} : memref<2048xi32, #tpu.memory_space<vmem>>, vector<16xi32>,
    tpu.vector_store_idx %arg10[%get3A_684], %add3A_682 : memref<2048xi32, #tpu.memory_space<vmem>>[vector<16xi32>], vector<16xi32>,
    %iota3A_685 = tpu.iota {dimensions = array<i32: 0>} : vector<16xi32>
    %add3A_686 = arith.constant 1824 : i32
    %add3A_687 = vector.broadcast %add3A_686 : i32 to vector<16xi32>
    %add3A_688 = arith.addi %add3A_687, %iota3A_685 : vector<16xi32>
    %get3A_689 = arith.constant 1824 : index
    %get3A_690 = tpu.vector_load %arg8[%get3A_689] {strides = array<i32>} : memref<2048xi32, #tpu.memory_space<vmem>>, vector<16xi32>,
    tpu.vector_store_idx %arg10[%get3A_690], %add3A_688 : memref<2048xi32, #tpu.memory_space<vmem>>[vector<16xi32>], vector<16xi32>,
    %iota3A_691 = tpu.iota {dimensions = array<i32: 0>} : vector<16xi32>
    %add3A_692 = arith.constant 1840 : i32
    %add3A_693 = vector.broadcast %add3A_692 : i32 to vector<16xi32>
    %add3A_694 = arith.addi %add3A_693, %iota3A_691 : vector<16xi32>
    %get3A_695 = arith.constant 1840 : index
    %get3A_696 = tpu.vector_load %arg8[%get3A_695] {strides = array<i32>} : memref<2048xi32, #tpu.memory_space<vmem>>, vector<16xi32>,
    tpu.vector_store_idx %arg10[%get3A_696], %add3A_694 : memref<2048xi32, #tpu.memory_space<vmem>>[vector<16xi32>], vector<16xi32>,
    %iota3A_697 = tpu.iota {dimensions = array<i32: 0>} : vector<16xi32>
    %add3A_698 = arith.constant 1856 : i32
    %add3A_699 = vector.broadcast %add3A_698 : i32 to vector<16xi32>
    %add3A_700 = arith.addi %add3A_699, %iota3A_697 : vector<16xi32>
    %get3A_701 = arith.constant 1856 : index
    %get3A_702 = tpu.vector_load %arg8[%get3A_701] {strides = array<i32>} : memref<2048xi32, #tpu.memory_space<vmem>>, vector<16xi32>,
    tpu.vector_store_idx %arg10[%get3A_702], %add3A_700 : memref<2048xi32, #tpu.memory_space<vmem>>[vector<16xi32>], vector<16xi32>,
    %iota3A_703 = tpu.iota {dimensions = array<i32: 0>} : vector<16xi32>
    %add3A_704 = arith.constant 1872 : i32
    %add3A_705 = vector.broadcast %add3A_704 : i32 to vector<16xi32>
    %add3A_706 = arith.addi %add3A_705, %iota3A_703 : vector<16xi32>
    %get3A_707 = arith.constant 1872 : index
    %get3A_708 = tpu.vector_load %arg8[%get3A_707] {strides = array<i32>} : memref<2048xi32, #tpu.memory_space<vmem>>, vector<16xi32>,
    tpu.vector_store_idx %arg10[%get3A_708], %add3A_706 : memref<2048xi32, #tpu.memory_space<vmem>>[vector<16xi32>], vector<16xi32>,
    %iota3A_709 = tpu.iota {dimensions = array<i32: 0>} : vector<16xi32>
    %add3A_710 = arith.constant 1888 : i32
    %add3A_711 = vector.broadcast %add3A_710 : i32 to vector<16xi32>
    %add3A_712 = arith.addi %add3A_711, %iota3A_709 : vector<16xi32>
    %get3A_713 = arith.constant 1888 : index
    %get3A_714 = tpu.vector_load %arg8[%get3A_713] {strides = array<i32>} : memref<2048xi32, #tpu.memory_space<vmem>>, vector<16xi32>,
    tpu.vector_store_idx %arg10[%get3A_714], %add3A_712 : memref<2048xi32, #tpu.memory_space<vmem>>[vector<16xi32>], vector<16xi32>,
    %iota3A_715 = tpu.iota {dimensions = array<i32: 0>} : vector<16xi32>
    %add3A_716 = arith.constant 1904 : i32
    %add3A_717 = vector.broadcast %add3A_716 : i32 to vector<16xi32>
    %add3A_718 = arith.addi %add3A_717, %iota3A_715 : vector<16xi32>
    %get3A_719 = arith.constant 1904 : index
    %get3A_720 = tpu.vector_load %arg8[%get3A_719] {strides = array<i32>} : memref<2048xi32, #tpu.memory_space<vmem>>, vector<16xi32>,
    tpu.vector_store_idx %arg10[%get3A_720], %add3A_718 : memref<2048xi32, #tpu.memory_space<vmem>>[vector<16xi32>], vector<16xi32>,
    %iota3A_721 = tpu.iota {dimensions = array<i32: 0>} : vector<16xi32>
    %add3A_722 = arith.constant 1920 : i32
    %add3A_723 = vector.broadcast %add3A_722 : i32 to vector<16xi32>
    %add3A_724 = arith.addi %add3A_723, %iota3A_721 : vector<16xi32>
    %get3A_725 = arith.constant 1920 : index
    %get3A_726 = tpu.vector_load %arg8[%get3A_725] {strides = array<i32>} : memref<2048xi32, #tpu.memory_space<vmem>>, vector<16xi32>,
    tpu.vector_store_idx %arg10[%get3A_726], %add3A_724 : memref<2048xi32, #tpu.memory_space<vmem>>[vector<16xi32>], vector<16xi32>,
    %iota3A_727 = tpu.iota {dimensions = array<i32: 0>} : vector<16xi32>
    %add3A_728 = arith.constant 1936 : i32
    %add3A_729 = vector.broadcast %add3A_728 : i32 to vector<16xi32>
    %add3A_730 = arith.addi %add3A_729, %iota3A_727 : vector<16xi32>
    %get3A_731 = arith.constant 1936 : index
    %get3A_732 = tpu.vector_load %arg8[%get3A_731] {strides = array<i32>} : memref<2048xi32, #tpu.memory_space<vmem>>, vector<16xi32>,
    tpu.vector_store_idx %arg10[%get3A_732], %add3A_730 : memref<2048xi32, #tpu.memory_space<vmem>>[vector<16xi32>], vector<16xi32>,
    %iota3A_733 = tpu.iota {dimensions = array<i32: 0>} : vector<16xi32>
    %add3A_734 = arith.constant 1952 : i32
    %add3A_735 = vector.broadcast %add3A_734 : i32 to vector<16xi32>
    %add3A_736 = arith.addi %add3A_735, %iota3A_733 : vector<16xi32>
    %get3A_737 = arith.constant 1952 : index
    %get3A_738 = tpu.vector_load %arg8[%get3A_737] {strides = array<i32>} : memref<2048xi32, #tpu.memory_space<vmem>>, vector<16xi32>,
    tpu.vector_store_idx %arg10[%get3A_738], %add3A_736 : memref<2048xi32, #tpu.memory_space<vmem>>[vector<16xi32>], vector<16xi32>,
    %iota3A_739 = tpu.iota {dimensions = array<i32: 0>} : vector<16xi32>
    %add3A_740 = arith.constant 1968 : i32
    %add3A_741 = vector.broadcast %add3A_740 : i32 to vector<16xi32>
    %add3A_742 = arith.addi %add3A_741, %iota3A_739 : vector<16xi32>
    %get3A_743 = arith.constant 1968 : index
    %get3A_744 = tpu.vector_load %arg8[%get3A_743] {strides = array<i32>} : memref<2048xi32, #tpu.memory_space<vmem>>, vector<16xi32>,
    tpu.vector_store_idx %arg10[%get3A_744], %add3A_742 : memref<2048xi32, #tpu.memory_space<vmem>>[vector<16xi32>], vector<16xi32>,
    %iota3A_745 = tpu.iota {dimensions = array<i32: 0>} : vector<16xi32>
    %add3A_746 = arith.constant 1984 : i32
    %add3A_747 = vector.broadcast %add3A_746 : i32 to vector<16xi32>
    %add3A_748 = arith.addi %add3A_747, %iota3A_745 : vector<16xi32>
    %get3A_749 = arith.constant 1984 : index
    %get3A_750 = tpu.vector_load %arg8[%get3A_749] {strides = array<i32>} : memref<2048xi32, #tpu.memory_space<vmem>>, vector<16xi32>,
    tpu.vector_store_idx %arg10[%get3A_750], %add3A_748 : memref<2048xi32, #tpu.memory_space<vmem>>[vector<16xi32>], vector<16xi32>,
    %iota3A_751 = tpu.iota {dimensions = array<i32: 0>} : vector<16xi32>
    %add3A_752 = arith.constant 2000 : i32
    %add3A_753 = vector.broadcast %add3A_752 : i32 to vector<16xi32>
    %add3A_754 = arith.addi %add3A_753, %iota3A_751 : vector<16xi32>
    %get3A_755 = arith.constant 2000 : index
    %get3A_756 = tpu.vector_load %arg8[%get3A_755] {strides = array<i32>} : memref<2048xi32, #tpu.memory_space<vmem>>, vector<16xi32>,
    tpu.vector_store_idx %arg10[%get3A_756], %add3A_754 : memref<2048xi32, #tpu.memory_space<vmem>>[vector<16xi32>], vector<16xi32>,
    %iota3A_757 = tpu.iota {dimensions = array<i32: 0>} : vector<16xi32>
    %add3A_758 = arith.constant 2016 : i32
    %add3A_759 = vector.broadcast %add3A_758 : i32 to vector<16xi32>
    %add3A_760 = arith.addi %add3A_759, %iota3A_757 : vector<16xi32>
    %get3A_761 = arith.constant 2016 : index
    %get3A_762 = tpu.vector_load %arg8[%get3A_761] {strides = array<i32>} : memref<2048xi32, #tpu.memory_space<vmem>>, vector<16xi32>,
    tpu.vector_store_idx %arg10[%get3A_762], %add3A_760 : memref<2048xi32, #tpu.memory_space<vmem>>[vector<16xi32>], vector<16xi32>,
    %iota3A_763 = tpu.iota {dimensions = array<i32: 0>} : vector<16xi32>
    %add3A_764 = arith.constant 2032 : i32
    %add3A_765 = vector.broadcast %add3A_764 : i32 to vector<16xi32>
    %add3A_766 = arith.addi %add3A_765, %iota3A_763 : vector<16xi32>
    %get3A_767 = arith.constant 2032 : index
    %get3A_768 = tpu.vector_load %arg8[%get3A_767] {strides = array<i32>} : memref<2048xi32, #tpu.memory_space<vmem>>, vector<16xi32>,
    tpu.vector_store_idx %arg10[%get3A_768], %add3A_766 : memref<2048xi32, #tpu.memory_space<vmem>>[vector<16xi32>], vector<16xi32>,
    %add3A_769 = arith.constant 0 : i32
    %add3A_770 = arith.addi %mul3A_2, %add3A_769 : i32
    %iota3A_771 = tpu.iota {dimensions = array<i32: 0>} : vector<16xi32>
    %add3A_772 = vector.broadcast %add3A_770 : i32 to vector<16xi32>
    %add3A_773 = arith.addi %add3A_772, %iota3A_771 : vector<16xi32>
    %and3A = arith.constant 2047 : i32
    %and3A_774 = vector.broadcast %and3A : i32 to vector<16xi32>
    %and3A_775 = arith.andi %add3A_773, %and3A_774 : vector<16xi32>
    %shift_right_arithmetic3A = arith.constant 11 : i32
    %shift_right_arithmetic3A_776 = vector.broadcast %shift_right_arithmetic3A : i32 to vector<16xi32>
    %shift_right_arithmetic3A_777 = arith.shrsi %add3A_773, %shift_right_arithmetic3A_776 : vector<16xi32>
    %gather3A = tpu.vector_load_idx %arg9[%and3A_775] : memref<2048xi32, #tpu.memory_space<vmem>>[vector<16xi32>], vector<16xi32>,
    %gather3A_778 = tpu.vector_load_idx %arg10[%and3A_775] : memref<2048xi32, #tpu.memory_space<vmem>>[vector<16xi32>], vector<16xi32>,
    %gather3A_779 = tpu.vector_load_idx %arg11[%gather3A] : memref<16xi32, #tpu.memory_space<vmem>>[vector<16xi32>], vector<16xi32>,
    %sub3A = arith.subi %gather3A_778, %gather3A_779 : vector<16xi32>
    %gather3A_780 = tpu.vector_load_idx %arg12[%gather3A] : memref<16xi32, #tpu.memory_space<vmem>>[vector<16xi32>], vector<16xi32>,
    %shift_right_arithmetic3A_781 = arith.constant 7 : i32
    %shift_right_arithmetic3A_782 = vector.broadcast %shift_right_arithmetic3A_781 : i32 to vector<16xi32>
    %shift_right_arithmetic3A_783 = arith.shrsi %sub3A, %shift_right_arithmetic3A_782 : vector<16xi32>
    %add3A_784 = arith.addi %gather3A_780, %shift_right_arithmetic3A_783 : vector<16xi32>
    %mul3A_785 = arith.constant 256 : i32
    %mul3A_786 = vector.broadcast %mul3A_785 : i32 to vector<16xi32>
    %mul3A_787 = arith.muli %add3A_784, %mul3A_786 : vector<16xi32>
    %mul3A_788 = arith.constant 128 : i32
    %mul3A_789 = vector.broadcast %mul3A_788 : i32 to vector<16xi32>
    %mul3A_790 = arith.muli %shift_right_arithmetic3A_777, %mul3A_789 : vector<16xi32>
    %add3A_791 = arith.addi %mul3A_787, %mul3A_790 : vector<16xi32>
    %and3A_792 = arith.constant 127 : i32
    %and3A_793 = vector.broadcast %and3A_792 : i32 to vector<16xi32>
    %and3A_794 = arith.andi %sub3A, %and3A_793 : vector<16xi32>
    %add3A_795 = arith.addi %add3A_791, %and3A_794 : vector<16xi32>
    %swap3A = arith.constant 0 : i32
    %swap3A_796 = arith.index_cast %swap3A : i32 to index
    %swap3A_797 = arith.constant 0 : index
    %swap3A_798 = tpu.vector_load %arg13[%swap3A_796, %swap3A_797] {strides = array<i32>} : memref<4x32xi32, #tpu.memory_space<vmem>>, vector<16xi32>,
    tpu.vector_store %arg13[%swap3A_796, %swap3A_797], %add3A_795 {strides = array<i32>} : memref<4x32xi32, #tpu.memory_space<vmem>>, vector<16xi32>,
    %add3A_799 = arith.constant 16 : i32
    %add3A_800 = arith.addi %mul3A_2, %add3A_799 : i32
    %iota3A_801 = tpu.iota {dimensions = array<i32: 0>} : vector<16xi32>
    %add3A_802 = vector.broadcast %add3A_800 : i32 to vector<16xi32>
    %add3A_803 = arith.addi %add3A_802, %iota3A_801 : vector<16xi32>
    %and3A_804 = arith.constant 2047 : i32
    %and3A_805 = vector.broadcast %and3A_804 : i32 to vector<16xi32>
    %and3A_806 = arith.andi %add3A_803, %and3A_805 : vector<16xi32>
    %shift_right_arithmetic3A_807 = arith.constant 11 : i32
    %shift_right_arithmetic3A_808 = vector.broadcast %shift_right_arithmetic3A_807 : i32 to vector<16xi32>
    %shift_right_arithmetic3A_809 = arith.shrsi %add3A_803, %shift_right_arithmetic3A_808 : vector<16xi32>
    %gather3A_810 = tpu.vector_load_idx %arg9[%and3A_806] : memref<2048xi32, #tpu.memory_space<vmem>>[vector<16xi32>], vector<16xi32>,
    %gather3A_811 = tpu.vector_load_idx %arg10[%and3A_806] : memref<2048xi32, #tpu.memory_space<vmem>>[vector<16xi32>], vector<16xi32>,
    %gather3A_812 = tpu.vector_load_idx %arg11[%gather3A_810] : memref<16xi32, #tpu.memory_space<vmem>>[vector<16xi32>], vector<16xi32>,
    %sub3A_813 = arith.subi %gather3A_811, %gather3A_812 : vector<16xi32>
    %gather3A_814 = tpu.vector_load_idx %arg12[%gather3A_810] : memref<16xi32, #tpu.memory_space<vmem>>[vector<16xi32>], vector<16xi32>,
    %shift_right_arithmetic3A_815 = arith.constant 7 : i32
    %shift_right_arithmetic3A_816 = vector.broadcast %shift_right_arithmetic3A_815 : i32 to vector<16xi32>
    %shift_right_arithmetic3A_817 = arith.shrsi %sub3A_813, %shift_right_arithmetic3A_816 : vector<16xi32>
    %add3A_818 = arith.addi %gather3A_814, %shift_right_arithmetic3A_817 : vector<16xi32>
    %mul3A_819 = arith.constant 256 : i32
    %mul3A_820 = vector.broadcast %mul3A_819 : i32 to vector<16xi32>
    %mul3A_821 = arith.muli %add3A_818, %mul3A_820 : vector<16xi32>
    %mul3A_822 = arith.constant 128 : i32
    %mul3A_823 = vector.broadcast %mul3A_822 : i32 to vector<16xi32>
    %mul3A_824 = arith.muli %shift_right_arithmetic3A_809, %mul3A_823 : vector<16xi32>
    %add3A_825 = arith.addi %mul3A_821, %mul3A_824 : vector<16xi32>
    %and3A_826 = arith.constant 127 : i32
    %and3A_827 = vector.broadcast %and3A_826 : i32 to vector<16xi32>
    %and3A_828 = arith.andi %sub3A_813, %and3A_827 : vector<16xi32>
    %add3A_829 = arith.addi %add3A_825, %and3A_828 : vector<16xi32>
    %swap3A_830 = arith.constant 0 : i32
    %swap3A_831 = arith.index_cast %swap3A_830 : i32 to index
    %swap3A_832 = arith.constant 16 : index
    %swap3A_833 = tpu.vector_load %arg13[%swap3A_831, %swap3A_832] {strides = array<i32>} : memref<4x32xi32, #tpu.memory_space<vmem>>, vector<16xi32>,
    tpu.vector_store %arg13[%swap3A_831, %swap3A_832], %add3A_829 {strides = array<i32>} : memref<4x32xi32, #tpu.memory_space<vmem>>, vector<16xi32>,
    %add3A_834 = arith.constant 32 : i32
    %add3A_835 = arith.addi %mul3A_2, %add3A_834 : i32
    %iota3A_836 = tpu.iota {dimensions = array<i32: 0>} : vector<16xi32>
    %add3A_837 = vector.broadcast %add3A_835 : i32 to vector<16xi32>
    %add3A_838 = arith.addi %add3A_837, %iota3A_836 : vector<16xi32>
    %and3A_839 = arith.constant 2047 : i32
    %and3A_840 = vector.broadcast %and3A_839 : i32 to vector<16xi32>
    %and3A_841 = arith.andi %add3A_838, %and3A_840 : vector<16xi32>
    %shift_right_arithmetic3A_842 = arith.constant 11 : i32
    %shift_right_arithmetic3A_843 = vector.broadcast %shift_right_arithmetic3A_842 : i32 to vector<16xi32>
    %shift_right_arithmetic3A_844 = arith.shrsi %add3A_838, %shift_right_arithmetic3A_843 : vector<16xi32>
    %gather3A_845 = tpu.vector_load_idx %arg9[%and3A_841] : memref<2048xi32, #tpu.memory_space<vmem>>[vector<16xi32>], vector<16xi32>,
    %gather3A_846 = tpu.vector_load_idx %arg10[%and3A_841] : memref<2048xi32, #tpu.memory_space<vmem>>[vector<16xi32>], vector<16xi32>,
    %gather3A_847 = tpu.vector_load_idx %arg11[%gather3A_845] : memref<16xi32, #tpu.memory_space<vmem>>[vector<16xi32>], vector<16xi32>,
    %sub3A_848 = arith.subi %gather3A_846, %gather3A_847 : vector<16xi32>
    %gather3A_849 = tpu.vector_load_idx %arg12[%gather3A_845] : memref<16xi32, #tpu.memory_space<vmem>>[vector<16xi32>], vector<16xi32>,
    %shift_right_arithmetic3A_850 = arith.constant 7 : i32
    %shift_right_arithmetic3A_851 = vector.broadcast %shift_right_arithmetic3A_850 : i32 to vector<16xi32>
    %shift_right_arithmetic3A_852 = arith.shrsi %sub3A_848, %shift_right_arithmetic3A_851 : vector<16xi32>
    %add3A_853 = arith.addi %gather3A_849, %shift_right_arithmetic3A_852 : vector<16xi32>
    %mul3A_854 = arith.constant 256 : i32
    %mul3A_855 = vector.broadcast %mul3A_854 : i32 to vector<16xi32>
    %mul3A_856 = arith.muli %add3A_853, %mul3A_855 : vector<16xi32>
    %mul3A_857 = arith.constant 128 : i32
    %mul3A_858 = vector.broadcast %mul3A_857 : i32 to vector<16xi32>
    %mul3A_859 = arith.muli %shift_right_arithmetic3A_844, %mul3A_858 : vector<16xi32>
    %add3A_860 = arith.addi %mul3A_856, %mul3A_859 : vector<16xi32>
    %and3A_861 = arith.constant 127 : i32
    %and3A_862 = vector.broadcast %and3A_861 : i32 to vector<16xi32>
    %and3A_863 = arith.andi %sub3A_848, %and3A_862 : vector<16xi32>
    %add3A_864 = arith.addi %add3A_860, %and3A_863 : vector<16xi32>
    %swap3A_865 = arith.constant 1 : i32
    %swap3A_866 = arith.index_cast %swap3A_865 : i32 to index
    %swap3A_867 = arith.constant 0 : index
    %swap3A_868 = tpu.vector_load %arg13[%swap3A_866, %swap3A_867] {strides = array<i32>} : memref<4x32xi32, #tpu.memory_space<vmem>>, vector<16xi32>,
    tpu.vector_store %arg13[%swap3A_866, %swap3A_867], %add3A_864 {strides = array<i32>} : memref<4x32xi32, #tpu.memory_space<vmem>>, vector<16xi32>,
    %add3A_869 = arith.constant 48 : i32
    %add3A_870 = arith.addi %mul3A_2, %add3A_869 : i32
    %iota3A_871 = tpu.iota {dimensions = array<i32: 0>} : vector<16xi32>
    %add3A_872 = vector.broadcast %add3A_870 : i32 to vector<16xi32>
    %add3A_873 = arith.addi %add3A_872, %iota3A_871 : vector<16xi32>
    %and3A_874 = arith.constant 2047 : i32
    %and3A_875 = vector.broadcast %and3A_874 : i32 to vector<16xi32>
    %and3A_876 = arith.andi %add3A_873, %and3A_875 : vector<16xi32>
    %shift_right_arithmetic3A_877 = arith.constant 11 : i32
    %shift_right_arithmetic3A_878 = vector.broadcast %shift_right_arithmetic3A_877 : i32 to vector<16xi32>
    %shift_right_arithmetic3A_879 = arith.shrsi %add3A_873, %shift_right_arithmetic3A_878 : vector<16xi32>
    %gather3A_880 = tpu.vector_load_idx %arg9[%and3A_876] : memref<2048xi32, #tpu.memory_space<vmem>>[vector<16xi32>], vector<16xi32>,
    %gather3A_881 = tpu.vector_load_idx %arg10[%and3A_876] : memref<2048xi32, #tpu.memory_space<vmem>>[vector<16xi32>], vector<16xi32>,
    %gather3A_882 = tpu.vector_load_idx %arg11[%gather3A_880] : memref<16xi32, #tpu.memory_space<vmem>>[vector<16xi32>], vector<16xi32>,
    %sub3A_883 = arith.subi %gather3A_881, %gather3A_882 : vector<16xi32>
    %gather3A_884 = tpu.vector_load_idx %arg12[%gather3A_880] : memref<16xi32, #tpu.memory_space<vmem>>[vector<16xi32>], vector<16xi32>,
    %shift_right_arithmetic3A_885 = arith.constant 7 : i32
    %shift_right_arithmetic3A_886 = vector.broadcast %shift_right_arithmetic3A_885 : i32 to vector<16xi32>
    %shift_right_arithmetic3A_887 = arith.shrsi %sub3A_883, %shift_right_arithmetic3A_886 : vector<16xi32>
    %add3A_888 = arith.addi %gather3A_884, %shift_right_arithmetic3A_887 : vector<16xi32>
    %mul3A_889 = arith.constant 256 : i32
    %mul3A_890 = vector.broadcast %mul3A_889 : i32 to vector<16xi32>
    %mul3A_891 = arith.muli %add3A_888, %mul3A_890 : vector<16xi32>
    %mul3A_892 = arith.constant 128 : i32
    %mul3A_893 = vector.broadcast %mul3A_892 : i32 to vector<16xi32>
    %mul3A_894 = arith.muli %shift_right_arithmetic3A_879, %mul3A_893 : vector<16xi32>
    %add3A_895 = arith.addi %mul3A_891, %mul3A_894 : vector<16xi32>
    %and3A_896 = arith.constant 127 : i32
    %and3A_897 = vector.broadcast %and3A_896 : i32 to vector<16xi32>
    %and3A_898 = arith.andi %sub3A_883, %and3A_897 : vector<16xi32>
    %add3A_899 = arith.addi %add3A_895, %and3A_898 : vector<16xi32>
    %swap3A_900 = arith.constant 1 : i32
    %swap3A_901 = arith.index_cast %swap3A_900 : i32 to index
    %swap3A_902 = arith.constant 16 : index
    %swap3A_903 = tpu.vector_load %arg13[%swap3A_901, %swap3A_902] {strides = array<i32>} : memref<4x32xi32, #tpu.memory_space<vmem>>, vector<16xi32>,
    tpu.vector_store %arg13[%swap3A_901, %swap3A_902], %add3A_899 {strides = array<i32>} : memref<4x32xi32, #tpu.memory_space<vmem>>, vector<16xi32>,
    %add3A_904 = arith.constant 64 : i32
    %add3A_905 = arith.addi %mul3A_2, %add3A_904 : i32
    %iota3A_906 = tpu.iota {dimensions = array<i32: 0>} : vector<16xi32>
    %add3A_907 = vector.broadcast %add3A_905 : i32 to vector<16xi32>
    %add3A_908 = arith.addi %add3A_907, %iota3A_906 : vector<16xi32>
    %and3A_909 = arith.constant 2047 : i32
    %and3A_910 = vector.broadcast %and3A_909 : i32 to vector<16xi32>
    %and3A_911 = arith.andi %add3A_908, %and3A_910 : vector<16xi32>
    %shift_right_arithmetic3A_912 = arith.constant 11 : i32
    %shift_right_arithmetic3A_913 = vector.broadcast %shift_right_arithmetic3A_912 : i32 to vector<16xi32>
    %shift_right_arithmetic3A_914 = arith.shrsi %add3A_908, %shift_right_arithmetic3A_913 : vector<16xi32>
    %gather3A_915 = tpu.vector_load_idx %arg9[%and3A_911] : memref<2048xi32, #tpu.memory_space<vmem>>[vector<16xi32>], vector<16xi32>,
    %gather3A_916 = tpu.vector_load_idx %arg10[%and3A_911] : memref<2048xi32, #tpu.memory_space<vmem>>[vector<16xi32>], vector<16xi32>,
    %gather3A_917 = tpu.vector_load_idx %arg11[%gather3A_915] : memref<16xi32, #tpu.memory_space<vmem>>[vector<16xi32>], vector<16xi32>,
    %sub3A_918 = arith.subi %gather3A_916, %gather3A_917 : vector<16xi32>
    %gather3A_919 = tpu.vector_load_idx %arg12[%gather3A_915] : memref<16xi32, #tpu.memory_space<vmem>>[vector<16xi32>], vector<16xi32>,
    %shift_right_arithmetic3A_920 = arith.constant 7 : i32
    %shift_right_arithmetic3A_921 = vector.broadcast %shift_right_arithmetic3A_920 : i32 to vector<16xi32>
    %shift_right_arithmetic3A_922 = arith.shrsi %sub3A_918, %shift_right_arithmetic3A_921 : vector<16xi32>
    %add3A_923 = arith.addi %gather3A_919, %shift_right_arithmetic3A_922 : vector<16xi32>
    %mul3A_924 = arith.constant 256 : i32
    %mul3A_925 = vector.broadcast %mul3A_924 : i32 to vector<16xi32>
    %mul3A_926 = arith.muli %add3A_923, %mul3A_925 : vector<16xi32>
    %mul3A_927 = arith.constant 128 : i32
    %mul3A_928 = vector.broadcast %mul3A_927 : i32 to vector<16xi32>
    %mul3A_929 = arith.muli %shift_right_arithmetic3A_914, %mul3A_928 : vector<16xi32>
    %add3A_930 = arith.addi %mul3A_926, %mul3A_929 : vector<16xi32>
    %and3A_931 = arith.constant 127 : i32
    %and3A_932 = vector.broadcast %and3A_931 : i32 to vector<16xi32>
    %and3A_933 = arith.andi %sub3A_918, %and3A_932 : vector<16xi32>
    %add3A_934 = arith.addi %add3A_930, %and3A_933 : vector<16xi32>
    %swap3A_935 = arith.constant 2 : i32
    %swap3A_936 = arith.index_cast %swap3A_935 : i32 to index
    %swap3A_937 = arith.constant 0 : index
    %swap3A_938 = tpu.vector_load %arg13[%swap3A_936, %swap3A_937] {strides = array<i32>} : memref<4x32xi32, #tpu.memory_space<vmem>>, vector<16xi32>,
    tpu.vector_store %arg13[%swap3A_936, %swap3A_937], %add3A_934 {strides = array<i32>} : memref<4x32xi32, #tpu.memory_space<vmem>>, vector<16xi32>,
    %add3A_939 = arith.constant 80 : i32
    %add3A_940 = arith.addi %mul3A_2, %add3A_939 : i32
    %iota3A_941 = tpu.iota {dimensions = array<i32: 0>} : vector<16xi32>
    %add3A_942 = vector.broadcast %add3A_940 : i32 to vector<16xi32>
    %add3A_943 = arith.addi %add3A_942, %iota3A_941 : vector<16xi32>
    %and3A_944 = arith.constant 2047 : i32
    %and3A_945 = vector.broadcast %and3A_944 : i32 to vector<16xi32>
    %and3A_946 = arith.andi %add3A_943, %and3A_945 : vector<16xi32>
    %shift_right_arithmetic3A_947 = arith.constant 11 : i32
    %shift_right_arithmetic3A_948 = vector.broadcast %shift_right_arithmetic3A_947 : i32 to vector<16xi32>
    %shift_right_arithmetic3A_949 = arith.shrsi %add3A_943, %shift_right_arithmetic3A_948 : vector<16xi32>
    %gather3A_950 = tpu.vector_load_idx %arg9[%and3A_946] : memref<2048xi32, #tpu.memory_space<vmem>>[vector<16xi32>], vector<16xi32>,
    %gather3A_951 = tpu.vector_load_idx %arg10[%and3A_946] : memref<2048xi32, #tpu.memory_space<vmem>>[vector<16xi32>], vector<16xi32>,
    %gather3A_952 = tpu.vector_load_idx %arg11[%gather3A_950] : memref<16xi32, #tpu.memory_space<vmem>>[vector<16xi32>], vector<16xi32>,
    %sub3A_953 = arith.subi %gather3A_951, %gather3A_952 : vector<16xi32>
    %gather3A_954 = tpu.vector_load_idx %arg12[%gather3A_950] : memref<16xi32, #tpu.memory_space<vmem>>[vector<16xi32>], vector<16xi32>,
    %shift_right_arithmetic3A_955 = arith.constant 7 : i32
    %shift_right_arithmetic3A_956 = vector.broadcast %shift_right_arithmetic3A_955 : i32 to vector<16xi32>
    %shift_right_arithmetic3A_957 = arith.shrsi %sub3A_953, %shift_right_arithmetic3A_956 : vector<16xi32>
    %add3A_958 = arith.addi %gather3A_954, %shift_right_arithmetic3A_957 : vector<16xi32>
    %mul3A_959 = arith.constant 256 : i32
    %mul3A_960 = vector.broadcast %mul3A_959 : i32 to vector<16xi32>
    %mul3A_961 = arith.muli %add3A_958, %mul3A_960 : vector<16xi32>
    %mul3A_962 = arith.constant 128 : i32
    %mul3A_963 = vector.broadcast %mul3A_962 : i32 to vector<16xi32>
    %mul3A_964 = arith.muli %shift_right_arithmetic3A_949, %mul3A_963 : vector<16xi32>
    %add3A_965 = arith.addi %mul3A_961, %mul3A_964 : vector<16xi32>
    %and3A_966 = arith.constant 127 : i32
    %and3A_967 = vector.broadcast %and3A_966 : i32 to vector<16xi32>
    %and3A_968 = arith.andi %sub3A_953, %and3A_967 : vector<16xi32>
    %add3A_969 = arith.addi %add3A_965, %and3A_968 : vector<16xi32>
    %swap3A_970 = arith.constant 2 : i32
    %swap3A_971 = arith.index_cast %swap3A_970 : i32 to index
    %swap3A_972 = arith.constant 16 : index
    %swap3A_973 = tpu.vector_load %arg13[%swap3A_971, %swap3A_972] {strides = array<i32>} : memref<4x32xi32, #tpu.memory_space<vmem>>, vector<16xi32>,
    tpu.vector_store %arg13[%swap3A_971, %swap3A_972], %add3A_969 {strides = array<i32>} : memref<4x32xi32, #tpu.memory_space<vmem>>, vector<16xi32>,
    %add3A_974 = arith.constant 96 : i32
    %add3A_975 = arith.addi %mul3A_2, %add3A_974 : i32
    %iota3A_976 = tpu.iota {dimensions = array<i32: 0>} : vector<16xi32>
    %add3A_977 = vector.broadcast %add3A_975 : i32 to vector<16xi32>
    %add3A_978 = arith.addi %add3A_977, %iota3A_976 : vector<16xi32>
    %and3A_979 = arith.constant 2047 : i32
    %and3A_980 = vector.broadcast %and3A_979 : i32 to vector<16xi32>
    %and3A_981 = arith.andi %add3A_978, %and3A_980 : vector<16xi32>
    %shift_right_arithmetic3A_982 = arith.constant 11 : i32
    %shift_right_arithmetic3A_983 = vector.broadcast %shift_right_arithmetic3A_982 : i32 to vector<16xi32>
    %shift_right_arithmetic3A_984 = arith.shrsi %add3A_978, %shift_right_arithmetic3A_983 : vector<16xi32>
    %gather3A_985 = tpu.vector_load_idx %arg9[%and3A_981] : memref<2048xi32, #tpu.memory_space<vmem>>[vector<16xi32>], vector<16xi32>,
    %gather3A_986 = tpu.vector_load_idx %arg10[%and3A_981] : memref<2048xi32, #tpu.memory_space<vmem>>[vector<16xi32>], vector<16xi32>,
    %gather3A_987 = tpu.vector_load_idx %arg11[%gather3A_985] : memref<16xi32, #tpu.memory_space<vmem>>[vector<16xi32>], vector<16xi32>,
    %sub3A_988 = arith.subi %gather3A_986, %gather3A_987 : vector<16xi32>
    %gather3A_989 = tpu.vector_load_idx %arg12[%gather3A_985] : memref<16xi32, #tpu.memory_space<vmem>>[vector<16xi32>], vector<16xi32>,
    %shift_right_arithmetic3A_990 = arith.constant 7 : i32
    %shift_right_arithmetic3A_991 = vector.broadcast %shift_right_arithmetic3A_990 : i32 to vector<16xi32>
    %shift_right_arithmetic3A_992 = arith.shrsi %sub3A_988, %shift_right_arithmetic3A_991 : vector<16xi32>
    %add3A_993 = arith.addi %gather3A_989, %shift_right_arithmetic3A_992 : vector<16xi32>
    %mul3A_994 = arith.constant 256 : i32
    %mul3A_995 = vector.broadcast %mul3A_994 : i32 to vector<16xi32>
    %mul3A_996 = arith.muli %add3A_993, %mul3A_995 : vector<16xi32>
    %mul3A_997 = arith.constant 128 : i32
    %mul3A_998 = vector.broadcast %mul3A_997 : i32 to vector<16xi32>
    %mul3A_999 = arith.muli %shift_right_arithmetic3A_984, %mul3A_998 : vector<16xi32>
    %add3A_1000 = arith.addi %mul3A_996, %mul3A_999 : vector<16xi32>
    %and3A_1001 = arith.constant 127 : i32
    %and3A_1002 = vector.broadcast %and3A_1001 : i32 to vector<16xi32>
    %and3A_1003 = arith.andi %sub3A_988, %and3A_1002 : vector<16xi32>
    %add3A_1004 = arith.addi %add3A_1000, %and3A_1003 : vector<16xi32>
    %swap3A_1005 = arith.constant 3 : i32
    %swap3A_1006 = arith.index_cast %swap3A_1005 : i32 to index
    %swap3A_1007 = arith.constant 0 : index
    %swap3A_1008 = tpu.vector_load %arg13[%swap3A_1006, %swap3A_1007] {strides = array<i32>} : memref<4x32xi32, #tpu.memory_space<vmem>>, vector<16xi32>,
    tpu.vector_store %arg13[%swap3A_1006, %swap3A_1007], %add3A_1004 {strides = array<i32>} : memref<4x32xi32, #tpu.memory_space<vmem>>, vector<16xi32>,
    %add3A_1009 = arith.constant 112 : i32
    %add3A_1010 = arith.addi %mul3A_2, %add3A_1009 : i32
    %iota3A_1011 = tpu.iota {dimensions = array<i32: 0>} : vector<16xi32>
    %add3A_1012 = vector.broadcast %add3A_1010 : i32 to vector<16xi32>
    %add3A_1013 = arith.addi %add3A_1012, %iota3A_1011 : vector<16xi32>
    %and3A_1014 = arith.constant 2047 : i32
    %and3A_1015 = vector.broadcast %and3A_1014 : i32 to vector<16xi32>
    %and3A_1016 = arith.andi %add3A_1013, %and3A_1015 : vector<16xi32>
    %shift_right_arithmetic3A_1017 = arith.constant 11 : i32
    %shift_right_arithmetic3A_1018 = vector.broadcast %shift_right_arithmetic3A_1017 : i32 to vector<16xi32>
    %shift_right_arithmetic3A_1019 = arith.shrsi %add3A_1013, %shift_right_arithmetic3A_1018 : vector<16xi32>
    %gather3A_1020 = tpu.vector_load_idx %arg9[%and3A_1016] : memref<2048xi32, #tpu.memory_space<vmem>>[vector<16xi32>], vector<16xi32>,
    %gather3A_1021 = tpu.vector_load_idx %arg10[%and3A_1016] : memref<2048xi32, #tpu.memory_space<vmem>>[vector<16xi32>], vector<16xi32>,
    %gather3A_1022 = tpu.vector_load_idx %arg11[%gather3A_1020] : memref<16xi32, #tpu.memory_space<vmem>>[vector<16xi32>], vector<16xi32>,
    %sub3A_1023 = arith.subi %gather3A_1021, %gather3A_1022 : vector<16xi32>
    %gather3A_1024 = tpu.vector_load_idx %arg12[%gather3A_1020] : memref<16xi32, #tpu.memory_space<vmem>>[vector<16xi32>], vector<16xi32>,
    %shift_right_arithmetic3A_1025 = arith.constant 7 : i32
    %shift_right_arithmetic3A_1026 = vector.broadcast %shift_right_arithmetic3A_1025 : i32 to vector<16xi32>
    %shift_right_arithmetic3A_1027 = arith.shrsi %sub3A_1023, %shift_right_arithmetic3A_1026 : vector<16xi32>
    %add3A_1028 = arith.addi %gather3A_1024, %shift_right_arithmetic3A_1027 : vector<16xi32>
    %mul3A_1029 = arith.constant 256 : i32
    %mul3A_1030 = vector.broadcast %mul3A_1029 : i32 to vector<16xi32>
    %mul3A_1031 = arith.muli %add3A_1028, %mul3A_1030 : vector<16xi32>
    %mul3A_1032 = arith.constant 128 : i32
    %mul3A_1033 = vector.broadcast %mul3A_1032 : i32 to vector<16xi32>
    %mul3A_1034 = arith.muli %shift_right_arithmetic3A_1019, %mul3A_1033 : vector<16xi32>
    %add3A_1035 = arith.addi %mul3A_1031, %mul3A_1034 : vector<16xi32>
    %and3A_1036 = arith.constant 127 : i32
    %and3A_1037 = vector.broadcast %and3A_1036 : i32 to vector<16xi32>
    %and3A_1038 = arith.andi %sub3A_1023, %and3A_1037 : vector<16xi32>
    %add3A_1039 = arith.addi %add3A_1035, %and3A_1038 : vector<16xi32>
    %swap3A_1040 = arith.constant 3 : i32
    %swap3A_1041 = arith.index_cast %swap3A_1040 : i32 to index
    %swap3A_1042 = arith.constant 16 : index
    %swap3A_1043 = tpu.vector_load %arg13[%swap3A_1041, %swap3A_1042] {strides = array<i32>} : memref<4x32xi32, #tpu.memory_space<vmem>>, vector<16xi32>,
    tpu.vector_store %arg13[%swap3A_1041, %swap3A_1042], %add3A_1039 {strides = array<i32>} : memref<4x32xi32, #tpu.memory_space<vmem>>, vector<16xi32>,
    %dma_start3A = arith.constant 0 : i32
    %dma_start3A_1044 = arith.constant 0 : i32
    %dma_start3A_1045 = arith.constant 0 : i32
    %dma_start3A_1046 = arith.constant 0 : i32
    %dma_start3A_1047 = tpu.memref_slice %arg14[%dma_start3A_1044, %dma_start3A_1045, %dma_start3A_1046] : memref<2x32x1024xf32, #tpu.memory_space<vmem>> -> memref<1x32x1024xf32, #tpu.memory_space<vmem>>
    %dma_start3A_1048 = tpu.memref_squeeze %dma_start3A_1047 : memref<1x32x1024xf32, #tpu.memory_space<vmem>> -> memref<32x1024xf32, #tpu.memory_space<vmem>>
    %dma_start3A_1049 = arith.constant 0 : i32
    %dma_start3A_1050 = tpu.memref_slice %arg13[%dma_start3A, %dma_start3A_1049] : memref<4x32xi32, #tpu.memory_space<vmem>> -> memref<1x32xi32, #tpu.memory_space<vmem>>
    %dma_start3A_1051 = tpu.memref_squeeze %dma_start3A_1050 : memref<1x32xi32, #tpu.memory_space<vmem>> -> memref<32xi32, #tpu.memory_space<vmem>>
    %dma_start3A_1052 = arith.constant 0 : i32
    %dma_start3A_1053 = arith.constant 0 : i32
    %dma_start3A_1054 = tpu.memref_slice %arg2[%dma_start3A_1052, %dma_start3A_1053] : memref<6144x1024xf32, #tpu.memory_space<hbm>> -> memref<6144x1024xf32, #tpu.memory_space<hbm>>
    tpu.enqueue_indirect_dma source(%dma_start3A_1054 : memref<6144x1024xf32, #tpu.memory_space<hbm>>) target(%dma_start3A_1048 : memref<32x1024xf32, #tpu.memory_space<vmem>>) offsets(%dma_start3A_1051 : memref<32xi32, #tpu.memory_space<vmem>>) semaphore(%arg15 : memref<!tpu.dma_semaphore, #tpu.memory_space<semaphore_mem>>)
    %dma_start3A_1055 = arith.constant 1 : i32
    %dma_start3A_1056 = arith.constant 1 : i32
    %dma_start3A_1057 = arith.constant 0 : i32
    %dma_start3A_1058 = arith.constant 0 : i32
    %dma_start3A_1059 = tpu.memref_slice %arg14[%dma_start3A_1056, %dma_start3A_1057, %dma_start3A_1058] : memref<2x32x1024xf32, #tpu.memory_space<vmem>> -> memref<1x32x1024xf32, #tpu.memory_space<vmem>>
    %dma_start3A_1060 = tpu.memref_squeeze %dma_start3A_1059 : memref<1x32x1024xf32, #tpu.memory_space<vmem>> -> memref<32x1024xf32, #tpu.memory_space<vmem>>
    %dma_start3A_1061 = arith.constant 0 : i32
    %dma_start3A_1062 = tpu.memref_slice %arg13[%dma_start3A_1055, %dma_start3A_1061] : memref<4x32xi32, #tpu.memory_space<vmem>> -> memref<1x32xi32, #tpu.memory_space<vmem>>
    %dma_start3A_1063 = tpu.memref_squeeze %dma_start3A_1062 : memref<1x32xi32, #tpu.memory_space<vmem>> -> memref<32xi32, #tpu.memory_space<vmem>>
    %dma_start3A_1064 = arith.constant 0 : i32
    %dma_start3A_1065 = arith.constant 0 : i32
    %dma_start3A_1066 = tpu.memref_slice %arg2[%dma_start3A_1064, %dma_start3A_1065] : memref<6144x1024xf32, #tpu.memory_space<hbm>> -> memref<6144x1024xf32, #tpu.memory_space<hbm>>
    tpu.enqueue_indirect_dma source(%dma_start3A_1066 : memref<6144x1024xf32, #tpu.memory_space<hbm>>) target(%dma_start3A_1060 : memref<32x1024xf32, #tpu.memory_space<vmem>>) offsets(%dma_start3A_1063 : memref<32xi32, #tpu.memory_space<vmem>>) semaphore(%arg15 : memref<!tpu.dma_semaphore, #tpu.memory_space<semaphore_mem>>)
    %dma_wait3A = arith.constant 0 : i32
    %dma_wait3A_1067 = arith.constant 0 : i32
    %dma_wait3A_1068 = arith.constant 0 : i32
    %dma_wait3A_1069 = arith.constant 0 : i32
    %dma_wait3A_1070 = tpu.memref_slice %arg14[%dma_wait3A_1067, %dma_wait3A_1068, %dma_wait3A_1069] : memref<2x32x1024xf32, #tpu.memory_space<vmem>> -> memref<1x32x1024xf32, #tpu.memory_space<vmem>>
    %dma_wait3A_1071 = tpu.memref_squeeze %dma_wait3A_1070 : memref<1x32x1024xf32, #tpu.memory_space<vmem>> -> memref<32x1024xf32, #tpu.memory_space<vmem>>
    %dma_wait3A_1072 = arith.constant 0 : i32
    %dma_wait3A_1073 = tpu.memref_slice %arg13[%dma_wait3A, %dma_wait3A_1072] : memref<4x32xi32, #tpu.memory_space<vmem>> -> memref<1x32xi32, #tpu.memory_space<vmem>>
    %dma_wait3A_1074 = tpu.memref_squeeze %dma_wait3A_1073 : memref<1x32xi32, #tpu.memory_space<vmem>> -> memref<32xi32, #tpu.memory_space<vmem>>
    %dma_wait3A_1075 = arith.constant 0 : i32
    %dma_wait3A_1076 = arith.constant 0 : i32
    %dma_wait3A_1077 = tpu.memref_slice %arg2[%dma_wait3A_1075, %dma_wait3A_1076] : memref<6144x1024xf32, #tpu.memory_space<hbm>> -> memref<6144x1024xf32, #tpu.memory_space<hbm>>
    tpu.wait_indirect_dma semaphore(%arg15 : memref<!tpu.dma_semaphore, #tpu.memory_space<semaphore_mem>>) src(%dma_wait3A_1077 : memref<6144x1024xf32, #tpu.memory_space<hbm>>) dst(%dma_wait3A_1071 : memref<32x1024xf32, #tpu.memory_space<vmem>>)
    %add3A_1078 = arith.constant 0 : i32
    %add3A_1079 = arith.addi %mul3A_2, %add3A_1078 : i32
    %dma_start3A_1080 = arith.constant 0 : i32
    %dma_start3A_1081 = arith.constant 0 : i32
    %dma_start3A_1082 = arith.constant 0 : i32
    %dma_start3A_1083 = tpu.memref_slice %arg14[%dma_start3A_1080, %dma_start3A_1081, %dma_start3A_1082] : memref<2x32x1024xf32, #tpu.memory_space<vmem>> -> memref<1x32x1024xf32, #tpu.memory_space<vmem>>
    %dma_start3A_1084 = tpu.memref_squeeze %dma_start3A_1083 : memref<1x32x1024xf32, #tpu.memory_space<vmem>> -> memref<32x1024xf32, #tpu.memory_space<vmem>>
    %dma_start3A_1085 = arith.constant 0 : i32
    %dma_start3A_1086 = tpu.memref_slice %arg7[%add3A_1079, %dma_start3A_1085] : memref<4096x1024xf32, #tpu.memory_space<hbm>> -> memref<32x1024xf32, #tpu.memory_space<hbm>>
    %dma_start3A_1087 = arith.constant 0 : i32
    %dma_start3A_1088 = tpu.memref_slice %arg7[%add3A_1079, %dma_start3A_1087] : memref<4096x1024xf32, #tpu.memory_space<hbm>> -> memref<32x1024xf32, #tpu.memory_space<hbm>>
    %dma_start3A_1089 = arith.constant 0 : i32
    %dma_start3A_1090 = arith.constant 0 : i32
    %dma_start3A_1091 = tpu.memref_slice %arg14[%dma_start3A_1080, %dma_start3A_1089, %dma_start3A_1090] : memref<2x32x1024xf32, #tpu.memory_space<vmem>> -> memref<1x32x1024xf32, #tpu.memory_space<vmem>>
    %dma_start3A_1092 = tpu.memref_squeeze %dma_start3A_1091 : memref<1x32x1024xf32, #tpu.memory_space<vmem>> -> memref<32x1024xf32, #tpu.memory_space<vmem>>
    tpu.enqueue_dma source(%dma_start3A_1092 : memref<32x1024xf32, #tpu.memory_space<vmem>>) target(%dma_start3A_1088 : memref<32x1024xf32, #tpu.memory_space<hbm>>) target_semaphore(%arg16 : memref<!tpu.dma_semaphore, #tpu.memory_space<semaphore_mem>>)
    %dma_wait3A_1093 = arith.constant 0 : i32
    %dma_wait3A_1094 = arith.constant 0 : i32
    %dma_wait3A_1095 = arith.constant 0 : i32
    %dma_wait3A_1096 = tpu.memref_slice %arg14[%dma_wait3A_1093, %dma_wait3A_1094, %dma_wait3A_1095] : memref<2x32x1024xf32, #tpu.memory_space<vmem>> -> memref<1x32x1024xf32, #tpu.memory_space<vmem>>
    %dma_wait3A_1097 = tpu.memref_squeeze %dma_wait3A_1096 : memref<1x32x1024xf32, #tpu.memory_space<vmem>> -> memref<32x1024xf32, #tpu.memory_space<vmem>>
    %dma_wait3A_1098 = arith.constant 0 : i32
    %dma_wait3A_1099 = tpu.memref_slice %arg7[%add3A_1079, %dma_wait3A_1098] : memref<4096x1024xf32, #tpu.memory_space<hbm>> -> memref<32x1024xf32, #tpu.memory_space<hbm>>
    %dma_wait3A_1100 = arith.constant 0 : i32
    %dma_wait3A_1101 = tpu.memref_slice %arg7[%add3A_1079, %dma_wait3A_1100] : memref<4096x1024xf32, #tpu.memory_space<hbm>> -> memref<32x1024xf32, #tpu.memory_space<hbm>>
    %dma_wait3A_1102 = arith.constant 0 : i32
    %dma_wait3A_1103 = arith.constant 0 : i32
    %dma_wait3A_1104 = tpu.memref_slice %arg14[%dma_wait3A_1093, %dma_wait3A_1102, %dma_wait3A_1103] : memref<2x32x1024xf32, #tpu.memory_space<vmem>> -> memref<1x32x1024xf32, #tpu.memory_space<vmem>>
    %dma_wait3A_1105 = tpu.memref_squeeze %dma_wait3A_1104 : memref<1x32x1024xf32, #tpu.memory_space<vmem>> -> memref<32x1024xf32, #tpu.memory_space<vmem>>
    tpu.wait_dma2 semaphore(%arg16 : memref<!tpu.dma_semaphore, #tpu.memory_space<semaphore_mem>>) src(%dma_wait3A_1105 : memref<32x1024xf32, #tpu.memory_space<vmem>>) dst(%dma_wait3A_1101 : memref<32x1024xf32, #tpu.memory_space<hbm>>)
    %dma_start3A_1106 = arith.constant 2 : i32
    %dma_start3A_1107 = arith.constant 0 : i32
    %dma_start3A_1108 = arith.constant 0 : i32
    %dma_start3A_1109 = arith.constant 0 : i32
    %dma_start3A_1110 = tpu.memref_slice %arg14[%dma_start3A_1107, %dma_start3A_1108, %dma_start3A_1109] : memref<2x32x1024xf32, #tpu.memory_space<vmem>> -> memref<1x32x1024xf32, #tpu.memory_space<vmem>>
    %dma_start3A_1111 = tpu.memref_squeeze %dma_start3A_1110 : memref<1x32x1024xf32, #tpu.memory_space<vmem>> -> memref<32x1024xf32, #tpu.memory_space<vmem>>
    %dma_start3A_1112 = arith.constant 0 : i32
    %dma_start3A_1113 = tpu.memref_slice %arg13[%dma_start3A_1106, %dma_start3A_1112] : memref<4x32xi32, #tpu.memory_space<vmem>> -> memref<1x32xi32, #tpu.memory_space<vmem>>
    %dma_start3A_1114 = tpu.memref_squeeze %dma_start3A_1113 : memref<1x32xi32, #tpu.memory_space<vmem>> -> memref<32xi32, #tpu.memory_space<vmem>>
    %dma_start3A_1115 = arith.constant 0 : i32
    %dma_start3A_1116 = arith.constant 0 : i32
    %dma_start3A_1117 = tpu.memref_slice %arg2[%dma_start3A_1115, %dma_start3A_1116] : memref<6144x1024xf32, #tpu.memory_space<hbm>> -> memref<6144x1024xf32, #tpu.memory_space<hbm>>
    tpu.enqueue_indirect_dma source(%dma_start3A_1117 : memref<6144x1024xf32, #tpu.memory_space<hbm>>) target(%dma_start3A_1111 : memref<32x1024xf32, #tpu.memory_space<vmem>>) offsets(%dma_start3A_1114 : memref<32xi32, #tpu.memory_space<vmem>>) semaphore(%arg15 : memref<!tpu.dma_semaphore, #tpu.memory_space<semaphore_mem>>)
    %dma_wait3A_1118 = arith.constant 1 : i32
    %dma_wait3A_1119 = arith.constant 1 : i32
    %dma_wait3A_1120 = arith.constant 0 : i32
    %dma_wait3A_1121 = arith.constant 0 : i32
    %dma_wait3A_1122 = tpu.memref_slice %arg14[%dma_wait3A_1119, %dma_wait3A_1120, %dma_wait3A_1121] : memref<2x32x1024xf32, #tpu.memory_space<vmem>> -> memref<1x32x1024xf32, #tpu.memory_space<vmem>>
    %dma_wait3A_1123 = tpu.memref_squeeze %dma_wait3A_1122 : memref<1x32x1024xf32, #tpu.memory_space<vmem>> -> memref<32x1024xf32, #tpu.memory_space<vmem>>
    %dma_wait3A_1124 = arith.constant 0 : i32
    %dma_wait3A_1125 = tpu.memref_slice %arg13[%dma_wait3A_1118, %dma_wait3A_1124] : memref<4x32xi32, #tpu.memory_space<vmem>> -> memref<1x32xi32, #tpu.memory_space<vmem>>
    %dma_wait3A_1126 = tpu.memref_squeeze %dma_wait3A_1125 : memref<1x32xi32, #tpu.memory_space<vmem>> -> memref<32xi32, #tpu.memory_space<vmem>>
    %dma_wait3A_1127 = arith.constant 0 : i32
    %dma_wait3A_1128 = arith.constant 0 : i32
    %dma_wait3A_1129 = tpu.memref_slice %arg2[%dma_wait3A_1127, %dma_wait3A_1128] : memref<6144x1024xf32, #tpu.memory_space<hbm>> -> memref<6144x1024xf32, #tpu.memory_space<hbm>>
    tpu.wait_indirect_dma semaphore(%arg15 : memref<!tpu.dma_semaphore, #tpu.memory_space<semaphore_mem>>) src(%dma_wait3A_1129 : memref<6144x1024xf32, #tpu.memory_space<hbm>>) dst(%dma_wait3A_1123 : memref<32x1024xf32, #tpu.memory_space<vmem>>)
    %add3A_1130 = arith.constant 32 : i32
    %add3A_1131 = arith.addi %mul3A_2, %add3A_1130 : i32
    %dma_start3A_1132 = arith.constant 1 : i32
    %dma_start3A_1133 = arith.constant 0 : i32
    %dma_start3A_1134 = arith.constant 0 : i32
    %dma_start3A_1135 = tpu.memref_slice %arg14[%dma_start3A_1132, %dma_start3A_1133, %dma_start3A_1134] : memref<2x32x1024xf32, #tpu.memory_space<vmem>> -> memref<1x32x1024xf32, #tpu.memory_space<vmem>>
    %dma_start3A_1136 = tpu.memref_squeeze %dma_start3A_1135 : memref<1x32x1024xf32, #tpu.memory_space<vmem>> -> memref<32x1024xf32, #tpu.memory_space<vmem>>
    %dma_start3A_1137 = arith.constant 0 : i32
    %dma_start3A_1138 = tpu.memref_slice %arg7[%add3A_1131, %dma_start3A_1137] : memref<4096x1024xf32, #tpu.memory_space<hbm>> -> memref<32x1024xf32, #tpu.memory_space<hbm>>
    %dma_start3A_1139 = arith.constant 0 : i32
    %dma_start3A_1140 = tpu.memref_slice %arg7[%add3A_1131, %dma_start3A_1139] : memref<4096x1024xf32, #tpu.memory_space<hbm>> -> memref<32x1024xf32, #tpu.memory_space<hbm>>
    %dma_start3A_1141 = arith.constant 0 : i32
    %dma_start3A_1142 = arith.constant 0 : i32
    %dma_start3A_1143 = tpu.memref_slice %arg14[%dma_start3A_1132, %dma_start3A_1141, %dma_start3A_1142] : memref<2x32x1024xf32, #tpu.memory_space<vmem>> -> memref<1x32x1024xf32, #tpu.memory_space<vmem>>
    %dma_start3A_1144 = tpu.memref_squeeze %dma_start3A_1143 : memref<1x32x1024xf32, #tpu.memory_space<vmem>> -> memref<32x1024xf32, #tpu.memory_space<vmem>>
    tpu.enqueue_dma source(%dma_start3A_1144 : memref<32x1024xf32, #tpu.memory_space<vmem>>) target(%dma_start3A_1140 : memref<32x1024xf32, #tpu.memory_space<hbm>>) target_semaphore(%arg16 : memref<!tpu.dma_semaphore, #tpu.memory_space<semaphore_mem>>)
    %dma_wait3A_1145 = arith.constant 1 : i32
    %dma_wait3A_1146 = arith.constant 0 : i32
    %dma_wait3A_1147 = arith.constant 0 : i32
    %dma_wait3A_1148 = tpu.memref_slice %arg14[%dma_wait3A_1145, %dma_wait3A_1146, %dma_wait3A_1147] : memref<2x32x1024xf32, #tpu.memory_space<vmem>> -> memref<1x32x1024xf32, #tpu.memory_space<vmem>>
    %dma_wait3A_1149 = tpu.memref_squeeze %dma_wait3A_1148 : memref<1x32x1024xf32, #tpu.memory_space<vmem>> -> memref<32x1024xf32, #tpu.memory_space<vmem>>
    %dma_wait3A_1150 = arith.constant 0 : i32
    %dma_wait3A_1151 = tpu.memref_slice %arg7[%add3A_1131, %dma_wait3A_1150] : memref<4096x1024xf32, #tpu.memory_space<hbm>> -> memref<32x1024xf32, #tpu.memory_space<hbm>>
    %dma_wait3A_1152 = arith.constant 0 : i32
    %dma_wait3A_1153 = tpu.memref_slice %arg7[%add3A_1131, %dma_wait3A_1152] : memref<4096x1024xf32, #tpu.memory_space<hbm>> -> memref<32x1024xf32, #tpu.memory_space<hbm>>
    %dma_wait3A_1154 = arith.constant 0 : i32
    %dma_wait3A_1155 = arith.constant 0 : i32
    %dma_wait3A_1156 = tpu.memref_slice %arg14[%dma_wait3A_1145, %dma_wait3A_1154, %dma_wait3A_1155] : memref<2x32x1024xf32, #tpu.memory_space<vmem>> -> memref<1x32x1024xf32, #tpu.memory_space<vmem>>
    %dma_wait3A_1157 = tpu.memref_squeeze %dma_wait3A_1156 : memref<1x32x1024xf32, #tpu.memory_space<vmem>> -> memref<32x1024xf32, #tpu.memory_space<vmem>>
    tpu.wait_dma2 semaphore(%arg16 : memref<!tpu.dma_semaphore, #tpu.memory_space<semaphore_mem>>) src(%dma_wait3A_1157 : memref<32x1024xf32, #tpu.memory_space<vmem>>) dst(%dma_wait3A_1153 : memref<32x1024xf32, #tpu.memory_space<hbm>>)
    %dma_start3A_1158 = arith.constant 3 : i32
    %dma_start3A_1159 = arith.constant 1 : i32
    %dma_start3A_1160 = arith.constant 0 : i32
    %dma_start3A_1161 = arith.constant 0 : i32
    %dma_start3A_1162 = tpu.memref_slice %arg14[%dma_start3A_1159, %dma_start3A_1160, %dma_start3A_1161] : memref<2x32x1024xf32, #tpu.memory_space<vmem>> -> memref<1x32x1024xf32, #tpu.memory_space<vmem>>
    %dma_start3A_1163 = tpu.memref_squeeze %dma_start3A_1162 : memref<1x32x1024xf32, #tpu.memory_space<vmem>> -> memref<32x1024xf32, #tpu.memory_space<vmem>>
    %dma_start3A_1164 = arith.constant 0 : i32
    %dma_start3A_1165 = tpu.memref_slice %arg13[%dma_start3A_1158, %dma_start3A_1164] : memref<4x32xi32, #tpu.memory_space<vmem>> -> memref<1x32xi32, #tpu.memory_space<vmem>>
    %dma_start3A_1166 = tpu.memref_squeeze %dma_start3A_1165 : memref<1x32xi32, #tpu.memory_space<vmem>> -> memref<32xi32, #tpu.memory_space<vmem>>
    %dma_start3A_1167 = arith.constant 0 : i32
    %dma_start3A_1168 = arith.constant 0 : i32
    %dma_start3A_1169 = tpu.memref_slice %arg2[%dma_start3A_1167, %dma_start3A_1168] : memref<6144x1024xf32, #tpu.memory_space<hbm>> -> memref<6144x1024xf32, #tpu.memory_space<hbm>>
    tpu.enqueue_indirect_dma source(%dma_start3A_1169 : memref<6144x1024xf32, #tpu.memory_space<hbm>>) target(%dma_start3A_1163 : memref<32x1024xf32, #tpu.memory_space<vmem>>) offsets(%dma_start3A_1166 : memref<32xi32, #tpu.memory_space<vmem>>) semaphore(%arg15 : memref<!tpu.dma_semaphore, #tpu.memory_space<semaphore_mem>>)
    %dma_wait3A_1170 = arith.constant 2 : i32
    %dma_wait3A_1171 = arith.constant 0 : i32
    %dma_wait3A_1172 = arith.constant 0 : i32
    %dma_wait3A_1173 = arith.constant 0 : i32
    %dma_wait3A_1174 = tpu.memref_slice %arg14[%dma_wait3A_1171, %dma_wait3A_1172, %dma_wait3A_1173] : memref<2x32x1024xf32, #tpu.memory_space<vmem>> -> memref<1x32x1024xf32, #tpu.memory_space<vmem>>
    %dma_wait3A_1175 = tpu.memref_squeeze %dma_wait3A_1174 : memref<1x32x1024xf32, #tpu.memory_space<vmem>> -> memref<32x1024xf32, #tpu.memory_space<vmem>>
    %dma_wait3A_1176 = arith.constant 0 : i32
    %dma_wait3A_1177 = tpu.memref_slice %arg13[%dma_wait3A_1170, %dma_wait3A_1176] : memref<4x32xi32, #tpu.memory_space<vmem>> -> memref<1x32xi32, #tpu.memory_space<vmem>>
    %dma_wait3A_1178 = tpu.memref_squeeze %dma_wait3A_1177 : memref<1x32xi32, #tpu.memory_space<vmem>> -> memref<32xi32, #tpu.memory_space<vmem>>
    %dma_wait3A_1179 = arith.constant 0 : i32
    %dma_wait3A_1180 = arith.constant 0 : i32
    %dma_wait3A_1181 = tpu.memref_slice %arg2[%dma_wait3A_1179, %dma_wait3A_1180] : memref<6144x1024xf32, #tpu.memory_space<hbm>> -> memref<6144x1024xf32, #tpu.memory_space<hbm>>
    tpu.wait_indirect_dma semaphore(%arg15 : memref<!tpu.dma_semaphore, #tpu.memory_space<semaphore_mem>>) src(%dma_wait3A_1181 : memref<6144x1024xf32, #tpu.memory_space<hbm>>) dst(%dma_wait3A_1175 : memref<32x1024xf32, #tpu.memory_space<vmem>>)
    %add3A_1182 = arith.constant 64 : i32
    %add3A_1183 = arith.addi %mul3A_2, %add3A_1182 : i32
    %dma_start3A_1184 = arith.constant 0 : i32
    %dma_start3A_1185 = arith.constant 0 : i32
    %dma_start3A_1186 = arith.constant 0 : i32
    %dma_start3A_1187 = tpu.memref_slice %arg14[%dma_start3A_1184, %dma_start3A_1185, %dma_start3A_1186] : memref<2x32x1024xf32, #tpu.memory_space<vmem>> -> memref<1x32x1024xf32, #tpu.memory_space<vmem>>
    %dma_start3A_1188 = tpu.memref_squeeze %dma_start3A_1187 : memref<1x32x1024xf32, #tpu.memory_space<vmem>> -> memref<32x1024xf32, #tpu.memory_space<vmem>>
    %dma_start3A_1189 = arith.constant 0 : i32
    %dma_start3A_1190 = tpu.memref_slice %arg7[%add3A_1183, %dma_start3A_1189] : memref<4096x1024xf32, #tpu.memory_space<hbm>> -> memref<32x1024xf32, #tpu.memory_space<hbm>>
    %dma_start3A_1191 = arith.constant 0 : i32
    %dma_start3A_1192 = tpu.memref_slice %arg7[%add3A_1183, %dma_start3A_1191] : memref<4096x1024xf32, #tpu.memory_space<hbm>> -> memref<32x1024xf32, #tpu.memory_space<hbm>>
    %dma_start3A_1193 = arith.constant 0 : i32
    %dma_start3A_1194 = arith.constant 0 : i32
    %dma_start3A_1195 = tpu.memref_slice %arg14[%dma_start3A_1184, %dma_start3A_1193, %dma_start3A_1194] : memref<2x32x1024xf32, #tpu.memory_space<vmem>> -> memref<1x32x1024xf32, #tpu.memory_space<vmem>>
    %dma_start3A_1196 = tpu.memref_squeeze %dma_start3A_1195 : memref<1x32x1024xf32, #tpu.memory_space<vmem>> -> memref<32x1024xf32, #tpu.memory_space<vmem>>
    tpu.enqueue_dma source(%dma_start3A_1196 : memref<32x1024xf32, #tpu.memory_space<vmem>>) target(%dma_start3A_1192 : memref<32x1024xf32, #tpu.memory_space<hbm>>) target_semaphore(%arg16 : memref<!tpu.dma_semaphore, #tpu.memory_space<semaphore_mem>>)
    %dma_wait3A_1197 = arith.constant 3 : i32
    %dma_wait3A_1198 = arith.constant 1 : i32
    %dma_wait3A_1199 = arith.constant 0 : i32
    %dma_wait3A_1200 = arith.constant 0 : i32
    %dma_wait3A_1201 = tpu.memref_slice %arg14[%dma_wait3A_1198, %dma_wait3A_1199, %dma_wait3A_1200] : memref<2x32x1024xf32, #tpu.memory_space<vmem>> -> memref<1x32x1024xf32, #tpu.memory_space<vmem>>
    %dma_wait3A_1202 = tpu.memref_squeeze %dma_wait3A_1201 : memref<1x32x1024xf32, #tpu.memory_space<vmem>> -> memref<32x1024xf32, #tpu.memory_space<vmem>>
    %dma_wait3A_1203 = arith.constant 0 : i32
    %dma_wait3A_1204 = tpu.memref_slice %arg13[%dma_wait3A_1197, %dma_wait3A_1203] : memref<4x32xi32, #tpu.memory_space<vmem>> -> memref<1x32xi32, #tpu.memory_space<vmem>>
    %dma_wait3A_1205 = tpu.memref_squeeze %dma_wait3A_1204 : memref<1x32xi32, #tpu.memory_space<vmem>> -> memref<32xi32, #tpu.memory_space<vmem>>
    %dma_wait3A_1206 = arith.constant 0 : i32
    %dma_wait3A_1207 = arith.constant 0 : i32
    %dma_wait3A_1208 = tpu.memref_slice %arg2[%dma_wait3A_1206, %dma_wait3A_1207] : memref<6144x1024xf32, #tpu.memory_space<hbm>> -> memref<6144x1024xf32, #tpu.memory_space<hbm>>
    tpu.wait_indirect_dma semaphore(%arg15 : memref<!tpu.dma_semaphore, #tpu.memory_space<semaphore_mem>>) src(%dma_wait3A_1208 : memref<6144x1024xf32, #tpu.memory_space<hbm>>) dst(%dma_wait3A_1202 : memref<32x1024xf32, #tpu.memory_space<vmem>>)
    %add3A_1209 = arith.constant 96 : i32
    %add3A_1210 = arith.addi %mul3A_2, %add3A_1209 : i32
    %dma_start3A_1211 = arith.constant 1 : i32
    %dma_start3A_1212 = arith.constant 0 : i32
    %dma_start3A_1213 = arith.constant 0 : i32
    %dma_start3A_1214 = tpu.memref_slice %arg14[%dma_start3A_1211, %dma_start3A_1212, %dma_start3A_1213] : memref<2x32x1024xf32, #tpu.memory_space<vmem>> -> memref<1x32x1024xf32, #tpu.memory_space<vmem>>
    %dma_start3A_1215 = tpu.memref_squeeze %dma_start3A_1214 : memref<1x32x1024xf32, #tpu.memory_space<vmem>> -> memref<32x1024xf32, #tpu.memory_space<vmem>>
    %dma_start3A_1216 = arith.constant 0 : i32
    %dma_start3A_1217 = tpu.memref_slice %arg7[%add3A_1210, %dma_start3A_1216] : memref<4096x1024xf32, #tpu.memory_space<hbm>> -> memref<32x1024xf32, #tpu.memory_space<hbm>>
    %dma_start3A_1218 = arith.constant 0 : i32
    %dma_start3A_1219 = tpu.memref_slice %arg7[%add3A_1210, %dma_start3A_1218] : memref<4096x1024xf32, #tpu.memory_space<hbm>> -> memref<32x1024xf32, #tpu.memory_space<hbm>>
    %dma_start3A_1220 = arith.constant 0 : i32
    %dma_start3A_1221 = arith.constant 0 : i32
    %dma_start3A_1222 = tpu.memref_slice %arg14[%dma_start3A_1211, %dma_start3A_1220, %dma_start3A_1221] : memref<2x32x1024xf32, #tpu.memory_space<vmem>> -> memref<1x32x1024xf32, #tpu.memory_space<vmem>>
    %dma_start3A_1223 = tpu.memref_squeeze %dma_start3A_1222 : memref<1x32x1024xf32, #tpu.memory_space<vmem>> -> memref<32x1024xf32, #tpu.memory_space<vmem>>
    tpu.enqueue_dma source(%dma_start3A_1223 : memref<32x1024xf32, #tpu.memory_space<vmem>>) target(%dma_start3A_1219 : memref<32x1024xf32, #tpu.memory_space<hbm>>) target_semaphore(%arg16 : memref<!tpu.dma_semaphore, #tpu.memory_space<semaphore_mem>>)
    %dma_wait3A_1224 = arith.constant 0 : i32
    %dma_wait3A_1225 = arith.constant 0 : i32
    %dma_wait3A_1226 = arith.constant 0 : i32
    %dma_wait3A_1227 = tpu.memref_slice %arg14[%dma_wait3A_1224, %dma_wait3A_1225, %dma_wait3A_1226] : memref<2x32x1024xf32, #tpu.memory_space<vmem>> -> memref<1x32x1024xf32, #tpu.memory_space<vmem>>
    %dma_wait3A_1228 = tpu.memref_squeeze %dma_wait3A_1227 : memref<1x32x1024xf32, #tpu.memory_space<vmem>> -> memref<32x1024xf32, #tpu.memory_space<vmem>>
    %dma_wait3A_1229 = arith.constant 0 : i32
    %dma_wait3A_1230 = tpu.memref_slice %arg7[%add3A_1183, %dma_wait3A_1229] : memref<4096x1024xf32, #tpu.memory_space<hbm>> -> memref<32x1024xf32, #tpu.memory_space<hbm>>
    %dma_wait3A_1231 = arith.constant 0 : i32
    %dma_wait3A_1232 = tpu.memref_slice %arg7[%add3A_1183, %dma_wait3A_1231] : memref<4096x1024xf32, #tpu.memory_space<hbm>> -> memref<32x1024xf32, #tpu.memory_space<hbm>>
    %dma_wait3A_1233 = arith.constant 0 : i32
    %dma_wait3A_1234 = arith.constant 0 : i32
    %dma_wait3A_1235 = tpu.memref_slice %arg14[%dma_wait3A_1224, %dma_wait3A_1233, %dma_wait3A_1234] : memref<2x32x1024xf32, #tpu.memory_space<vmem>> -> memref<1x32x1024xf32, #tpu.memory_space<vmem>>
    %dma_wait3A_1236 = tpu.memref_squeeze %dma_wait3A_1235 : memref<1x32x1024xf32, #tpu.memory_space<vmem>> -> memref<32x1024xf32, #tpu.memory_space<vmem>>
    tpu.wait_dma2 semaphore(%arg16 : memref<!tpu.dma_semaphore, #tpu.memory_space<semaphore_mem>>) src(%dma_wait3A_1236 : memref<32x1024xf32, #tpu.memory_space<vmem>>) dst(%dma_wait3A_1232 : memref<32x1024xf32, #tpu.memory_space<hbm>>)
    %dma_wait3A_1237 = arith.constant 1 : i32
    %dma_wait3A_1238 = arith.constant 0 : i32
    %dma_wait3A_1239 = arith.constant 0 : i32
    %dma_wait3A_1240 = tpu.memref_slice %arg14[%dma_wait3A_1237, %dma_wait3A_1238, %dma_wait3A_1239] : memref<2x32x1024xf32, #tpu.memory_space<vmem>> -> memref<1x32x1024xf32, #tpu.memory_space<vmem>>
    %dma_wait3A_1241 = tpu.memref_squeeze %dma_wait3A_1240 : memref<1x32x1024xf32, #tpu.memory_space<vmem>> -> memref<32x1024xf32, #tpu.memory_space<vmem>>
    %dma_wait3A_1242 = arith.constant 0 : i32
    %dma_wait3A_1243 = tpu.memref_slice %arg7[%add3A_1210, %dma_wait3A_1242] : memref<4096x1024xf32, #tpu.memory_space<hbm>> -> memref<32x1024xf32, #tpu.memory_space<hbm>>
    %dma_wait3A_1244 = arith.constant 0 : i32
    %dma_wait3A_1245 = tpu.memref_slice %arg7[%add3A_1210, %dma_wait3A_1244] : memref<4096x1024xf32, #tpu.memory_space<hbm>> -> memref<32x1024xf32, #tpu.memory_space<hbm>>
    %dma_wait3A_1246 = arith.constant 0 : i32
    %dma_wait3A_1247 = arith.constant 0 : i32
    %dma_wait3A_1248 = tpu.memref_slice %arg14[%dma_wait3A_1237, %dma_wait3A_1246, %dma_wait3A_1247] : memref<2x32x1024xf32, #tpu.memory_space<vmem>> -> memref<1x32x1024xf32, #tpu.memory_space<vmem>>
    %dma_wait3A_1249 = tpu.memref_squeeze %dma_wait3A_1248 : memref<1x32x1024xf32, #tpu.memory_space<vmem>> -> memref<32x1024xf32, #tpu.memory_space<vmem>>
    tpu.wait_dma2 semaphore(%arg16 : memref<!tpu.dma_semaphore, #tpu.memory_space<semaphore_mem>>) src(%dma_wait3A_1249 : memref<32x1024xf32, #tpu.memory_space<vmem>>) dst(%dma_wait3A_1245 : memref<32x1024xf32, #tpu.memory_space<hbm>>)
    return
  }
}

#map = affine_map<(d0, d1) -> (0, 0)>
#map1 = affine_map<(d0, d1) -> (0)>
module attributes {stable_mosaic.version = 14 : i64} {
  func.func @k(%arg0: i32, %arg1: i32, %arg2: memref<4096x1024xf32, #tpu.memory_space<hbm>>, %arg3: memref<2048xi32, #tpu.memory_space<hbm>>, %arg4: memref<32xi32, #tpu.memory_space<hbm>>, %arg5: memref<16xi32, #tpu.memory_space<hbm>>, %arg6: memref<16xi32, #tpu.memory_space<hbm>>, %arg7: memref<16xi32, #tpu.memory_space<hbm>>, %arg8: memref<16xi32, #tpu.memory_space<hbm>>, %arg9: memref<6144x1024xf32, #tpu.memory_space<hbm>>, %arg10: memref<2048xi32, #tpu.memory_space<vmem>>, %arg11: memref<32xi32, #tpu.memory_space<vmem>>, %arg12: memref<16xi32, #tpu.memory_space<vmem>>, %arg13: memref<16xi32, #tpu.memory_space<vmem>>, %arg14: memref<16xi32, #tpu.memory_space<vmem>>, %arg15: memref<16xi32, #tpu.memory_space<vmem>>, %arg16: memref<6x32xi32, #tpu.memory_space<vmem>>, %arg17: memref<3x32x1024xf32, #tpu.memory_space<vmem>>, %arg18: memref<!tpu.dma_semaphore, #tpu.memory_space<semaphore_mem>>, %arg19: memref<!tpu.dma_semaphore, #tpu.memory_space<semaphore_mem>>) attributes {dimension_semantics = [#tpu.dimension_semantics<core_parallel>, #tpu.dimension_semantics<subcore_parallel>], iteration_bounds = array<i64: 2, 16>, scalar_prefetch = 0 : i64, scratch_operands = 10 : i64, tpu.core_type = #tpu.core_type<sc_vector_subcore>, window_params = [{transform_indices = #map}, {transform_indices = #map1}, {transform_indices = #map1}, {transform_indices = #map1}, {transform_indices = #map1}, {transform_indices = #map1}, {transform_indices = #map1}, {transform_indices = #map}]} {
    %mul3A = arith.constant 2 : i32
    %mul3A_0 = arith.muli %arg1, %mul3A : i32
    %add3A = arith.addi %mul3A_0, %arg0 : i32
    "tpu.region"() ({
      %run_scoped3A = tpu.sem_alloc : memref<!tpu.dma_semaphore, #tpu.memory_space<semaphore_mem>>
      tpu.enqueue_dma source(%arg3 : memref<2048xi32, #tpu.memory_space<hbm>>) target(%arg10 : memref<2048xi32, #tpu.memory_space<vmem>>) target_semaphore(%run_scoped3A : memref<!tpu.dma_semaphore, #tpu.memory_space<semaphore_mem>>)
      tpu.wait_dma2 semaphore(%run_scoped3A : memref<!tpu.dma_semaphore, #tpu.memory_space<semaphore_mem>>) src(%arg3 : memref<2048xi32, #tpu.memory_space<hbm>>) dst(%arg10 : memref<2048xi32, #tpu.memory_space<vmem>>)
      tpu.yield
    }) : () -> ()
    "tpu.region"() ({
      %run_scoped3A = tpu.sem_alloc : memref<!tpu.dma_semaphore, #tpu.memory_space<semaphore_mem>>
      tpu.enqueue_dma source(%arg4 : memref<32xi32, #tpu.memory_space<hbm>>) target(%arg11 : memref<32xi32, #tpu.memory_space<vmem>>) target_semaphore(%run_scoped3A : memref<!tpu.dma_semaphore, #tpu.memory_space<semaphore_mem>>)
      tpu.wait_dma2 semaphore(%run_scoped3A : memref<!tpu.dma_semaphore, #tpu.memory_space<semaphore_mem>>) src(%arg4 : memref<32xi32, #tpu.memory_space<hbm>>) dst(%arg11 : memref<32xi32, #tpu.memory_space<vmem>>)
      tpu.yield
    }) : () -> ()
    "tpu.region"() ({
      %run_scoped3A = tpu.sem_alloc : memref<!tpu.dma_semaphore, #tpu.memory_space<semaphore_mem>>
      tpu.enqueue_dma source(%arg5 : memref<16xi32, #tpu.memory_space<hbm>>) target(%arg12 : memref<16xi32, #tpu.memory_space<vmem>>) target_semaphore(%run_scoped3A : memref<!tpu.dma_semaphore, #tpu.memory_space<semaphore_mem>>)
      tpu.wait_dma2 semaphore(%run_scoped3A : memref<!tpu.dma_semaphore, #tpu.memory_space<semaphore_mem>>) src(%arg5 : memref<16xi32, #tpu.memory_space<hbm>>) dst(%arg12 : memref<16xi32, #tpu.memory_space<vmem>>)
      tpu.yield
    }) : () -> ()
    "tpu.region"() ({
      %run_scoped3A = tpu.sem_alloc : memref<!tpu.dma_semaphore, #tpu.memory_space<semaphore_mem>>
      tpu.enqueue_dma source(%arg6 : memref<16xi32, #tpu.memory_space<hbm>>) target(%arg13 : memref<16xi32, #tpu.memory_space<vmem>>) target_semaphore(%run_scoped3A : memref<!tpu.dma_semaphore, #tpu.memory_space<semaphore_mem>>)
      tpu.wait_dma2 semaphore(%run_scoped3A : memref<!tpu.dma_semaphore, #tpu.memory_space<semaphore_mem>>) src(%arg6 : memref<16xi32, #tpu.memory_space<hbm>>) dst(%arg13 : memref<16xi32, #tpu.memory_space<vmem>>)
      tpu.yield
    }) : () -> ()
    "tpu.region"() ({
      %run_scoped3A = tpu.sem_alloc : memref<!tpu.dma_semaphore, #tpu.memory_space<semaphore_mem>>
      tpu.enqueue_dma source(%arg7 : memref<16xi32, #tpu.memory_space<hbm>>) target(%arg14 : memref<16xi32, #tpu.memory_space<vmem>>) target_semaphore(%run_scoped3A : memref<!tpu.dma_semaphore, #tpu.memory_space<semaphore_mem>>)
      tpu.wait_dma2 semaphore(%run_scoped3A : memref<!tpu.dma_semaphore, #tpu.memory_space<semaphore_mem>>) src(%arg7 : memref<16xi32, #tpu.memory_space<hbm>>) dst(%arg14 : memref<16xi32, #tpu.memory_space<vmem>>)
      tpu.yield
    }) : () -> ()
    "tpu.region"() ({
      %run_scoped3A = tpu.sem_alloc : memref<!tpu.dma_semaphore, #tpu.memory_space<semaphore_mem>>
      tpu.enqueue_dma source(%arg8 : memref<16xi32, #tpu.memory_space<hbm>>) target(%arg15 : memref<16xi32, #tpu.memory_space<vmem>>) target_semaphore(%run_scoped3A : memref<!tpu.dma_semaphore, #tpu.memory_space<semaphore_mem>>)
      tpu.wait_dma2 semaphore(%run_scoped3A : memref<!tpu.dma_semaphore, #tpu.memory_space<semaphore_mem>>) src(%arg8 : memref<16xi32, #tpu.memory_space<hbm>>) dst(%arg15 : memref<16xi32, #tpu.memory_space<vmem>>)
      tpu.yield
    }) : () -> ()
    %get3A = arith.constant 0 : index
    %get3A_1 = tpu.vector_load %arg15[%get3A] {strides = array<i32>} : memref<16xi32, #tpu.memory_space<vmem>>, vector<16xi32>,
    %reduce_max3A = arith.constant true
    %reduce_max3A_2 = vector.broadcast %reduce_max3A : i1 to vector<16xi1>
    %reduce_max3A_3 = arith.constant -2147483648 : i32
    %reduce_max3A_4 = vector.broadcast %reduce_max3A_3 : i32 to vector<16xi32>
    %reduce_max3A_5 = arith.xori %get3A_1, %reduce_max3A_4 : vector<16xi32>
    %reduce_max3A_6 = tpu.scan <max>, %reduce_max3A_5 masked %reduce_max3A_2 : vector<16xi32>, vector<16xi1> -> vector<16xi32>
    %reduce_max3A_7 = arith.xori %reduce_max3A_6, %reduce_max3A_4 : vector<16xi32>
    %reduce_max3A_8 = vector.extract %reduce_max3A_7[15] : i32 from vector<16xi32>
    %add3A_9 = arith.constant 0 : i32
    %add3A_10 = arith.addi %add3A, %add3A_9 : i32
    %mul3A_11 = arith.constant 32 : i32
    %mul3A_12 = arith.muli %add3A_10, %mul3A_11 : i32
    %add3A_13 = arith.constant 0 : i32
    %add3A_14 = arith.addi %mul3A_12, %add3A_13 : i32
    %iota3A = tpu.iota {dimensions = array<i32: 0>} : vector<16xi32>
    %add3A_15 = vector.broadcast %add3A_14 : i32 to vector<16xi32>
    %add3A_16 = arith.addi %add3A_15, %iota3A : vector<16xi32>
    %and3A = arith.constant 127 : i32
    %and3A_17 = vector.broadcast %and3A : i32 to vector<16xi32>
    %and3A_18 = arith.andi %add3A_16, %and3A_17 : vector<16xi32>
    %shift_right_arithmetic3A = arith.constant 7 : i32
    %shift_right_arithmetic3A_19 = vector.broadcast %shift_right_arithmetic3A : i32 to vector<16xi32>
    %shift_right_arithmetic3A_20 = arith.shrsi %add3A_16, %shift_right_arithmetic3A_19 : vector<16xi32>
    %and3A_21 = arith.constant 1 : i32
    %and3A_22 = vector.broadcast %and3A_21 : i32 to vector<16xi32>
    %and3A_23 = arith.andi %shift_right_arithmetic3A_20, %and3A_22 : vector<16xi32>
    %shift_right_arithmetic3A_24 = arith.constant 8 : i32
    %shift_right_arithmetic3A_25 = vector.broadcast %shift_right_arithmetic3A_24 : i32 to vector<16xi32>
    %shift_right_arithmetic3A_26 = arith.shrsi %add3A_16, %shift_right_arithmetic3A_25 : vector<16xi32>
    %gather3A = tpu.vector_load_idx %arg11[%shift_right_arithmetic3A_26] : memref<32xi32, #tpu.memory_space<vmem>>[vector<16xi32>], vector<16xi32>,
    %gather3A_27 = tpu.vector_load_idx %arg12[%gather3A] : memref<16xi32, #tpu.memory_space<vmem>>[vector<16xi32>], vector<16xi32>,
    %gather3A_28 = tpu.vector_load_idx %arg13[%gather3A] : memref<16xi32, #tpu.memory_space<vmem>>[vector<16xi32>], vector<16xi32>,
    %gather3A_29 = tpu.vector_load_idx %arg14[%gather3A] : memref<16xi32, #tpu.memory_space<vmem>>[vector<16xi32>], vector<16xi32>,
    %sub3A = arith.subi %shift_right_arithmetic3A_26, %gather3A_29 : vector<16xi32>
    %mul3A_30 = arith.constant 128 : i32
    %mul3A_31 = vector.broadcast %mul3A_30 : i32 to vector<16xi32>
    %mul3A_32 = arith.muli %sub3A, %mul3A_31 : vector<16xi32>
    %add3A_33 = arith.addi %mul3A_32, %and3A_18 : vector<16xi32>
    %lt3A = arith.cmpi slt, %add3A_33, %gather3A_27 : vector<16xi32>
    %add3A_34 = arith.addi %gather3A_28, %add3A_33 : vector<16xi32>
    %min3A = arith.constant 2047 : i32
    %min3A_35 = vector.broadcast %min3A : i32 to vector<16xi32>
    %min3A_36 = arith.minsi %add3A_34, %min3A_35 : vector<16xi32>
    %gather3A_37 = tpu.vector_load_idx %arg10[%min3A_36] : memref<2048xi32, #tpu.memory_space<vmem>>[vector<16xi32>], vector<16xi32>,
    %mul3A_38 = arith.constant 2048 : i32
    %mul3A_39 = vector.broadcast %mul3A_38 : i32 to vector<16xi32>
    %mul3A_40 = arith.muli %and3A_23, %mul3A_39 : vector<16xi32>
    %add3A_41 = arith.addi %gather3A_37, %mul3A_40 : vector<16xi32>
    %swap3A = arith.constant 0 : i32
    %swap3A_42 = arith.index_cast %swap3A : i32 to index
    %swap3A_43 = arith.constant 0 : index
    %swap3A_44 = tpu.vector_load %arg16[%swap3A_42, %swap3A_43] {strides = array<i32>} : memref<6x32xi32, #tpu.memory_space<vmem>>, vector<16xi32>,
    tpu.vector_store %arg16[%swap3A_42, %swap3A_43], %add3A_41 {strides = array<i32>} : memref<6x32xi32, #tpu.memory_space<vmem>>, vector<16xi32>,
    %add3A_45 = arith.constant 0 : i32
    %add3A_46 = arith.addi %add3A, %add3A_45 : i32
    %mul3A_47 = arith.constant 32 : i32
    %mul3A_48 = arith.muli %add3A_46, %mul3A_47 : i32
    %add3A_49 = arith.constant 16 : i32
    %add3A_50 = arith.addi %mul3A_48, %add3A_49 : i32
    %iota3A_51 = tpu.iota {dimensions = array<i32: 0>} : vector<16xi32>
    %add3A_52 = vector.broadcast %add3A_50 : i32 to vector<16xi32>
    %add3A_53 = arith.addi %add3A_52, %iota3A_51 : vector<16xi32>
    %and3A_54 = arith.constant 127 : i32
    %and3A_55 = vector.broadcast %and3A_54 : i32 to vector<16xi32>
    %and3A_56 = arith.andi %add3A_53, %and3A_55 : vector<16xi32>
    %shift_right_arithmetic3A_57 = arith.constant 7 : i32
    %shift_right_arithmetic3A_58 = vector.broadcast %shift_right_arithmetic3A_57 : i32 to vector<16xi32>
    %shift_right_arithmetic3A_59 = arith.shrsi %add3A_53, %shift_right_arithmetic3A_58 : vector<16xi32>
    %and3A_60 = arith.constant 1 : i32
    %and3A_61 = vector.broadcast %and3A_60 : i32 to vector<16xi32>
    %and3A_62 = arith.andi %shift_right_arithmetic3A_59, %and3A_61 : vector<16xi32>
    %shift_right_arithmetic3A_63 = arith.constant 8 : i32
    %shift_right_arithmetic3A_64 = vector.broadcast %shift_right_arithmetic3A_63 : i32 to vector<16xi32>
    %shift_right_arithmetic3A_65 = arith.shrsi %add3A_53, %shift_right_arithmetic3A_64 : vector<16xi32>
    %gather3A_66 = tpu.vector_load_idx %arg11[%shift_right_arithmetic3A_65] : memref<32xi32, #tpu.memory_space<vmem>>[vector<16xi32>], vector<16xi32>,
    %gather3A_67 = tpu.vector_load_idx %arg12[%gather3A_66] : memref<16xi32, #tpu.memory_space<vmem>>[vector<16xi32>], vector<16xi32>,
    %gather3A_68 = tpu.vector_load_idx %arg13[%gather3A_66] : memref<16xi32, #tpu.memory_space<vmem>>[vector<16xi32>], vector<16xi32>,
    %gather3A_69 = tpu.vector_load_idx %arg14[%gather3A_66] : memref<16xi32, #tpu.memory_space<vmem>>[vector<16xi32>], vector<16xi32>,
    %sub3A_70 = arith.subi %shift_right_arithmetic3A_65, %gather3A_69 : vector<16xi32>
    %mul3A_71 = arith.constant 128 : i32
    %mul3A_72 = vector.broadcast %mul3A_71 : i32 to vector<16xi32>
    %mul3A_73 = arith.muli %sub3A_70, %mul3A_72 : vector<16xi32>
    %add3A_74 = arith.addi %mul3A_73, %and3A_56 : vector<16xi32>
    %lt3A_75 = arith.cmpi slt, %add3A_74, %gather3A_67 : vector<16xi32>
    %add3A_76 = arith.addi %gather3A_68, %add3A_74 : vector<16xi32>
    %min3A_77 = arith.constant 2047 : i32
    %min3A_78 = vector.broadcast %min3A_77 : i32 to vector<16xi32>
    %min3A_79 = arith.minsi %add3A_76, %min3A_78 : vector<16xi32>
    %gather3A_80 = tpu.vector_load_idx %arg10[%min3A_79] : memref<2048xi32, #tpu.memory_space<vmem>>[vector<16xi32>], vector<16xi32>,
    %mul3A_81 = arith.constant 2048 : i32
    %mul3A_82 = vector.broadcast %mul3A_81 : i32 to vector<16xi32>
    %mul3A_83 = arith.muli %and3A_62, %mul3A_82 : vector<16xi32>
    %add3A_84 = arith.addi %gather3A_80, %mul3A_83 : vector<16xi32>
    %swap3A_85 = arith.constant 0 : i32
    %swap3A_86 = arith.index_cast %swap3A_85 : i32 to index
    %swap3A_87 = arith.constant 16 : index
    %swap3A_88 = tpu.vector_load %arg16[%swap3A_86, %swap3A_87] {strides = array<i32>} : memref<6x32xi32, #tpu.memory_space<vmem>>, vector<16xi32>,
    tpu.vector_store %arg16[%swap3A_86, %swap3A_87], %add3A_84 {strides = array<i32>} : memref<6x32xi32, #tpu.memory_space<vmem>>, vector<16xi32>,
    %add3A_89 = arith.constant 32 : i32
    %add3A_90 = arith.addi %add3A, %add3A_89 : i32
    %mul3A_91 = arith.constant 32 : i32
    %mul3A_92 = arith.muli %add3A_90, %mul3A_91 : i32
    %add3A_93 = arith.constant 0 : i32
    %add3A_94 = arith.addi %mul3A_92, %add3A_93 : i32
    %iota3A_95 = tpu.iota {dimensions = array<i32: 0>} : vector<16xi32>
    %add3A_96 = vector.broadcast %add3A_94 : i32 to vector<16xi32>
    %add3A_97 = arith.addi %add3A_96, %iota3A_95 : vector<16xi32>
    %and3A_98 = arith.constant 127 : i32
    %and3A_99 = vector.broadcast %and3A_98 : i32 to vector<16xi32>
    %and3A_100 = arith.andi %add3A_97, %and3A_99 : vector<16xi32>
    %shift_right_arithmetic3A_101 = arith.constant 7 : i32
    %shift_right_arithmetic3A_102 = vector.broadcast %shift_right_arithmetic3A_101 : i32 to vector<16xi32>
    %shift_right_arithmetic3A_103 = arith.shrsi %add3A_97, %shift_right_arithmetic3A_102 : vector<16xi32>
    %and3A_104 = arith.constant 1 : i32
    %and3A_105 = vector.broadcast %and3A_104 : i32 to vector<16xi32>
    %and3A_106 = arith.andi %shift_right_arithmetic3A_103, %and3A_105 : vector<16xi32>
    %shift_right_arithmetic3A_107 = arith.constant 8 : i32
    %shift_right_arithmetic3A_108 = vector.broadcast %shift_right_arithmetic3A_107 : i32 to vector<16xi32>
    %shift_right_arithmetic3A_109 = arith.shrsi %add3A_97, %shift_right_arithmetic3A_108 : vector<16xi32>
    %gather3A_110 = tpu.vector_load_idx %arg11[%shift_right_arithmetic3A_109] : memref<32xi32, #tpu.memory_space<vmem>>[vector<16xi32>], vector<16xi32>,
    %gather3A_111 = tpu.vector_load_idx %arg12[%gather3A_110] : memref<16xi32, #tpu.memory_space<vmem>>[vector<16xi32>], vector<16xi32>,
    %gather3A_112 = tpu.vector_load_idx %arg13[%gather3A_110] : memref<16xi32, #tpu.memory_space<vmem>>[vector<16xi32>], vector<16xi32>,
    %gather3A_113 = tpu.vector_load_idx %arg14[%gather3A_110] : memref<16xi32, #tpu.memory_space<vmem>>[vector<16xi32>], vector<16xi32>,
    %sub3A_114 = arith.subi %shift_right_arithmetic3A_109, %gather3A_113 : vector<16xi32>
    %mul3A_115 = arith.constant 128 : i32
    %mul3A_116 = vector.broadcast %mul3A_115 : i32 to vector<16xi32>
    %mul3A_117 = arith.muli %sub3A_114, %mul3A_116 : vector<16xi32>
    %add3A_118 = arith.addi %mul3A_117, %and3A_100 : vector<16xi32>
    %lt3A_119 = arith.cmpi slt, %add3A_118, %gather3A_111 : vector<16xi32>
    %add3A_120 = arith.addi %gather3A_112, %add3A_118 : vector<16xi32>
    %min3A_121 = arith.constant 2047 : i32
    %min3A_122 = vector.broadcast %min3A_121 : i32 to vector<16xi32>
    %min3A_123 = arith.minsi %add3A_120, %min3A_122 : vector<16xi32>
    %gather3A_124 = tpu.vector_load_idx %arg10[%min3A_123] : memref<2048xi32, #tpu.memory_space<vmem>>[vector<16xi32>], vector<16xi32>,
    %mul3A_125 = arith.constant 2048 : i32
    %mul3A_126 = vector.broadcast %mul3A_125 : i32 to vector<16xi32>
    %mul3A_127 = arith.muli %and3A_106, %mul3A_126 : vector<16xi32>
    %add3A_128 = arith.addi %gather3A_124, %mul3A_127 : vector<16xi32>
    %swap3A_129 = arith.constant 1 : i32
    %swap3A_130 = arith.index_cast %swap3A_129 : i32 to index
    %swap3A_131 = arith.constant 0 : index
    %swap3A_132 = tpu.vector_load %arg16[%swap3A_130, %swap3A_131] {strides = array<i32>} : memref<6x32xi32, #tpu.memory_space<vmem>>, vector<16xi32>,
    tpu.vector_store %arg16[%swap3A_130, %swap3A_131], %add3A_128 {strides = array<i32>} : memref<6x32xi32, #tpu.memory_space<vmem>>, vector<16xi32>,
    %add3A_133 = arith.constant 32 : i32
    %add3A_134 = arith.addi %add3A, %add3A_133 : i32
    %mul3A_135 = arith.constant 32 : i32
    %mul3A_136 = arith.muli %add3A_134, %mul3A_135 : i32
    %add3A_137 = arith.constant 16 : i32
    %add3A_138 = arith.addi %mul3A_136, %add3A_137 : i32
    %iota3A_139 = tpu.iota {dimensions = array<i32: 0>} : vector<16xi32>
    %add3A_140 = vector.broadcast %add3A_138 : i32 to vector<16xi32>
    %add3A_141 = arith.addi %add3A_140, %iota3A_139 : vector<16xi32>
    %and3A_142 = arith.constant 127 : i32
    %and3A_143 = vector.broadcast %and3A_142 : i32 to vector<16xi32>
    %and3A_144 = arith.andi %add3A_141, %and3A_143 : vector<16xi32>
    %shift_right_arithmetic3A_145 = arith.constant 7 : i32
    %shift_right_arithmetic3A_146 = vector.broadcast %shift_right_arithmetic3A_145 : i32 to vector<16xi32>
    %shift_right_arithmetic3A_147 = arith.shrsi %add3A_141, %shift_right_arithmetic3A_146 : vector<16xi32>
    %and3A_148 = arith.constant 1 : i32
    %and3A_149 = vector.broadcast %and3A_148 : i32 to vector<16xi32>
    %and3A_150 = arith.andi %shift_right_arithmetic3A_147, %and3A_149 : vector<16xi32>
    %shift_right_arithmetic3A_151 = arith.constant 8 : i32
    %shift_right_arithmetic3A_152 = vector.broadcast %shift_right_arithmetic3A_151 : i32 to vector<16xi32>
    %shift_right_arithmetic3A_153 = arith.shrsi %add3A_141, %shift_right_arithmetic3A_152 : vector<16xi32>
    %gather3A_154 = tpu.vector_load_idx %arg11[%shift_right_arithmetic3A_153] : memref<32xi32, #tpu.memory_space<vmem>>[vector<16xi32>], vector<16xi32>,
    %gather3A_155 = tpu.vector_load_idx %arg12[%gather3A_154] : memref<16xi32, #tpu.memory_space<vmem>>[vector<16xi32>], vector<16xi32>,
    %gather3A_156 = tpu.vector_load_idx %arg13[%gather3A_154] : memref<16xi32, #tpu.memory_space<vmem>>[vector<16xi32>], vector<16xi32>,
    %gather3A_157 = tpu.vector_load_idx %arg14[%gather3A_154] : memref<16xi32, #tpu.memory_space<vmem>>[vector<16xi32>], vector<16xi32>,
    %sub3A_158 = arith.subi %shift_right_arithmetic3A_153, %gather3A_157 : vector<16xi32>
    %mul3A_159 = arith.constant 128 : i32
    %mul3A_160 = vector.broadcast %mul3A_159 : i32 to vector<16xi32>
    %mul3A_161 = arith.muli %sub3A_158, %mul3A_160 : vector<16xi32>
    %add3A_162 = arith.addi %mul3A_161, %and3A_144 : vector<16xi32>
    %lt3A_163 = arith.cmpi slt, %add3A_162, %gather3A_155 : vector<16xi32>
    %add3A_164 = arith.addi %gather3A_156, %add3A_162 : vector<16xi32>
    %min3A_165 = arith.constant 2047 : i32
    %min3A_166 = vector.broadcast %min3A_165 : i32 to vector<16xi32>
    %min3A_167 = arith.minsi %add3A_164, %min3A_166 : vector<16xi32>
    %gather3A_168 = tpu.vector_load_idx %arg10[%min3A_167] : memref<2048xi32, #tpu.memory_space<vmem>>[vector<16xi32>], vector<16xi32>,
    %mul3A_169 = arith.constant 2048 : i32
    %mul3A_170 = vector.broadcast %mul3A_169 : i32 to vector<16xi32>
    %mul3A_171 = arith.muli %and3A_150, %mul3A_170 : vector<16xi32>
    %add3A_172 = arith.addi %gather3A_168, %mul3A_171 : vector<16xi32>
    %swap3A_173 = arith.constant 1 : i32
    %swap3A_174 = arith.index_cast %swap3A_173 : i32 to index
    %swap3A_175 = arith.constant 16 : index
    %swap3A_176 = tpu.vector_load %arg16[%swap3A_174, %swap3A_175] {strides = array<i32>} : memref<6x32xi32, #tpu.memory_space<vmem>>, vector<16xi32>,
    tpu.vector_store %arg16[%swap3A_174, %swap3A_175], %add3A_172 {strides = array<i32>} : memref<6x32xi32, #tpu.memory_space<vmem>>, vector<16xi32>,
    %add3A_177 = arith.constant 64 : i32
    %add3A_178 = arith.addi %add3A, %add3A_177 : i32
    %mul3A_179 = arith.constant 32 : i32
    %mul3A_180 = arith.muli %add3A_178, %mul3A_179 : i32
    %add3A_181 = arith.constant 0 : i32
    %add3A_182 = arith.addi %mul3A_180, %add3A_181 : i32
    %iota3A_183 = tpu.iota {dimensions = array<i32: 0>} : vector<16xi32>
    %add3A_184 = vector.broadcast %add3A_182 : i32 to vector<16xi32>
    %add3A_185 = arith.addi %add3A_184, %iota3A_183 : vector<16xi32>
    %and3A_186 = arith.constant 127 : i32
    %and3A_187 = vector.broadcast %and3A_186 : i32 to vector<16xi32>
    %and3A_188 = arith.andi %add3A_185, %and3A_187 : vector<16xi32>
    %shift_right_arithmetic3A_189 = arith.constant 7 : i32
    %shift_right_arithmetic3A_190 = vector.broadcast %shift_right_arithmetic3A_189 : i32 to vector<16xi32>
    %shift_right_arithmetic3A_191 = arith.shrsi %add3A_185, %shift_right_arithmetic3A_190 : vector<16xi32>
    %and3A_192 = arith.constant 1 : i32
    %and3A_193 = vector.broadcast %and3A_192 : i32 to vector<16xi32>
    %and3A_194 = arith.andi %shift_right_arithmetic3A_191, %and3A_193 : vector<16xi32>
    %shift_right_arithmetic3A_195 = arith.constant 8 : i32
    %shift_right_arithmetic3A_196 = vector.broadcast %shift_right_arithmetic3A_195 : i32 to vector<16xi32>
    %shift_right_arithmetic3A_197 = arith.shrsi %add3A_185, %shift_right_arithmetic3A_196 : vector<16xi32>
    %gather3A_198 = tpu.vector_load_idx %arg11[%shift_right_arithmetic3A_197] : memref<32xi32, #tpu.memory_space<vmem>>[vector<16xi32>], vector<16xi32>,
    %gather3A_199 = tpu.vector_load_idx %arg12[%gather3A_198] : memref<16xi32, #tpu.memory_space<vmem>>[vector<16xi32>], vector<16xi32>,
    %gather3A_200 = tpu.vector_load_idx %arg13[%gather3A_198] : memref<16xi32, #tpu.memory_space<vmem>>[vector<16xi32>], vector<16xi32>,
    %gather3A_201 = tpu.vector_load_idx %arg14[%gather3A_198] : memref<16xi32, #tpu.memory_space<vmem>>[vector<16xi32>], vector<16xi32>,
    %sub3A_202 = arith.subi %shift_right_arithmetic3A_197, %gather3A_201 : vector<16xi32>
    %mul3A_203 = arith.constant 128 : i32
    %mul3A_204 = vector.broadcast %mul3A_203 : i32 to vector<16xi32>
    %mul3A_205 = arith.muli %sub3A_202, %mul3A_204 : vector<16xi32>
    %add3A_206 = arith.addi %mul3A_205, %and3A_188 : vector<16xi32>
    %lt3A_207 = arith.cmpi slt, %add3A_206, %gather3A_199 : vector<16xi32>
    %add3A_208 = arith.addi %gather3A_200, %add3A_206 : vector<16xi32>
    %min3A_209 = arith.constant 2047 : i32
    %min3A_210 = vector.broadcast %min3A_209 : i32 to vector<16xi32>
    %min3A_211 = arith.minsi %add3A_208, %min3A_210 : vector<16xi32>
    %gather3A_212 = tpu.vector_load_idx %arg10[%min3A_211] : memref<2048xi32, #tpu.memory_space<vmem>>[vector<16xi32>], vector<16xi32>,
    %mul3A_213 = arith.constant 2048 : i32
    %mul3A_214 = vector.broadcast %mul3A_213 : i32 to vector<16xi32>
    %mul3A_215 = arith.muli %and3A_194, %mul3A_214 : vector<16xi32>
    %add3A_216 = arith.addi %gather3A_212, %mul3A_215 : vector<16xi32>
    %swap3A_217 = arith.constant 2 : i32
    %swap3A_218 = arith.index_cast %swap3A_217 : i32 to index
    %swap3A_219 = arith.constant 0 : index
    %swap3A_220 = tpu.vector_load %arg16[%swap3A_218, %swap3A_219] {strides = array<i32>} : memref<6x32xi32, #tpu.memory_space<vmem>>, vector<16xi32>,
    tpu.vector_store %arg16[%swap3A_218, %swap3A_219], %add3A_216 {strides = array<i32>} : memref<6x32xi32, #tpu.memory_space<vmem>>, vector<16xi32>,
    %add3A_221 = arith.constant 64 : i32
    %add3A_222 = arith.addi %add3A, %add3A_221 : i32
    %mul3A_223 = arith.constant 32 : i32
    %mul3A_224 = arith.muli %add3A_222, %mul3A_223 : i32
    %add3A_225 = arith.constant 16 : i32
    %add3A_226 = arith.addi %mul3A_224, %add3A_225 : i32
    %iota3A_227 = tpu.iota {dimensions = array<i32: 0>} : vector<16xi32>
    %add3A_228 = vector.broadcast %add3A_226 : i32 to vector<16xi32>
    %add3A_229 = arith.addi %add3A_228, %iota3A_227 : vector<16xi32>
    %and3A_230 = arith.constant 127 : i32
    %and3A_231 = vector.broadcast %and3A_230 : i32 to vector<16xi32>
    %and3A_232 = arith.andi %add3A_229, %and3A_231 : vector<16xi32>
    %shift_right_arithmetic3A_233 = arith.constant 7 : i32
    %shift_right_arithmetic3A_234 = vector.broadcast %shift_right_arithmetic3A_233 : i32 to vector<16xi32>
    %shift_right_arithmetic3A_235 = arith.shrsi %add3A_229, %shift_right_arithmetic3A_234 : vector<16xi32>
    %and3A_236 = arith.constant 1 : i32
    %and3A_237 = vector.broadcast %and3A_236 : i32 to vector<16xi32>
    %and3A_238 = arith.andi %shift_right_arithmetic3A_235, %and3A_237 : vector<16xi32>
    %shift_right_arithmetic3A_239 = arith.constant 8 : i32
    %shift_right_arithmetic3A_240 = vector.broadcast %shift_right_arithmetic3A_239 : i32 to vector<16xi32>
    %shift_right_arithmetic3A_241 = arith.shrsi %add3A_229, %shift_right_arithmetic3A_240 : vector<16xi32>
    %gather3A_242 = tpu.vector_load_idx %arg11[%shift_right_arithmetic3A_241] : memref<32xi32, #tpu.memory_space<vmem>>[vector<16xi32>], vector<16xi32>,
    %gather3A_243 = tpu.vector_load_idx %arg12[%gather3A_242] : memref<16xi32, #tpu.memory_space<vmem>>[vector<16xi32>], vector<16xi32>,
    %gather3A_244 = tpu.vector_load_idx %arg13[%gather3A_242] : memref<16xi32, #tpu.memory_space<vmem>>[vector<16xi32>], vector<16xi32>,
    %gather3A_245 = tpu.vector_load_idx %arg14[%gather3A_242] : memref<16xi32, #tpu.memory_space<vmem>>[vector<16xi32>], vector<16xi32>,
    %sub3A_246 = arith.subi %shift_right_arithmetic3A_241, %gather3A_245 : vector<16xi32>
    %mul3A_247 = arith.constant 128 : i32
    %mul3A_248 = vector.broadcast %mul3A_247 : i32 to vector<16xi32>
    %mul3A_249 = arith.muli %sub3A_246, %mul3A_248 : vector<16xi32>
    %add3A_250 = arith.addi %mul3A_249, %and3A_232 : vector<16xi32>
    %lt3A_251 = arith.cmpi slt, %add3A_250, %gather3A_243 : vector<16xi32>
    %add3A_252 = arith.addi %gather3A_244, %add3A_250 : vector<16xi32>
    %min3A_253 = arith.constant 2047 : i32
    %min3A_254 = vector.broadcast %min3A_253 : i32 to vector<16xi32>
    %min3A_255 = arith.minsi %add3A_252, %min3A_254 : vector<16xi32>
    %gather3A_256 = tpu.vector_load_idx %arg10[%min3A_255] : memref<2048xi32, #tpu.memory_space<vmem>>[vector<16xi32>], vector<16xi32>,
    %mul3A_257 = arith.constant 2048 : i32
    %mul3A_258 = vector.broadcast %mul3A_257 : i32 to vector<16xi32>
    %mul3A_259 = arith.muli %and3A_238, %mul3A_258 : vector<16xi32>
    %add3A_260 = arith.addi %gather3A_256, %mul3A_259 : vector<16xi32>
    %swap3A_261 = arith.constant 2 : i32
    %swap3A_262 = arith.index_cast %swap3A_261 : i32 to index
    %swap3A_263 = arith.constant 16 : index
    %swap3A_264 = tpu.vector_load %arg16[%swap3A_262, %swap3A_263] {strides = array<i32>} : memref<6x32xi32, #tpu.memory_space<vmem>>, vector<16xi32>,
    tpu.vector_store %arg16[%swap3A_262, %swap3A_263], %add3A_260 {strides = array<i32>} : memref<6x32xi32, #tpu.memory_space<vmem>>, vector<16xi32>,
    %add3A_265 = arith.constant 96 : i32
    %add3A_266 = arith.addi %add3A, %add3A_265 : i32
    %mul3A_267 = arith.constant 32 : i32
    %mul3A_268 = arith.muli %add3A_266, %mul3A_267 : i32
    %add3A_269 = arith.constant 0 : i32
    %add3A_270 = arith.addi %mul3A_268, %add3A_269 : i32
    %iota3A_271 = tpu.iota {dimensions = array<i32: 0>} : vector<16xi32>
    %add3A_272 = vector.broadcast %add3A_270 : i32 to vector<16xi32>
    %add3A_273 = arith.addi %add3A_272, %iota3A_271 : vector<16xi32>
    %and3A_274 = arith.constant 127 : i32
    %and3A_275 = vector.broadcast %and3A_274 : i32 to vector<16xi32>
    %and3A_276 = arith.andi %add3A_273, %and3A_275 : vector<16xi32>
    %shift_right_arithmetic3A_277 = arith.constant 7 : i32
    %shift_right_arithmetic3A_278 = vector.broadcast %shift_right_arithmetic3A_277 : i32 to vector<16xi32>
    %shift_right_arithmetic3A_279 = arith.shrsi %add3A_273, %shift_right_arithmetic3A_278 : vector<16xi32>
    %and3A_280 = arith.constant 1 : i32
    %and3A_281 = vector.broadcast %and3A_280 : i32 to vector<16xi32>
    %and3A_282 = arith.andi %shift_right_arithmetic3A_279, %and3A_281 : vector<16xi32>
    %shift_right_arithmetic3A_283 = arith.constant 8 : i32
    %shift_right_arithmetic3A_284 = vector.broadcast %shift_right_arithmetic3A_283 : i32 to vector<16xi32>
    %shift_right_arithmetic3A_285 = arith.shrsi %add3A_273, %shift_right_arithmetic3A_284 : vector<16xi32>
    %gather3A_286 = tpu.vector_load_idx %arg11[%shift_right_arithmetic3A_285] : memref<32xi32, #tpu.memory_space<vmem>>[vector<16xi32>], vector<16xi32>,
    %gather3A_287 = tpu.vector_load_idx %arg12[%gather3A_286] : memref<16xi32, #tpu.memory_space<vmem>>[vector<16xi32>], vector<16xi32>,
    %gather3A_288 = tpu.vector_load_idx %arg13[%gather3A_286] : memref<16xi32, #tpu.memory_space<vmem>>[vector<16xi32>], vector<16xi32>,
    %gather3A_289 = tpu.vector_load_idx %arg14[%gather3A_286] : memref<16xi32, #tpu.memory_space<vmem>>[vector<16xi32>], vector<16xi32>,
    %sub3A_290 = arith.subi %shift_right_arithmetic3A_285, %gather3A_289 : vector<16xi32>
    %mul3A_291 = arith.constant 128 : i32
    %mul3A_292 = vector.broadcast %mul3A_291 : i32 to vector<16xi32>
    %mul3A_293 = arith.muli %sub3A_290, %mul3A_292 : vector<16xi32>
    %add3A_294 = arith.addi %mul3A_293, %and3A_276 : vector<16xi32>
    %lt3A_295 = arith.cmpi slt, %add3A_294, %gather3A_287 : vector<16xi32>
    %add3A_296 = arith.addi %gather3A_288, %add3A_294 : vector<16xi32>
    %min3A_297 = arith.constant 2047 : i32
    %min3A_298 = vector.broadcast %min3A_297 : i32 to vector<16xi32>
    %min3A_299 = arith.minsi %add3A_296, %min3A_298 : vector<16xi32>
    %gather3A_300 = tpu.vector_load_idx %arg10[%min3A_299] : memref<2048xi32, #tpu.memory_space<vmem>>[vector<16xi32>], vector<16xi32>,
    %mul3A_301 = arith.constant 2048 : i32
    %mul3A_302 = vector.broadcast %mul3A_301 : i32 to vector<16xi32>
    %mul3A_303 = arith.muli %and3A_282, %mul3A_302 : vector<16xi32>
    %add3A_304 = arith.addi %gather3A_300, %mul3A_303 : vector<16xi32>
    %swap3A_305 = arith.constant 3 : i32
    %swap3A_306 = arith.index_cast %swap3A_305 : i32 to index
    %swap3A_307 = arith.constant 0 : index
    %swap3A_308 = tpu.vector_load %arg16[%swap3A_306, %swap3A_307] {strides = array<i32>} : memref<6x32xi32, #tpu.memory_space<vmem>>, vector<16xi32>,
    tpu.vector_store %arg16[%swap3A_306, %swap3A_307], %add3A_304 {strides = array<i32>} : memref<6x32xi32, #tpu.memory_space<vmem>>, vector<16xi32>,
    %add3A_309 = arith.constant 96 : i32
    %add3A_310 = arith.addi %add3A, %add3A_309 : i32
    %mul3A_311 = arith.constant 32 : i32
    %mul3A_312 = arith.muli %add3A_310, %mul3A_311 : i32
    %add3A_313 = arith.constant 16 : i32
    %add3A_314 = arith.addi %mul3A_312, %add3A_313 : i32
    %iota3A_315 = tpu.iota {dimensions = array<i32: 0>} : vector<16xi32>
    %add3A_316 = vector.broadcast %add3A_314 : i32 to vector<16xi32>
    %add3A_317 = arith.addi %add3A_316, %iota3A_315 : vector<16xi32>
    %and3A_318 = arith.constant 127 : i32
    %and3A_319 = vector.broadcast %and3A_318 : i32 to vector<16xi32>
    %and3A_320 = arith.andi %add3A_317, %and3A_319 : vector<16xi32>
    %shift_right_arithmetic3A_321 = arith.constant 7 : i32
    %shift_right_arithmetic3A_322 = vector.broadcast %shift_right_arithmetic3A_321 : i32 to vector<16xi32>
    %shift_right_arithmetic3A_323 = arith.shrsi %add3A_317, %shift_right_arithmetic3A_322 : vector<16xi32>
    %and3A_324 = arith.constant 1 : i32
    %and3A_325 = vector.broadcast %and3A_324 : i32 to vector<16xi32>
    %and3A_326 = arith.andi %shift_right_arithmetic3A_323, %and3A_325 : vector<16xi32>
    %shift_right_arithmetic3A_327 = arith.constant 8 : i32
    %shift_right_arithmetic3A_328 = vector.broadcast %shift_right_arithmetic3A_327 : i32 to vector<16xi32>
    %shift_right_arithmetic3A_329 = arith.shrsi %add3A_317, %shift_right_arithmetic3A_328 : vector<16xi32>
    %gather3A_330 = tpu.vector_load_idx %arg11[%shift_right_arithmetic3A_329] : memref<32xi32, #tpu.memory_space<vmem>>[vector<16xi32>], vector<16xi32>,
    %gather3A_331 = tpu.vector_load_idx %arg12[%gather3A_330] : memref<16xi32, #tpu.memory_space<vmem>>[vector<16xi32>], vector<16xi32>,
    %gather3A_332 = tpu.vector_load_idx %arg13[%gather3A_330] : memref<16xi32, #tpu.memory_space<vmem>>[vector<16xi32>], vector<16xi32>,
    %gather3A_333 = tpu.vector_load_idx %arg14[%gather3A_330] : memref<16xi32, #tpu.memory_space<vmem>>[vector<16xi32>], vector<16xi32>,
    %sub3A_334 = arith.subi %shift_right_arithmetic3A_329, %gather3A_333 : vector<16xi32>
    %mul3A_335 = arith.constant 128 : i32
    %mul3A_336 = vector.broadcast %mul3A_335 : i32 to vector<16xi32>
    %mul3A_337 = arith.muli %sub3A_334, %mul3A_336 : vector<16xi32>
    %add3A_338 = arith.addi %mul3A_337, %and3A_320 : vector<16xi32>
    %lt3A_339 = arith.cmpi slt, %add3A_338, %gather3A_331 : vector<16xi32>
    %add3A_340 = arith.addi %gather3A_332, %add3A_338 : vector<16xi32>
    %min3A_341 = arith.constant 2047 : i32
    %min3A_342 = vector.broadcast %min3A_341 : i32 to vector<16xi32>
    %min3A_343 = arith.minsi %add3A_340, %min3A_342 : vector<16xi32>
    %gather3A_344 = tpu.vector_load_idx %arg10[%min3A_343] : memref<2048xi32, #tpu.memory_space<vmem>>[vector<16xi32>], vector<16xi32>,
    %mul3A_345 = arith.constant 2048 : i32
    %mul3A_346 = vector.broadcast %mul3A_345 : i32 to vector<16xi32>
    %mul3A_347 = arith.muli %and3A_326, %mul3A_346 : vector<16xi32>
    %add3A_348 = arith.addi %gather3A_344, %mul3A_347 : vector<16xi32>
    %swap3A_349 = arith.constant 3 : i32
    %swap3A_350 = arith.index_cast %swap3A_349 : i32 to index
    %swap3A_351 = arith.constant 16 : index
    %swap3A_352 = tpu.vector_load %arg16[%swap3A_350, %swap3A_351] {strides = array<i32>} : memref<6x32xi32, #tpu.memory_space<vmem>>, vector<16xi32>,
    tpu.vector_store %arg16[%swap3A_350, %swap3A_351], %add3A_348 {strides = array<i32>} : memref<6x32xi32, #tpu.memory_space<vmem>>, vector<16xi32>,
    %add3A_353 = arith.constant 128 : i32
    %add3A_354 = arith.addi %add3A, %add3A_353 : i32
    %mul3A_355 = arith.constant 32 : i32
    %mul3A_356 = arith.muli %add3A_354, %mul3A_355 : i32
    %add3A_357 = arith.constant 0 : i32
    %add3A_358 = arith.addi %mul3A_356, %add3A_357 : i32
    %iota3A_359 = tpu.iota {dimensions = array<i32: 0>} : vector<16xi32>
    %add3A_360 = vector.broadcast %add3A_358 : i32 to vector<16xi32>
    %add3A_361 = arith.addi %add3A_360, %iota3A_359 : vector<16xi32>
    %and3A_362 = arith.constant 127 : i32
    %and3A_363 = vector.broadcast %and3A_362 : i32 to vector<16xi32>
    %and3A_364 = arith.andi %add3A_361, %and3A_363 : vector<16xi32>
    %shift_right_arithmetic3A_365 = arith.constant 7 : i32
    %shift_right_arithmetic3A_366 = vector.broadcast %shift_right_arithmetic3A_365 : i32 to vector<16xi32>
    %shift_right_arithmetic3A_367 = arith.shrsi %add3A_361, %shift_right_arithmetic3A_366 : vector<16xi32>
    %and3A_368 = arith.constant 1 : i32
    %and3A_369 = vector.broadcast %and3A_368 : i32 to vector<16xi32>
    %and3A_370 = arith.andi %shift_right_arithmetic3A_367, %and3A_369 : vector<16xi32>
    %shift_right_arithmetic3A_371 = arith.constant 8 : i32
    %shift_right_arithmetic3A_372 = vector.broadcast %shift_right_arithmetic3A_371 : i32 to vector<16xi32>
    %shift_right_arithmetic3A_373 = arith.shrsi %add3A_361, %shift_right_arithmetic3A_372 : vector<16xi32>
    %gather3A_374 = tpu.vector_load_idx %arg11[%shift_right_arithmetic3A_373] : memref<32xi32, #tpu.memory_space<vmem>>[vector<16xi32>], vector<16xi32>,
    %gather3A_375 = tpu.vector_load_idx %arg12[%gather3A_374] : memref<16xi32, #tpu.memory_space<vmem>>[vector<16xi32>], vector<16xi32>,
    %gather3A_376 = tpu.vector_load_idx %arg13[%gather3A_374] : memref<16xi32, #tpu.memory_space<vmem>>[vector<16xi32>], vector<16xi32>,
    %gather3A_377 = tpu.vector_load_idx %arg14[%gather3A_374] : memref<16xi32, #tpu.memory_space<vmem>>[vector<16xi32>], vector<16xi32>,
    %sub3A_378 = arith.subi %shift_right_arithmetic3A_373, %gather3A_377 : vector<16xi32>
    %mul3A_379 = arith.constant 128 : i32
    %mul3A_380 = vector.broadcast %mul3A_379 : i32 to vector<16xi32>
    %mul3A_381 = arith.muli %sub3A_378, %mul3A_380 : vector<16xi32>
    %add3A_382 = arith.addi %mul3A_381, %and3A_364 : vector<16xi32>
    %lt3A_383 = arith.cmpi slt, %add3A_382, %gather3A_375 : vector<16xi32>
    %add3A_384 = arith.addi %gather3A_376, %add3A_382 : vector<16xi32>
    %min3A_385 = arith.constant 2047 : i32
    %min3A_386 = vector.broadcast %min3A_385 : i32 to vector<16xi32>
    %min3A_387 = arith.minsi %add3A_384, %min3A_386 : vector<16xi32>
    %gather3A_388 = tpu.vector_load_idx %arg10[%min3A_387] : memref<2048xi32, #tpu.memory_space<vmem>>[vector<16xi32>], vector<16xi32>,
    %mul3A_389 = arith.constant 2048 : i32
    %mul3A_390 = vector.broadcast %mul3A_389 : i32 to vector<16xi32>
    %mul3A_391 = arith.muli %and3A_370, %mul3A_390 : vector<16xi32>
    %add3A_392 = arith.addi %gather3A_388, %mul3A_391 : vector<16xi32>
    %swap3A_393 = arith.constant 4 : i32
    %swap3A_394 = arith.index_cast %swap3A_393 : i32 to index
    %swap3A_395 = arith.constant 0 : index
    %swap3A_396 = tpu.vector_load %arg16[%swap3A_394, %swap3A_395] {strides = array<i32>} : memref<6x32xi32, #tpu.memory_space<vmem>>, vector<16xi32>,
    tpu.vector_store %arg16[%swap3A_394, %swap3A_395], %add3A_392 {strides = array<i32>} : memref<6x32xi32, #tpu.memory_space<vmem>>, vector<16xi32>,
    %add3A_397 = arith.constant 128 : i32
    %add3A_398 = arith.addi %add3A, %add3A_397 : i32
    %mul3A_399 = arith.constant 32 : i32
    %mul3A_400 = arith.muli %add3A_398, %mul3A_399 : i32
    %add3A_401 = arith.constant 16 : i32
    %add3A_402 = arith.addi %mul3A_400, %add3A_401 : i32
    %iota3A_403 = tpu.iota {dimensions = array<i32: 0>} : vector<16xi32>
    %add3A_404 = vector.broadcast %add3A_402 : i32 to vector<16xi32>
    %add3A_405 = arith.addi %add3A_404, %iota3A_403 : vector<16xi32>
    %and3A_406 = arith.constant 127 : i32
    %and3A_407 = vector.broadcast %and3A_406 : i32 to vector<16xi32>
    %and3A_408 = arith.andi %add3A_405, %and3A_407 : vector<16xi32>
    %shift_right_arithmetic3A_409 = arith.constant 7 : i32
    %shift_right_arithmetic3A_410 = vector.broadcast %shift_right_arithmetic3A_409 : i32 to vector<16xi32>
    %shift_right_arithmetic3A_411 = arith.shrsi %add3A_405, %shift_right_arithmetic3A_410 : vector<16xi32>
    %and3A_412 = arith.constant 1 : i32
    %and3A_413 = vector.broadcast %and3A_412 : i32 to vector<16xi32>
    %and3A_414 = arith.andi %shift_right_arithmetic3A_411, %and3A_413 : vector<16xi32>
    %shift_right_arithmetic3A_415 = arith.constant 8 : i32
    %shift_right_arithmetic3A_416 = vector.broadcast %shift_right_arithmetic3A_415 : i32 to vector<16xi32>
    %shift_right_arithmetic3A_417 = arith.shrsi %add3A_405, %shift_right_arithmetic3A_416 : vector<16xi32>
    %gather3A_418 = tpu.vector_load_idx %arg11[%shift_right_arithmetic3A_417] : memref<32xi32, #tpu.memory_space<vmem>>[vector<16xi32>], vector<16xi32>,
    %gather3A_419 = tpu.vector_load_idx %arg12[%gather3A_418] : memref<16xi32, #tpu.memory_space<vmem>>[vector<16xi32>], vector<16xi32>,
    %gather3A_420 = tpu.vector_load_idx %arg13[%gather3A_418] : memref<16xi32, #tpu.memory_space<vmem>>[vector<16xi32>], vector<16xi32>,
    %gather3A_421 = tpu.vector_load_idx %arg14[%gather3A_418] : memref<16xi32, #tpu.memory_space<vmem>>[vector<16xi32>], vector<16xi32>,
    %sub3A_422 = arith.subi %shift_right_arithmetic3A_417, %gather3A_421 : vector<16xi32>
    %mul3A_423 = arith.constant 128 : i32
    %mul3A_424 = vector.broadcast %mul3A_423 : i32 to vector<16xi32>
    %mul3A_425 = arith.muli %sub3A_422, %mul3A_424 : vector<16xi32>
    %add3A_426 = arith.addi %mul3A_425, %and3A_408 : vector<16xi32>
    %lt3A_427 = arith.cmpi slt, %add3A_426, %gather3A_419 : vector<16xi32>
    %add3A_428 = arith.addi %gather3A_420, %add3A_426 : vector<16xi32>
    %min3A_429 = arith.constant 2047 : i32
    %min3A_430 = vector.broadcast %min3A_429 : i32 to vector<16xi32>
    %min3A_431 = arith.minsi %add3A_428, %min3A_430 : vector<16xi32>
    %gather3A_432 = tpu.vector_load_idx %arg10[%min3A_431] : memref<2048xi32, #tpu.memory_space<vmem>>[vector<16xi32>], vector<16xi32>,
    %mul3A_433 = arith.constant 2048 : i32
    %mul3A_434 = vector.broadcast %mul3A_433 : i32 to vector<16xi32>
    %mul3A_435 = arith.muli %and3A_414, %mul3A_434 : vector<16xi32>
    %add3A_436 = arith.addi %gather3A_432, %mul3A_435 : vector<16xi32>
    %swap3A_437 = arith.constant 4 : i32
    %swap3A_438 = arith.index_cast %swap3A_437 : i32 to index
    %swap3A_439 = arith.constant 16 : index
    %swap3A_440 = tpu.vector_load %arg16[%swap3A_438, %swap3A_439] {strides = array<i32>} : memref<6x32xi32, #tpu.memory_space<vmem>>, vector<16xi32>,
    tpu.vector_store %arg16[%swap3A_438, %swap3A_439], %add3A_436 {strides = array<i32>} : memref<6x32xi32, #tpu.memory_space<vmem>>, vector<16xi32>,
    %add3A_441 = arith.constant 160 : i32
    %add3A_442 = arith.addi %add3A, %add3A_441 : i32
    %mul3A_443 = arith.constant 32 : i32
    %mul3A_444 = arith.muli %add3A_442, %mul3A_443 : i32
    %add3A_445 = arith.constant 0 : i32
    %add3A_446 = arith.addi %mul3A_444, %add3A_445 : i32
    %iota3A_447 = tpu.iota {dimensions = array<i32: 0>} : vector<16xi32>
    %add3A_448 = vector.broadcast %add3A_446 : i32 to vector<16xi32>
    %add3A_449 = arith.addi %add3A_448, %iota3A_447 : vector<16xi32>
    %and3A_450 = arith.constant 127 : i32
    %and3A_451 = vector.broadcast %and3A_450 : i32 to vector<16xi32>
    %and3A_452 = arith.andi %add3A_449, %and3A_451 : vector<16xi32>
    %shift_right_arithmetic3A_453 = arith.constant 7 : i32
    %shift_right_arithmetic3A_454 = vector.broadcast %shift_right_arithmetic3A_453 : i32 to vector<16xi32>
    %shift_right_arithmetic3A_455 = arith.shrsi %add3A_449, %shift_right_arithmetic3A_454 : vector<16xi32>
    %and3A_456 = arith.constant 1 : i32
    %and3A_457 = vector.broadcast %and3A_456 : i32 to vector<16xi32>
    %and3A_458 = arith.andi %shift_right_arithmetic3A_455, %and3A_457 : vector<16xi32>
    %shift_right_arithmetic3A_459 = arith.constant 8 : i32
    %shift_right_arithmetic3A_460 = vector.broadcast %shift_right_arithmetic3A_459 : i32 to vector<16xi32>
    %shift_right_arithmetic3A_461 = arith.shrsi %add3A_449, %shift_right_arithmetic3A_460 : vector<16xi32>
    %gather3A_462 = tpu.vector_load_idx %arg11[%shift_right_arithmetic3A_461] : memref<32xi32, #tpu.memory_space<vmem>>[vector<16xi32>], vector<16xi32>,
    %gather3A_463 = tpu.vector_load_idx %arg12[%gather3A_462] : memref<16xi32, #tpu.memory_space<vmem>>[vector<16xi32>], vector<16xi32>,
    %gather3A_464 = tpu.vector_load_idx %arg13[%gather3A_462] : memref<16xi32, #tpu.memory_space<vmem>>[vector<16xi32>], vector<16xi32>,
    %gather3A_465 = tpu.vector_load_idx %arg14[%gather3A_462] : memref<16xi32, #tpu.memory_space<vmem>>[vector<16xi32>], vector<16xi32>,
    %sub3A_466 = arith.subi %shift_right_arithmetic3A_461, %gather3A_465 : vector<16xi32>
    %mul3A_467 = arith.constant 128 : i32
    %mul3A_468 = vector.broadcast %mul3A_467 : i32 to vector<16xi32>
    %mul3A_469 = arith.muli %sub3A_466, %mul3A_468 : vector<16xi32>
    %add3A_470 = arith.addi %mul3A_469, %and3A_452 : vector<16xi32>
    %lt3A_471 = arith.cmpi slt, %add3A_470, %gather3A_463 : vector<16xi32>
    %add3A_472 = arith.addi %gather3A_464, %add3A_470 : vector<16xi32>
    %min3A_473 = arith.constant 2047 : i32
    %min3A_474 = vector.broadcast %min3A_473 : i32 to vector<16xi32>
    %min3A_475 = arith.minsi %add3A_472, %min3A_474 : vector<16xi32>
    %gather3A_476 = tpu.vector_load_idx %arg10[%min3A_475] : memref<2048xi32, #tpu.memory_space<vmem>>[vector<16xi32>], vector<16xi32>,
    %mul3A_477 = arith.constant 2048 : i32
    %mul3A_478 = vector.broadcast %mul3A_477 : i32 to vector<16xi32>
    %mul3A_479 = arith.muli %and3A_458, %mul3A_478 : vector<16xi32>
    %add3A_480 = arith.addi %gather3A_476, %mul3A_479 : vector<16xi32>
    %swap3A_481 = arith.constant 5 : i32
    %swap3A_482 = arith.index_cast %swap3A_481 : i32 to index
    %swap3A_483 = arith.constant 0 : index
    %swap3A_484 = tpu.vector_load %arg16[%swap3A_482, %swap3A_483] {strides = array<i32>} : memref<6x32xi32, #tpu.memory_space<vmem>>, vector<16xi32>,
    tpu.vector_store %arg16[%swap3A_482, %swap3A_483], %add3A_480 {strides = array<i32>} : memref<6x32xi32, #tpu.memory_space<vmem>>, vector<16xi32>,
    %add3A_485 = arith.constant 160 : i32
    %add3A_486 = arith.addi %add3A, %add3A_485 : i32
    %mul3A_487 = arith.constant 32 : i32
    %mul3A_488 = arith.muli %add3A_486, %mul3A_487 : i32
    %add3A_489 = arith.constant 16 : i32
    %add3A_490 = arith.addi %mul3A_488, %add3A_489 : i32
    %iota3A_491 = tpu.iota {dimensions = array<i32: 0>} : vector<16xi32>
    %add3A_492 = vector.broadcast %add3A_490 : i32 to vector<16xi32>
    %add3A_493 = arith.addi %add3A_492, %iota3A_491 : vector<16xi32>
    %and3A_494 = arith.constant 127 : i32
    %and3A_495 = vector.broadcast %and3A_494 : i32 to vector<16xi32>
    %and3A_496 = arith.andi %add3A_493, %and3A_495 : vector<16xi32>
    %shift_right_arithmetic3A_497 = arith.constant 7 : i32
    %shift_right_arithmetic3A_498 = vector.broadcast %shift_right_arithmetic3A_497 : i32 to vector<16xi32>
    %shift_right_arithmetic3A_499 = arith.shrsi %add3A_493, %shift_right_arithmetic3A_498 : vector<16xi32>
    %and3A_500 = arith.constant 1 : i32
    %and3A_501 = vector.broadcast %and3A_500 : i32 to vector<16xi32>
    %and3A_502 = arith.andi %shift_right_arithmetic3A_499, %and3A_501 : vector<16xi32>
    %shift_right_arithmetic3A_503 = arith.constant 8 : i32
    %shift_right_arithmetic3A_504 = vector.broadcast %shift_right_arithmetic3A_503 : i32 to vector<16xi32>
    %shift_right_arithmetic3A_505 = arith.shrsi %add3A_493, %shift_right_arithmetic3A_504 : vector<16xi32>
    %gather3A_506 = tpu.vector_load_idx %arg11[%shift_right_arithmetic3A_505] : memref<32xi32, #tpu.memory_space<vmem>>[vector<16xi32>], vector<16xi32>,
    %gather3A_507 = tpu.vector_load_idx %arg12[%gather3A_506] : memref<16xi32, #tpu.memory_space<vmem>>[vector<16xi32>], vector<16xi32>,
    %gather3A_508 = tpu.vector_load_idx %arg13[%gather3A_506] : memref<16xi32, #tpu.memory_space<vmem>>[vector<16xi32>], vector<16xi32>,
    %gather3A_509 = tpu.vector_load_idx %arg14[%gather3A_506] : memref<16xi32, #tpu.memory_space<vmem>>[vector<16xi32>], vector<16xi32>,
    %sub3A_510 = arith.subi %shift_right_arithmetic3A_505, %gather3A_509 : vector<16xi32>
    %mul3A_511 = arith.constant 128 : i32
    %mul3A_512 = vector.broadcast %mul3A_511 : i32 to vector<16xi32>
    %mul3A_513 = arith.muli %sub3A_510, %mul3A_512 : vector<16xi32>
    %add3A_514 = arith.addi %mul3A_513, %and3A_496 : vector<16xi32>
    %lt3A_515 = arith.cmpi slt, %add3A_514, %gather3A_507 : vector<16xi32>
    %add3A_516 = arith.addi %gather3A_508, %add3A_514 : vector<16xi32>
    %min3A_517 = arith.constant 2047 : i32
    %min3A_518 = vector.broadcast %min3A_517 : i32 to vector<16xi32>
    %min3A_519 = arith.minsi %add3A_516, %min3A_518 : vector<16xi32>
    %gather3A_520 = tpu.vector_load_idx %arg10[%min3A_519] : memref<2048xi32, #tpu.memory_space<vmem>>[vector<16xi32>], vector<16xi32>,
    %mul3A_521 = arith.constant 2048 : i32
    %mul3A_522 = vector.broadcast %mul3A_521 : i32 to vector<16xi32>
    %mul3A_523 = arith.muli %and3A_502, %mul3A_522 : vector<16xi32>
    %add3A_524 = arith.addi %gather3A_520, %mul3A_523 : vector<16xi32>
    %swap3A_525 = arith.constant 5 : i32
    %swap3A_526 = arith.index_cast %swap3A_525 : i32 to index
    %swap3A_527 = arith.constant 16 : index
    %swap3A_528 = tpu.vector_load %arg16[%swap3A_526, %swap3A_527] {strides = array<i32>} : memref<6x32xi32, #tpu.memory_space<vmem>>, vector<16xi32>,
    tpu.vector_store %arg16[%swap3A_526, %swap3A_527], %add3A_524 {strides = array<i32>} : memref<6x32xi32, #tpu.memory_space<vmem>>, vector<16xi32>,
    %add3A_529 = arith.constant 0 : i32
    %add3A_530 = arith.addi %add3A, %add3A_529 : i32
    %lt3A_531 = arith.cmpi slt, %add3A_530, %reduce_max3A_8 : i32
    %convert_element_type3A = arith.extui %lt3A_531 : i1 to i32
    %cond3A = arith.constant 0 : i32
    %cond3A_532 = arith.cmpi ne, %convert_element_type3A, %cond3A : i32
    scf.if %cond3A_532 {
      %dma_start3A = arith.constant 0 : i32
      %dma_start3A_629 = arith.constant 0 : i32
      %dma_start3A_630 = arith.constant 0 : i32
      %dma_start3A_631 = arith.constant 0 : i32
      %dma_start3A_632 = tpu.memref_slice %arg17[%dma_start3A_629, %dma_start3A_630, %dma_start3A_631] : memref<3x32x1024xf32, #tpu.memory_space<vmem>> -> memref<1x32x1024xf32, #tpu.memory_space<vmem>>
      %dma_start3A_633 = tpu.memref_squeeze %dma_start3A_632 : memref<1x32x1024xf32, #tpu.memory_space<vmem>> -> memref<32x1024xf32, #tpu.memory_space<vmem>>
      %dma_start3A_634 = arith.constant 0 : i32
      %dma_start3A_635 = tpu.memref_slice %arg16[%dma_start3A, %dma_start3A_634] : memref<6x32xi32, #tpu.memory_space<vmem>> -> memref<1x32xi32, #tpu.memory_space<vmem>>
      %dma_start3A_636 = tpu.memref_squeeze %dma_start3A_635 : memref<1x32xi32, #tpu.memory_space<vmem>> -> memref<32xi32, #tpu.memory_space<vmem>>
      %dma_start3A_637 = arith.constant 0 : i32
      %dma_start3A_638 = arith.constant 0 : i32
      %dma_start3A_639 = tpu.memref_slice %arg2[%dma_start3A_637, %dma_start3A_638] : memref<4096x1024xf32, #tpu.memory_space<hbm>> -> memref<4096x1024xf32, #tpu.memory_space<hbm>>
      tpu.enqueue_indirect_dma source(%dma_start3A_639 : memref<4096x1024xf32, #tpu.memory_space<hbm>>) target(%dma_start3A_633 : memref<32x1024xf32, #tpu.memory_space<vmem>>) offsets(%dma_start3A_636 : memref<32xi32, #tpu.memory_space<vmem>>) semaphore(%arg18 : memref<!tpu.dma_semaphore, #tpu.memory_space<semaphore_mem>>)
    } else {
    }
    %add3A_533 = arith.constant 32 : i32
    %add3A_534 = arith.addi %add3A, %add3A_533 : i32
    %lt3A_535 = arith.cmpi slt, %add3A_534, %reduce_max3A_8 : i32
    %convert_element_type3A_536 = arith.extui %lt3A_535 : i1 to i32
    %cond3A_537 = arith.constant 0 : i32
    %cond3A_538 = arith.cmpi ne, %convert_element_type3A_536, %cond3A_537 : i32
    scf.if %cond3A_538 {
      %dma_start3A = arith.constant 1 : i32
      %dma_start3A_629 = arith.constant 1 : i32
      %dma_start3A_630 = arith.constant 0 : i32
      %dma_start3A_631 = arith.constant 0 : i32
      %dma_start3A_632 = tpu.memref_slice %arg17[%dma_start3A_629, %dma_start3A_630, %dma_start3A_631] : memref<3x32x1024xf32, #tpu.memory_space<vmem>> -> memref<1x32x1024xf32, #tpu.memory_space<vmem>>
      %dma_start3A_633 = tpu.memref_squeeze %dma_start3A_632 : memref<1x32x1024xf32, #tpu.memory_space<vmem>> -> memref<32x1024xf32, #tpu.memory_space<vmem>>
      %dma_start3A_634 = arith.constant 0 : i32
      %dma_start3A_635 = tpu.memref_slice %arg16[%dma_start3A, %dma_start3A_634] : memref<6x32xi32, #tpu.memory_space<vmem>> -> memref<1x32xi32, #tpu.memory_space<vmem>>
      %dma_start3A_636 = tpu.memref_squeeze %dma_start3A_635 : memref<1x32xi32, #tpu.memory_space<vmem>> -> memref<32xi32, #tpu.memory_space<vmem>>
      %dma_start3A_637 = arith.constant 0 : i32
      %dma_start3A_638 = arith.constant 0 : i32
      %dma_start3A_639 = tpu.memref_slice %arg2[%dma_start3A_637, %dma_start3A_638] : memref<4096x1024xf32, #tpu.memory_space<hbm>> -> memref<4096x1024xf32, #tpu.memory_space<hbm>>
      tpu.enqueue_indirect_dma source(%dma_start3A_639 : memref<4096x1024xf32, #tpu.memory_space<hbm>>) target(%dma_start3A_633 : memref<32x1024xf32, #tpu.memory_space<vmem>>) offsets(%dma_start3A_636 : memref<32xi32, #tpu.memory_space<vmem>>) semaphore(%arg18 : memref<!tpu.dma_semaphore, #tpu.memory_space<semaphore_mem>>)
    } else {
    }
    %add3A_539 = arith.constant 0 : i32
    %add3A_540 = arith.addi %add3A, %add3A_539 : i32
    %lt3A_541 = arith.cmpi slt, %add3A_540, %reduce_max3A_8 : i32
    %convert_element_type3A_542 = arith.extui %lt3A_541 : i1 to i32
    %cond3A_543 = arith.constant 0 : i32
    %cond3A_544 = arith.cmpi ne, %convert_element_type3A_542, %cond3A_543 : i32
    scf.if %cond3A_544 {
      %dma_wait3A = arith.constant 0 : i32
      %dma_wait3A_629 = arith.constant 0 : i32
      %dma_wait3A_630 = arith.constant 0 : i32
      %dma_wait3A_631 = arith.constant 0 : i32
      %dma_wait3A_632 = tpu.memref_slice %arg17[%dma_wait3A_629, %dma_wait3A_630, %dma_wait3A_631] : memref<3x32x1024xf32, #tpu.memory_space<vmem>> -> memref<1x32x1024xf32, #tpu.memory_space<vmem>>
      %dma_wait3A_633 = tpu.memref_squeeze %dma_wait3A_632 : memref<1x32x1024xf32, #tpu.memory_space<vmem>> -> memref<32x1024xf32, #tpu.memory_space<vmem>>
      %dma_wait3A_634 = arith.constant 0 : i32
      %dma_wait3A_635 = tpu.memref_slice %arg16[%dma_wait3A, %dma_wait3A_634] : memref<6x32xi32, #tpu.memory_space<vmem>> -> memref<1x32xi32, #tpu.memory_space<vmem>>
      %dma_wait3A_636 = tpu.memref_squeeze %dma_wait3A_635 : memref<1x32xi32, #tpu.memory_space<vmem>> -> memref<32xi32, #tpu.memory_space<vmem>>
      %dma_wait3A_637 = arith.constant 0 : i32
      %dma_wait3A_638 = arith.constant 0 : i32
      %dma_wait3A_639 = tpu.memref_slice %arg2[%dma_wait3A_637, %dma_wait3A_638] : memref<4096x1024xf32, #tpu.memory_space<hbm>> -> memref<4096x1024xf32, #tpu.memory_space<hbm>>
      tpu.wait_indirect_dma semaphore(%arg18 : memref<!tpu.dma_semaphore, #tpu.memory_space<semaphore_mem>>) src(%dma_wait3A_639 : memref<4096x1024xf32, #tpu.memory_space<hbm>>) dst(%dma_wait3A_633 : memref<32x1024xf32, #tpu.memory_space<vmem>>)
      %add3A_640 = arith.constant 0 : i32
      %add3A_641 = arith.addi %add3A, %add3A_640 : i32
      %mul3A_642 = arith.constant 32 : i32
      %mul3A_643 = arith.muli %add3A_641, %mul3A_642 : i32
      %dma_start3A = arith.constant 0 : i32
      %dma_start3A_644 = arith.constant 0 : i32
      %dma_start3A_645 = arith.constant 0 : i32
      %dma_start3A_646 = tpu.memref_slice %arg17[%dma_start3A, %dma_start3A_644, %dma_start3A_645] : memref<3x32x1024xf32, #tpu.memory_space<vmem>> -> memref<1x32x1024xf32, #tpu.memory_space<vmem>>
      %dma_start3A_647 = tpu.memref_squeeze %dma_start3A_646 : memref<1x32x1024xf32, #tpu.memory_space<vmem>> -> memref<32x1024xf32, #tpu.memory_space<vmem>>
      %dma_start3A_648 = arith.constant 0 : i32
      %dma_start3A_649 = tpu.memref_slice %arg9[%mul3A_643, %dma_start3A_648] : memref<6144x1024xf32, #tpu.memory_space<hbm>> -> memref<32x1024xf32, #tpu.memory_space<hbm>>
      %dma_start3A_650 = arith.constant 0 : i32
      %dma_start3A_651 = tpu.memref_slice %arg9[%mul3A_643, %dma_start3A_650] : memref<6144x1024xf32, #tpu.memory_space<hbm>> -> memref<32x1024xf32, #tpu.memory_space<hbm>>
      %dma_start3A_652 = arith.constant 0 : i32
      %dma_start3A_653 = arith.constant 0 : i32
      %dma_start3A_654 = tpu.memref_slice %arg17[%dma_start3A, %dma_start3A_652, %dma_start3A_653] : memref<3x32x1024xf32, #tpu.memory_space<vmem>> -> memref<1x32x1024xf32, #tpu.memory_space<vmem>>
      %dma_start3A_655 = tpu.memref_squeeze %dma_start3A_654 : memref<1x32x1024xf32, #tpu.memory_space<vmem>> -> memref<32x1024xf32, #tpu.memory_space<vmem>>
      tpu.enqueue_dma source(%dma_start3A_655 : memref<32x1024xf32, #tpu.memory_space<vmem>>) target(%dma_start3A_651 : memref<32x1024xf32, #tpu.memory_space<hbm>>) target_semaphore(%arg19 : memref<!tpu.dma_semaphore, #tpu.memory_space<semaphore_mem>>)
    } else {
    }
    %add3A_545 = arith.constant 64 : i32
    %add3A_546 = arith.addi %add3A, %add3A_545 : i32
    %lt3A_547 = arith.cmpi slt, %add3A_546, %reduce_max3A_8 : i32
    %convert_element_type3A_548 = arith.extui %lt3A_547 : i1 to i32
    %cond3A_549 = arith.constant 0 : i32
    %cond3A_550 = arith.cmpi ne, %convert_element_type3A_548, %cond3A_549 : i32
    scf.if %cond3A_550 {
      %dma_start3A = arith.constant 2 : i32
      %dma_start3A_629 = arith.constant 2 : i32
      %dma_start3A_630 = arith.constant 0 : i32
      %dma_start3A_631 = arith.constant 0 : i32
      %dma_start3A_632 = tpu.memref_slice %arg17[%dma_start3A_629, %dma_start3A_630, %dma_start3A_631] : memref<3x32x1024xf32, #tpu.memory_space<vmem>> -> memref<1x32x1024xf32, #tpu.memory_space<vmem>>
      %dma_start3A_633 = tpu.memref_squeeze %dma_start3A_632 : memref<1x32x1024xf32, #tpu.memory_space<vmem>> -> memref<32x1024xf32, #tpu.memory_space<vmem>>
      %dma_start3A_634 = arith.constant 0 : i32
      %dma_start3A_635 = tpu.memref_slice %arg16[%dma_start3A, %dma_start3A_634] : memref<6x32xi32, #tpu.memory_space<vmem>> -> memref<1x32xi32, #tpu.memory_space<vmem>>
      %dma_start3A_636 = tpu.memref_squeeze %dma_start3A_635 : memref<1x32xi32, #tpu.memory_space<vmem>> -> memref<32xi32, #tpu.memory_space<vmem>>
      %dma_start3A_637 = arith.constant 0 : i32
      %dma_start3A_638 = arith.constant 0 : i32
      %dma_start3A_639 = tpu.memref_slice %arg2[%dma_start3A_637, %dma_start3A_638] : memref<4096x1024xf32, #tpu.memory_space<hbm>> -> memref<4096x1024xf32, #tpu.memory_space<hbm>>
      tpu.enqueue_indirect_dma source(%dma_start3A_639 : memref<4096x1024xf32, #tpu.memory_space<hbm>>) target(%dma_start3A_633 : memref<32x1024xf32, #tpu.memory_space<vmem>>) offsets(%dma_start3A_636 : memref<32xi32, #tpu.memory_space<vmem>>) semaphore(%arg18 : memref<!tpu.dma_semaphore, #tpu.memory_space<semaphore_mem>>)
    } else {
    }
    %add3A_551 = arith.constant 32 : i32
    %add3A_552 = arith.addi %add3A, %add3A_551 : i32
    %lt3A_553 = arith.cmpi slt, %add3A_552, %reduce_max3A_8 : i32
    %convert_element_type3A_554 = arith.extui %lt3A_553 : i1 to i32
    %cond3A_555 = arith.constant 0 : i32
    %cond3A_556 = arith.cmpi ne, %convert_element_type3A_554, %cond3A_555 : i32
    scf.if %cond3A_556 {
      %dma_wait3A = arith.constant 1 : i32
      %dma_wait3A_629 = arith.constant 1 : i32
      %dma_wait3A_630 = arith.constant 0 : i32
      %dma_wait3A_631 = arith.constant 0 : i32
      %dma_wait3A_632 = tpu.memref_slice %arg17[%dma_wait3A_629, %dma_wait3A_630, %dma_wait3A_631] : memref<3x32x1024xf32, #tpu.memory_space<vmem>> -> memref<1x32x1024xf32, #tpu.memory_space<vmem>>
      %dma_wait3A_633 = tpu.memref_squeeze %dma_wait3A_632 : memref<1x32x1024xf32, #tpu.memory_space<vmem>> -> memref<32x1024xf32, #tpu.memory_space<vmem>>
      %dma_wait3A_634 = arith.constant 0 : i32
      %dma_wait3A_635 = tpu.memref_slice %arg16[%dma_wait3A, %dma_wait3A_634] : memref<6x32xi32, #tpu.memory_space<vmem>> -> memref<1x32xi32, #tpu.memory_space<vmem>>
      %dma_wait3A_636 = tpu.memref_squeeze %dma_wait3A_635 : memref<1x32xi32, #tpu.memory_space<vmem>> -> memref<32xi32, #tpu.memory_space<vmem>>
      %dma_wait3A_637 = arith.constant 0 : i32
      %dma_wait3A_638 = arith.constant 0 : i32
      %dma_wait3A_639 = tpu.memref_slice %arg2[%dma_wait3A_637, %dma_wait3A_638] : memref<4096x1024xf32, #tpu.memory_space<hbm>> -> memref<4096x1024xf32, #tpu.memory_space<hbm>>
      tpu.wait_indirect_dma semaphore(%arg18 : memref<!tpu.dma_semaphore, #tpu.memory_space<semaphore_mem>>) src(%dma_wait3A_639 : memref<4096x1024xf32, #tpu.memory_space<hbm>>) dst(%dma_wait3A_633 : memref<32x1024xf32, #tpu.memory_space<vmem>>)
      %add3A_640 = arith.constant 32 : i32
      %add3A_641 = arith.addi %add3A, %add3A_640 : i32
      %mul3A_642 = arith.constant 32 : i32
      %mul3A_643 = arith.muli %add3A_641, %mul3A_642 : i32
      %dma_start3A = arith.constant 1 : i32
      %dma_start3A_644 = arith.constant 0 : i32
      %dma_start3A_645 = arith.constant 0 : i32
      %dma_start3A_646 = tpu.memref_slice %arg17[%dma_start3A, %dma_start3A_644, %dma_start3A_645] : memref<3x32x1024xf32, #tpu.memory_space<vmem>> -> memref<1x32x1024xf32, #tpu.memory_space<vmem>>
      %dma_start3A_647 = tpu.memref_squeeze %dma_start3A_646 : memref<1x32x1024xf32, #tpu.memory_space<vmem>> -> memref<32x1024xf32, #tpu.memory_space<vmem>>
      %dma_start3A_648 = arith.constant 0 : i32
      %dma_start3A_649 = tpu.memref_slice %arg9[%mul3A_643, %dma_start3A_648] : memref<6144x1024xf32, #tpu.memory_space<hbm>> -> memref<32x1024xf32, #tpu.memory_space<hbm>>
      %dma_start3A_650 = arith.constant 0 : i32
      %dma_start3A_651 = tpu.memref_slice %arg9[%mul3A_643, %dma_start3A_650] : memref<6144x1024xf32, #tpu.memory_space<hbm>> -> memref<32x1024xf32, #tpu.memory_space<hbm>>
      %dma_start3A_652 = arith.constant 0 : i32
      %dma_start3A_653 = arith.constant 0 : i32
      %dma_start3A_654 = tpu.memref_slice %arg17[%dma_start3A, %dma_start3A_652, %dma_start3A_653] : memref<3x32x1024xf32, #tpu.memory_space<vmem>> -> memref<1x32x1024xf32, #tpu.memory_space<vmem>>
      %dma_start3A_655 = tpu.memref_squeeze %dma_start3A_654 : memref<1x32x1024xf32, #tpu.memory_space<vmem>> -> memref<32x1024xf32, #tpu.memory_space<vmem>>
      tpu.enqueue_dma source(%dma_start3A_655 : memref<32x1024xf32, #tpu.memory_space<vmem>>) target(%dma_start3A_651 : memref<32x1024xf32, #tpu.memory_space<hbm>>) target_semaphore(%arg19 : memref<!tpu.dma_semaphore, #tpu.memory_space<semaphore_mem>>)
    } else {
    }
    %add3A_557 = arith.constant 0 : i32
    %add3A_558 = arith.addi %add3A, %add3A_557 : i32
    %lt3A_559 = arith.cmpi slt, %add3A_558, %reduce_max3A_8 : i32
    %convert_element_type3A_560 = arith.extui %lt3A_559 : i1 to i32
    %cond3A_561 = arith.constant 0 : i32
    %cond3A_562 = arith.cmpi ne, %convert_element_type3A_560, %cond3A_561 : i32
    scf.if %cond3A_562 {
      %add3A_629 = arith.constant 0 : i32
      %add3A_630 = arith.addi %add3A, %add3A_629 : i32
      %mul3A_631 = arith.constant 32 : i32
      %mul3A_632 = arith.muli %add3A_630, %mul3A_631 : i32
      %dma_wait3A = arith.constant 0 : i32
      %dma_wait3A_633 = arith.constant 0 : i32
      %dma_wait3A_634 = arith.constant 0 : i32
      %dma_wait3A_635 = tpu.memref_slice %arg17[%dma_wait3A, %dma_wait3A_633, %dma_wait3A_634] : memref<3x32x1024xf32, #tpu.memory_space<vmem>> -> memref<1x32x1024xf32, #tpu.memory_space<vmem>>
      %dma_wait3A_636 = tpu.memref_squeeze %dma_wait3A_635 : memref<1x32x1024xf32, #tpu.memory_space<vmem>> -> memref<32x1024xf32, #tpu.memory_space<vmem>>
      %dma_wait3A_637 = arith.constant 0 : i32
      %dma_wait3A_638 = tpu.memref_slice %arg9[%mul3A_632, %dma_wait3A_637] : memref<6144x1024xf32, #tpu.memory_space<hbm>> -> memref<32x1024xf32, #tpu.memory_space<hbm>>
      %dma_wait3A_639 = arith.constant 0 : i32
      %dma_wait3A_640 = tpu.memref_slice %arg9[%mul3A_632, %dma_wait3A_639] : memref<6144x1024xf32, #tpu.memory_space<hbm>> -> memref<32x1024xf32, #tpu.memory_space<hbm>>
      %dma_wait3A_641 = arith.constant 0 : i32
      %dma_wait3A_642 = arith.constant 0 : i32
      %dma_wait3A_643 = tpu.memref_slice %arg17[%dma_wait3A, %dma_wait3A_641, %dma_wait3A_642] : memref<3x32x1024xf32, #tpu.memory_space<vmem>> -> memref<1x32x1024xf32, #tpu.memory_space<vmem>>
      %dma_wait3A_644 = tpu.memref_squeeze %dma_wait3A_643 : memref<1x32x1024xf32, #tpu.memory_space<vmem>> -> memref<32x1024xf32, #tpu.memory_space<vmem>>
      tpu.wait_dma2 semaphore(%arg19 : memref<!tpu.dma_semaphore, #tpu.memory_space<semaphore_mem>>) src(%dma_wait3A_644 : memref<32x1024xf32, #tpu.memory_space<vmem>>) dst(%dma_wait3A_640 : memref<32x1024xf32, #tpu.memory_space<hbm>>)
    } else {
    }
    %add3A_563 = arith.constant 96 : i32
    %add3A_564 = arith.addi %add3A, %add3A_563 : i32
    %lt3A_565 = arith.cmpi slt, %add3A_564, %reduce_max3A_8 : i32
    %convert_element_type3A_566 = arith.extui %lt3A_565 : i1 to i32
    %cond3A_567 = arith.constant 0 : i32
    %cond3A_568 = arith.cmpi ne, %convert_element_type3A_566, %cond3A_567 : i32
    scf.if %cond3A_568 {
      %dma_start3A = arith.constant 3 : i32
      %dma_start3A_629 = arith.constant 0 : i32
      %dma_start3A_630 = arith.constant 0 : i32
      %dma_start3A_631 = arith.constant 0 : i32
      %dma_start3A_632 = tpu.memref_slice %arg17[%dma_start3A_629, %dma_start3A_630, %dma_start3A_631] : memref<3x32x1024xf32, #tpu.memory_space<vmem>> -> memref<1x32x1024xf32, #tpu.memory_space<vmem>>
      %dma_start3A_633 = tpu.memref_squeeze %dma_start3A_632 : memref<1x32x1024xf32, #tpu.memory_space<vmem>> -> memref<32x1024xf32, #tpu.memory_space<vmem>>
      %dma_start3A_634 = arith.constant 0 : i32
      %dma_start3A_635 = tpu.memref_slice %arg16[%dma_start3A, %dma_start3A_634] : memref<6x32xi32, #tpu.memory_space<vmem>> -> memref<1x32xi32, #tpu.memory_space<vmem>>
      %dma_start3A_636 = tpu.memref_squeeze %dma_start3A_635 : memref<1x32xi32, #tpu.memory_space<vmem>> -> memref<32xi32, #tpu.memory_space<vmem>>
      %dma_start3A_637 = arith.constant 0 : i32
      %dma_start3A_638 = arith.constant 0 : i32
      %dma_start3A_639 = tpu.memref_slice %arg2[%dma_start3A_637, %dma_start3A_638] : memref<4096x1024xf32, #tpu.memory_space<hbm>> -> memref<4096x1024xf32, #tpu.memory_space<hbm>>
      tpu.enqueue_indirect_dma source(%dma_start3A_639 : memref<4096x1024xf32, #tpu.memory_space<hbm>>) target(%dma_start3A_633 : memref<32x1024xf32, #tpu.memory_space<vmem>>) offsets(%dma_start3A_636 : memref<32xi32, #tpu.memory_space<vmem>>) semaphore(%arg18 : memref<!tpu.dma_semaphore, #tpu.memory_space<semaphore_mem>>)
    } else {
    }
    %add3A_569 = arith.constant 64 : i32
    %add3A_570 = arith.addi %add3A, %add3A_569 : i32
    %lt3A_571 = arith.cmpi slt, %add3A_570, %reduce_max3A_8 : i32
    %convert_element_type3A_572 = arith.extui %lt3A_571 : i1 to i32
    %cond3A_573 = arith.constant 0 : i32
    %cond3A_574 = arith.cmpi ne, %convert_element_type3A_572, %cond3A_573 : i32
    scf.if %cond3A_574 {
      %dma_wait3A = arith.constant 2 : i32
      %dma_wait3A_629 = arith.constant 2 : i32
      %dma_wait3A_630 = arith.constant 0 : i32
      %dma_wait3A_631 = arith.constant 0 : i32
      %dma_wait3A_632 = tpu.memref_slice %arg17[%dma_wait3A_629, %dma_wait3A_630, %dma_wait3A_631] : memref<3x32x1024xf32, #tpu.memory_space<vmem>> -> memref<1x32x1024xf32, #tpu.memory_space<vmem>>
      %dma_wait3A_633 = tpu.memref_squeeze %dma_wait3A_632 : memref<1x32x1024xf32, #tpu.memory_space<vmem>> -> memref<32x1024xf32, #tpu.memory_space<vmem>>
      %dma_wait3A_634 = arith.constant 0 : i32
      %dma_wait3A_635 = tpu.memref_slice %arg16[%dma_wait3A, %dma_wait3A_634] : memref<6x32xi32, #tpu.memory_space<vmem>> -> memref<1x32xi32, #tpu.memory_space<vmem>>
      %dma_wait3A_636 = tpu.memref_squeeze %dma_wait3A_635 : memref<1x32xi32, #tpu.memory_space<vmem>> -> memref<32xi32, #tpu.memory_space<vmem>>
      %dma_wait3A_637 = arith.constant 0 : i32
      %dma_wait3A_638 = arith.constant 0 : i32
      %dma_wait3A_639 = tpu.memref_slice %arg2[%dma_wait3A_637, %dma_wait3A_638] : memref<4096x1024xf32, #tpu.memory_space<hbm>> -> memref<4096x1024xf32, #tpu.memory_space<hbm>>
      tpu.wait_indirect_dma semaphore(%arg18 : memref<!tpu.dma_semaphore, #tpu.memory_space<semaphore_mem>>) src(%dma_wait3A_639 : memref<4096x1024xf32, #tpu.memory_space<hbm>>) dst(%dma_wait3A_633 : memref<32x1024xf32, #tpu.memory_space<vmem>>)
      %add3A_640 = arith.constant 64 : i32
      %add3A_641 = arith.addi %add3A, %add3A_640 : i32
      %mul3A_642 = arith.constant 32 : i32
      %mul3A_643 = arith.muli %add3A_641, %mul3A_642 : i32
      %dma_start3A = arith.constant 2 : i32
      %dma_start3A_644 = arith.constant 0 : i32
      %dma_start3A_645 = arith.constant 0 : i32
      %dma_start3A_646 = tpu.memref_slice %arg17[%dma_start3A, %dma_start3A_644, %dma_start3A_645] : memref<3x32x1024xf32, #tpu.memory_space<vmem>> -> memref<1x32x1024xf32, #tpu.memory_space<vmem>>
      %dma_start3A_647 = tpu.memref_squeeze %dma_start3A_646 : memref<1x32x1024xf32, #tpu.memory_space<vmem>> -> memref<32x1024xf32, #tpu.memory_space<vmem>>
      %dma_start3A_648 = arith.constant 0 : i32
      %dma_start3A_649 = tpu.memref_slice %arg9[%mul3A_643, %dma_start3A_648] : memref<6144x1024xf32, #tpu.memory_space<hbm>> -> memref<32x1024xf32, #tpu.memory_space<hbm>>
      %dma_start3A_650 = arith.constant 0 : i32
      %dma_start3A_651 = tpu.memref_slice %arg9[%mul3A_643, %dma_start3A_650] : memref<6144x1024xf32, #tpu.memory_space<hbm>> -> memref<32x1024xf32, #tpu.memory_space<hbm>>
      %dma_start3A_652 = arith.constant 0 : i32
      %dma_start3A_653 = arith.constant 0 : i32
      %dma_start3A_654 = tpu.memref_slice %arg17[%dma_start3A, %dma_start3A_652, %dma_start3A_653] : memref<3x32x1024xf32, #tpu.memory_space<vmem>> -> memref<1x32x1024xf32, #tpu.memory_space<vmem>>
      %dma_start3A_655 = tpu.memref_squeeze %dma_start3A_654 : memref<1x32x1024xf32, #tpu.memory_space<vmem>> -> memref<32x1024xf32, #tpu.memory_space<vmem>>
      tpu.enqueue_dma source(%dma_start3A_655 : memref<32x1024xf32, #tpu.memory_space<vmem>>) target(%dma_start3A_651 : memref<32x1024xf32, #tpu.memory_space<hbm>>) target_semaphore(%arg19 : memref<!tpu.dma_semaphore, #tpu.memory_space<semaphore_mem>>)
    } else {
    }
    %add3A_575 = arith.constant 32 : i32
    %add3A_576 = arith.addi %add3A, %add3A_575 : i32
    %lt3A_577 = arith.cmpi slt, %add3A_576, %reduce_max3A_8 : i32
    %convert_element_type3A_578 = arith.extui %lt3A_577 : i1 to i32
    %cond3A_579 = arith.constant 0 : i32
    %cond3A_580 = arith.cmpi ne, %convert_element_type3A_578, %cond3A_579 : i32
    scf.if %cond3A_580 {
      %add3A_629 = arith.constant 32 : i32
      %add3A_630 = arith.addi %add3A, %add3A_629 : i32
      %mul3A_631 = arith.constant 32 : i32
      %mul3A_632 = arith.muli %add3A_630, %mul3A_631 : i32
      %dma_wait3A = arith.constant 1 : i32
      %dma_wait3A_633 = arith.constant 0 : i32
      %dma_wait3A_634 = arith.constant 0 : i32
      %dma_wait3A_635 = tpu.memref_slice %arg17[%dma_wait3A, %dma_wait3A_633, %dma_wait3A_634] : memref<3x32x1024xf32, #tpu.memory_space<vmem>> -> memref<1x32x1024xf32, #tpu.memory_space<vmem>>
      %dma_wait3A_636 = tpu.memref_squeeze %dma_wait3A_635 : memref<1x32x1024xf32, #tpu.memory_space<vmem>> -> memref<32x1024xf32, #tpu.memory_space<vmem>>
      %dma_wait3A_637 = arith.constant 0 : i32
      %dma_wait3A_638 = tpu.memref_slice %arg9[%mul3A_632, %dma_wait3A_637] : memref<6144x1024xf32, #tpu.memory_space<hbm>> -> memref<32x1024xf32, #tpu.memory_space<hbm>>
      %dma_wait3A_639 = arith.constant 0 : i32
      %dma_wait3A_640 = tpu.memref_slice %arg9[%mul3A_632, %dma_wait3A_639] : memref<6144x1024xf32, #tpu.memory_space<hbm>> -> memref<32x1024xf32, #tpu.memory_space<hbm>>
      %dma_wait3A_641 = arith.constant 0 : i32
      %dma_wait3A_642 = arith.constant 0 : i32
      %dma_wait3A_643 = tpu.memref_slice %arg17[%dma_wait3A, %dma_wait3A_641, %dma_wait3A_642] : memref<3x32x1024xf32, #tpu.memory_space<vmem>> -> memref<1x32x1024xf32, #tpu.memory_space<vmem>>
      %dma_wait3A_644 = tpu.memref_squeeze %dma_wait3A_643 : memref<1x32x1024xf32, #tpu.memory_space<vmem>> -> memref<32x1024xf32, #tpu.memory_space<vmem>>
      tpu.wait_dma2 semaphore(%arg19 : memref<!tpu.dma_semaphore, #tpu.memory_space<semaphore_mem>>) src(%dma_wait3A_644 : memref<32x1024xf32, #tpu.memory_space<vmem>>) dst(%dma_wait3A_640 : memref<32x1024xf32, #tpu.memory_space<hbm>>)
    } else {
    }
    %add3A_581 = arith.constant 128 : i32
    %add3A_582 = arith.addi %add3A, %add3A_581 : i32
    %lt3A_583 = arith.cmpi slt, %add3A_582, %reduce_max3A_8 : i32
    %convert_element_type3A_584 = arith.extui %lt3A_583 : i1 to i32
    %cond3A_585 = arith.constant 0 : i32
    %cond3A_586 = arith.cmpi ne, %convert_element_type3A_584, %cond3A_585 : i32
    scf.if %cond3A_586 {
      %dma_start3A = arith.constant 4 : i32
      %dma_start3A_629 = arith.constant 1 : i32
      %dma_start3A_630 = arith.constant 0 : i32
      %dma_start3A_631 = arith.constant 0 : i32
      %dma_start3A_632 = tpu.memref_slice %arg17[%dma_start3A_629, %dma_start3A_630, %dma_start3A_631] : memref<3x32x1024xf32, #tpu.memory_space<vmem>> -> memref<1x32x1024xf32, #tpu.memory_space<vmem>>
      %dma_start3A_633 = tpu.memref_squeeze %dma_start3A_632 : memref<1x32x1024xf32, #tpu.memory_space<vmem>> -> memref<32x1024xf32, #tpu.memory_space<vmem>>
      %dma_start3A_634 = arith.constant 0 : i32
      %dma_start3A_635 = tpu.memref_slice %arg16[%dma_start3A, %dma_start3A_634] : memref<6x32xi32, #tpu.memory_space<vmem>> -> memref<1x32xi32, #tpu.memory_space<vmem>>
      %dma_start3A_636 = tpu.memref_squeeze %dma_start3A_635 : memref<1x32xi32, #tpu.memory_space<vmem>> -> memref<32xi32, #tpu.memory_space<vmem>>
      %dma_start3A_637 = arith.constant 0 : i32
      %dma_start3A_638 = arith.constant 0 : i32
      %dma_start3A_639 = tpu.memref_slice %arg2[%dma_start3A_637, %dma_start3A_638] : memref<4096x1024xf32, #tpu.memory_space<hbm>> -> memref<4096x1024xf32, #tpu.memory_space<hbm>>
      tpu.enqueue_indirect_dma source(%dma_start3A_639 : memref<4096x1024xf32, #tpu.memory_space<hbm>>) target(%dma_start3A_633 : memref<32x1024xf32, #tpu.memory_space<vmem>>) offsets(%dma_start3A_636 : memref<32xi32, #tpu.memory_space<vmem>>) semaphore(%arg18 : memref<!tpu.dma_semaphore, #tpu.memory_space<semaphore_mem>>)
    } else {
    }
    %add3A_587 = arith.constant 96 : i32
    %add3A_588 = arith.addi %add3A, %add3A_587 : i32
    %lt3A_589 = arith.cmpi slt, %add3A_588, %reduce_max3A_8 : i32
    %convert_element_type3A_590 = arith.extui %lt3A_589 : i1 to i32
    %cond3A_591 = arith.constant 0 : i32
    %cond3A_592 = arith.cmpi ne, %convert_element_type3A_590, %cond3A_591 : i32
    scf.if %cond3A_592 {
      %dma_wait3A = arith.constant 3 : i32
      %dma_wait3A_629 = arith.constant 0 : i32
      %dma_wait3A_630 = arith.constant 0 : i32
      %dma_wait3A_631 = arith.constant 0 : i32
      %dma_wait3A_632 = tpu.memref_slice %arg17[%dma_wait3A_629, %dma_wait3A_630, %dma_wait3A_631] : memref<3x32x1024xf32, #tpu.memory_space<vmem>> -> memref<1x32x1024xf32, #tpu.memory_space<vmem>>
      %dma_wait3A_633 = tpu.memref_squeeze %dma_wait3A_632 : memref<1x32x1024xf32, #tpu.memory_space<vmem>> -> memref<32x1024xf32, #tpu.memory_space<vmem>>
      %dma_wait3A_634 = arith.constant 0 : i32
      %dma_wait3A_635 = tpu.memref_slice %arg16[%dma_wait3A, %dma_wait3A_634] : memref<6x32xi32, #tpu.memory_space<vmem>> -> memref<1x32xi32, #tpu.memory_space<vmem>>
      %dma_wait3A_636 = tpu.memref_squeeze %dma_wait3A_635 : memref<1x32xi32, #tpu.memory_space<vmem>> -> memref<32xi32, #tpu.memory_space<vmem>>
      %dma_wait3A_637 = arith.constant 0 : i32
      %dma_wait3A_638 = arith.constant 0 : i32
      %dma_wait3A_639 = tpu.memref_slice %arg2[%dma_wait3A_637, %dma_wait3A_638] : memref<4096x1024xf32, #tpu.memory_space<hbm>> -> memref<4096x1024xf32, #tpu.memory_space<hbm>>
      tpu.wait_indirect_dma semaphore(%arg18 : memref<!tpu.dma_semaphore, #tpu.memory_space<semaphore_mem>>) src(%dma_wait3A_639 : memref<4096x1024xf32, #tpu.memory_space<hbm>>) dst(%dma_wait3A_633 : memref<32x1024xf32, #tpu.memory_space<vmem>>)
      %add3A_640 = arith.constant 96 : i32
      %add3A_641 = arith.addi %add3A, %add3A_640 : i32
      %mul3A_642 = arith.constant 32 : i32
      %mul3A_643 = arith.muli %add3A_641, %mul3A_642 : i32
      %dma_start3A = arith.constant 0 : i32
      %dma_start3A_644 = arith.constant 0 : i32
      %dma_start3A_645 = arith.constant 0 : i32
      %dma_start3A_646 = tpu.memref_slice %arg17[%dma_start3A, %dma_start3A_644, %dma_start3A_645] : memref<3x32x1024xf32, #tpu.memory_space<vmem>> -> memref<1x32x1024xf32, #tpu.memory_space<vmem>>
      %dma_start3A_647 = tpu.memref_squeeze %dma_start3A_646 : memref<1x32x1024xf32, #tpu.memory_space<vmem>> -> memref<32x1024xf32, #tpu.memory_space<vmem>>
      %dma_start3A_648 = arith.constant 0 : i32
      %dma_start3A_649 = tpu.memref_slice %arg9[%mul3A_643, %dma_start3A_648] : memref<6144x1024xf32, #tpu.memory_space<hbm>> -> memref<32x1024xf32, #tpu.memory_space<hbm>>
      %dma_start3A_650 = arith.constant 0 : i32
      %dma_start3A_651 = tpu.memref_slice %arg9[%mul3A_643, %dma_start3A_650] : memref<6144x1024xf32, #tpu.memory_space<hbm>> -> memref<32x1024xf32, #tpu.memory_space<hbm>>
      %dma_start3A_652 = arith.constant 0 : i32
      %dma_start3A_653 = arith.constant 0 : i32
      %dma_start3A_654 = tpu.memref_slice %arg17[%dma_start3A, %dma_start3A_652, %dma_start3A_653] : memref<3x32x1024xf32, #tpu.memory_space<vmem>> -> memref<1x32x1024xf32, #tpu.memory_space<vmem>>
      %dma_start3A_655 = tpu.memref_squeeze %dma_start3A_654 : memref<1x32x1024xf32, #tpu.memory_space<vmem>> -> memref<32x1024xf32, #tpu.memory_space<vmem>>
      tpu.enqueue_dma source(%dma_start3A_655 : memref<32x1024xf32, #tpu.memory_space<vmem>>) target(%dma_start3A_651 : memref<32x1024xf32, #tpu.memory_space<hbm>>) target_semaphore(%arg19 : memref<!tpu.dma_semaphore, #tpu.memory_space<semaphore_mem>>)
    } else {
    }
    %add3A_593 = arith.constant 64 : i32
    %add3A_594 = arith.addi %add3A, %add3A_593 : i32
    %lt3A_595 = arith.cmpi slt, %add3A_594, %reduce_max3A_8 : i32
    %convert_element_type3A_596 = arith.extui %lt3A_595 : i1 to i32
    %cond3A_597 = arith.constant 0 : i32
    %cond3A_598 = arith.cmpi ne, %convert_element_type3A_596, %cond3A_597 : i32
    scf.if %cond3A_598 {
      %add3A_629 = arith.constant 64 : i32
      %add3A_630 = arith.addi %add3A, %add3A_629 : i32
      %mul3A_631 = arith.constant 32 : i32
      %mul3A_632 = arith.muli %add3A_630, %mul3A_631 : i32
      %dma_wait3A = arith.constant 2 : i32
      %dma_wait3A_633 = arith.constant 0 : i32
      %dma_wait3A_634 = arith.constant 0 : i32
      %dma_wait3A_635 = tpu.memref_slice %arg17[%dma_wait3A, %dma_wait3A_633, %dma_wait3A_634] : memref<3x32x1024xf32, #tpu.memory_space<vmem>> -> memref<1x32x1024xf32, #tpu.memory_space<vmem>>
      %dma_wait3A_636 = tpu.memref_squeeze %dma_wait3A_635 : memref<1x32x1024xf32, #tpu.memory_space<vmem>> -> memref<32x1024xf32, #tpu.memory_space<vmem>>
      %dma_wait3A_637 = arith.constant 0 : i32
      %dma_wait3A_638 = tpu.memref_slice %arg9[%mul3A_632, %dma_wait3A_637] : memref<6144x1024xf32, #tpu.memory_space<hbm>> -> memref<32x1024xf32, #tpu.memory_space<hbm>>
      %dma_wait3A_639 = arith.constant 0 : i32
      %dma_wait3A_640 = tpu.memref_slice %arg9[%mul3A_632, %dma_wait3A_639] : memref<6144x1024xf32, #tpu.memory_space<hbm>> -> memref<32x1024xf32, #tpu.memory_space<hbm>>
      %dma_wait3A_641 = arith.constant 0 : i32
      %dma_wait3A_642 = arith.constant 0 : i32
      %dma_wait3A_643 = tpu.memref_slice %arg17[%dma_wait3A, %dma_wait3A_641, %dma_wait3A_642] : memref<3x32x1024xf32, #tpu.memory_space<vmem>> -> memref<1x32x1024xf32, #tpu.memory_space<vmem>>
      %dma_wait3A_644 = tpu.memref_squeeze %dma_wait3A_643 : memref<1x32x1024xf32, #tpu.memory_space<vmem>> -> memref<32x1024xf32, #tpu.memory_space<vmem>>
      tpu.wait_dma2 semaphore(%arg19 : memref<!tpu.dma_semaphore, #tpu.memory_space<semaphore_mem>>) src(%dma_wait3A_644 : memref<32x1024xf32, #tpu.memory_space<vmem>>) dst(%dma_wait3A_640 : memref<32x1024xf32, #tpu.memory_space<hbm>>)
    } else {
    }
    %add3A_599 = arith.constant 160 : i32
    %add3A_600 = arith.addi %add3A, %add3A_599 : i32
    %lt3A_601 = arith.cmpi slt, %add3A_600, %reduce_max3A_8 : i32
    %convert_element_type3A_602 = arith.extui %lt3A_601 : i1 to i32
    %cond3A_603 = arith.constant 0 : i32
    %cond3A_604 = arith.cmpi ne, %convert_element_type3A_602, %cond3A_603 : i32
    scf.if %cond3A_604 {
      %dma_start3A = arith.constant 5 : i32
      %dma_start3A_629 = arith.constant 2 : i32
      %dma_start3A_630 = arith.constant 0 : i32
      %dma_start3A_631 = arith.constant 0 : i32
      %dma_start3A_632 = tpu.memref_slice %arg17[%dma_start3A_629, %dma_start3A_630, %dma_start3A_631] : memref<3x32x1024xf32, #tpu.memory_space<vmem>> -> memref<1x32x1024xf32, #tpu.memory_space<vmem>>
      %dma_start3A_633 = tpu.memref_squeeze %dma_start3A_632 : memref<1x32x1024xf32, #tpu.memory_space<vmem>> -> memref<32x1024xf32, #tpu.memory_space<vmem>>
      %dma_start3A_634 = arith.constant 0 : i32
      %dma_start3A_635 = tpu.memref_slice %arg16[%dma_start3A, %dma_start3A_634] : memref<6x32xi32, #tpu.memory_space<vmem>> -> memref<1x32xi32, #tpu.memory_space<vmem>>
      %dma_start3A_636 = tpu.memref_squeeze %dma_start3A_635 : memref<1x32xi32, #tpu.memory_space<vmem>> -> memref<32xi32, #tpu.memory_space<vmem>>
      %dma_start3A_637 = arith.constant 0 : i32
      %dma_start3A_638 = arith.constant 0 : i32
      %dma_start3A_639 = tpu.memref_slice %arg2[%dma_start3A_637, %dma_start3A_638] : memref<4096x1024xf32, #tpu.memory_space<hbm>> -> memref<4096x1024xf32, #tpu.memory_space<hbm>>
      tpu.enqueue_indirect_dma source(%dma_start3A_639 : memref<4096x1024xf32, #tpu.memory_space<hbm>>) target(%dma_start3A_633 : memref<32x1024xf32, #tpu.memory_space<vmem>>) offsets(%dma_start3A_636 : memref<32xi32, #tpu.memory_space<vmem>>) semaphore(%arg18 : memref<!tpu.dma_semaphore, #tpu.memory_space<semaphore_mem>>)
    } else {
    }
    %add3A_605 = arith.constant 128 : i32
    %add3A_606 = arith.addi %add3A, %add3A_605 : i32
    %lt3A_607 = arith.cmpi slt, %add3A_606, %reduce_max3A_8 : i32
    %convert_element_type3A_608 = arith.extui %lt3A_607 : i1 to i32
    %cond3A_609 = arith.constant 0 : i32
    %cond3A_610 = arith.cmpi ne, %convert_element_type3A_608, %cond3A_609 : i32
    scf.if %cond3A_610 {
      %dma_wait3A = arith.constant 4 : i32
      %dma_wait3A_629 = arith.constant 1 : i32
      %dma_wait3A_630 = arith.constant 0 : i32
      %dma_wait3A_631 = arith.constant 0 : i32
      %dma_wait3A_632 = tpu.memref_slice %arg17[%dma_wait3A_629, %dma_wait3A_630, %dma_wait3A_631] : memref<3x32x1024xf32, #tpu.memory_space<vmem>> -> memref<1x32x1024xf32, #tpu.memory_space<vmem>>
      %dma_wait3A_633 = tpu.memref_squeeze %dma_wait3A_632 : memref<1x32x1024xf32, #tpu.memory_space<vmem>> -> memref<32x1024xf32, #tpu.memory_space<vmem>>
      %dma_wait3A_634 = arith.constant 0 : i32
      %dma_wait3A_635 = tpu.memref_slice %arg16[%dma_wait3A, %dma_wait3A_634] : memref<6x32xi32, #tpu.memory_space<vmem>> -> memref<1x32xi32, #tpu.memory_space<vmem>>
      %dma_wait3A_636 = tpu.memref_squeeze %dma_wait3A_635 : memref<1x32xi32, #tpu.memory_space<vmem>> -> memref<32xi32, #tpu.memory_space<vmem>>
      %dma_wait3A_637 = arith.constant 0 : i32
      %dma_wait3A_638 = arith.constant 0 : i32
      %dma_wait3A_639 = tpu.memref_slice %arg2[%dma_wait3A_637, %dma_wait3A_638] : memref<4096x1024xf32, #tpu.memory_space<hbm>> -> memref<4096x1024xf32, #tpu.memory_space<hbm>>
      tpu.wait_indirect_dma semaphore(%arg18 : memref<!tpu.dma_semaphore, #tpu.memory_space<semaphore_mem>>) src(%dma_wait3A_639 : memref<4096x1024xf32, #tpu.memory_space<hbm>>) dst(%dma_wait3A_633 : memref<32x1024xf32, #tpu.memory_space<vmem>>)
      %add3A_640 = arith.constant 128 : i32
      %add3A_641 = arith.addi %add3A, %add3A_640 : i32
      %mul3A_642 = arith.constant 32 : i32
      %mul3A_643 = arith.muli %add3A_641, %mul3A_642 : i32
      %dma_start3A = arith.constant 1 : i32
      %dma_start3A_644 = arith.constant 0 : i32
      %dma_start3A_645 = arith.constant 0 : i32
      %dma_start3A_646 = tpu.memref_slice %arg17[%dma_start3A, %dma_start3A_644, %dma_start3A_645] : memref<3x32x1024xf32, #tpu.memory_space<vmem>> -> memref<1x32x1024xf32, #tpu.memory_space<vmem>>
      %dma_start3A_647 = tpu.memref_squeeze %dma_start3A_646 : memref<1x32x1024xf32, #tpu.memory_space<vmem>> -> memref<32x1024xf32, #tpu.memory_space<vmem>>
      %dma_start3A_648 = arith.constant 0 : i32
      %dma_start3A_649 = tpu.memref_slice %arg9[%mul3A_643, %dma_start3A_648] : memref<6144x1024xf32, #tpu.memory_space<hbm>> -> memref<32x1024xf32, #tpu.memory_space<hbm>>
      %dma_start3A_650 = arith.constant 0 : i32
      %dma_start3A_651 = tpu.memref_slice %arg9[%mul3A_643, %dma_start3A_650] : memref<6144x1024xf32, #tpu.memory_space<hbm>> -> memref<32x1024xf32, #tpu.memory_space<hbm>>
      %dma_start3A_652 = arith.constant 0 : i32
      %dma_start3A_653 = arith.constant 0 : i32
      %dma_start3A_654 = tpu.memref_slice %arg17[%dma_start3A, %dma_start3A_652, %dma_start3A_653] : memref<3x32x1024xf32, #tpu.memory_space<vmem>> -> memref<1x32x1024xf32, #tpu.memory_space<vmem>>
      %dma_start3A_655 = tpu.memref_squeeze %dma_start3A_654 : memref<1x32x1024xf32, #tpu.memory_space<vmem>> -> memref<32x1024xf32, #tpu.memory_space<vmem>>
      tpu.enqueue_dma source(%dma_start3A_655 : memref<32x1024xf32, #tpu.memory_space<vmem>>) target(%dma_start3A_651 : memref<32x1024xf32, #tpu.memory_space<hbm>>) target_semaphore(%arg19 : memref<!tpu.dma_semaphore, #tpu.memory_space<semaphore_mem>>)
    } else {
    }
    %add3A_611 = arith.constant 160 : i32
    %add3A_612 = arith.addi %add3A, %add3A_611 : i32
    %lt3A_613 = arith.cmpi slt, %add3A_612, %reduce_max3A_8 : i32
    %convert_element_type3A_614 = arith.extui %lt3A_613 : i1 to i32
    %cond3A_615 = arith.constant 0 : i32
    %cond3A_616 = arith.cmpi ne, %convert_element_type3A_614, %cond3A_615 : i32
    scf.if %cond3A_616 {
      %dma_wait3A = arith.constant 5 : i32
      %dma_wait3A_629 = arith.constant 2 : i32
      %dma_wait3A_630 = arith.constant 0 : i32
      %dma_wait3A_631 = arith.constant 0 : i32
      %dma_wait3A_632 = tpu.memref_slice %arg17[%dma_wait3A_629, %dma_wait3A_630, %dma_wait3A_631] : memref<3x32x1024xf32, #tpu.memory_space<vmem>> -> memref<1x32x1024xf32, #tpu.memory_space<vmem>>
      %dma_wait3A_633 = tpu.memref_squeeze %dma_wait3A_632 : memref<1x32x1024xf32, #tpu.memory_space<vmem>> -> memref<32x1024xf32, #tpu.memory_space<vmem>>
      %dma_wait3A_634 = arith.constant 0 : i32
      %dma_wait3A_635 = tpu.memref_slice %arg16[%dma_wait3A, %dma_wait3A_634] : memref<6x32xi32, #tpu.memory_space<vmem>> -> memref<1x32xi32, #tpu.memory_space<vmem>>
      %dma_wait3A_636 = tpu.memref_squeeze %dma_wait3A_635 : memref<1x32xi32, #tpu.memory_space<vmem>> -> memref<32xi32, #tpu.memory_space<vmem>>
      %dma_wait3A_637 = arith.constant 0 : i32
      %dma_wait3A_638 = arith.constant 0 : i32
      %dma_wait3A_639 = tpu.memref_slice %arg2[%dma_wait3A_637, %dma_wait3A_638] : memref<4096x1024xf32, #tpu.memory_space<hbm>> -> memref<4096x1024xf32, #tpu.memory_space<hbm>>
      tpu.wait_indirect_dma semaphore(%arg18 : memref<!tpu.dma_semaphore, #tpu.memory_space<semaphore_mem>>) src(%dma_wait3A_639 : memref<4096x1024xf32, #tpu.memory_space<hbm>>) dst(%dma_wait3A_633 : memref<32x1024xf32, #tpu.memory_space<vmem>>)
      %add3A_640 = arith.constant 160 : i32
      %add3A_641 = arith.addi %add3A, %add3A_640 : i32
      %mul3A_642 = arith.constant 32 : i32
      %mul3A_643 = arith.muli %add3A_641, %mul3A_642 : i32
      %dma_start3A = arith.constant 2 : i32
      %dma_start3A_644 = arith.constant 0 : i32
      %dma_start3A_645 = arith.constant 0 : i32
      %dma_start3A_646 = tpu.memref_slice %arg17[%dma_start3A, %dma_start3A_644, %dma_start3A_645] : memref<3x32x1024xf32, #tpu.memory_space<vmem>> -> memref<1x32x1024xf32, #tpu.memory_space<vmem>>
      %dma_start3A_647 = tpu.memref_squeeze %dma_start3A_646 : memref<1x32x1024xf32, #tpu.memory_space<vmem>> -> memref<32x1024xf32, #tpu.memory_space<vmem>>
      %dma_start3A_648 = arith.constant 0 : i32
      %dma_start3A_649 = tpu.memref_slice %arg9[%mul3A_643, %dma_start3A_648] : memref<6144x1024xf32, #tpu.memory_space<hbm>> -> memref<32x1024xf32, #tpu.memory_space<hbm>>
      %dma_start3A_650 = arith.constant 0 : i32
      %dma_start3A_651 = tpu.memref_slice %arg9[%mul3A_643, %dma_start3A_650] : memref<6144x1024xf32, #tpu.memory_space<hbm>> -> memref<32x1024xf32, #tpu.memory_space<hbm>>
      %dma_start3A_652 = arith.constant 0 : i32
      %dma_start3A_653 = arith.constant 0 : i32
      %dma_start3A_654 = tpu.memref_slice %arg17[%dma_start3A, %dma_start3A_652, %dma_start3A_653] : memref<3x32x1024xf32, #tpu.memory_space<vmem>> -> memref<1x32x1024xf32, #tpu.memory_space<vmem>>
      %dma_start3A_655 = tpu.memref_squeeze %dma_start3A_654 : memref<1x32x1024xf32, #tpu.memory_space<vmem>> -> memref<32x1024xf32, #tpu.memory_space<vmem>>
      tpu.enqueue_dma source(%dma_start3A_655 : memref<32x1024xf32, #tpu.memory_space<vmem>>) target(%dma_start3A_651 : memref<32x1024xf32, #tpu.memory_space<hbm>>) target_semaphore(%arg19 : memref<!tpu.dma_semaphore, #tpu.memory_space<semaphore_mem>>)
    } else {
    }
    %add3A_617 = arith.constant 128 : i32
    %add3A_618 = arith.addi %add3A, %add3A_617 : i32
    %lt3A_619 = arith.cmpi slt, %add3A_618, %reduce_max3A_8 : i32
    %convert_element_type3A_620 = arith.extui %lt3A_619 : i1 to i32
    %cond3A_621 = arith.constant 0 : i32
    %cond3A_622 = arith.cmpi ne, %convert_element_type3A_620, %cond3A_621 : i32
    scf.if %cond3A_622 {
      %add3A_629 = arith.constant 128 : i32
      %add3A_630 = arith.addi %add3A, %add3A_629 : i32
      %mul3A_631 = arith.constant 32 : i32
      %mul3A_632 = arith.muli %add3A_630, %mul3A_631 : i32
      %dma_wait3A = arith.constant 1 : i32
      %dma_wait3A_633 = arith.constant 0 : i32
      %dma_wait3A_634 = arith.constant 0 : i32
      %dma_wait3A_635 = tpu.memref_slice %arg17[%dma_wait3A, %dma_wait3A_633, %dma_wait3A_634] : memref<3x32x1024xf32, #tpu.memory_space<vmem>> -> memref<1x32x1024xf32, #tpu.memory_space<vmem>>
      %dma_wait3A_636 = tpu.memref_squeeze %dma_wait3A_635 : memref<1x32x1024xf32, #tpu.memory_space<vmem>> -> memref<32x1024xf32, #tpu.memory_space<vmem>>
      %dma_wait3A_637 = arith.constant 0 : i32
      %dma_wait3A_638 = tpu.memref_slice %arg9[%mul3A_632, %dma_wait3A_637] : memref<6144x1024xf32, #tpu.memory_space<hbm>> -> memref<32x1024xf32, #tpu.memory_space<hbm>>
      %dma_wait3A_639 = arith.constant 0 : i32
      %dma_wait3A_640 = tpu.memref_slice %arg9[%mul3A_632, %dma_wait3A_639] : memref<6144x1024xf32, #tpu.memory_space<hbm>> -> memref<32x1024xf32, #tpu.memory_space<hbm>>
      %dma_wait3A_641 = arith.constant 0 : i32
      %dma_wait3A_642 = arith.constant 0 : i32
      %dma_wait3A_643 = tpu.memref_slice %arg17[%dma_wait3A, %dma_wait3A_641, %dma_wait3A_642] : memref<3x32x1024xf32, #tpu.memory_space<vmem>> -> memref<1x32x1024xf32, #tpu.memory_space<vmem>>
      %dma_wait3A_644 = tpu.memref_squeeze %dma_wait3A_643 : memref<1x32x1024xf32, #tpu.memory_space<vmem>> -> memref<32x1024xf32, #tpu.memory_space<vmem>>
      tpu.wait_dma2 semaphore(%arg19 : memref<!tpu.dma_semaphore, #tpu.memory_space<semaphore_mem>>) src(%dma_wait3A_644 : memref<32x1024xf32, #tpu.memory_space<vmem>>) dst(%dma_wait3A_640 : memref<32x1024xf32, #tpu.memory_space<hbm>>)
    } else {
    }
    %add3A_623 = arith.constant 160 : i32
    %add3A_624 = arith.addi %add3A, %add3A_623 : i32
    %lt3A_625 = arith.cmpi slt, %add3A_624, %reduce_max3A_8 : i32
    %convert_element_type3A_626 = arith.extui %lt3A_625 : i1 to i32
    %cond3A_627 = arith.constant 0 : i32
    %cond3A_628 = arith.cmpi ne, %convert_element_type3A_626, %cond3A_627 : i32
    scf.if %cond3A_628 {
      %add3A_629 = arith.constant 160 : i32
      %add3A_630 = arith.addi %add3A, %add3A_629 : i32
      %mul3A_631 = arith.constant 32 : i32
      %mul3A_632 = arith.muli %add3A_630, %mul3A_631 : i32
      %dma_wait3A = arith.constant 2 : i32
      %dma_wait3A_633 = arith.constant 0 : i32
      %dma_wait3A_634 = arith.constant 0 : i32
      %dma_wait3A_635 = tpu.memref_slice %arg17[%dma_wait3A, %dma_wait3A_633, %dma_wait3A_634] : memref<3x32x1024xf32, #tpu.memory_space<vmem>> -> memref<1x32x1024xf32, #tpu.memory_space<vmem>>
      %dma_wait3A_636 = tpu.memref_squeeze %dma_wait3A_635 : memref<1x32x1024xf32, #tpu.memory_space<vmem>> -> memref<32x1024xf32, #tpu.memory_space<vmem>>
      %dma_wait3A_637 = arith.constant 0 : i32
      %dma_wait3A_638 = tpu.memref_slice %arg9[%mul3A_632, %dma_wait3A_637] : memref<6144x1024xf32, #tpu.memory_space<hbm>> -> memref<32x1024xf32, #tpu.memory_space<hbm>>
      %dma_wait3A_639 = arith.constant 0 : i32
      %dma_wait3A_640 = tpu.memref_slice %arg9[%mul3A_632, %dma_wait3A_639] : memref<6144x1024xf32, #tpu.memory_space<hbm>> -> memref<32x1024xf32, #tpu.memory_space<hbm>>
      %dma_wait3A_641 = arith.constant 0 : i32
      %dma_wait3A_642 = arith.constant 0 : i32
      %dma_wait3A_643 = tpu.memref_slice %arg17[%dma_wait3A, %dma_wait3A_641, %dma_wait3A_642] : memref<3x32x1024xf32, #tpu.memory_space<vmem>> -> memref<1x32x1024xf32, #tpu.memory_space<vmem>>
      %dma_wait3A_644 = tpu.memref_squeeze %dma_wait3A_643 : memref<1x32x1024xf32, #tpu.memory_space<vmem>> -> memref<32x1024xf32, #tpu.memory_space<vmem>>
      tpu.wait_dma2 semaphore(%arg19 : memref<!tpu.dma_semaphore, #tpu.memory_space<semaphore_mem>>) src(%dma_wait3A_644 : memref<32x1024xf32, #tpu.memory_space<vmem>>) dst(%dma_wait3A_640 : memref<32x1024xf32, #tpu.memory_space<hbm>>)
    } else {
    }
    return
  }
}

module attributes {stable_mosaic.version = 14 : i64} {
  func.func @body(%arg0: i32, %arg1: memref<2x24xi32, #tpu.memory_space<smem>>, %arg2: memref<256x1024xf32, #tpu.memory_space<vmem>>, %arg3: memref<1x1024x1024xbf16, #tpu.memory_space<vmem>>, %arg4: memref<1x1x1024xf32, #tpu.memory_space<vmem>>, %arg5: memref<256x1024xf32, #tpu.memory_space<vmem>>) attributes {dimension_semantics = [#tpu.dimension_semantics<arbitrary>], iteration_bounds = array<i64: 24>, scalar_prefetch = 1 : i64, scratch_operands = 0 : i64, tpu.core_type = #tpu.core_type<tc>, window_params = [{transform_indices = @transform_0, window_bounds = array<i64: 256, 1024>}, {transform_indices = @transform_1, window_bounds = array<i64: 1, 1024, 1024>}, {transform_indices = @transform_2, window_bounds = array<i64: 1, 1, 1024>}, {transform_indices = @transform_3, window_bounds = array<i64: 256, 1024>}]} {
    %get3A = arith.constant 0 : index
    %get3A_0 = arith.constant 0 : index
    %get3A_1 = vector.load %arg2[%get3A, %get3A_0] : memref<256x1024xf32, #tpu.memory_space<vmem>>, vector<256x1024xf32>
    %convert_element_type3A = arith.truncf %get3A_1 : vector<256x1024xf32> to vector<256x1024xbf16>
    %get3A_2 = arith.constant 0 : index
    %get3A_3 = arith.constant 0 : index
    %get3A_4 = arith.constant 0 : index
    %get3A_5 = vector.load %arg3[%get3A_2, %get3A_3, %get3A_4] : memref<1x1024x1024xbf16, #tpu.memory_space<vmem>>, vector<1x1024x1024xbf16>
    %get3A_6 = vector.shape_cast %get3A_5 : vector<1x1024x1024xbf16> to vector<1024x1024xbf16>
    %dot_general3A = arith.constant dense<0.000000e+00> : vector<256x1024xf32>
    %dot_general3A_7 = tpu.matmul %convert_element_type3A, %get3A_6, %dot_general3A {dimension_numbers = #tpu.dot_dimension_numbers<[1], [0], [0], [1], [0, 0, 1, 1], [], []>, transpose_lhs_hint = false} : vector<256x1024xbf16>, vector<1024x1024xbf16>, vector<256x1024xf32> -> vector<256x1024xf32>
    %get3A_8 = arith.constant 0 : index
    %get3A_9 = arith.constant 0 : index
    %get3A_10 = arith.constant 0 : index
    %get3A_11 = vector.load %arg4[%get3A_8, %get3A_9, %get3A_10] : memref<1x1x1024xf32, #tpu.memory_space<vmem>>, vector<1x1x1024xf32>
    %get3A_12 = vector.shape_cast %get3A_11 : vector<1x1x1024xf32> to vector<1x1024xf32>
    %add3A = vector.broadcast %get3A_12 : vector<1x1024xf32> to vector<256x1024xf32>
    %add3A_13 = arith.addf %dot_general3A_7, %add3A : vector<256x1024xf32>
    %swap3A = arith.constant 0 : index
    %swap3A_14 = arith.constant 0 : index
    %swap3A_15 = vector.load %arg5[%swap3A, %swap3A_14] : memref<256x1024xf32, #tpu.memory_space<vmem>>, vector<256x1024xf32>
    tpu.vector_store %arg5[%swap3A, %swap3A_14], %add3A_13 {strides = array<i32>} : memref<256x1024xf32, #tpu.memory_space<vmem>>, vector<256x1024xf32>,
    return
  }
  func.func @transform_0(%arg0: i32, %arg1: memref<2x24xi32, #tpu.memory_space<smem>>) -> (i32, i32) {
    %get3A = arith.constant 0 : index
    %get3A_0 = arith.index_cast %arg0 : i32 to index
    %get3A_1 = memref.load %arg1[%get3A, %get3A_0] : memref<2x24xi32, #tpu.memory_space<smem>>
    %c0_i32 = arith.constant 0 : i32
    %c0_i32_2 = arith.constant 0 : i32
    return %get3A_1, %c0_i32 : i32, i32
  }
  func.func @transform_1(%arg0: i32, %arg1: memref<2x24xi32, #tpu.memory_space<smem>>) -> (i32, i32, i32) {
    %get3A = arith.constant 1 : index
    %get3A_0 = arith.index_cast %arg0 : i32 to index
    %get3A_1 = memref.load %arg1[%get3A, %get3A_0] : memref<2x24xi32, #tpu.memory_space<smem>>
    %c0_i32 = arith.constant 0 : i32
    %c0_i32_2 = arith.constant 0 : i32
    %c0_i32_3 = arith.constant 0 : i32
    return %get3A_1, %c0_i32, %c0_i32_2 : i32, i32, i32
  }
  func.func @transform_2(%arg0: i32, %arg1: memref<2x24xi32, #tpu.memory_space<smem>>) -> (i32, i32, i32) {
    %get3A = arith.constant 1 : index
    %get3A_0 = arith.index_cast %arg0 : i32 to index
    %get3A_1 = memref.load %arg1[%get3A, %get3A_0] : memref<2x24xi32, #tpu.memory_space<smem>>
    %c0_i32 = arith.constant 0 : i32
    %c0_i32_2 = arith.constant 0 : i32
    %c0_i32_3 = arith.constant 0 : i32
    return %get3A_1, %c0_i32, %c0_i32_2 : i32, i32, i32
  }
  func.func @transform_3(%arg0: i32, %arg1: memref<2x24xi32, #tpu.memory_space<smem>>) -> (i32, i32) {
    %get3A = arith.constant 0 : index
    %get3A_0 = arith.index_cast %arg0 : i32 to index
    %get3A_1 = memref.load %arg1[%get3A, %get3A_0] : memref<2x24xi32, #tpu.memory_space<smem>>
    %c0_i32 = arith.constant 0 : i32
    %c0_i32_2 = arith.constant 0 : i32
    return %get3A_1, %c0_i32 : i32, i32
  }
}

</mosaic_0001>

<sc_bundles>
// kernel: kernel.5.cloned.1.call-start
scs
__scs_entry_jumppad:
0x0: {  	(pc) =	sbr.rel $0x88, $3  }
0x1: {  	(tag) =	ssettag $0x0;
	lr =	simm.s32 $0x1  }
0x2: {  	[smem:$0x3F9D] =	sst lr;
	_ =	strace $0xD0000000  }
0x3: {  	_ = 	snop  }
0x4: {  	_ = 	snop  }
0x5: {  	_ = 	snop  }
0x6: {  	_ = 	snop  }
0x7: {  	_ = 	snop  }
__scs_overlays_trampoline_lowered:
0x8: {  	[smem:$0x3FAC] =	sst s0  }
0x9: {  	[smem:$0x3FAD] =	sst s1  }
0xa: {  	[smem:$0x3FAE] =	sst s2  }
0xb: {  	[smem:$0x3FAF] =	sst s3  }
0xc: {  	[smem:$0x3FB0] =	sst s4  }
0xd: {  	[smem:$0x3FB1] =	sst s5  }
0xe: {  	[smem:$0x3FB2] =	sst s6  }
0xf: {  	[smem:$0x3FB3] =	sst s7  }
0x10: {  	[smem:$0x3FB4] =	sst s8  }
0x11: {  	[smem:$0x3FB5] =	sst s9;
	s0 =	simm.s32 @!p0 $0x0  }
0x12: {  	s1 =	sld [smem:$0x3F9B];
	s0 =	simm.s32 @p0 $0x1  }
0x13: {  	[smem:$0x3FB6] =	sst s0;
	s0 =	simm.s32 @!p1 $0x0  }
0x14: {  	s2 =	sld [smem:$0x3F9A];
	s0 =	simm.s32 @p1 $0x1  }
0x15: {  	[smem:$0x3FB7] =	sst s0;
	s0 =	simm.s32 @!p2 $0x0  }
0x16: {  	s3 =	sld [smem:$0x3FDB];
	s0 =	simm.s32 @p2 $0x1  }
0x17: {  	s4 =	simm.s32 $0x1BF5;
	[smem:$0x3FB9] =	sst s0  }
0x18: {  	s0 =	sld [smem:$0x3F9C];
	_ =	swait.ge [sflag:s4], $0x0  }
0x19: {  	s7 =	sld [smem:$0x3F9D]  }
0x1a: {  	s8 =	sadd.s32 $0xFFFFE003, lr  }
0x1b: {  	s9 =	sadd.s32 $0xFFFFFEF7, lr;
	s5 =	simm.s32 $0xFFFFFFFF;
	p2 =	slt.u32 s8, $0xFFFFF086  }
0x1c: {  	p1 =	slt.u32 s9, $0xF7A;
	s5 =	simm.s32 @!p2 $0x0  }
0x1d: {  	s5 =	simm.s32 @p1 $0x1;
	p0 =	seq.s32 s7, s2  }
0x1e: {  	s7 =	smul.u32 @!p0 $0xF7A, s2;
	p2 =	seq.s32 @!p0 s5, $0x0  }
0x1f: {  	s9 =	smul.u32 $0xF7A, s1;
	s8 =	simm.s32 @!p0 $0x1BF5;
	p2 =	por !p2, p0  }
0x20: {  	[sflag:s8] =	ssyncset.s32 @!p0 $0xFFFFF086;
	s6 =	sadd.s32 @!p0 s3, s7;
	s7 =	simm.s32 @!p0 $0x108  }
0x21: {  	s3 =	sadd.s32 s3, s9;
	s6 =	sadd.s32 @!p0 $0x88, s6;
	s7 =	simm.s32 @p2 $0x1082  }
0x22: {  	[simem:s7], [sflag:s8] =	dma.local @!p0 [hbm:s6], $0xF7A  }
0x23: {  	s9 =	sor.u32 $0xD0000000, s2;
	s6 =	simm.s32 $0x108;
	_ =	swait.ge @!p0 [sflag:s8], $0x0  }
0x24: {  	s3 =	sadd.s32 $0x88, s3;
	s6 =	simm.s32 @!p1 $0x1082;
	[sflag:s4] =	ssyncset.s32 $0xFFFFF086  }
0x25: {  	[simem:s6], [sflag:s4] =	dma.local [hbm:s3], $0xF7A  }
0x26: {  	[smem:$0x3F9D] =	sst s1;
	(tag) =	ssettag s2;
	_ =	strace s9  }
0x27: {  	s1 =	sld [smem:$0x3FAD]  }
0x28: {  	s2 =	sld [smem:$0x3FAE]  }
0x29: {  	s4 =	sld [smem:$0x3FB0]  }
0x2a: {  	p0 =	seq.s32 s5, $0x0;
	s5 =	sld [smem:$0x3FB1]  }
0x2b: {  	s6 =	sld [smem:$0x3FB2]  }
0x2c: {  	s7 =	sld [smem:$0x3FB3]  }
0x2d: {  	s3 =	simm.s32 $0x108;
	s8 =	sld [smem:$0x3FB4]  }
0x2e: {  	s3 =	simm.s32 @!p0 $0x1082;
	s9 =	sld [smem:$0x3FB5]  }
0x2f: {  	lr =	sadd.s32 s0, s3;
	s0 =	sld [smem:$0x3FAC]  }
0x30: {  	s3 =	sld [smem:$0x3FAF]  }
0x31: {  	[smem:$0x3FB8] =	sst s10  }
0x32: {  	s10 =	sld [smem:$0x3FB6];
	_ =	sdelay $0x3  }
0x33: {  	p0 =	seq.s32 s10, $0x1;
	s10 =	sld [smem:$0x3FB8];
	_ =	sdelay $0x3  }
0x34: {  	[smem:$0x3FB8] =	sst s10  }
0x35: {  	s10 =	sld [smem:$0x3FB7];
	_ =	sdelay $0x3  }
0x36: {  	p1 =	seq.s32 s10, $0x1;
	s10 =	sld [smem:$0x3FB8];
	_ =	sdelay $0x3  }
0x37: {  	[smem:$0x3FB8] =	sst s10  }
0x38: {  	s10 =	sld [smem:$0x3FB9]  }
0x39: {  	_ = 	snop;
	(pc) =	sbr.ind lr, $3  }
0x3a: {  	_ = 	snop  }
0x3b: {  	_ = 	snop  }
0x3c: {  	p2 =	seq.s32 s10, $0x1;
	s10 =	sld [smem:$0x3FB8]  }
0x3d: {  	_ =	shalt  }
0x3e: {  	_ =	shalt  }
0x3f: {  	_ =	shalt  }
0x40: {  	_ =	shalt  }
0x41: {  	_ =	shalt  }
0x42: {  	_ =	shalt  }
0x43: {  	_ =	shalt  }
0x44: {  	_ =	shalt  }
0x45: {  	_ =	shalt  }
0x46: {  	_ =	shalt  }
0x47: {  	_ =	shalt  }
0x48: {  	_ =	shalt  }
0x49: {  	_ =	shalt  }
0x4a: {  	_ =	shalt  }
0x4b: {  	_ =	shalt  }
0x4c: {  	_ =	shalt  }
0x4d: {  	_ =	shalt  }
0x4e: {  	_ =	shalt  }
0x4f: {  	_ =	shalt  }
0x50: {  	_ =	shalt  }
0x51: {  	_ =	shalt  }
0x52: {  	_ =	shalt  }
0x53: {  	_ =	shalt  }
0x54: {  	_ =	shalt  }
0x55: {  	_ =	shalt  }
0x56: {  	_ =	shalt  }
0x57: {  	_ =	shalt  }
0x58: {  	_ =	shalt  }
0x59: {  	_ =	shalt  }
0x5a: {  	_ =	shalt  }
0x5b: {  	_ =	shalt  }
0x5c: {  	_ =	shalt  }
0x5d: {  	_ =	shalt  }
0x5e: {  	_ =	shalt  }
0x5f: {  	_ =	shalt  }
0x60: {  	_ =	shalt  }
0x61: {  	_ =	shalt  }
0x62: {  	_ =	shalt  }
0x63: {  	_ =	shalt  }
0x64: {  	_ =	shalt  }
0x65: {  	_ =	shalt  }
0x66: {  	_ =	shalt  }
0x67: {  	_ =	shalt  }
0x68: {  	_ =	shalt  }
0x69: {  	_ =	shalt  }
0x6a: {  	_ =	shalt  }
0x6b: {  	_ =	shalt  }
0x6c: {  	_ =	shalt  }
0x6d: {  	_ =	shalt  }
0x6e: {  	_ =	shalt  }
0x6f: {  	_ =	shalt  }
0x70: {  	_ =	shalt  }
0x71: {  	_ =	shalt  }
0x72: {  	_ =	shalt  }
0x73: {  	_ =	shalt  }
0x74: {  	_ =	shalt  }
0x75: {  	_ =	shalt  }
0x76: {  	_ =	shalt  }
0x77: {  	_ =	shalt  }
0x78: {  	_ =	shalt  }
0x79: {  	_ =	shalt  }
0x7a: {  	_ =	shalt  }
0x7b: {  	_ =	shalt  }
0x7c: {  	_ =	shalt  }
0x7d: {  	_ =	shalt  }
0x7e: {  	_ =	shalt  }
0x7f: {  	_ =	shalt  }
0x80: {  	_ =	shalt  }
0x81: {  	_ =	shalt  }
0x82: {  	_ =	shalt  }
0x83: {  	_ =	shalt  }
0x84: {  	_ =	shalt  }
0x85: {  	_ =	shalt  }
0x86: {  	_ =	shalt  }
0x87: {  	_ =	shalt  }
.Lfunc_end0:
.L_simem_size_0:
called_computation_lowered:
.L_overlay_start_0:
0x88: {  	s2 =	sld [smem:$0x3FD9]  }
0x89: {  	s3 =	sld [smem:$0x3FFE];
	_ =	sdelay $0x1  }
0x8a: {  	s1 =	srdreg.scid  }
0x8b: {  	s0 =	sand.u32 $0x1, s1  }
0x8c: {  	s17 =	sshll.u32 s0, $0xA;
	s2 =	sadd.s32 s3, s2  }
0x8d: {  	s2 =	sadd.s32 s2, s17  }
0x8e: {  	[smem:$0x3FC4] =	sst s2  }
0x8f: {  	_ = 	snop  }
0x90: {  	s2 =	sld [smem:$0x3FC9]  }
0x91: {  	s18 =	sld [smem:$0x3FD0];
	(tm) =	ssettm $0x1  }
0x92: {  	s4 =	sld [smem:$0x3FFB];
	_ =	sdelay $0x3  }
0x93: {  	_ =	strace s4  }
0x94: {  	s4 =	sld [smem:$0x3FFC];
	_ =	sdelay $0x3  }
0x95: {  	_ =	strace s4  }
0x96: {  	s4 =	sld [smem:$0x3FFD];
	_ =	sdelay $0x3  }
0x97: {  	_ =	strace s4  }
0x98: {  	_ =	strace $0x8FFFFFFF  }
0x99: {  	s19 =	sld [smem:$0x3FDB];
	_ =	sdelay $0x1  }
0x9a: {  	s5 =	simm.s32 $_scs_section_size  }
0x9b: {  	s6 =	simm.s32 $_size__tile_overlayer_lowered;
	s7 =	simm.s32 $_tile_overlayer_lowered  }
0x9c: {  	s22 =	simm.s32 $0x1BFF;
	s21 =	sshll.u32 s7, $0x1;
	s4 =	sadd.s32 s5, s19  }
0x9d: {  	s8 =	simm.s32 $0x0;
	s20 =	sshll.u32 s6, $0x1;
	s6 =	sadd.s32 s21, s4  }
0x9e: {  	[timem:s8], [sflag:s22] =	dma.local [hbm:s6], s20  }
0x9f: {  	_ =	swait.ge [sflag:s22], s20  }
0xa0: {  	s5 =	ssub.s32 $0x0, s20;
	[sflag:s22] =	ssyncset.done $0x0  }
0xa1: {  	[sflag:s22] =	ssyncadd.s32 s5;
	_ =	sdelay $0x1  }
0xa2: {  	s23 =	simm.s32 $0x1B8B  }
0xa3: {  	_ =	swait.ge [sflag:s23], $0x1  }
0xa4: {  	[sflag:s23] =	ssyncset.done $0x0  }
0xa5: {  	s25 =	simm.s32 $0x1B8E;
	s24 =	sld [smem:$0x3FFE];
	[sflag:s23] =	ssyncadd.s32 $0xFFFFFFFF  }
0xa6: {  	s26 =	simm.s32 $execute0_lowered;
	[smem:$0x3FD2] =	sst s25  }
0xa7: {  	s6 =	sshll.u32 s26, $0x1;
	_ =	strace $0x80000046;
	[dreg:$0x1] =	wrdreg $0xFFFFFFFF  }
0xa8: {  	s28 =	simm.s32 $_size_execute0_lowered;
	s4 =	sadd.s32 s4, s6;
	[dreg:$0x0] =	wrdreg $0x0  }
0xa9: {  	s6 =	sshll.u32 s28, $0x1;
	[dreg:$0x2] =	wrdreg s4  }
0xaa: {  	[dreg:$0x3] =	wrdreg s6  }
0xab: {  	[dreg:$0x4] =	wrdreg $0xC0  }
0xac: {  	_ =	task [dreg:s8], $0x5FFFF  }
0xad: {  	[dreg:$0x1] =	wrdreg $0xFFFFFFFF  }
0xae: {  	[dreg:$0x0] =	wrdreg $0x60  }
0xaf: {  	[dreg:$0x2] =	wrdreg s2  }
0xb0: {  	[dreg:$0x3] =	wrdreg s24  }
0xb1: {  	[dreg:$0x4] =	wrdreg s18  }
0xb2: {  	[dreg:$0x5] =	wrdreg $0x9  }
0xb3: {  	_ =	task.clear_ibuf [dreg:s8], $0x6FFFF;
	_ =	strace $0x90000046  }
0xb4: {  	s29 =	simm.s32 $0x9;
	_ =	strace $0x80000048  }
0xb5: {  	_ =	swait.ge [sflag:s29], $0x1  }
0xb6: {  	[sflag:s29] =	ssyncadd.s32 $0xFFFFFFFF  }
0xb7: {  	_ =	strace $0x90000048  }
0xb8: {  	_ =	sfence  }
0xb9: {  	s30 =	sld [smem:$0x0];
	_ =	sdelay $0x2  }
0xba: {  	s31 =	sshll.u32 s1, $0xD;
	s1 =	sshrl.u32 s1, $0x2  }
0xbb: {  	s3 =	sand.u32 $0x4000, s31;
	s1 =	sadd.s32 s1, s30  }
0xbc: {  	s0 =	sor.u32 s3, s0;
	s1 =	sshll.u32 s1, $0x11  }
0xbd: {  	s0 =	sor.u32 s1, s0  }
0xbe: {  	s0 =	sadd.s32 $0x8F2B, s0  }
0xbf: {  	[sflag:s0] =	ssyncadd.remote.s32 $0x1  }
0xc0: {  	_ =	sfence.sel $0xFFFF  }
0xc1: {  	[dreg:$0x0] =	wrdreg $0xFFFFFFFF;
	(pc) =	sbr.abs _section_cstart, $3  }
0xc2: {  	[dreg:$0x1] =	wrdreg $0xFFFFFFFF  }
0xc3: {  	_ =	task.clear_ibuf [dreg:s8], $0x2FFFF;
	_ =	strace $0x9FFFFFFF  }
0xc4: {  	(tm) =	ssettm $0x7FFFFFFF  }
0xc5: {  	_ =	shalt  }
tec
execute0_lowered:
.L_overlay_start_1:
0x0: {  	(tag) =	ssettag $0x1  }
0x1: {  	s1 =	srdreg.scid  }
0x2: {  	s0 =	stileid.u32;
	s2 =	rddreg [dreg:$0x0]  }
0x3: {  	s8 =	rddreg [dreg:$0x1];
	s7 =	sand.u32 $0x1, s1;
	s9 =	sshll.u32 s0, $0x1  }
0x4: {  	s4 =	rddreg [dreg:$0x2];
	s1 =	sor.u32 s7, s9  }
0x5: {  	v33 =	vlaneseq.u32;
	s5 =	simm.s32 $0x0;
	[dreg:$0x5] =	wrdreg s4;
	s3 =	sshll.u32 s1, $0x5  }
0x6: {  	[smem:$0x7FF] =	sst s5;
	s11 =	sadd.s32 $0x200, s8;
	s12 =	sadd.s32 $0x600, s8;
	v0 =	vor.u32 s3, v33  }
0x7: {  	s14 =	sadd.s32 $0x400, s8;
	s4 =	sor.u32 $0x20, s1;
	v2 =	vmov s3;
	s6 =	sor.u32 $0x10, s3;
	v0 =	vand.u32 $0x6F, v0  }
0x8: {  	s16 =	sadd.s32 $0xA00, s8;
	s3 =	rddreg [dreg:$0x3];
	s10 =	sshll.u32 s4, $0x5;
	v1 =	vshrl.u32 v2, $0x8;
	v2 =	vshll.u32 v2, $0x4;
	v3 =	vor.u32 s6, v33  }
0x9: {  	s9 =	sadd.s32 $0x800, s8;
	_ =	strace $0x80000047;
	[dreg:$0x6] =	wrdreg s11;
	v5 =	vmov s6;
	v6 =	vor.u32 s10, v33;
	v8 =	vmov s10  }
0xa: {  	[dreg:$0x7] =	wrdreg s12;
	s11 =	ssub.s32 $0x2, s7;
	s7 =	sor.u32 $0x60, s1;
	v2 =	vand.u32 $0x800, v2;
	v3 =	vand.u32 $0x7F, v3;
	v4 =	vshrl.u32 v5, $0x8  }
0xb: {  	s12 =	sadd.s32 $0xC00, s8;
	s8 =	sor.u32 $0x80, s1;
	s10 =	sor.u32 $0x10, s10;
	v5 =	vshll.u32 v5, $0x4;
	v6 =	vand.u32 $0x6F, v6;
	v7 =	vshrl.u32 v8, $0x8  }
0xc: {  	s18 =	sshll.u32 s7, $0x5;
	s20 =	sshll.u32 s8, $0x5;
	v8 =	vshll.u32 v8, $0x4;
	v9 =	vor.u32 s10, v33;
	v11 =	vmov s10  }
0xd: {  	v18 =	vor.u32 s18, v33;
	v20 =	vmov s18;
	v24 =	vor.u32 s20, v33  }
0xe: {  	s6 =	sor.u32 $0x40, s1;
	v26 =	vmov s20;
	v5 =	vand.u32 $0x800, v5;
	v8 =	vand.u32 $0x800, v8  }
0xf: {  	s13 =	sshll.u32 s6, $0x5;
	v9 =	vand.u32 $0x7F, v9;
	v10 =	vshrl.u32 v11, $0x8;
	v11 =	vshll.u32 v11, $0x4  }
0x10: {  	s19 =	sor.u32 $0x10, s18;
	v12 =	vor.u32 s13, v33;
	v14 =	vmov s13;
	v18 =	vand.u32 $0x6F, v18  }
0x11: {  	[dreg:$0x4] =	wrdreg s9;
	v19 =	vshrl.u32 v20, $0x8;
	v20 =	vshll.u32 v20, $0x4;
	v21 =	vor.u32 s19, v33  }
0x12: {  	s31 =	simm.s32 $0x880;
	[dreg:$0x8] =	wrdreg s14;
	s14 =	sor.u32 $0x10, s20;
	v23 =	vmov s19;
	v24 =	vand.u32 $0x6F, v24;
	v25 =	vshrl.u32 v26, $0x8  }
0x13: {  	[dreg:$0x9] =	wrdreg s16;
	s9 =	sor.u32 $0xA0, s1;
	s16 =	sshll.u32 s1, $0xC;
	v26 =	vshll.u32 v26, $0x4;
	v27 =	vor.u32 s14, v33;
	v29 =	vmov s14  }
0x14: {  	s22 =	sshll.u32 s4, $0xC;
	[dreg:$0x10] =	wrdreg s31;
	s15 =	sor.u32 $0x10, s13;
	v11 =	vand.u32 $0x800, v11;
	v12 =	vand.u32 $0x6F, v12;
	v13 =	vshrl.u32 v14, $0x8  }
0x15: {  	s17 =	sshrl.u32 s11, $0x1;
	s21 =	sadd.s32 s12, s16;
	s23 =	sadd.s32 s12, s22;
	v14 =	vshll.u32 v14, $0x4;
	v15 =	vor.u32 s15, v33;
	v17 =	vmov s15  }
0x16: {  	s26 =	sshll.u32 s7, $0xC;
	s29 =	sshll.u32 s8, $0xC;
	s30 =	sshll.u32 s9, $0xC;
	v20 =	vand.u32 $0x800, v20;
	v21 =	vand.u32 $0x7F, v21;
	v22 =	vshrl.u32 v23, $0x8  }
0x17: {  	s16 =	simm.s32 $0x900;
	[dreg:$0xa] =	wrdreg s21;
	s24 =	sshll.u32 s6, $0xC;
	v23 =	vshll.u32 v23, $0x4;
	v26 =	vand.u32 $0x800, v26;
	v27 =	vand.u32 $0x7F, v27  }
0x18: {  	[dreg:$0xb] =	wrdreg s23;
	s28 =	sadd.s32 s12, s26;
	s10 =	sadd.s32 $0x100, s2;
	v28 =	vshrl.u32 v29, $0x8;
	v29 =	vshll.u32 v29, $0x4;
	v14 =	vand.u32 $0x800, v14  }
0x19: {  	s18 =	simm.s32 $0xA00;
	[dreg:$0xd] =	wrdreg s28;
	s15 =	sshll.u32 s9, $0x5;
	v15 =	vand.u32 $0x7F, v15;
	v16 =	vshrl.u32 v17, $0x8;
	v17 =	vshll.u32 v17, $0x4  }
0x1a: {  	s13 =	ssub.s32 s11, s17;
	s25 =	sadd.s32 s12, s24;
	[dreg:$0x11] =	wrdreg s18;
	v23 =	vand.u32 $0x800, v23;
	v30 =	vor.u32 s15, v33;
	v29 =	vand.u32 $0x800, v29  }
0x1b: {  	s11 =	sadd.s32 s12, s29;
	[dreg:$0xc] =	wrdreg s25;
	s17 =	sor.u32 $0x10, s15;
	v32 =	vmov s15;
	v17 =	vand.u32 $0x800, v17;
	v30 =	vand.u32 $0x6F, v30  }
0x1c: {  	s14 =	sadd.s32 s12, s30;
	s12 =	sadd.s32 $0x300, s2;
	[dreg:$0xe] =	wrdreg s11;
	v31 =	vshrl.u32 v32, $0x8;
	v32 =	vshll.u32 v32, $0x4;
	v34 =	vmov s17  }
0x1d: {  	s11 =	sadd.s32 $0x200, s2;
	[dreg:$0xf] =	wrdreg s14;
	s13 =	smax.u32 s13, $0x1;
	v33 =	vor.u32 s17, v33;
	v32 =	vand.u32 $0x800, v32;
	v35 =	vshll.u32 v34, $0x4  }
0x1e: {  	s14 =	simm.s32 $0x3;
	s15 =	simm.s32 $0x800;
	s17 =	simm.s32 $0x980;
	v33 =	vand.u32 $0x7F, v33;
	v34 =	vshrl.u32 v34, $0x8;
	v35 =	vand.u32 $0x800, v35  }
.LBB2_1:
0x1f: {  	s18 =	rddreg [dreg:$0x4]  }
0x20: {  	[tilespmem:s5], [sflag:$0x3] =	stream.linear.gather [hbm4b:s18+s5], $0x800, $0x38;
	[tilespmem:$0x18E80] =	vst v63  }
0x21: {  	_ =	swait.ge [sflag:s14], $0x800  }
0x22: {  	[sflag:s14] =	ssyncset.done $0x0  }
0x23: {  	s24 =	rddreg [dreg:$0x5];
	[sflag:s14] =	ssyncadd.s32 $0xFFFFF800  }
0x24: {  	[tilespmem:s15], [sflag:$0x3] =	stream.linear.gather [hbm4b:s24+s5], $0x80, $0x38;
	[tilespmem:$0x18E80] =	vst v63  }
0x25: {  	_ =	swait.ge [sflag:s14], $0x80  }
0x26: {  	s25 =	rddreg [dreg:$0x6];
	[sflag:s14] =	ssyncset.done $0x0  }
0x27: {  	s19 =	rddreg [dreg:$0x10];
	[sflag:s14] =	ssyncadd.s32 $0xFFFFFF80  }
0x28: {  	[tilespmem:s19], [sflag:$0x3] =	stream.linear.gather [hbm4b:s25+s5], $0x80, $0x38;
	[tilespmem:$0x18E80] =	vst v63  }
0x29: {  	_ =	swait.ge [sflag:s14], $0x80  }
0x2a: {  	[sflag:s14] =	ssyncset.done $0x0  }
0x2b: {  	s26 =	rddreg [dreg:$0x7];
	[sflag:s14] =	ssyncadd.s32 $0xFFFFFF80  }
0x2c: {  	[tilespmem:s16], [sflag:$0x3] =	stream.linear.gather [hbm4b:s26+s5], $0x80, $0x38;
	[tilespmem:$0x18E80] =	vst v63  }
0x2d: {  	_ =	swait.ge [sflag:s14], $0x80  }
0x2e: {  	[sflag:s14] =	ssyncset.done $0x0  }
0x2f: {  	s28 =	rddreg [dreg:$0x8];
	[sflag:s14] =	ssyncadd.s32 $0xFFFFFF80  }
0x30: {  	[tilespmem:s17], [sflag:$0x3] =	stream.linear.gather [hbm4b:s28+s5], $0x80, $0x38;
	[tilespmem:$0x18E80] =	vst v63  }
0x31: {  	_ =	swait.ge [sflag:s14], $0x80  }
0x32: {  	s29 =	rddreg [dreg:$0x9];
	[sflag:s14] =	ssyncset.done $0x0  }
0x33: {  	s30 =	rddreg [dreg:$0x11];
	[sflag:s14] =	ssyncadd.s32 $0xFFFFFF80  }
0x34: {  	[tilespmem:s30], [sflag:$0x3] =	stream.linear.gather [hbm4b:s29+s5], $0x80, $0x38;
	[tilespmem:$0x18E80] =	vst v63  }
0x35: {  	_ =	swait.ge [sflag:s14], $0x80  }
0x36: {  	[sflag:s14] =	ssyncset.done $0x0  }
0x37: {  	[sflag:s14] =	ssyncadd.s32 $0xFFFFFF80  }
0x38: {  	v36 =	vld.idx.msk [tilespmem:v1+s15+$0x0], $0xffff;
	_ =	sdelay $0x7  }
0x39: {  	v37 =	vld.idx.msk [tilespmem:v36+s17+$0x0], $0xffff  }
0x3a: {  	v36 =	vld.idx.msk [tilespmem:v36+s16+$0x0], $0xffff;
	_ =	sdelay $0x3  }
0x3b: {  	v37 =	vsub.s32 v1, v37  }
0x3c: {  	v36 =	vadd.s32 v0, v36;
	v37 =	vshll.u32 v37, $0x7  }
0x3d: {  	v36 =	vadd.s32 v37, v36  }
0x3e: {  	vm0 =	vlt.s32 v36, $0x7FF  }
0x3f: {  	v36 =	vnsel vm0, $0x7FF, v36;
	_ =	sdelay $0x4  }
0x40: {  	v36 =	vld.idx.msk [tilespmem:v36+s5+$0x0], $0xffff;
	_ =	sdelay $0x4  }
0x41: {  	v37 =	vadd.s32 v2, v36  }
0x42: {  	[tilespmem:$0xA80] =	vst v37  }
0x43: {  	v38 =	vld.idx.msk [tilespmem:v4+s15+$0x0], $0xffff;
	_ =	sdelay $0x7  }
0x44: {  	v39 =	vld.idx.msk [tilespmem:v38+s17+$0x0], $0xffff  }
0x45: {  	v38 =	vld.idx.msk [tilespmem:v38+s16+$0x0], $0xffff;
	_ =	sdelay $0x3  }
0x46: {  	v39 =	vsub.s32 v4, v39  }
0x47: {  	v38 =	vadd.s32 v3, v38;
	v39 =	vshll.u32 v39, $0x7  }
0x48: {  	v38 =	vadd.s32 v39, v38  }
0x49: {  	vm5 =	vlt.s32 v38, $0x7FF  }
0x4a: {  	v38 =	vnsel vm5, $0x7FF, v38;
	_ =	sdelay $0x4  }
0x4b: {  	v38 =	vld.idx.msk [tilespmem:v38+s5+$0x0], $0xffff;
	_ =	sdelay $0x4  }
0x4c: {  	v38 =	vadd.s32 v5, v38  }
0x4d: {  	[tilespmem:$0xA90] =	vst v38  }
0x4e: {  	v38 =	vld.idx.msk [tilespmem:v7+s15+$0x0], $0xffff;
	_ =	sdelay $0x7  }
0x4f: {  	v51 =	vld.idx.msk [tilespmem:v38+s17+$0x0], $0xffff  }
0x50: {  	v38 =	vld.idx.msk [tilespmem:v38+s16+$0x0], $0xffff;
	_ =	sdelay $0x3  }
0x51: {  	v39 =	vsub.s32 v7, v51  }
0x52: {  	v38 =	vadd.s32 v6, v38;
	v39 =	vshll.u32 v39, $0x7  }
0x53: {  	v38 =	vadd.s32 v39, v38  }
0x54: {  	vm6 =	vlt.s32 v38, $0x7FF  }
0x55: {  	v38 =	vnsel vm6, $0x7FF, v38;
	_ =	sdelay $0x4  }
0x56: {  	v38 =	vld.idx.msk [tilespmem:v38+s5+$0x0], $0xffff;
	_ =	sdelay $0x4  }
0x57: {  	v38 =	vadd.s32 v8, v38  }
0x58: {  	[tilespmem:$0xB00] =	vst v38  }
0x59: {  	v38 =	vld.idx.msk [tilespmem:v10+s15+$0x0], $0xffff;
	_ =	sdelay $0x7  }
0x5a: {  	v52 =	vld.idx.msk [tilespmem:v38+s17+$0x0], $0xffff  }
0x5b: {  	v38 =	vld.idx.msk [tilespmem:v38+s16+$0x0], $0xffff;
	_ =	sdelay $0x3  }
0x5c: {  	v39 =	vsub.s32 v10, v52  }
0x5d: {  	v38 =	vadd.s32 v9, v38;
	v39 =	vshll.u32 v39, $0x7  }
0x5e: {  	v38 =	vadd.s32 v39, v38  }
0x5f: {  	vm7 =	vlt.s32 v38, $0x7FF  }
0x60: {  	v38 =	vnsel vm7, $0x7FF, v38;
	_ =	sdelay $0x4  }
0x61: {  	v38 =	vld.idx.msk [tilespmem:v38+s5+$0x0], $0xffff;
	_ =	sdelay $0x4  }
0x62: {  	v38 =	vadd.s32 v11, v38  }
0x63: {  	[tilespmem:$0xB10] =	vst v38  }
0x64: {  	v38 =	vld.idx.msk [tilespmem:v13+s15+$0x0], $0xffff;
	_ =	sdelay $0x7  }
0x65: {  	v53 =	vld.idx.msk [tilespmem:v38+s17+$0x0], $0xffff  }
0x66: {  	v38 =	vld.idx.msk [tilespmem:v38+s16+$0x0], $0xffff;
	_ =	sdelay $0x3  }
0x67: {  	v39 =	vsub.s32 v13, v53  }
0x68: {  	v38 =	vadd.s32 v12, v38;
	v39 =	vshll.u32 v39, $0x7  }
0x69: {  	v38 =	vadd.s32 v39, v38  }
0x6a: {  	vm8 =	vlt.s32 v38, $0x7FF  }
0x6b: {  	v38 =	vnsel vm8, $0x7FF, v38;
	_ =	sdelay $0x4  }
0x6c: {  	v38 =	vld.idx.msk [tilespmem:v38+s5+$0x0], $0xffff;
	_ =	sdelay $0x4  }
0x6d: {  	v38 =	vadd.s32 v14, v38  }
0x6e: {  	[tilespmem:$0xB80] =	vst v38  }
0x6f: {  	v38 =	vld.idx.msk [tilespmem:v16+s15+$0x0], $0xffff;
	_ =	sdelay $0x7  }
0x70: {  	v54 =	vld.idx.msk [tilespmem:v38+s17+$0x0], $0xffff  }
0x71: {  	v38 =	vld.idx.msk [tilespmem:v38+s16+$0x0], $0xffff;
	_ =	sdelay $0x3  }
0x72: {  	v39 =	vsub.s32 v16, v54  }
0x73: {  	v38 =	vadd.s32 v15, v38;
	v39 =	vshll.u32 v39, $0x7  }
0x74: {  	v38 =	vadd.s32 v39, v38  }
0x75: {  	vm9 =	vlt.s32 v38, $0x7FF  }
0x76: {  	v38 =	vnsel vm9, $0x7FF, v38;
	_ =	sdelay $0x4  }
0x77: {  	v38 =	vld.idx.msk [tilespmem:v38+s5+$0x0], $0xffff;
	_ =	sdelay $0x4  }
0x78: {  	v38 =	vadd.s32 v17, v38  }
0x79: {  	[tilespmem:$0xB90] =	vst v38  }
0x7a: {  	v38 =	vld.idx.msk [tilespmem:v19+s15+$0x0], $0xffff;
	_ =	sdelay $0x7  }
0x7b: {  	v55 =	vld.idx.msk [tilespmem:v38+s17+$0x0], $0xffff  }
0x7c: {  	v38 =	vld.idx.msk [tilespmem:v38+s16+$0x0], $0xffff;
	_ =	sdelay $0x3  }
0x7d: {  	v39 =	vsub.s32 v19, v55  }
0x7e: {  	v38 =	vadd.s32 v18, v38;
	v39 =	vshll.u32 v39, $0x7  }
0x7f: {  	v38 =	vadd.s32 v39, v38  }
0x80: {  	vm10 =	vlt.s32 v38, $0x7FF  }
0x81: {  	v38 =	vnsel vm10, $0x7FF, v38;
	_ =	sdelay $0x4  }
0x82: {  	v38 =	vld.idx.msk [tilespmem:v38+s5+$0x0], $0xffff;
	_ =	sdelay $0x4  }
0x83: {  	v38 =	vadd.s32 v20, v38  }
0x84: {  	[tilespmem:$0xC00] =	vst v38  }
0x85: {  	v38 =	vld.idx.msk [tilespmem:v22+s15+$0x0], $0xffff;
	_ =	sdelay $0x7  }
0x86: {  	v56 =	vld.idx.msk [tilespmem:v38+s17+$0x0], $0xffff  }
0x87: {  	v38 =	vld.idx.msk [tilespmem:v38+s16+$0x0], $0xffff;
	_ =	sdelay $0x3  }
0x88: {  	v39 =	vsub.s32 v22, v56  }
0x89: {  	v38 =	vadd.s32 v21, v38;
	v39 =	vshll.u32 v39, $0x7  }
0x8a: {  	v38 =	vadd.s32 v39, v38  }
0x8b: {  	vm11 =	vlt.s32 v38, $0x7FF  }
0x8c: {  	v38 =	vnsel vm11, $0x7FF, v38;
	_ =	sdelay $0x4  }
0x8d: {  	v38 =	vld.idx.msk [tilespmem:v38+s5+$0x0], $0xffff;
	_ =	sdelay $0x4  }
0x8e: {  	v38 =	vadd.s32 v23, v38  }
0x8f: {  	[tilespmem:$0xC10] =	vst v38  }
0x90: {  	v38 =	vld.idx.msk [tilespmem:v25+s15+$0x0], $0xffff;
	_ =	sdelay $0x7  }
0x91: {  	v57 =	vld.idx.msk [tilespmem:v38+s17+$0x0], $0xffff  }
0x92: {  	v38 =	vld.idx.msk [tilespmem:v38+s16+$0x0], $0xffff;
	_ =	sdelay $0x3  }
0x93: {  	v39 =	vsub.s32 v25, v57  }
0x94: {  	v38 =	vadd.s32 v24, v38;
	v39 =	vshll.u32 v39, $0x7  }
0x95: {  	v38 =	vadd.s32 v39, v38  }
0x96: {  	vm12 =	vlt.s32 v38, $0x7FF  }
0x97: {  	v38 =	vnsel vm12, $0x7FF, v38;
	_ =	sdelay $0x4  }
0x98: {  	v38 =	vld.idx.msk [tilespmem:v38+s5+$0x0], $0xffff;
	_ =	sdelay $0x4  }
0x99: {  	v38 =	vadd.s32 v26, v38  }
0x9a: {  	[tilespmem:$0xC80] =	vst v38  }
0x9b: {  	v38 =	vld.idx.msk [tilespmem:v28+s15+$0x0], $0xffff;
	_ =	sdelay $0x7  }
0x9c: {  	v58 =	vld.idx.msk [tilespmem:v38+s17+$0x0], $0xffff  }
0x9d: {  	v38 =	vld.idx.msk [tilespmem:v38+s16+$0x0], $0xffff;
	_ =	sdelay $0x3  }
0x9e: {  	v39 =	vsub.s32 v28, v58  }
0x9f: {  	v38 =	vadd.s32 v27, v38;
	v39 =	vshll.u32 v39, $0x7  }
0xa0: {  	v38 =	vadd.s32 v39, v38  }
0xa1: {  	vm13 =	vlt.s32 v38, $0x7FF  }
0xa2: {  	v38 =	vnsel vm13, $0x7FF, v38;
	_ =	sdelay $0x4  }
0xa3: {  	v38 =	vld.idx.msk [tilespmem:v38+s5+$0x0], $0xffff;
	_ =	sdelay $0x4  }
0xa4: {  	v38 =	vadd.s32 v29, v38  }
0xa5: {  	[tilespmem:$0xC90] =	vst v38  }
0xa6: {  	v38 =	vld.idx.msk [tilespmem:v31+s15+$0x0], $0xffff;
	_ =	sdelay $0x7  }
0xa7: {  	v59 =	vld.idx.msk [tilespmem:v38+s17+$0x0], $0xffff  }
0xa8: {  	v38 =	vld.idx.msk [tilespmem:v38+s16+$0x0], $0xffff;
	_ =	sdelay $0x3  }
0xa9: {  	v39 =	vsub.s32 v31, v59  }
0xaa: {  	v38 =	vadd.s32 v30, v38;
	v39 =	vshll.u32 v39, $0x7  }
0xab: {  	v38 =	vadd.s32 v39, v38  }
0xac: {  	vm14 =	vlt.s32 v38, $0x7FF  }
0xad: {  	v60 =	vld [tilespmem:$0xA00];
	v38 =	vnsel vm14, $0x7FF, v38;
	_ =	sdelay $0x4  }
0xae: {  	v39 =	vxor.u32 $0x80000000, v60;
	v38 =	vld.idx.msk [tilespmem:v38+s5+$0x0], $0xffff  }
0xaf: {  	(xrf0) =	vmax.scan.msk.u32 $0xffff, v39;
	_ =	sdelay $0x3  }
0xb0: {  	v38 =	vadd.s32 v32, v38  }
0xb1: {  	[tilespmem:$0xD00] =	vst v38  }
0xb2: {  	v61, _, _ =	vpop (xrf0);
	v62 =	vld.idx.msk [tilespmem:v34+s15+$0x0], $0xffff  }
0xb3: {  	(v2sf) =	vpush v61, $0xF;
	_ =	sdelay $0x6  }
0xb4: {  	v63 =	vld.idx.msk [tilespmem:v62+s17+$0x0], $0xffff  }
0xb5: {  	v39 =	vld.idx.msk [tilespmem:v62+s16+$0x0], $0xffff;
	_ =	sdelay $0x3  }
0xb6: {  	v38 =	vsub.s32 v34, v63  }
0xb7: {  	v39 =	vadd.s32 v33, v39;
	v38 =	vshll.u32 v38, $0x7  }
0xb8: {  	v38 =	vadd.s32 v38, v39  }
0xb9: {  	s31 =	spop (v2sf);
	vm15 =	vlt.s32 v38, $0x7FF  }
0xba: {  	s18 =	sxor.u32 $0x80000000, s31;
	v38 =	vnsel vm15, $0x7FF, v38  }
0xbb: {  	p2 =	sge.s32 s1, s18  }
0xbc: {  	v37 =	vshll.u32 @!p2 v37, $0x3  }
0xbd: {  	v36 =	vand.u32 @!p2 $0x7, v36;
	v37 =	vand.u32 @!p2 $0xFFFFFFC0, v37;
	v39 =	vlaneseq.u32 @!p2  }
0xbe: {  	v36 =	vor.u32 @!p2 v36, v37;
	v37 =	vand.u32 @!p2 $0x7, v39;
	v40 =	vshrl.u32 @!p2 v39, $0x3  }
0xbf: {  	v41 =	vperm.xlane @!p2 v36, v37;
	v40 =	vmul.u32 @!p2 $0x8, v40;
	v38 =	vld.idx.msk [tilespmem:v38+s5+$0x0], $0xffff;
	_ =	sdelay $0x1  }
0xc0: {  	v41 =	vadd.s32 @!p2 v40, v41;
	_ =	sdelay $0x2  }
0xc1: {  	v38 =	vadd.s32 v35, v38  }
0xc2: {  	vm0 =	vmmov @!p2 $0xffff;
	s19 =	simm.s32 @!p2 $0x0;
	s21 =	simm.s32 @!p2 $0xE80;
	[tilespmem:$0xD10] =	vst v38  }
0xc3: {  	v38 =	vor.u32 @!p2 $0x8, v39;
	[tilespmem:s21], [sflag:$0x1] =	stream.indirect_vreg.gather @!p2 [hbm4b:s2+s19], $0x80, v41, vm0, $0xb8;
	[tilespmem:$0x18E80] =	vst v63  }
0xc4: {  	s20 =	simm.s32 @!p2 $0x1680;
	v36 =	vperm.xlane @!p2 v36, v38  }
0xc5: {  	[tilespmem:s20], [sflag:$0x1] =	stream.indirect_vreg.gather @!p2 [hbm4b:s10+s19], $0x80, v41, vm0, $0xb8;
	[tilespmem:$0x18E80] =	vst v63  }
0xc6: {  	s20 =	simm.s32 @!p2 $0x1E80;
	v36 =	vadd.s32 @!p2 v40, v36  }
0xc7: {  	[tilespmem:s20], [sflag:$0x1] =	stream.indirect_vreg.gather @!p2 [hbm4b:s11+s19], $0x80, v41, vm0, $0xb8;
	[tilespmem:$0x18E80] =	vst v63  }
0xc8: {  	s20 =	simm.s32 @!p2 $0x2680  }
0xc9: {  	[tilespmem:s20], [sflag:$0x1] =	stream.indirect_vreg.gather @!p2 [hbm4b:s12+s19], $0x80, v41, vm0, $0xb8;
	[tilespmem:$0x18E80] =	vst v63  }
0xca: {  	s20 =	simm.s32 @!p2 $0x2E80  }
0xcb: {  	[tilespmem:s20], [sflag:$0x1] =	stream.indirect_vreg.gather @!p2 [hbm4b:s2+s19], $0x80, v36, vm0, $0xb8;
	[tilespmem:$0x18E80] =	vst v63  }
0xcc: {  	s20 =	simm.s32 @!p2 $0x3680  }
0xcd: {  	[tilespmem:s20], [sflag:$0x1] =	stream.indirect_vreg.gather @!p2 [hbm4b:s10+s19], $0x80, v36, vm0, $0xb8;
	[tilespmem:$0x18E80] =	vst v63  }
0xce: {  	s20 =	simm.s32 @!p2 $0x3E80  }
0xcf: {  	[tilespmem:s20], [sflag:$0x1] =	stream.indirect_vreg.gather @!p2 [hbm4b:s11+s19], $0x80, v36, vm0, $0xb8;
	[tilespmem:$0x18E80] =	vst v63  }
0xd0: {  	s20 =	simm.s32 @!p2 $0x4680  }
0xd1: {  	[tilespmem:s20], [sflag:$0x1] =	stream.indirect_vreg.gather @!p2 [hbm4b:s12+s19], $0x80, v36, vm0, $0xb8;
	[tilespmem:$0x18E80] =	vst v63  }
0xd2: {  	v36 =	vld @!p2 [tilespmem:$0xA90];
	_ =	sdelay $0x4  }
0xd3: {  	v39 =	vshll.u32 @!p2 v36, $0x3  }
0xd4: {  	v36 =	vand.u32 @!p2 $0x7, v36;
	v39 =	vand.u32 @!p2 $0xFFFFFFC0, v39  }
0xd5: {  	v36 =	vor.u32 @!p2 v36, v39  }
0xd6: {  	v37 =	vperm.xlane @!p2 v36, v37;
	_ =	sdelay $0x1  }
0xd7: {  	v37 =	vadd.s32 @!p2 v40, v37;
	_ =	sdelay $0x3  }
0xd8: {  	s20 =	simm.s32 @!p2 $0x4E80  }
0xd9: {  	[tilespmem:s20], [sflag:$0x1] =	stream.indirect_vreg.gather @!p2 [hbm4b:s2+s19], $0x80, v37, vm0, $0xb8;
	[tilespmem:$0x18E80] =	vst v63  }
0xda: {  	v36 =	vperm.xlane @!p2 v36, v38;
	s20 =	simm.s32 @!p2 $0x5680  }
0xdb: {  	[tilespmem:s20], [sflag:$0x1] =	stream.indirect_vreg.gather @!p2 [hbm4b:s10+s19], $0x80, v37, vm0, $0xb8;
	[tilespmem:$0x18E80] =	vst v63  }
0xdc: {  	v36 =	vadd.s32 @!p2 v40, v36;
	s20 =	simm.s32 @!p2 $0x5E80  }
0xdd: {  	[tilespmem:s20], [sflag:$0x1] =	stream.indirect_vreg.gather @!p2 [hbm4b:s11+s19], $0x80, v37, vm0, $0xb8;
	[tilespmem:$0x18E80] =	vst v63  }
0xde: {  	s20 =	simm.s32 @!p2 $0x6680  }
0xdf: {  	[tilespmem:s20], [sflag:$0x1] =	stream.indirect_vreg.gather @!p2 [hbm4b:s12+s19], $0x80, v37, vm0, $0xb8;
	[tilespmem:$0x18E80] =	vst v63  }
0xe0: {  	s20 =	simm.s32 @!p2 $0x6E80  }
0xe1: {  	[tilespmem:s20], [sflag:$0x1] =	stream.indirect_vreg.gather @!p2 [hbm4b:s2+s19], $0x80, v36, vm0, $0xb8;
	[tilespmem:$0x18E80] =	vst v63  }
0xe2: {  	s20 =	simm.s32 @!p2 $0x7680  }
0xe3: {  	[tilespmem:s20], [sflag:$0x1] =	stream.indirect_vreg.gather @!p2 [hbm4b:s10+s19], $0x80, v36, vm0, $0xb8;
	[tilespmem:$0x18E80] =	vst v63  }
0xe4: {  	s20 =	simm.s32 @!p2 $0x7E80  }
0xe5: {  	[tilespmem:s20], [sflag:$0x1] =	stream.indirect_vreg.gather @!p2 [hbm4b:s11+s19], $0x80, v36, vm0, $0xb8;
	[tilespmem:$0x18E80] =	vst v63  }
0xe6: {  	p1 =	sge.s32 s4, s18;
	s20 =	simm.s32 @!p2 $0x8680  }
0xe7: {  	[tilespmem:s20], [sflag:$0x1] =	stream.indirect_vreg.gather @!p2 [hbm4b:s12+s19], $0x80, v36, vm0, $0xb8;
	[tilespmem:$0x18E80] =	vst v63  }
0xe8: {  	v36 =	vld @!p1 [tilespmem:$0xB00];
	_ =	sdelay $0x4  }
0xe9: {  	v37 =	vshll.u32 @!p1 v36, $0x3  }
0xea: {  	v38 =	vlaneseq.u32 @!p1;
	v36 =	vand.u32 @!p1 $0x7, v36;
	v37 =	vand.u32 @!p1 $0xFFFFFFC0, v37  }
0xeb: {  	v39 =	vshrl.u32 @!p1 v38, $0x3;
	v36 =	vor.u32 @!p1 v36, v37;
	v37 =	vand.u32 @!p1 $0x7, v38  }
0xec: {  	v39 =	vmul.u32 @!p1 $0x8, v39;
	v40 =	vperm.xlane @!p1 v36, v37;
	_ =	sdelay $0x1  }
0xed: {  	v40 =	vadd.s32 @!p1 v39, v40;
	_ =	sdelay $0x3  }
0xee: {  	s22 =	simm.s32 @!p1 $0x8E80;
	vm0 =	vmmov @!p1 $0xffff;
	s20 =	simm.s32 @!p1 $0x0  }
0xef: {  	v38 =	vor.u32 @!p1 $0x8, v38;
	[tilespmem:s22], [sflag:$0x1] =	stream.indirect_vreg.gather @!p1 [hbm4b:s2+s20], $0x80, v40, vm0, $0xb8;
	[tilespmem:$0x18E80] =	vst v63  }
0xf0: {  	s23 =	simm.s32 @!p1 $0x9680;
	v36 =	vperm.xlane @!p1 v36, v38  }
0xf1: {  	[tilespmem:s23], [sflag:$0x1] =	stream.indirect_vreg.gather @!p1 [hbm4b:s10+s20], $0x80, v40, vm0, $0xb8;
	[tilespmem:$0x18E80] =	vst v63  }
0xf2: {  	v36 =	vadd.s32 @!p1 v39, v36;
	s23 =	simm.s32 @!p1 $0x9E80  }
0xf3: {  	[tilespmem:s23], [sflag:$0x1] =	stream.indirect_vreg.gather @!p1 [hbm4b:s11+s20], $0x80, v40, vm0, $0xb8;
	[tilespmem:$0x18E80] =	vst v63  }
0xf4: {  	s23 =	simm.s32 @!p1 $0xA680  }
0xf5: {  	[tilespmem:s23], [sflag:$0x1] =	stream.indirect_vreg.gather @!p1 [hbm4b:s12+s20], $0x80, v40, vm0, $0xb8;
	[tilespmem:$0x18E80] =	vst v63  }
0xf6: {  	s23 =	simm.s32 @!p1 $0xAE80  }
0xf7: {  	[tilespmem:s23], [sflag:$0x1] =	stream.indirect_vreg.gather @!p1 [hbm4b:s2+s20], $0x80, v36, vm0, $0xb8;
	[tilespmem:$0x18E80] =	vst v63  }
0xf8: {  	s23 =	simm.s32 @!p1 $0xB680  }
0xf9: {  	[tilespmem:s23], [sflag:$0x1] =	stream.indirect_vreg.gather @!p1 [hbm4b:s10+s20], $0x80, v36, vm0, $0xb8;
	[tilespmem:$0x18E80] =	vst v63  }
0xfa: {  	s23 =	simm.s32 @!p1 $0xBE80  }
0xfb: {  	[tilespmem:s23], [sflag:$0x1] =	stream.indirect_vreg.gather @!p1 [hbm4b:s11+s20], $0x80, v36, vm0, $0xb8;
	[tilespmem:$0x18E80] =	vst v63  }
0xfc: {  	s23 =	simm.s32 @!p1 $0xC680  }
0xfd: {  	[tilespmem:s23], [sflag:$0x1] =	stream.indirect_vreg.gather @!p1 [hbm4b:s12+s20], $0x80, v36, vm0, $0xb8;
	[tilespmem:$0x18E80] =	vst v63  }
0xfe: {  	v36 =	vld @!p1 [tilespmem:$0xB10];
	_ =	sdelay $0x4  }
0xff: {  	v40 =	vshll.u32 @!p1 v36, $0x3  }
0x100: {  	v36 =	vand.u32 @!p1 $0x7, v36;
	v40 =	vand.u32 @!p1 $0xFFFFFFC0, v40  }
0x101: {  	v36 =	vor.u32 @!p1 v36, v40  }
0x102: {  	v37 =	vperm.xlane @!p1 v36, v37;
	_ =	sdelay $0x1  }
0x103: {  	v37 =	vadd.s32 @!p1 v39, v37;
	_ =	sdelay $0x3  }
0x104: {  	s23 =	simm.s32 @!p1 $0xCE80  }
0x105: {  	[tilespmem:s23], [sflag:$0x1] =	stream.indirect_vreg.gather @!p1 [hbm4b:s2+s20], $0x80, v37, vm0, $0xb8;
	[tilespmem:$0x18E80] =	vst v63  }
0x106: {  	v36 =	vperm.xlane @!p1 v36, v38;
	s23 =	simm.s32 @!p1 $0xD680  }
0x107: {  	[tilespmem:s23], [sflag:$0x1] =	stream.indirect_vreg.gather @!p1 [hbm4b:s10+s20], $0x80, v37, vm0, $0xb8;
	[tilespmem:$0x18E80] =	vst v63  }
0x108: {  	v36 =	vadd.s32 @!p1 v39, v36;
	s23 =	simm.s32 @!p1 $0xDE80  }
0x109: {  	[tilespmem:s23], [sflag:$0x1] =	stream.indirect_vreg.gather @!p1 [hbm4b:s11+s20], $0x80, v37, vm0, $0xb8;
	[tilespmem:$0x18E80] =	vst v63  }
0x10a: {  	s23 =	simm.s32 @!p1 $0xE680  }
0x10b: {  	[tilespmem:s23], [sflag:$0x1] =	stream.indirect_vreg.gather @!p1 [hbm4b:s12+s20], $0x80, v37, vm0, $0xb8;
	[tilespmem:$0x18E80] =	vst v63  }
0x10c: {  	s23 =	simm.s32 @!p1 $0xEE80  }
0x10d: {  	[tilespmem:s23], [sflag:$0x1] =	stream.indirect_vreg.gather @!p1 [hbm4b:s2+s20], $0x80, v36, vm0, $0xb8;
	[tilespmem:$0x18E80] =	vst v63  }
0x10e: {  	s23 =	simm.s32 @!p1 $0xF680  }
0x10f: {  	[tilespmem:s23], [sflag:$0x1] =	stream.indirect_vreg.gather @!p1 [hbm4b:s10+s20], $0x80, v36, vm0, $0xb8;
	[tilespmem:$0x18E80] =	vst v63  }
0x110: {  	s23 =	simm.s32 @!p1 $0xFE80  }
0x111: {  	[tilespmem:s23], [sflag:$0x1] =	stream.indirect_vreg.gather @!p1 [hbm4b:s11+s20], $0x80, v36, vm0, $0xb8;
	[tilespmem:$0x18E80] =	vst v63  }
0x112: {  	s23 =	simm.s32 @!p1 $0x10680  }
0x113: {  	[tilespmem:s23], [sflag:$0x1] =	stream.indirect_vreg.gather @!p1 [hbm4b:s12+s20], $0x80, v36, vm0, $0xb8;
	[tilespmem:$0x18E80] =	vst v63  }
0x114: {  	s23 =	simm.s32 @!p2 $0x1  }
0x115: {  	_ =	swait.ge @!p2 [sflag:s23], $0x8000  }
0x116: {  	[sflag:s23] =	ssyncset.done @!p2 $0x0  }
0x117: {  	p0 =	sge.s32 s6, s18;
	s24 =	rddreg [dreg:$0xa];
	[sflag:s23] =	ssyncadd.s32 @!p2 $0xFFFF8000  }
0x118: {  	[hbm4b:s24+s19] =	stream.linear.scatter @!p2 [tilespmem:s21], [sflag:$0x2], $0x8000, $0x38;
	[tilespmem:$0x18E80] =	vst v63  }
0x119: {  	v36 =	vld @!p0 [tilespmem:$0xB80];
	_ =	sdelay $0x4  }
0x11a: {  	v37 =	vshll.u32 @!p0 v36, $0x3  }
0x11b: {  	v38 =	vlaneseq.u32 @!p0;
	v36 =	vand.u32 @!p0 $0x7, v36;
	v37 =	vand.u32 @!p0 $0xFFFFFFC0, v37  }
0x11c: {  	v39 =	vshrl.u32 @!p0 v38, $0x3;
	v36 =	vor.u32 @!p0 v36, v37;
	v37 =	vand.u32 @!p0 $0x7, v38  }
0x11d: {  	v39 =	vmul.u32 @!p0 $0x8, v39;
	v40 =	vperm.xlane @!p0 v36, v37;
	_ =	sdelay $0x1  }
0x11e: {  	v40 =	vadd.s32 @!p0 v39, v40;
	_ =	sdelay $0x3  }
0x11f: {  	vm0 =	vmmov @!p0 $0xffff;
	s19 =	simm.s32 @!p0 $0x0;
	s21 =	simm.s32 @!p0 $0x10E80  }
0x120: {  	v38 =	vor.u32 @!p0 $0x8, v38;
	[tilespmem:s21], [sflag:$0x1] =	stream.indirect_vreg.gather @!p0 [hbm4b:s2+s19], $0x80, v40, vm0, $0xb8;
	[tilespmem:$0x18E80] =	vst v63  }
0x121: {  	s23 =	simm.s32 @!p0 $0x11680;
	v36 =	vperm.xlane @!p0 v36, v38  }
0x122: {  	[tilespmem:s23], [sflag:$0x1] =	stream.indirect_vreg.gather @!p0 [hbm4b:s10+s19], $0x80, v40, vm0, $0xb8;
	[tilespmem:$0x18E80] =	vst v63  }
0x123: {  	v36 =	vadd.s32 @!p0 v39, v36;
	s23 =	simm.s32 @!p0 $0x11E80  }
0x124: {  	[tilespmem:s23], [sflag:$0x1] =	stream.indirect_vreg.gather @!p0 [hbm4b:s11+s19], $0x80, v40, vm0, $0xb8;
	[tilespmem:$0x18E80] =	vst v63  }
0x125: {  	s23 =	simm.s32 @!p0 $0x12680  }
0x126: {  	[tilespmem:s23], [sflag:$0x1] =	stream.indirect_vreg.gather @!p0 [hbm4b:s12+s19], $0x80, v40, vm0, $0xb8;
	[tilespmem:$0x18E80] =	vst v63  }
0x127: {  	s23 =	simm.s32 @!p0 $0x12E80  }
0x128: {  	[tilespmem:s23], [sflag:$0x1] =	stream.indirect_vreg.gather @!p0 [hbm4b:s2+s19], $0x80, v36, vm0, $0xb8;
	[tilespmem:$0x18E80] =	vst v63  }
0x129: {  	s23 =	simm.s32 @!p0 $0x13680  }
0x12a: {  	[tilespmem:s23], [sflag:$0x1] =	stream.indirect_vreg.gather @!p0 [hbm4b:s10+s19], $0x80, v36, vm0, $0xb8;
	[tilespmem:$0x18E80] =	vst v63  }
0x12b: {  	s23 =	simm.s32 @!p0 $0x13E80  }
0x12c: {  	[tilespmem:s23], [sflag:$0x1] =	stream.indirect_vreg.gather @!p0 [hbm4b:s11+s19], $0x80, v36, vm0, $0xb8;
	[tilespmem:$0x18E80] =	vst v63  }
0x12d: {  	s23 =	simm.s32 @!p0 $0x14680  }
0x12e: {  	[tilespmem:s23], [sflag:$0x1] =	stream.indirect_vreg.gather @!p0 [hbm4b:s12+s19], $0x80, v36, vm0, $0xb8;
	[tilespmem:$0x18E80] =	vst v63  }
0x12f: {  	v36 =	vld @!p0 [tilespmem:$0xB90];
	_ =	sdelay $0x4  }
0x130: {  	v40 =	vshll.u32 @!p0 v36, $0x3  }
0x131: {  	v36 =	vand.u32 @!p0 $0x7, v36;
	v40 =	vand.u32 @!p0 $0xFFFFFFC0, v40  }
0x132: {  	v36 =	vor.u32 @!p0 v36, v40  }
0x133: {  	v37 =	vperm.xlane @!p0 v36, v37;
	_ =	sdelay $0x1  }
0x134: {  	v37 =	vadd.s32 @!p0 v39, v37;
	_ =	sdelay $0x3  }
0x135: {  	s23 =	simm.s32 @!p0 $0x14E80  }
0x136: {  	[tilespmem:s23], [sflag:$0x1] =	stream.indirect_vreg.gather @!p0 [hbm4b:s2+s19], $0x80, v37, vm0, $0xb8;
	[tilespmem:$0x18E80] =	vst v63  }
0x137: {  	v36 =	vperm.xlane @!p0 v36, v38;
	s23 =	simm.s32 @!p0 $0x15680  }
0x138: {  	[tilespmem:s23], [sflag:$0x1] =	stream.indirect_vreg.gather @!p0 [hbm4b:s10+s19], $0x80, v37, vm0, $0xb8;
	[tilespmem:$0x18E80] =	vst v63  }
0x139: {  	v36 =	vadd.s32 @!p0 v39, v36;
	s23 =	simm.s32 @!p0 $0x15E80  }
0x13a: {  	[tilespmem:s23], [sflag:$0x1] =	stream.indirect_vreg.gather @!p0 [hbm4b:s11+s19], $0x80, v37, vm0, $0xb8;
	[tilespmem:$0x18E80] =	vst v63  }
0x13b: {  	s23 =	simm.s32 @!p0 $0x16680  }
0x13c: {  	[tilespmem:s23], [sflag:$0x1] =	stream.indirect_vreg.gather @!p0 [hbm4b:s12+s19], $0x80, v37, vm0, $0xb8;
	[tilespmem:$0x18E80] =	vst v63  }
0x13d: {  	s23 =	simm.s32 @!p0 $0x16E80  }
0x13e: {  	[tilespmem:s23], [sflag:$0x1] =	stream.indirect_vreg.gather @!p0 [hbm4b:s2+s19], $0x80, v36, vm0, $0xb8;
	[tilespmem:$0x18E80] =	vst v63  }
0x13f: {  	s23 =	simm.s32 @!p0 $0x17680  }
0x140: {  	[tilespmem:s23], [sflag:$0x1] =	stream.indirect_vreg.gather @!p0 [hbm4b:s10+s19], $0x80, v36, vm0, $0xb8;
	[tilespmem:$0x18E80] =	vst v63  }
0x141: {  	s23 =	simm.s32 @!p0 $0x17E80  }
0x142: {  	[tilespmem:s23], [sflag:$0x1] =	stream.indirect_vreg.gather @!p0 [hbm4b:s11+s19], $0x80, v36, vm0, $0xb8;
	[tilespmem:$0x18E80] =	vst v63  }
0x143: {  	s23 =	simm.s32 @!p0 $0x18680  }
0x144: {  	[tilespmem:s23], [sflag:$0x1] =	stream.indirect_vreg.gather @!p0 [hbm4b:s12+s19], $0x80, v36, vm0, $0xb8;
	[tilespmem:$0x18E80] =	vst v63  }
0x145: {  	s23 =	simm.s32 @!p1 $0x1  }
0x146: {  	_ =	swait.ge @!p1 [sflag:s23], $0x8000  }
0x147: {  	[sflag:s23] =	ssyncset.done @!p1 $0x0  }
0x148: {  	s24 =	rddreg [dreg:$0xb];
	[sflag:s23] =	ssyncadd.s32 @!p1 $0xFFFF8000  }
0x149: {  	[hbm4b:s24+s20] =	stream.linear.scatter @!p1 [tilespmem:s22], [sflag:$0x2], $0x8000, $0x38;
	[tilespmem:$0x18E80] =	vst v63  }
0x14a: {  	s20 =	simm.s32 @!p2 $0x2  }
0x14b: {  	_ =	swait.ge @!p2 [sflag:s20], $0x8000  }
0x14c: {  	[sflag:s20] =	ssyncset.done @!p2 $0x0  }
0x14d: {  	[sflag:s20] =	ssyncadd.s32 @!p2 $0xFFFF8000;
	p2 =	sge.s32 s7, s18  }
0x14e: {  	v36 =	vld @!p2 [tilespmem:$0xC00];
	_ =	sdelay $0x4  }
0x14f: {  	v37 =	vshll.u32 @!p2 v36, $0x3  }
0x150: {  	v38 =	vlaneseq.u32 @!p2;
	v36 =	vand.u32 @!p2 $0x7, v36;
	v37 =	vand.u32 @!p2 $0xFFFFFFC0, v37  }
0x151: {  	v39 =	vshrl.u32 @!p2 v38, $0x3;
	v36 =	vor.u32 @!p2 v36, v37;
	v37 =	vand.u32 @!p2 $0x7, v38  }
0x152: {  	v39 =	vmul.u32 @!p2 $0x8, v39;
	v40 =	vperm.xlane @!p2 v36, v37;
	_ =	sdelay $0x1  }
0x153: {  	v40 =	vadd.s32 @!p2 v39, v40;
	_ =	sdelay $0x3  }
0x154: {  	vm0 =	vmmov @!p2 $0xffff;
	s20 =	simm.s32 @!p2 $0x0;
	s22 =	simm.s32 @!p2 $0xE80  }
0x155: {  	v38 =	vor.u32 @!p2 $0x8, v38;
	[tilespmem:s22], [sflag:$0x1] =	stream.indirect_vreg.gather @!p2 [hbm4b:s2+s20], $0x80, v40, vm0, $0xb8;
	[tilespmem:$0x18E80] =	vst v63  }
0x156: {  	s23 =	simm.s32 @!p2 $0x1680;
	v36 =	vperm.xlane @!p2 v36, v38  }
0x157: {  	[tilespmem:s23], [sflag:$0x1] =	stream.indirect_vreg.gather @!p2 [hbm4b:s10+s20], $0x80, v40, vm0, $0xb8;
	[tilespmem:$0x18E80] =	vst v63  }
0x158: {  	v36 =	vadd.s32 @!p2 v39, v36;
	s23 =	simm.s32 @!p2 $0x1E80  }
0x159: {  	[tilespmem:s23], [sflag:$0x1] =	stream.indirect_vreg.gather @!p2 [hbm4b:s11+s20], $0x80, v40, vm0, $0xb8;
	[tilespmem:$0x18E80] =	vst v63  }
0x15a: {  	s23 =	simm.s32 @!p2 $0x2680  }
0x15b: {  	[tilespmem:s23], [sflag:$0x1] =	stream.indirect_vreg.gather @!p2 [hbm4b:s12+s20], $0x80, v40, vm0, $0xb8;
	[tilespmem:$0x18E80] =	vst v63  }
0x15c: {  	s23 =	simm.s32 @!p2 $0x2E80  }
0x15d: {  	[tilespmem:s23], [sflag:$0x1] =	stream.indirect_vreg.gather @!p2 [hbm4b:s2+s20], $0x80, v36, vm0, $0xb8;
	[tilespmem:$0x18E80] =	vst v63  }
0x15e: {  	s23 =	simm.s32 @!p2 $0x3680  }
0x15f: {  	[tilespmem:s23], [sflag:$0x1] =	stream.indirect_vreg.gather @!p2 [hbm4b:s10+s20], $0x80, v36, vm0, $0xb8;
	[tilespmem:$0x18E80] =	vst v63  }
0x160: {  	s23 =	simm.s32 @!p2 $0x3E80  }
0x161: {  	[tilespmem:s23], [sflag:$0x1] =	stream.indirect_vreg.gather @!p2 [hbm4b:s11+s20], $0x80, v36, vm0, $0xb8;
	[tilespmem:$0x18E80] =	vst v63  }
0x162: {  	s23 =	simm.s32 @!p2 $0x4680  }
0x163: {  	[tilespmem:s23], [sflag:$0x1] =	stream.indirect_vreg.gather @!p2 [hbm4b:s12+s20], $0x80, v36, vm0, $0xb8;
	[tilespmem:$0x18E80] =	vst v63  }
0x164: {  	v36 =	vld @!p2 [tilespmem:$0xC10];
	_ =	sdelay $0x4  }
0x165: {  	v40 =	vshll.u32 @!p2 v36, $0x3  }
0x166: {  	v36 =	vand.u32 @!p2 $0x7, v36;
	v40 =	vand.u32 @!p2 $0xFFFFFFC0, v40  }
0x167: {  	v36 =	vor.u32 @!p2 v36, v40  }
0x168: {  	v37 =	vperm.xlane @!p2 v36, v37;
	_ =	sdelay $0x1  }
0x169: {  	v37 =	vadd.s32 @!p2 v39, v37;
	_ =	sdelay $0x3  }
0x16a: {  	s23 =	simm.s32 @!p2 $0x4E80  }
0x16b: {  	[tilespmem:s23], [sflag:$0x1] =	stream.indirect_vreg.gather @!p2 [hbm4b:s2+s20], $0x80, v37, vm0, $0xb8;
	[tilespmem:$0x18E80] =	vst v63  }
0x16c: {  	v36 =	vperm.xlane @!p2 v36, v38;
	s23 =	simm.s32 @!p2 $0x5680  }
0x16d: {  	[tilespmem:s23], [sflag:$0x1] =	stream.indirect_vreg.gather @!p2 [hbm4b:s10+s20], $0x80, v37, vm0, $0xb8;
	[tilespmem:$0x18E80] =	vst v63  }
0x16e: {  	v36 =	vadd.s32 @!p2 v39, v36;
	s23 =	simm.s32 @!p2 $0x5E80  }
0x16f: {  	[tilespmem:s23], [sflag:$0x1] =	stream.indirect_vreg.gather @!p2 [hbm4b:s11+s20], $0x80, v37, vm0, $0xb8;
	[tilespmem:$0x18E80] =	vst v63  }
0x170: {  	s23 =	simm.s32 @!p2 $0x6680  }
0x171: {  	[tilespmem:s23], [sflag:$0x1] =	stream.indirect_vreg.gather @!p2 [hbm4b:s12+s20], $0x80, v37, vm0, $0xb8;
	[tilespmem:$0x18E80] =	vst v63  }
0x172: {  	s23 =	simm.s32 @!p2 $0x6E80  }
0x173: {  	[tilespmem:s23], [sflag:$0x1] =	stream.indirect_vreg.gather @!p2 [hbm4b:s2+s20], $0x80, v36, vm0, $0xb8;
	[tilespmem:$0x18E80] =	vst v63  }
0x174: {  	s23 =	simm.s32 @!p2 $0x7680  }
0x175: {  	[tilespmem:s23], [sflag:$0x1] =	stream.indirect_vreg.gather @!p2 [hbm4b:s10+s20], $0x80, v36, vm0, $0xb8;
	[tilespmem:$0x18E80] =	vst v63  }
0x176: {  	s23 =	simm.s32 @!p2 $0x7E80  }
0x177: {  	[tilespmem:s23], [sflag:$0x1] =	stream.indirect_vreg.gather @!p2 [hbm4b:s11+s20], $0x80, v36, vm0, $0xb8;
	[tilespmem:$0x18E80] =	vst v63  }
0x178: {  	s23 =	simm.s32 @!p2 $0x8680  }
0x179: {  	[tilespmem:s23], [sflag:$0x1] =	stream.indirect_vreg.gather @!p2 [hbm4b:s12+s20], $0x80, v36, vm0, $0xb8;
	[tilespmem:$0x18E80] =	vst v63  }
0x17a: {  	s23 =	simm.s32 @!p0 $0x1  }
0x17b: {  	_ =	swait.ge @!p0 [sflag:s23], $0x8000  }
0x17c: {  	[sflag:s23] =	ssyncset.done @!p0 $0x0  }
0x17d: {  	s24 =	rddreg [dreg:$0xc];
	[sflag:s23] =	ssyncadd.s32 @!p0 $0xFFFF8000  }
0x17e: {  	[hbm4b:s24+s19] =	stream.linear.scatter @!p0 [tilespmem:s21], [sflag:$0x2], $0x8000, $0x38;
	[tilespmem:$0x18E80] =	vst v63  }
0x17f: {  	s19 =	simm.s32 @!p1 $0x2  }
0x180: {  	_ =	swait.ge @!p1 [sflag:s19], $0x8000  }
0x181: {  	[sflag:s19] =	ssyncset.done @!p1 $0x0  }
0x182: {  	[sflag:s19] =	ssyncadd.s32 @!p1 $0xFFFF8000;
	p1 =	sge.s32 s8, s18  }
0x183: {  	v36 =	vld @!p1 [tilespmem:$0xC80];
	_ =	sdelay $0x4  }
0x184: {  	v37 =	vshll.u32 @!p1 v36, $0x3  }
0x185: {  	v38 =	vlaneseq.u32 @!p1;
	v36 =	vand.u32 @!p1 $0x7, v36;
	v37 =	vand.u32 @!p1 $0xFFFFFFC0, v37  }
0x186: {  	v39 =	vshrl.u32 @!p1 v38, $0x3;
	v36 =	vor.u32 @!p1 v36, v37;
	v37 =	vand.u32 @!p1 $0x7, v38  }
0x187: {  	v39 =	vmul.u32 @!p1 $0x8, v39;
	v40 =	vperm.xlane @!p1 v36, v37;
	_ =	sdelay $0x1  }
0x188: {  	v40 =	vadd.s32 @!p1 v39, v40;
	_ =	sdelay $0x3  }
0x189: {  	vm0 =	vmmov @!p1 $0xffff;
	s19 =	simm.s32 @!p1 $0x0;
	s21 =	simm.s32 @!p1 $0x8E80  }
0x18a: {  	v38 =	vor.u32 @!p1 $0x8, v38;
	[tilespmem:s21], [sflag:$0x1] =	stream.indirect_vreg.gather @!p1 [hbm4b:s2+s19], $0x80, v40, vm0, $0xb8;
	[tilespmem:$0x18E80] =	vst v63  }
0x18b: {  	s23 =	simm.s32 @!p1 $0x9680;
	v36 =	vperm.xlane @!p1 v36, v38  }
0x18c: {  	[tilespmem:s23], [sflag:$0x1] =	stream.indirect_vreg.gather @!p1 [hbm4b:s10+s19], $0x80, v40, vm0, $0xb8;
	[tilespmem:$0x18E80] =	vst v63  }
0x18d: {  	v36 =	vadd.s32 @!p1 v39, v36;
	s23 =	simm.s32 @!p1 $0x9E80  }
0x18e: {  	[tilespmem:s23], [sflag:$0x1] =	stream.indirect_vreg.gather @!p1 [hbm4b:s11+s19], $0x80, v40, vm0, $0xb8;
	[tilespmem:$0x18E80] =	vst v63  }
0x18f: {  	s23 =	simm.s32 @!p1 $0xA680  }
0x190: {  	[tilespmem:s23], [sflag:$0x1] =	stream.indirect_vreg.gather @!p1 [hbm4b:s12+s19], $0x80, v40, vm0, $0xb8;
	[tilespmem:$0x18E80] =	vst v63  }
0x191: {  	s23 =	simm.s32 @!p1 $0xAE80  }
0x192: {  	[tilespmem:s23], [sflag:$0x1] =	stream.indirect_vreg.gather @!p1 [hbm4b:s2+s19], $0x80, v36, vm0, $0xb8;
	[tilespmem:$0x18E80] =	vst v63  }
0x193: {  	s23 =	simm.s32 @!p1 $0xB680  }
0x194: {  	[tilespmem:s23], [sflag:$0x1] =	stream.indirect_vreg.gather @!p1 [hbm4b:s10+s19], $0x80, v36, vm0, $0xb8;
	[tilespmem:$0x18E80] =	vst v63  }
0x195: {  	s23 =	simm.s32 @!p1 $0xBE80  }
0x196: {  	[tilespmem:s23], [sflag:$0x1] =	stream.indirect_vreg.gather @!p1 [hbm4b:s11+s19], $0x80, v36, vm0, $0xb8;
	[tilespmem:$0x18E80] =	vst v63  }
0x197: {  	s23 =	simm.s32 @!p1 $0xC680  }
0x198: {  	[tilespmem:s23], [sflag:$0x1] =	stream.indirect_vreg.gather @!p1 [hbm4b:s12+s19], $0x80, v36, vm0, $0xb8;
	[tilespmem:$0x18E80] =	vst v63  }
0x199: {  	v36 =	vld @!p1 [tilespmem:$0xC90];
	_ =	sdelay $0x4  }
0x19a: {  	v40 =	vshll.u32 @!p1 v36, $0x3  }
0x19b: {  	v36 =	vand.u32 @!p1 $0x7, v36;
	v40 =	vand.u32 @!p1 $0xFFFFFFC0, v40  }
0x19c: {  	v36 =	vor.u32 @!p1 v36, v40  }
0x19d: {  	v37 =	vperm.xlane @!p1 v36, v37;
	_ =	sdelay $0x1  }
0x19e: {  	v37 =	vadd.s32 @!p1 v39, v37;
	_ =	sdelay $0x3  }
0x19f: {  	s23 =	simm.s32 @!p1 $0xCE80  }
0x1a0: {  	[tilespmem:s23], [sflag:$0x1] =	stream.indirect_vreg.gather @!p1 [hbm4b:s2+s19], $0x80, v37, vm0, $0xb8;
	[tilespmem:$0x18E80] =	vst v63  }
0x1a1: {  	v36 =	vperm.xlane @!p1 v36, v38;
	s23 =	simm.s32 @!p1 $0xD680  }
0x1a2: {  	[tilespmem:s23], [sflag:$0x1] =	stream.indirect_vreg.gather @!p1 [hbm4b:s10+s19], $0x80, v37, vm0, $0xb8;
	[tilespmem:$0x18E80] =	vst v63  }
0x1a3: {  	v36 =	vadd.s32 @!p1 v39, v36;
	s23 =	simm.s32 @!p1 $0xDE80  }
0x1a4: {  	[tilespmem:s23], [sflag:$0x1] =	stream.indirect_vreg.gather @!p1 [hbm4b:s11+s19], $0x80, v37, vm0, $0xb8;
	[tilespmem:$0x18E80] =	vst v63  }
0x1a5: {  	s23 =	simm.s32 @!p1 $0xE680  }
0x1a6: {  	[tilespmem:s23], [sflag:$0x1] =	stream.indirect_vreg.gather @!p1 [hbm4b:s12+s19], $0x80, v37, vm0, $0xb8;
	[tilespmem:$0x18E80] =	vst v63  }
0x1a7: {  	s23 =	simm.s32 @!p1 $0xEE80  }
0x1a8: {  	[tilespmem:s23], [sflag:$0x1] =	stream.indirect_vreg.gather @!p1 [hbm4b:s2+s19], $0x80, v36, vm0, $0xb8;
	[tilespmem:$0x18E80] =	vst v63  }
0x1a9: {  	s23 =	simm.s32 @!p1 $0xF680  }
0x1aa: {  	[tilespmem:s23], [sflag:$0x1] =	stream.indirect_vreg.gather @!p1 [hbm4b:s10+s19], $0x80, v36, vm0, $0xb8;
	[tilespmem:$0x18E80] =	vst v63  }
0x1ab: {  	s23 =	simm.s32 @!p1 $0xFE80  }
0x1ac: {  	[tilespmem:s23], [sflag:$0x1] =	stream.indirect_vreg.gather @!p1 [hbm4b:s11+s19], $0x80, v36, vm0, $0xb8;
	[tilespmem:$0x18E80] =	vst v63  }
0x1ad: {  	s23 =	simm.s32 @!p1 $0x10680  }
0x1ae: {  	[tilespmem:s23], [sflag:$0x1] =	stream.indirect_vreg.gather @!p1 [hbm4b:s12+s19], $0x80, v36, vm0, $0xb8;
	[tilespmem:$0x18E80] =	vst v63  }
0x1af: {  	s23 =	simm.s32 @!p2 $0x1  }
0x1b0: {  	_ =	swait.ge @!p2 [sflag:s23], $0x8000  }
0x1b1: {  	[sflag:s23] =	ssyncset.done @!p2 $0x0  }
0x1b2: {  	s24 =	rddreg [dreg:$0xd];
	[sflag:s23] =	ssyncadd.s32 @!p2 $0xFFFF8000  }
0x1b3: {  	[hbm4b:s24+s20] =	stream.linear.scatter @!p2 [tilespmem:s22], [sflag:$0x2], $0x8000, $0x38;
	[tilespmem:$0x18E80] =	vst v63  }
0x1b4: {  	s20 =	simm.s32 @!p0 $0x2  }
0x1b5: {  	_ =	swait.ge @!p0 [sflag:s20], $0x8000  }
0x1b6: {  	[sflag:s20] =	ssyncset.done @!p0 $0x0  }
0x1b7: {  	[sflag:s20] =	ssyncadd.s32 @!p0 $0xFFFF8000;
	p0 =	sge.s32 s9, s18  }
0x1b8: {  	v36 =	vld @!p0 [tilespmem:$0xD00];
	_ =	sdelay $0x4  }
0x1b9: {  	v37 =	vshll.u32 @!p0 v36, $0x3  }
0x1ba: {  	v38 =	vlaneseq.u32 @!p0;
	v36 =	vand.u32 @!p0 $0x7, v36;
	v37 =	vand.u32 @!p0 $0xFFFFFFC0, v37  }
0x1bb: {  	v39 =	vshrl.u32 @!p0 v38, $0x3;
	v36 =	vor.u32 @!p0 v36, v37;
	v37 =	vand.u32 @!p0 $0x7, v38  }
0x1bc: {  	v39 =	vmul.u32 @!p0 $0x8, v39;
	v40 =	vperm.xlane @!p0 v36, v37;
	_ =	sdelay $0x1  }
0x1bd: {  	v40 =	vadd.s32 @!p0 v39, v40;
	_ =	sdelay $0x3  }
0x1be: {  	vm0 =	vmmov @!p0 $0xffff;
	s18 =	simm.s32 @!p0 $0x0;
	s20 =	simm.s32 @!p0 $0x10E80  }
0x1bf: {  	v38 =	vor.u32 @!p0 $0x8, v38;
	[tilespmem:s20], [sflag:$0x1] =	stream.indirect_vreg.gather @!p0 [hbm4b:s2+s18], $0x80, v40, vm0, $0xb8;
	[tilespmem:$0x18E80] =	vst v63  }
0x1c0: {  	s22 =	simm.s32 @!p0 $0x11680;
	v36 =	vperm.xlane @!p0 v36, v38  }
0x1c1: {  	[tilespmem:s22], [sflag:$0x1] =	stream.indirect_vreg.gather @!p0 [hbm4b:s10+s18], $0x80, v40, vm0, $0xb8;
	[tilespmem:$0x18E80] =	vst v63  }
0x1c2: {  	v36 =	vadd.s32 @!p0 v39, v36;
	s22 =	simm.s32 @!p0 $0x11E80  }
0x1c3: {  	[tilespmem:s22], [sflag:$0x1] =	stream.indirect_vreg.gather @!p0 [hbm4b:s11+s18], $0x80, v40, vm0, $0xb8;
	[tilespmem:$0x18E80] =	vst v63  }
0x1c4: {  	s22 =	simm.s32 @!p0 $0x12680  }
0x1c5: {  	[tilespmem:s22], [sflag:$0x1] =	stream.indirect_vreg.gather @!p0 [hbm4b:s12+s18], $0x80, v40, vm0, $0xb8;
	[tilespmem:$0x18E80] =	vst v63  }
0x1c6: {  	s22 =	simm.s32 @!p0 $0x12E80  }
0x1c7: {  	[tilespmem:s22], [sflag:$0x1] =	stream.indirect_vreg.gather @!p0 [hbm4b:s2+s18], $0x80, v36, vm0, $0xb8;
	[tilespmem:$0x18E80] =	vst v63  }
0x1c8: {  	s22 =	simm.s32 @!p0 $0x13680  }
0x1c9: {  	[tilespmem:s22], [sflag:$0x1] =	stream.indirect_vreg.gather @!p0 [hbm4b:s10+s18], $0x80, v36, vm0, $0xb8;
	[tilespmem:$0x18E80] =	vst v63  }
0x1ca: {  	s22 =	simm.s32 @!p0 $0x13E80  }
0x1cb: {  	[tilespmem:s22], [sflag:$0x1] =	stream.indirect_vreg.gather @!p0 [hbm4b:s11+s18], $0x80, v36, vm0, $0xb8;
	[tilespmem:$0x18E80] =	vst v63  }
0x1cc: {  	s22 =	simm.s32 @!p0 $0x14680  }
0x1cd: {  	[tilespmem:s22], [sflag:$0x1] =	stream.indirect_vreg.gather @!p0 [hbm4b:s12+s18], $0x80, v36, vm0, $0xb8;
	[tilespmem:$0x18E80] =	vst v63  }
0x1ce: {  	v36 =	vld @!p0 [tilespmem:$0xD10];
	_ =	sdelay $0x4  }
0x1cf: {  	v40 =	vshll.u32 @!p0 v36, $0x3  }
0x1d0: {  	v36 =	vand.u32 @!p0 $0x7, v36;
	v40 =	vand.u32 @!p0 $0xFFFFFFC0, v40  }
0x1d1: {  	v36 =	vor.u32 @!p0 v36, v40  }
0x1d2: {  	v37 =	vperm.xlane @!p0 v36, v37;
	_ =	sdelay $0x1  }
0x1d3: {  	v37 =	vadd.s32 @!p0 v39, v37;
	_ =	sdelay $0x3  }
0x1d4: {  	s22 =	simm.s32 @!p0 $0x14E80  }
0x1d5: {  	[tilespmem:s22], [sflag:$0x1] =	stream.indirect_vreg.gather @!p0 [hbm4b:s2+s18], $0x80, v37, vm0, $0xb8;
	[tilespmem:$0x18E80] =	vst v63  }
0x1d6: {  	v36 =	vperm.xlane @!p0 v36, v38;
	s22 =	simm.s32 @!p0 $0x15680  }
0x1d7: {  	[tilespmem:s22], [sflag:$0x1] =	stream.indirect_vreg.gather @!p0 [hbm4b:s10+s18], $0x80, v37, vm0, $0xb8;
	[tilespmem:$0x18E80] =	vst v63  }
0x1d8: {  	v36 =	vadd.s32 @!p0 v39, v36;
	s22 =	simm.s32 @!p0 $0x15E80  }
0x1d9: {  	[tilespmem:s22], [sflag:$0x1] =	stream.indirect_vreg.gather @!p0 [hbm4b:s11+s18], $0x80, v37, vm0, $0xb8;
	[tilespmem:$0x18E80] =	vst v63  }
0x1da: {  	s22 =	simm.s32 @!p0 $0x16680  }
0x1db: {  	[tilespmem:s22], [sflag:$0x1] =	stream.indirect_vreg.gather @!p0 [hbm4b:s12+s18], $0x80, v37, vm0, $0xb8;
	[tilespmem:$0x18E80] =	vst v63  }
0x1dc: {  	s22 =	simm.s32 @!p0 $0x16E80  }
0x1dd: {  	[tilespmem:s22], [sflag:$0x1] =	stream.indirect_vreg.gather @!p0 [hbm4b:s2+s18], $0x80, v36, vm0, $0xb8;
	[tilespmem:$0x18E80] =	vst v63  }
0x1de: {  	s22 =	simm.s32 @!p0 $0x17680  }
0x1df: {  	[tilespmem:s22], [sflag:$0x1] =	stream.indirect_vreg.gather @!p0 [hbm4b:s10+s18], $0x80, v36, vm0, $0xb8;
	[tilespmem:$0x18E80] =	vst v63  }
0x1e0: {  	s22 =	simm.s32 @!p0 $0x17E80  }
0x1e1: {  	[tilespmem:s22], [sflag:$0x1] =	stream.indirect_vreg.gather @!p0 [hbm4b:s11+s18], $0x80, v36, vm0, $0xb8;
	[tilespmem:$0x18E80] =	vst v63  }
0x1e2: {  	s22 =	simm.s32 @!p0 $0x18680  }
0x1e3: {  	[tilespmem:s22], [sflag:$0x1] =	stream.indirect_vreg.gather @!p0 [hbm4b:s12+s18], $0x80, v36, vm0, $0xb8;
	[tilespmem:$0x18E80] =	vst v63  }
0x1e4: {  	s22 =	simm.s32 @!p1 $0x1  }
0x1e5: {  	_ =	swait.ge @!p1 [sflag:s22], $0x8000  }
0x1e6: {  	[sflag:s22] =	ssyncset.done @!p1 $0x0  }
0x1e7: {  	s23 =	rddreg [dreg:$0xe];
	[sflag:s22] =	ssyncadd.s32 @!p1 $0xFFFF8000  }
0x1e8: {  	[hbm4b:s23+s19] =	stream.linear.scatter @!p1 [tilespmem:s21], [sflag:$0x2], $0x8000, $0x38;
	[tilespmem:$0x18E80] =	vst v63  }
0x1e9: {  	s19 =	simm.s32 @!p0 $0x1  }
0x1ea: {  	_ =	swait.ge @!p0 [sflag:s19], $0x8000  }
0x1eb: {  	[sflag:s19] =	ssyncset.done @!p0 $0x0  }
0x1ec: {  	s21 =	rddreg [dreg:$0xf];
	[sflag:s19] =	ssyncadd.s32 @!p0 $0xFFFF8000  }
0x1ed: {  	[hbm4b:s21+s18] =	stream.linear.scatter @!p0 [tilespmem:s20], [sflag:$0x2], $0x8000, $0x38;
	[tilespmem:$0x18E80] =	vst v63  }
0x1ee: {  	s18 =	simm.s32 @!p1 $0x2  }
0x1ef: {  	_ =	swait.ge @!p1 [sflag:s18], $0x8000  }
0x1f0: {  	s13 =	sadd.s32 $0xFFFFFFFF, s13;
	[sflag:s18] =	ssyncset.done @!p1 $0x0  }
0x1f1: {  	[sflag:s18] =	ssyncadd.s32 @!p1 $0xFFFF8000;
	p1 =	sne.s32 s13, $0x0  }
.Ltmp0:
0x1f2: {  	_ = 	snop;
	(pc) =	sbr.rel @p1 .LBB2_1-.Ltmp0, $4  }
0x1f3: {  	s18 =	simm.s32 @!p0 $0x2  }
0x1f4: {  	_ =	swait.ge @!p0 [sflag:s18], $0x8000  }
0x1f5: {  	[sflag:s18] =	ssyncset.done @!p0 $0x0  }
0x1f6: {  	[sflag:s18] =	ssyncadd.s32 @!p0 $0xFFFF8000  }
0x1f7: {  	_ =	sfence.sel $0x180000  }
0x1f8: {  	[bflag:$0x0] =	sbarrier.arrive $0xFFFF  }
0x1f9: {  	p0 =	sne.s32 s0, $0x0;
	_ =	strace $0x90000047  }
0x1fa: {  	s0 =	sadd.s32 @!p0 $0x100000, s3;
	[bflag:$0x2] =	sbarrier.arrive $0xFFFF  }
0x1fb: {  	[sflag:s0] =	ssyncadd.tile.s32 @!p0 $0x1;
	_ =	shalt  }
.Lfunc_end2:
_tile_overlayer_lowered:
.L_overlay_start_2:
0x1fc: {  	(tag) =	ssettag $0x2  }
0x1fd: {  	s0 =	rddreg [dreg:$0x0];
	s2 =	stileid.u32  }
0x1fe: {  	s1 =	rddreg [dreg:$0x1];
	p0 =	sne.s32 s2, $0x0  }
0x1ff: {  	s3 =	rddreg [dreg:$0x2];
	[bflag:$0x3] =	sbarrier.arrive $0xFFFF;
	s2 =	simm.s32 @!p0 $0x1C03  }
0x200: {  	[timem:s3], [sflag:s2] =	dma.local @!p0 [hbm:s0], s1  }
0x201: {  	s0 =	simm.s32 @!p0 $0x3  }
0x202: {  	_ =	swait.ge @!p0 [sflag:s0], s1  }
0x203: {  	s1 =	ssub.s32 @!p0 $0x0, s1;
	[sflag:s0] =	ssyncset.done @!p0 $0x0  }
0x204: {  	[sflag:s0] =	ssyncadd.s32 @!p0 s1  }
0x205: {  	[bflag:$0x3] =	sbarrier.arrive $0xFFFF  }
0x206: {  	_ =	shalt  }

// kernel: kernel.8.cloned.1.call-start
scs
__scs_entry_jumppad:
0x0: {  	(pc) =	sbr.rel $0x88, $3  }
0x1: {  	(tag) =	ssettag $0x0;
	lr =	simm.s32 $0x1  }
0x2: {  	[smem:$0x3F9D] =	sst lr;
	_ =	strace $0xD0000000  }
0x3: {  	_ = 	snop  }
0x4: {  	_ = 	snop  }
0x5: {  	_ = 	snop  }
0x6: {  	_ = 	snop  }
0x7: {  	_ = 	snop  }
__scs_overlays_trampoline_lowered:
0x8: {  	[smem:$0x3FAC] =	sst s0  }
0x9: {  	[smem:$0x3FAD] =	sst s1  }
0xa: {  	[smem:$0x3FAE] =	sst s2  }
0xb: {  	[smem:$0x3FAF] =	sst s3  }
0xc: {  	[smem:$0x3FB0] =	sst s4  }
0xd: {  	[smem:$0x3FB1] =	sst s5  }
0xe: {  	[smem:$0x3FB2] =	sst s6  }
0xf: {  	[smem:$0x3FB3] =	sst s7  }
0x10: {  	[smem:$0x3FB4] =	sst s8  }
0x11: {  	[smem:$0x3FB5] =	sst s9;
	s0 =	simm.s32 @!p0 $0x0  }
0x12: {  	s1 =	sld [smem:$0x3F9B];
	s0 =	simm.s32 @p0 $0x1  }
0x13: {  	[smem:$0x3FB6] =	sst s0;
	s0 =	simm.s32 @!p1 $0x0  }
0x14: {  	s2 =	sld [smem:$0x3F9A];
	s0 =	simm.s32 @p1 $0x1  }
0x15: {  	[smem:$0x3FB7] =	sst s0;
	s0 =	simm.s32 @!p2 $0x0  }
0x16: {  	s3 =	sld [smem:$0x3FDB];
	s0 =	simm.s32 @p2 $0x1  }
0x17: {  	s4 =	simm.s32 $0x1BF5;
	[smem:$0x3FB9] =	sst s0  }
0x18: {  	s0 =	sld [smem:$0x3F9C];
	_ =	swait.ge [sflag:s4], $0x0  }
0x19: {  	s7 =	sld [smem:$0x3F9D]  }
0x1a: {  	s8 =	sadd.s32 $0xFFFFE003, lr  }
0x1b: {  	s9 =	sadd.s32 $0xFFFFFEF7, lr;
	s5 =	simm.s32 $0xFFFFFFFF;
	p2 =	slt.u32 s8, $0xFFFFF086  }
0x1c: {  	p1 =	slt.u32 s9, $0xF7A;
	s5 =	simm.s32 @!p2 $0x0  }
0x1d: {  	s5 =	simm.s32 @p1 $0x1;
	p0 =	seq.s32 s7, s2  }
0x1e: {  	s7 =	smul.u32 @!p0 $0xF7A, s2;
	p2 =	seq.s32 @!p0 s5, $0x0  }
0x1f: {  	s9 =	smul.u32 $0xF7A, s1;
	s8 =	simm.s32 @!p0 $0x1BF5;
	p2 =	por !p2, p0  }
0x20: {  	[sflag:s8] =	ssyncset.s32 @!p0 $0xFFFFF086;
	s6 =	sadd.s32 @!p0 s3, s7;
	s7 =	simm.s32 @!p0 $0x108  }
0x21: {  	s3 =	sadd.s32 s3, s9;
	s6 =	sadd.s32 @!p0 $0x88, s6;
	s7 =	simm.s32 @p2 $0x1082  }
0x22: {  	[simem:s7], [sflag:s8] =	dma.local @!p0 [hbm:s6], $0xF7A  }
0x23: {  	s9 =	sor.u32 $0xD0000000, s2;
	s6 =	simm.s32 $0x108;
	_ =	swait.ge @!p0 [sflag:s8], $0x0  }
0x24: {  	s3 =	sadd.s32 $0x88, s3;
	s6 =	simm.s32 @!p1 $0x1082;
	[sflag:s4] =	ssyncset.s32 $0xFFFFF086  }
0x25: {  	[simem:s6], [sflag:s4] =	dma.local [hbm:s3], $0xF7A  }
0x26: {  	[smem:$0x3F9D] =	sst s1;
	(tag) =	ssettag s2;
	_ =	strace s9  }
0x27: {  	s1 =	sld [smem:$0x3FAD]  }
0x28: {  	s2 =	sld [smem:$0x3FAE]  }
0x29: {  	s4 =	sld [smem:$0x3FB0]  }
0x2a: {  	p0 =	seq.s32 s5, $0x0;
	s5 =	sld [smem:$0x3FB1]  }
0x2b: {  	s6 =	sld [smem:$0x3FB2]  }
0x2c: {  	s7 =	sld [smem:$0x3FB3]  }
0x2d: {  	s3 =	simm.s32 $0x108;
	s8 =	sld [smem:$0x3FB4]  }
0x2e: {  	s3 =	simm.s32 @!p0 $0x1082;
	s9 =	sld [smem:$0x3FB5]  }
0x2f: {  	lr =	sadd.s32 s0, s3;
	s0 =	sld [smem:$0x3FAC]  }
0x30: {  	s3 =	sld [smem:$0x3FAF]  }
0x31: {  	[smem:$0x3FB8] =	sst s10  }
0x32: {  	s10 =	sld [smem:$0x3FB6];
	_ =	sdelay $0x3  }
0x33: {  	p0 =	seq.s32 s10, $0x1;
	s10 =	sld [smem:$0x3FB8];
	_ =	sdelay $0x3  }
0x34: {  	[smem:$0x3FB8] =	sst s10  }
0x35: {  	s10 =	sld [smem:$0x3FB7];
	_ =	sdelay $0x3  }
0x36: {  	p1 =	seq.s32 s10, $0x1;
	s10 =	sld [smem:$0x3FB8];
	_ =	sdelay $0x3  }
0x37: {  	[smem:$0x3FB8] =	sst s10  }
0x38: {  	s10 =	sld [smem:$0x3FB9]  }
0x39: {  	_ = 	snop;
	(pc) =	sbr.ind lr, $3  }
0x3a: {  	_ = 	snop  }
0x3b: {  	_ = 	snop  }
0x3c: {  	p2 =	seq.s32 s10, $0x1;
	s10 =	sld [smem:$0x3FB8]  }
0x3d: {  	_ =	shalt  }
0x3e: {  	_ =	shalt  }
0x3f: {  	_ =	shalt  }
0x40: {  	_ =	shalt  }
0x41: {  	_ =	shalt  }
0x42: {  	_ =	shalt  }
0x43: {  	_ =	shalt  }
0x44: {  	_ =	shalt  }
0x45: {  	_ =	shalt  }
0x46: {  	_ =	shalt  }
0x47: {  	_ =	shalt  }
0x48: {  	_ =	shalt  }
0x49: {  	_ =	shalt  }
0x4a: {  	_ =	shalt  }
0x4b: {  	_ =	shalt  }
0x4c: {  	_ =	shalt  }
0x4d: {  	_ =	shalt  }
0x4e: {  	_ =	shalt  }
0x4f: {  	_ =	shalt  }
0x50: {  	_ =	shalt  }
0x51: {  	_ =	shalt  }
0x52: {  	_ =	shalt  }
0x53: {  	_ =	shalt  }
0x54: {  	_ =	shalt  }
0x55: {  	_ =	shalt  }
0x56: {  	_ =	shalt  }
0x57: {  	_ =	shalt  }
0x58: {  	_ =	shalt  }
0x59: {  	_ =	shalt  }
0x5a: {  	_ =	shalt  }
0x5b: {  	_ =	shalt  }
0x5c: {  	_ =	shalt  }
0x5d: {  	_ =	shalt  }
0x5e: {  	_ =	shalt  }
0x5f: {  	_ =	shalt  }
0x60: {  	_ =	shalt  }
0x61: {  	_ =	shalt  }
0x62: {  	_ =	shalt  }
0x63: {  	_ =	shalt  }
0x64: {  	_ =	shalt  }
0x65: {  	_ =	shalt  }
0x66: {  	_ =	shalt  }
0x67: {  	_ =	shalt  }
0x68: {  	_ =	shalt  }
0x69: {  	_ =	shalt  }
0x6a: {  	_ =	shalt  }
0x6b: {  	_ =	shalt  }
0x6c: {  	_ =	shalt  }
0x6d: {  	_ =	shalt  }
0x6e: {  	_ =	shalt  }
0x6f: {  	_ =	shalt  }
0x70: {  	_ =	shalt  }
0x71: {  	_ =	shalt  }
0x72: {  	_ =	shalt  }
0x73: {  	_ =	shalt  }
0x74: {  	_ =	shalt  }
0x75: {  	_ =	shalt  }
0x76: {  	_ =	shalt  }
0x77: {  	_ =	shalt  }
0x78: {  	_ =	shalt  }
0x79: {  	_ =	shalt  }
0x7a: {  	_ =	shalt  }
0x7b: {  	_ =	shalt  }
0x7c: {  	_ =	shalt  }
0x7d: {  	_ =	shalt  }
0x7e: {  	_ =	shalt  }
0x7f: {  	_ =	shalt  }
0x80: {  	_ =	shalt  }
0x81: {  	_ =	shalt  }
0x82: {  	_ =	shalt  }
0x83: {  	_ =	shalt  }
0x84: {  	_ =	shalt  }
0x85: {  	_ =	shalt  }
0x86: {  	_ =	shalt  }
0x87: {  	_ =	shalt  }
.Lfunc_end0:
.L_simem_size_0:
called_computation.1_lowered:
.L_overlay_start_0:
0x88: {  	s2 =	sld [smem:$0x3FD9]  }
0x89: {  	s3 =	sld [smem:$0x3FFE];
	_ =	sdelay $0x1  }
0x8a: {  	s1 =	srdreg.scid  }
0x8b: {  	s0 =	sand.u32 $0x1, s1  }
0x8c: {  	s17 =	sshll.u32 s0, $0xA;
	s2 =	sadd.s32 s3, s2  }
0x8d: {  	s2 =	sadd.s32 s2, s17  }
0x8e: {  	[smem:$0x3FC4] =	sst s2  }
0x8f: {  	_ = 	snop  }
0x90: {  	s2 =	sld [smem:$0x3FC8]  }
0x91: {  	s18 =	sld [smem:$0x3FD0];
	(tm) =	ssettm $0x1  }
0x92: {  	s4 =	sld [smem:$0x3FFB];
	_ =	sdelay $0x3  }
0x93: {  	_ =	strace s4  }
0x94: {  	s4 =	sld [smem:$0x3FFC];
	_ =	sdelay $0x3  }
0x95: {  	_ =	strace s4  }
0x96: {  	s4 =	sld [smem:$0x3FFD];
	_ =	sdelay $0x3  }
0x97: {  	_ =	strace s4  }
0x98: {  	_ =	strace $0x8FFFFFFF  }
0x99: {  	s19 =	sld [smem:$0x3FDB];
	_ =	sdelay $0x1  }
0x9a: {  	s5 =	simm.s32 $_scs_section_size  }
0x9b: {  	s6 =	simm.s32 $_size__tile_overlayer_lowered;
	s7 =	simm.s32 $_tile_overlayer_lowered  }
0x9c: {  	s22 =	simm.s32 $0x1BFF;
	s21 =	sshll.u32 s7, $0x1;
	s4 =	sadd.s32 s5, s19  }
0x9d: {  	s8 =	simm.s32 $0x0;
	s20 =	sshll.u32 s6, $0x1;
	s6 =	sadd.s32 s21, s4  }
0x9e: {  	[timem:s8], [sflag:s22] =	dma.local [hbm:s6], s20  }
0x9f: {  	_ =	swait.ge [sflag:s22], s20  }
0xa0: {  	s5 =	ssub.s32 $0x0, s20;
	[sflag:s22] =	ssyncset.done $0x0  }
0xa1: {  	[sflag:s22] =	ssyncadd.s32 s5;
	_ =	sdelay $0x1  }
0xa2: {  	s23 =	simm.s32 $0x1B8B  }
0xa3: {  	_ =	swait.ge [sflag:s23], $0x1  }
0xa4: {  	[sflag:s23] =	ssyncset.done $0x0  }
0xa5: {  	s25 =	simm.s32 $0x1B8E;
	s24 =	sld [smem:$0x3FFE];
	[sflag:s23] =	ssyncadd.s32 $0xFFFFFFFF  }
0xa6: {  	s26 =	simm.s32 $execute0_lowered;
	[smem:$0x3FD2] =	sst s25  }
0xa7: {  	s6 =	sshll.u32 s26, $0x1;
	_ =	strace $0x80000049;
	[dreg:$0x1] =	wrdreg $0xFFFFFFFF  }
0xa8: {  	s28 =	simm.s32 $_size_execute0_lowered;
	s4 =	sadd.s32 s4, s6;
	[dreg:$0x0] =	wrdreg $0x0  }
0xa9: {  	s6 =	sshll.u32 s28, $0x1;
	[dreg:$0x2] =	wrdreg s4  }
0xaa: {  	[dreg:$0x3] =	wrdreg s6  }
0xab: {  	[dreg:$0x4] =	wrdreg $0xC0  }
0xac: {  	_ =	task [dreg:s8], $0x5FFFF  }
0xad: {  	[dreg:$0x1] =	wrdreg $0xFFFFFFFF  }
0xae: {  	[dreg:$0x0] =	wrdreg $0x60  }
0xaf: {  	[dreg:$0x2] =	wrdreg s24  }
0xb0: {  	[dreg:$0x3] =	wrdreg s2  }
0xb1: {  	[dreg:$0x4] =	wrdreg s18  }
0xb2: {  	[dreg:$0x5] =	wrdreg $0x9  }
0xb3: {  	_ =	task.clear_ibuf [dreg:s8], $0x6FFFF;
	_ =	strace $0x90000049  }
0xb4: {  	s29 =	simm.s32 $0x9;
	_ =	strace $0x8000004B  }
0xb5: {  	_ =	swait.ge [sflag:s29], $0x1  }
0xb6: {  	[sflag:s29] =	ssyncadd.s32 $0xFFFFFFFF  }
0xb7: {  	_ =	strace $0x9000004B  }
0xb8: {  	_ =	sfence  }
0xb9: {  	s30 =	sld [smem:$0x0];
	_ =	sdelay $0x2  }
0xba: {  	s31 =	sshll.u32 s1, $0xD;
	s1 =	sshrl.u32 s1, $0x2  }
0xbb: {  	s3 =	sand.u32 $0x4000, s31;
	s1 =	sadd.s32 s1, s30  }
0xbc: {  	s0 =	sor.u32 s3, s0;
	s1 =	sshll.u32 s1, $0x11  }
0xbd: {  	s0 =	sor.u32 s1, s0  }
0xbe: {  	s0 =	sadd.s32 $0x8F2B, s0  }
0xbf: {  	[sflag:s0] =	ssyncadd.remote.s32 $0x1  }
0xc0: {  	_ =	sfence.sel $0xFFFF  }
0xc1: {  	[dreg:$0x0] =	wrdreg $0xFFFFFFFF;
	(pc) =	sbr.abs _section_cstart, $3  }
0xc2: {  	[dreg:$0x1] =	wrdreg $0xFFFFFFFF  }
0xc3: {  	_ =	task.clear_ibuf [dreg:s8], $0x2FFFF;
	_ =	strace $0x9FFFFFFF  }
0xc4: {  	(tm) =	ssettm $0x7FFFFFFF  }
0xc5: {  	_ =	shalt  }
tec
execute0_lowered:
.L_overlay_start_1:
0x0: {  	(tag) =	ssettag $0x1  }
0x1: {  	v0 =	vlaneseq.u32  }
0x2: {  	v5 =	vor.u32 $0x10, v0;
	v7 =	vor.u32 $0x20, v0;
	v8 =	vor.u32 $0x40, v0  }
0x3: {  	v15 =	vor.u32 $0x60, v0;
	v18 =	vor.u32 $0x70, v0;
	v21 =	vor.u32 $0x90, v0  }
0x4: {  	v22 =	vor.u32 $0xA0, v0;
	v23 =	vor.u32 $0xB0, v0;
	v24 =	vor.u32 $0xC0, v0  }
0x5: {  	v25 =	vor.u32 $0xD0, v0;
	v26 =	vor.u32 $0xE0, v0;
	v27 =	vor.u32 $0xF0, v0  }
0x6: {  	s19 =	rddreg [dreg:$0x0];
	v28 =	vor.u32 $0x100, v0;
	v29 =	vor.u32 $0x110, v0;
	v30 =	vor.u32 $0x120, v0  }
0x7: {  	s0 =	srdreg.scid;
	s3 =	rddreg [dreg:$0x1];
	v31 =	vor.u32 $0x130, v0;
	v32 =	vor.u32 $0x140, v0;
	v33 =	vor.u32 $0x150, v0  }
0x8: {  	s1 =	stileid.u32;
	s20 =	rddreg [dreg:$0x2];
	v34 =	vor.u32 $0x160, v0;
	v35 =	vor.u32 $0x170, v0;
	v36 =	vor.u32 $0x180, v0  }
0x9: {  	s12 =	simm.s32 $0x1000;
	s30 =	simm.s32 $0x1B00;
	s31 =	simm.s32 $0x2300;
	v37 =	vor.u32 $0x190, v0;
	v38 =	vor.u32 $0x1A0, v0;
	v39 =	vor.u32 $0x1B0, v0  }
0xa: {  	s14 =	simm.s32 $0x3B00;
	s15 =	simm.s32 $0x4300;
	s16 =	simm.s32 $0x4B00;
	v40 =	vor.u32 $0x1C0, v0;
	v41 =	vor.u32 $0x1D0, v0;
	v42 =	vor.u32 $0x1E0, v0  }
0xb: {  	s17 =	simm.s32 $0x5300;
	s18 =	simm.s32 $0x5B00;
	s13 =	simm.s32 $0xA300;
	v43 =	vor.u32 $0x1F0, v0;
	v44 =	vor.u32 $0x200, v0;
	v45 =	vor.u32 $0x210, v0  }
0xc: {  	s11 =	simm.s32 $0xB300;
	s28 =	simm.s32 $0xCB00;
	s4 =	sand.u32 $0x1, s0;
	v46 =	vor.u32 $0x220, v0;
	v47 =	vor.u32 $0x230, v0;
	v48 =	vor.u32 $0x240, v0  }
0xd: {  	s1 =	sshll.u32 s1, $0x8;
	[dreg:$0x5] =	wrdreg s3;
	s21 =	sadd.s32 $0x800, s19;
	v49 =	vor.u32 $0x250, v0;
	v50 =	vor.u32 $0x260, v0;
	v51 =	vor.u32 $0x270, v0  }
0xe: {  	s8 =	sadd.s32 $0x600, s19;
	s10 =	sadd.s32 $0xC0C00, s19;
	s22 =	sadd.s32 $0x400, s19;
	v52 =	vor.u32 $0x280, v0;
	v53 =	vor.u32 $0x290, v0;
	v54 =	vor.u32 $0x2A0, v0  }
0xf: {  	v55 =	vor.u32 $0x2B0, v0;
	v56 =	vor.u32 $0x2C0, v0;
	v57 =	vor.u32 $0x2D0, v0;
	s3 =	simm.s32 $0x2;
	s2 =	sshll.u32 s4, $0x7;
	s4 =	ssub.s32 $0x2, s4  }
0x10: {  	v58 =	vor.u32 $0x2E0, v0;
	v59 =	vor.u32 $0x2F0, v0;
	v60 =	vor.u32 $0x300, v0;
	s5 =	sor.u32 s2, s1;
	s2 =	simm.s32 $0x0;
	s9 =	sshrl.u32 s4, $0x1  }
0x11: {  	v61 =	vor.u32 $0x310, v0;
	v62 =	vor.u32 $0x320, v0;
	v1 =	vmov s5;
	s6 =	sor.u32 $0x20, s5;
	[smem:$0x7FF] =	sst s2;
	s7 =	sor.u32 $0x40, s5  }
0x12: {  	v63 =	vor.u32 $0x330, v0;
	s23 =	sor.u32 $0x60, s5;
	v3 =	vand.u32 $0x780, v1;
	v4 =	vmov s6;
	_ =	strace $0x8000004A;
	[dreg:$0x4] =	wrdreg s21  }
0x13: {  	s24 =	ssub.s32 s4, s9;
	s5 =	sshll.u32 s5, $0x7;
	v2 =	vshrl.u32 v1, $0x4;
	[tilespmem:$0x1FF70] =	vst v5;
	[dreg:$0x6] =	wrdreg s8;
	v6 =	vand.u32 $0x780, v4;
	v4 =	vshrl.u32 v4, $0x4  }
0x14: {  	s4 =	sadd.s32 $0xC0D00, s19;
	[tilespmem:$0x1FF80] =	vst v7;
	[dreg:$0x7] =	wrdreg s22;
	s5 =	sadd.s32 s20, s5;
	v1 =	vor.u32 v0, v3;
	v5 =	vor.u32 v5, v3;
	v4 =	vand.u32 $0x7FFFF80, v4  }
0x15: {  	s6 =	sshll.u32 s6, $0x7;
	s26 =	sshll.u32 s7, $0x7;
	s29 =	sshll.u32 s23, $0x7;
	v6 =	vor.u32 v7, v6;
	v7 =	vor.u32 $0x30, v0;
	[tilespmem:$0x1FF90] =	vst v4;
	v4 =	vmov s7  }
0x16: {  	s0 =	smax.u32 s24, $0x1;
	s21 =	simm.s32 $0x7300;
	s22 =	simm.s32 $0x7B00;
	[tilespmem:$0x1FFA0] =	vst v7;
	v9 =	vor.u32 v7, v3;
	v7 =	vand.u32 $0x780, v4;
	v4 =	vshrl.u32 v4, $0x4  }
0x17: {  	[tilespmem:$0x1FFB0] =	vst v8;
	s24 =	simm.s32 $0x8B00;
	[dreg:$0x8] =	wrdreg s5;
	s25 =	sadd.s32 s20, s6;
	v11 =	vor.u32 v8, v7;
	v7 =	vor.u32 $0x50, v0;
	v4 =	vand.u32 $0x7FFFF80, v4  }
0x18: {  	v19 =	vor.u32 v18, v3;
	s6 =	sadd.s32 s20, s26;
	s5 =	sadd.s32 $0xC0E00, s19;
	[dreg:$0x9] =	wrdreg s25;
	[tilespmem:$0x1FFC0] =	vst v4;
	v14 =	vor.u32 v7, v3;
	v4 =	vmov s23  }
0x19: {  	s1 =	sadd.s32 s20, s29;
	s20 =	simm.s32 $0x6B00;
	[dreg:$0xa] =	wrdreg s6;
	[tilespmem:$0x1FFD0] =	vst v7;
	v3 =	vor.u32 $0x80, v0;
	v7 =	vand.u32 $0x780, v4;
	v4 =	vshrl.u32 v4, $0x4  }
0x1a: {  	vm0 =	vmmov $0xffff;
	v2 =	vand.u32 $0x80, v2;
	s26 =	simm.s32 $0xC300;
	s6 =	sadd.s32 $0xC0F00, s19;
	[dreg:$0xb] =	wrdreg s1;
	[tilespmem:$0x1FFF0] =	vst v3;
	v4 =	vand.u32 $0x7FFFF80, v4  }
0x1b: {  	s19 =	simm.s32 $0x6300;
	s25 =	simm.s32 $0x9300;
	s23 =	simm.s32 $0x8300;
	v3 =	vor.u32 $0x350, v0;
	v16 =	vor.u32 v15, v7;
	v7 =	vor.u32 $0x340, v0;
	[tilespmem:$0x1FFE0] =	vst v4  }
.LBB2_1:
0x1c: {  	[dreg:$0xc] =	wrdreg s0  }
0x1d: {  	s29 =	rddreg [dreg:$0x4];
	s8 =	simm.s32 $0x3  }
0x1e: {  	[tilespmem:s2], [sflag:$0x3] =	stream.linear.gather [hbm4b:s29+s2], $0x800, $0x38;
	[tilespmem:$0x11B00] =	vst v63  }
0x1f: {  	_ =	swait.ge [sflag:s8], $0x800  }
0x20: {  	[sflag:s8] =	ssyncset.done $0x0  }
0x21: {  	s0 =	simm.s32 $0x800;
	s7 =	rddreg [dreg:$0x5];
	[sflag:s8] =	ssyncadd.s32 $0xFFFFF800  }
0x22: {  	[tilespmem:s0], [sflag:$0x3] =	stream.linear.gather [hbm4b:s7+s2], $0x800, $0x38;
	[tilespmem:$0x11B00] =	vst v63  }
0x23: {  	_ =	swait.ge [sflag:s8], $0x800  }
0x24: {  	[sflag:s8] =	ssyncset.done $0x0  }
0x25: {  	s1 =	simm.s32 $0x1800;
	s9 =	rddreg [dreg:$0x6];
	[sflag:s8] =	ssyncadd.s32 $0xFFFFF800  }
0x26: {  	[tilespmem:s1], [sflag:$0x3] =	stream.linear.gather [hbm4b:s9+s2], $0x80, $0x38;
	[tilespmem:$0x11B00] =	vst v63  }
0x27: {  	_ =	swait.ge [sflag:s8], $0x80  }
0x28: {  	[sflag:s8] =	ssyncset.done $0x0  }
0x29: {  	s9 =	simm.s32 $0x1880;
	s7 =	rddreg [dreg:$0x7];
	[sflag:s8] =	ssyncadd.s32 $0xFFFFFF80  }
0x2a: {  	[tilespmem:s9], [sflag:$0x3] =	stream.linear.gather [hbm4b:s7+s2], $0x80, $0x38;
	[tilespmem:$0x11B00] =	vst v63  }
0x2b: {  	_ =	swait.ge [sflag:s8], $0x80  }
0x2c: {  	[sflag:s8] =	ssyncset.done $0x0  }
0x2d: {  	[sflag:s8] =	ssyncadd.s32 $0xFFFFFF80  }
0x2e: {  	v4 =	vld [tilespmem:$0x0];
	_ =	sdelay $0x7  }
0x2f: {  	[tilespmem:v4+s12+$0x0] =	vst.idx.msk $0xffff, v0  }
0x30: {  	v4 =	vld [tilespmem:$0x10];
	_ =	sdelay $0x2  }
0x31: {  	v8 =	vld [tilespmem:$0x1FF70];
	_ =	sdelay $0x4  }
0x32: {  	[tilespmem:v4+s12+$0x0] =	vst.idx.msk $0xffff, v8  }
0x33: {  	v4 =	vld [tilespmem:$0x20];
	_ =	sdelay $0x2  }
0x34: {  	v8 =	vld [tilespmem:$0x1FF80];
	_ =	sdelay $0x4  }
0x35: {  	[tilespmem:v4+s12+$0x0] =	vst.idx.msk $0xffff, v8  }
0x36: {  	v4 =	vld [tilespmem:$0x30];
	_ =	sdelay $0x2  }
0x37: {  	v8 =	vld [tilespmem:$0x1FFA0];
	_ =	sdelay $0x4  }
0x38: {  	[tilespmem:v4+s12+$0x0] =	vst.idx.msk $0xffff, v8  }
0x39: {  	v4 =	vld [tilespmem:$0x40];
	_ =	sdelay $0x2  }
0x3a: {  	v8 =	vld [tilespmem:$0x1FFB0];
	_ =	sdelay $0x4  }
0x3b: {  	[tilespmem:v4+s12+$0x0] =	vst.idx.msk $0xffff, v8  }
0x3c: {  	v4 =	vld [tilespmem:$0x50];
	_ =	sdelay $0x2  }
0x3d: {  	v8 =	vld [tilespmem:$0x1FFD0];
	_ =	sdelay $0x4  }
0x3e: {  	[tilespmem:v4+s12+$0x0] =	vst.idx.msk $0xffff, v8  }
0x3f: {  	v4 =	vld [tilespmem:$0x60];
	_ =	sdelay $0x7  }
0x40: {  	[tilespmem:v4+s12+$0x0] =	vst.idx.msk $0xffff, v15  }
0x41: {  	v4 =	vld [tilespmem:$0x70];
	_ =	sdelay $0x7  }
0x42: {  	[tilespmem:v4+s12+$0x0] =	vst.idx.msk $0xffff, v18  }
0x43: {  	v4 =	vld [tilespmem:$0x80];
	_ =	sdelay $0x2  }
0x44: {  	v8 =	vld [tilespmem:$0x1FFF0];
	_ =	sdelay $0x4  }
0x45: {  	[tilespmem:v4+s12+$0x0] =	vst.idx.msk $0xffff, v8  }
0x46: {  	v4 =	vld [tilespmem:$0x90];
	_ =	sdelay $0x7  }
0x47: {  	[tilespmem:v4+s12+$0x0] =	vst.idx.msk $0xffff, v21  }
0x48: {  	v4 =	vld [tilespmem:$0xA0];
	_ =	sdelay $0x7  }
0x49: {  	[tilespmem:v4+s12+$0x0] =	vst.idx.msk $0xffff, v22  }
0x4a: {  	v4 =	vld [tilespmem:$0xB0];
	_ =	sdelay $0x7  }
0x4b: {  	[tilespmem:v4+s12+$0x0] =	vst.idx.msk $0xffff, v23  }
0x4c: {  	v4 =	vld [tilespmem:$0xC0];
	_ =	sdelay $0x7  }
0x4d: {  	[tilespmem:v4+s12+$0x0] =	vst.idx.msk $0xffff, v24  }
0x4e: {  	v4 =	vld [tilespmem:$0xD0];
	_ =	sdelay $0x7  }
0x4f: {  	[tilespmem:v4+s12+$0x0] =	vst.idx.msk $0xffff, v25  }
0x50: {  	v4 =	vld [tilespmem:$0xE0];
	_ =	sdelay $0x7  }
0x51: {  	[tilespmem:v4+s12+$0x0] =	vst.idx.msk $0xffff, v26  }
0x52: {  	v4 =	vld [tilespmem:$0xF0];
	_ =	sdelay $0x7  }
0x53: {  	[tilespmem:v4+s12+$0x0] =	vst.idx.msk $0xffff, v27  }
0x54: {  	v4 =	vld [tilespmem:$0x100];
	_ =	sdelay $0x7  }
0x55: {  	[tilespmem:v4+s12+$0x0] =	vst.idx.msk $0xffff, v28  }
0x56: {  	v4 =	vld [tilespmem:$0x110];
	_ =	sdelay $0x7  }
0x57: {  	[tilespmem:v4+s12+$0x0] =	vst.idx.msk $0xffff, v29  }
0x58: {  	v4 =	vld [tilespmem:$0x120];
	_ =	sdelay $0x7  }
0x59: {  	[tilespmem:v4+s12+$0x0] =	vst.idx.msk $0xffff, v30  }
0x5a: {  	v4 =	vld [tilespmem:$0x130];
	_ =	sdelay $0x7  }
0x5b: {  	[tilespmem:v4+s12+$0x0] =	vst.idx.msk $0xffff, v31  }
0x5c: {  	v4 =	vld [tilespmem:$0x140];
	_ =	sdelay $0x7  }
0x5d: {  	[tilespmem:v4+s12+$0x0] =	vst.idx.msk $0xffff, v32  }
0x5e: {  	v4 =	vld [tilespmem:$0x150];
	_ =	sdelay $0x7  }
0x5f: {  	[tilespmem:v4+s12+$0x0] =	vst.idx.msk $0xffff, v33  }
0x60: {  	v4 =	vld [tilespmem:$0x160];
	_ =	sdelay $0x7  }
0x61: {  	[tilespmem:v4+s12+$0x0] =	vst.idx.msk $0xffff, v34  }
0x62: {  	v4 =	vld [tilespmem:$0x170];
	_ =	sdelay $0x7  }
0x63: {  	[tilespmem:v4+s12+$0x0] =	vst.idx.msk $0xffff, v35  }
0x64: {  	v4 =	vld [tilespmem:$0x180];
	_ =	sdelay $0x7  }
0x65: {  	[tilespmem:v4+s12+$0x0] =	vst.idx.msk $0xffff, v36  }
0x66: {  	v4 =	vld [tilespmem:$0x190];
	_ =	sdelay $0x7  }
0x67: {  	[tilespmem:v4+s12+$0x0] =	vst.idx.msk $0xffff, v37  }
0x68: {  	v4 =	vld [tilespmem:$0x1A0];
	_ =	sdelay $0x7  }
0x69: {  	[tilespmem:v4+s12+$0x0] =	vst.idx.msk $0xffff, v38  }
0x6a: {  	v4 =	vld [tilespmem:$0x1B0];
	_ =	sdelay $0x7  }
0x6b: {  	[tilespmem:v4+s12+$0x0] =	vst.idx.msk $0xffff, v39  }
0x6c: {  	v4 =	vld [tilespmem:$0x1C0];
	_ =	sdelay $0x7  }
0x6d: {  	[tilespmem:v4+s12+$0x0] =	vst.idx.msk $0xffff, v40  }
0x6e: {  	v4 =	vld [tilespmem:$0x1D0];
	_ =	sdelay $0x7  }
0x6f: {  	[tilespmem:v4+s12+$0x0] =	vst.idx.msk $0xffff, v41  }
0x70: {  	v4 =	vld [tilespmem:$0x1E0];
	_ =	sdelay $0x7  }
0x71: {  	[tilespmem:v4+s12+$0x0] =	vst.idx.msk $0xffff, v42  }
0x72: {  	v4 =	vld [tilespmem:$0x1F0];
	_ =	sdelay $0x7  }
0x73: {  	[tilespmem:v4+s12+$0x0] =	vst.idx.msk $0xffff, v43  }
0x74: {  	v4 =	vld [tilespmem:$0x200];
	_ =	sdelay $0x7  }
0x75: {  	[tilespmem:v4+s12+$0x0] =	vst.idx.msk $0xffff, v44  }
0x76: {  	v4 =	vld [tilespmem:$0x210];
	_ =	sdelay $0x7  }
0x77: {  	[tilespmem:v4+s12+$0x0] =	vst.idx.msk $0xffff, v45  }
0x78: {  	v4 =	vld [tilespmem:$0x220];
	_ =	sdelay $0x7  }
0x79: {  	[tilespmem:v4+s12+$0x0] =	vst.idx.msk $0xffff, v46  }
0x7a: {  	v4 =	vld [tilespmem:$0x230];
	_ =	sdelay $0x7  }
0x7b: {  	[tilespmem:v4+s12+$0x0] =	vst.idx.msk $0xffff, v47  }
0x7c: {  	v4 =	vld [tilespmem:$0x240];
	_ =	sdelay $0x7  }
0x7d: {  	[tilespmem:v4+s12+$0x0] =	vst.idx.msk $0xffff, v48  }
0x7e: {  	v4 =	vld [tilespmem:$0x250];
	_ =	sdelay $0x7  }
0x7f: {  	[tilespmem:v4+s12+$0x0] =	vst.idx.msk $0xffff, v49  }
0x80: {  	v4 =	vld [tilespmem:$0x260];
	_ =	sdelay $0x7  }
0x81: {  	[tilespmem:v4+s12+$0x0] =	vst.idx.msk $0xffff, v50  }
0x82: {  	v4 =	vld [tilespmem:$0x270];
	_ =	sdelay $0x7  }
0x83: {  	[tilespmem:v4+s12+$0x0] =	vst.idx.msk $0xffff, v51  }
0x84: {  	v4 =	vld [tilespmem:$0x280];
	_ =	sdelay $0x7  }
0x85: {  	[tilespmem:v4+s12+$0x0] =	vst.idx.msk $0xffff, v52  }
0x86: {  	v4 =	vld [tilespmem:$0x290];
	_ =	sdelay $0x7  }
0x87: {  	[tilespmem:v4+s12+$0x0] =	vst.idx.msk $0xffff, v53  }
0x88: {  	v4 =	vld [tilespmem:$0x2A0];
	_ =	sdelay $0x7  }
0x89: {  	[tilespmem:v4+s12+$0x0] =	vst.idx.msk $0xffff, v54  }
0x8a: {  	v4 =	vld [tilespmem:$0x2B0];
	_ =	sdelay $0x7  }
0x8b: {  	[tilespmem:v4+s12+$0x0] =	vst.idx.msk $0xffff, v55  }
0x8c: {  	v4 =	vld [tilespmem:$0x2C0];
	_ =	sdelay $0x7  }
0x8d: {  	[tilespmem:v4+s12+$0x0] =	vst.idx.msk $0xffff, v56  }
0x8e: {  	v4 =	vld [tilespmem:$0x2D0];
	_ =	sdelay $0x7  }
0x8f: {  	[tilespmem:v4+s12+$0x0] =	vst.idx.msk $0xffff, v57  }
0x90: {  	v4 =	vld [tilespmem:$0x2E0];
	_ =	sdelay $0x7  }
0x91: {  	[tilespmem:v4+s12+$0x0] =	vst.idx.msk $0xffff, v58  }
0x92: {  	v4 =	vld [tilespmem:$0x2F0];
	_ =	sdelay $0x7  }
0x93: {  	[tilespmem:v4+s12+$0x0] =	vst.idx.msk $0xffff, v59  }
0x94: {  	v4 =	vld [tilespmem:$0x300];
	_ =	sdelay $0x7  }
0x95: {  	[tilespmem:v4+s12+$0x0] =	vst.idx.msk $0xffff, v60  }
0x96: {  	v4 =	vld [tilespmem:$0x310];
	_ =	sdelay $0x7  }
0x97: {  	[tilespmem:v4+s12+$0x0] =	vst.idx.msk $0xffff, v61  }
0x98: {  	v4 =	vld [tilespmem:$0x320];
	_ =	sdelay $0x7  }
0x99: {  	[tilespmem:v4+s12+$0x0] =	vst.idx.msk $0xffff, v62  }
0x9a: {  	v4 =	vld [tilespmem:$0x330];
	_ =	sdelay $0x7  }
0x9b: {  	[tilespmem:v4+s12+$0x0] =	vst.idx.msk $0xffff, v63  }
0x9c: {  	v4 =	vld [tilespmem:$0x340];
	_ =	sdelay $0x7  }
0x9d: {  	[tilespmem:v4+s12+$0x0] =	vst.idx.msk $0xffff, v7  }
0x9e: {  	v4 =	vld [tilespmem:$0x350];
	_ =	sdelay $0x7  }
0x9f: {  	[tilespmem:v4+s12+$0x0] =	vst.idx.msk $0xffff, v3  }
0xa0: {  	v4 =	vld [tilespmem:$0x360];
	_ =	sdelay $0x6  }
0xa1: {  	v8 =	vor.u32 $0x360, v0  }
0xa2: {  	[tilespmem:v4+s12+$0x0] =	vst.idx.msk $0xffff, v8  }
0xa3: {  	v4 =	vld [tilespmem:$0x370];
	_ =	sdelay $0x6  }
0xa4: {  	v8 =	vor.u32 $0x370, v0  }
0xa5: {  	[tilespmem:v4+s12+$0x0] =	vst.idx.msk $0xffff, v8  }
0xa6: {  	v4 =	vld [tilespmem:$0x380];
	_ =	sdelay $0x6  }
0xa7: {  	v8 =	vor.u32 $0x380, v0  }
0xa8: {  	[tilespmem:v4+s12+$0x0] =	vst.idx.msk $0xffff, v8  }
0xa9: {  	v4 =	vld [tilespmem:$0x390];
	_ =	sdelay $0x6  }
0xaa: {  	v8 =	vor.u32 $0x390, v0  }
0xab: {  	[tilespmem:v4+s12+$0x0] =	vst.idx.msk $0xffff, v8  }
0xac: {  	v4 =	vld [tilespmem:$0x3A0];
	_ =	sdelay $0x6  }
0xad: {  	v8 =	vor.u32 $0x3A0, v0  }
0xae: {  	[tilespmem:v4+s12+$0x0] =	vst.idx.msk $0xffff, v8  }
0xaf: {  	v4 =	vld [tilespmem:$0x3B0];
	_ =	sdelay $0x6  }
0xb0: {  	v8 =	vor.u32 $0x3B0, v0  }
0xb1: {  	[tilespmem:v4+s12+$0x0] =	vst.idx.msk $0xffff, v8  }
0xb2: {  	v4 =	vld [tilespmem:$0x3C0];
	_ =	sdelay $0x6  }
0xb3: {  	v8 =	vor.u32 $0x3C0, v0  }
0xb4: {  	[tilespmem:v4+s12+$0x0] =	vst.idx.msk $0xffff, v8  }
0xb5: {  	v4 =	vld [tilespmem:$0x3D0];
	_ =	sdelay $0x6  }
0xb6: {  	v8 =	vor.u32 $0x3D0, v0  }
0xb7: {  	[tilespmem:v4+s12+$0x0] =	vst.idx.msk $0xffff, v8  }
0xb8: {  	v4 =	vld [tilespmem:$0x3E0];
	_ =	sdelay $0x6  }
0xb9: {  	v8 =	vor.u32 $0x3E0, v0  }
0xba: {  	[tilespmem:v4+s12+$0x0] =	vst.idx.msk $0xffff, v8  }
0xbb: {  	v4 =	vld [tilespmem:$0x3F0];
	_ =	sdelay $0x6  }
0xbc: {  	v8 =	vor.u32 $0x3F0, v0  }
0xbd: {  	[tilespmem:v4+s12+$0x0] =	vst.idx.msk $0xffff, v8  }
0xbe: {  	v4 =	vld [tilespmem:$0x400];
	_ =	sdelay $0x6  }
0xbf: {  	v8 =	vor.u32 $0x400, v0  }
0xc0: {  	[tilespmem:v4+s12+$0x0] =	vst.idx.msk $0xffff, v8  }
0xc1: {  	v4 =	vld [tilespmem:$0x410];
	_ =	sdelay $0x6  }
0xc2: {  	v8 =	vor.u32 $0x410, v0  }
0xc3: {  	[tilespmem:v4+s12+$0x0] =	vst.idx.msk $0xffff, v8  }
0xc4: {  	v4 =	vld [tilespmem:$0x420];
	_ =	sdelay $0x6  }
0xc5: {  	v8 =	vor.u32 $0x420, v0  }
0xc6: {  	[tilespmem:v4+s12+$0x0] =	vst.idx.msk $0xffff, v8  }
0xc7: {  	v4 =	vld [tilespmem:$0x430];
	_ =	sdelay $0x6  }
0xc8: {  	v8 =	vor.u32 $0x430, v0  }
0xc9: {  	[tilespmem:v4+s12+$0x0] =	vst.idx.msk $0xffff, v8  }
0xca: {  	v4 =	vld [tilespmem:$0x440];
	_ =	sdelay $0x6  }
0xcb: {  	v8 =	vor.u32 $0x440, v0  }
0xcc: {  	[tilespmem:v4+s12+$0x0] =	vst.idx.msk $0xffff, v8  }
0xcd: {  	v4 =	vld [tilespmem:$0x450];
	_ =	sdelay $0x6  }
0xce: {  	v8 =	vor.u32 $0x450, v0  }
0xcf: {  	[tilespmem:v4+s12+$0x0] =	vst.idx.msk $0xffff, v8  }
0xd0: {  	v4 =	vld [tilespmem:$0x460];
	_ =	sdelay $0x6  }
0xd1: {  	v8 =	vor.u32 $0x460, v0  }
0xd2: {  	[tilespmem:v4+s12+$0x0] =	vst.idx.msk $0xffff, v8  }
0xd3: {  	v4 =	vld [tilespmem:$0x470];
	_ =	sdelay $0x6  }
0xd4: {  	v8 =	vor.u32 $0x470, v0  }
0xd5: {  	[tilespmem:v4+s12+$0x0] =	vst.idx.msk $0xffff, v8  }
0xd6: {  	v4 =	vld [tilespmem:$0x480];
	_ =	sdelay $0x6  }
0xd7: {  	v8 =	vor.u32 $0x480, v0  }
0xd8: {  	[tilespmem:v4+s12+$0x0] =	vst.idx.msk $0xffff, v8  }
0xd9: {  	v4 =	vld [tilespmem:$0x490];
	_ =	sdelay $0x6  }
0xda: {  	v8 =	vor.u32 $0x490, v0  }
0xdb: {  	[tilespmem:v4+s12+$0x0] =	vst.idx.msk $0xffff, v8  }
0xdc: {  	v4 =	vld [tilespmem:$0x4A0];
	_ =	sdelay $0x6  }
0xdd: {  	v8 =	vor.u32 $0x4A0, v0  }
0xde: {  	[tilespmem:v4+s12+$0x0] =	vst.idx.msk $0xffff, v8  }
0xdf: {  	v4 =	vld [tilespmem:$0x4B0];
	_ =	sdelay $0x6  }
0xe0: {  	v8 =	vor.u32 $0x4B0, v0  }
0xe1: {  	[tilespmem:v4+s12+$0x0] =	vst.idx.msk $0xffff, v8  }
0xe2: {  	v4 =	vld [tilespmem:$0x4C0];
	_ =	sdelay $0x6  }
0xe3: {  	v8 =	vor.u32 $0x4C0, v0  }
0xe4: {  	[tilespmem:v4+s12+$0x0] =	vst.idx.msk $0xffff, v8  }
0xe5: {  	v4 =	vld [tilespmem:$0x4D0];
	_ =	sdelay $0x6  }
0xe6: {  	v8 =	vor.u32 $0x4D0, v0  }
0xe7: {  	[tilespmem:v4+s12+$0x0] =	vst.idx.msk $0xffff, v8  }
0xe8: {  	v4 =	vld [tilespmem:$0x4E0];
	_ =	sdelay $0x6  }
0xe9: {  	v8 =	vor.u32 $0x4E0, v0  }
0xea: {  	[tilespmem:v4+s12+$0x0] =	vst.idx.msk $0xffff, v8  }
0xeb: {  	v4 =	vld [tilespmem:$0x4F0];
	_ =	sdelay $0x6  }
0xec: {  	v8 =	vor.u32 $0x4F0, v0  }
0xed: {  	[tilespmem:v4+s12+$0x0] =	vst.idx.msk $0xffff, v8  }
0xee: {  	v4 =	vld [tilespmem:$0x500];
	_ =	sdelay $0x6  }
0xef: {  	v8 =	vor.u32 $0x500, v0  }
0xf0: {  	[tilespmem:v4+s12+$0x0] =	vst.idx.msk $0xffff, v8  }
0xf1: {  	v4 =	vld [tilespmem:$0x510];
	_ =	sdelay $0x6  }
0xf2: {  	v8 =	vor.u32 $0x510, v0  }
0xf3: {  	[tilespmem:v4+s12+$0x0] =	vst.idx.msk $0xffff, v8  }
0xf4: {  	v4 =	vld [tilespmem:$0x520];
	_ =	sdelay $0x6  }
0xf5: {  	v8 =	vor.u32 $0x520, v0  }
0xf6: {  	[tilespmem:v4+s12+$0x0] =	vst.idx.msk $0xffff, v8  }
0xf7: {  	v4 =	vld [tilespmem:$0x530];
	_ =	sdelay $0x6  }
0xf8: {  	v8 =	vor.u32 $0x530, v0  }
0xf9: {  	[tilespmem:v4+s12+$0x0] =	vst.idx.msk $0xffff, v8  }
0xfa: {  	v4 =	vld [tilespmem:$0x540];
	_ =	sdelay $0x6  }
0xfb: {  	v8 =	vor.u32 $0x540, v0  }
0xfc: {  	[tilespmem:v4+s12+$0x0] =	vst.idx.msk $0xffff, v8  }
0xfd: {  	v4 =	vld [tilespmem:$0x550];
	_ =	sdelay $0x6  }
0xfe: {  	v8 =	vor.u32 $0x550, v0  }
0xff: {  	[tilespmem:v4+s12+$0x0] =	vst.idx.msk $0xffff, v8  }
0x100: {  	v4 =	vld [tilespmem:$0x560];
	_ =	sdelay $0x6  }
0x101: {  	v8 =	vor.u32 $0x560, v0  }
0x102: {  	[tilespmem:v4+s12+$0x0] =	vst.idx.msk $0xffff, v8  }
0x103: {  	v4 =	vld [tilespmem:$0x570];
	_ =	sdelay $0x6  }
0x104: {  	v8 =	vor.u32 $0x570, v0  }
0x105: {  	[tilespmem:v4+s12+$0x0] =	vst.idx.msk $0xffff, v8  }
0x106: {  	v4 =	vld [tilespmem:$0x580];
	_ =	sdelay $0x6  }
0x107: {  	v8 =	vor.u32 $0x580, v0  }
0x108: {  	[tilespmem:v4+s12+$0x0] =	vst.idx.msk $0xffff, v8  }
0x109: {  	v4 =	vld [tilespmem:$0x590];
	_ =	sdelay $0x6  }
0x10a: {  	v8 =	vor.u32 $0x590, v0  }
0x10b: {  	[tilespmem:v4+s12+$0x0] =	vst.idx.msk $0xffff, v8  }
0x10c: {  	v4 =	vld [tilespmem:$0x5A0];
	_ =	sdelay $0x6  }
0x10d: {  	v8 =	vor.u32 $0x5A0, v0  }
0x10e: {  	[tilespmem:v4+s12+$0x0] =	vst.idx.msk $0xffff, v8  }
0x10f: {  	v4 =	vld [tilespmem:$0x5B0];
	_ =	sdelay $0x6  }
0x110: {  	v8 =	vor.u32 $0x5B0, v0  }
0x111: {  	[tilespmem:v4+s12+$0x0] =	vst.idx.msk $0xffff, v8  }
0x112: {  	v4 =	vld [tilespmem:$0x5C0];
	_ =	sdelay $0x6  }
0x113: {  	v8 =	vor.u32 $0x5C0, v0  }
0x114: {  	[tilespmem:v4+s12+$0x0] =	vst.idx.msk $0xffff, v8  }
0x115: {  	v4 =	vld [tilespmem:$0x5D0];
	_ =	sdelay $0x6  }
0x116: {  	v8 =	vor.u32 $0x5D0, v0  }
0x117: {  	[tilespmem:v4+s12+$0x0] =	vst.idx.msk $0xffff, v8  }
0x118: {  	v4 =	vld [tilespmem:$0x5E0];
	_ =	sdelay $0x6  }
0x119: {  	v8 =	vor.u32 $0x5E0, v0  }
0x11a: {  	[tilespmem:v4+s12+$0x0] =	vst.idx.msk $0xffff, v8  }
0x11b: {  	v4 =	vld [tilespmem:$0x5F0];
	_ =	sdelay $0x6  }
0x11c: {  	v8 =	vor.u32 $0x5F0, v0  }
0x11d: {  	[tilespmem:v4+s12+$0x0] =	vst.idx.msk $0xffff, v8  }
0x11e: {  	v4 =	vld [tilespmem:$0x600];
	_ =	sdelay $0x6  }
0x11f: {  	v8 =	vor.u32 $0x600, v0  }
0x120: {  	[tilespmem:v4+s12+$0x0] =	vst.idx.msk $0xffff, v8  }
0x121: {  	v4 =	vld [tilespmem:$0x610];
	_ =	sdelay $0x6  }
0x122: {  	v8 =	vor.u32 $0x610, v0  }
0x123: {  	[tilespmem:v4+s12+$0x0] =	vst.idx.msk $0xffff, v8  }
0x124: {  	v4 =	vld [tilespmem:$0x620];
	_ =	sdelay $0x6  }
0x125: {  	v8 =	vor.u32 $0x620, v0  }
0x126: {  	[tilespmem:v4+s12+$0x0] =	vst.idx.msk $0xffff, v8  }
0x127: {  	v4 =	vld [tilespmem:$0x630];
	_ =	sdelay $0x6  }
0x128: {  	v8 =	vor.u32 $0x630, v0  }
0x129: {  	[tilespmem:v4+s12+$0x0] =	vst.idx.msk $0xffff, v8  }
0x12a: {  	v4 =	vld [tilespmem:$0x640];
	_ =	sdelay $0x6  }
0x12b: {  	v8 =	vor.u32 $0x640, v0  }
0x12c: {  	[tilespmem:v4+s12+$0x0] =	vst.idx.msk $0xffff, v8  }
0x12d: {  	v4 =	vld [tilespmem:$0x650];
	_ =	sdelay $0x6  }
0x12e: {  	v8 =	vor.u32 $0x650, v0  }
0x12f: {  	[tilespmem:v4+s12+$0x0] =	vst.idx.msk $0xffff, v8  }
0x130: {  	v4 =	vld [tilespmem:$0x660];
	_ =	sdelay $0x6  }
0x131: {  	v8 =	vor.u32 $0x660, v0  }
0x132: {  	[tilespmem:v4+s12+$0x0] =	vst.idx.msk $0xffff, v8  }
0x133: {  	v4 =	vld [tilespmem:$0x670];
	_ =	sdelay $0x6  }
0x134: {  	v8 =	vor.u32 $0x670, v0  }
0x135: {  	[tilespmem:v4+s12+$0x0] =	vst.idx.msk $0xffff, v8  }
0x136: {  	v4 =	vld [tilespmem:$0x680];
	_ =	sdelay $0x6  }
0x137: {  	v8 =	vor.u32 $0x680, v0  }
0x138: {  	[tilespmem:v4+s12+$0x0] =	vst.idx.msk $0xffff, v8  }
0x139: {  	v4 =	vld [tilespmem:$0x690];
	_ =	sdelay $0x6  }
0x13a: {  	v8 =	vor.u32 $0x690, v0  }
0x13b: {  	[tilespmem:v4+s12+$0x0] =	vst.idx.msk $0xffff, v8  }
0x13c: {  	v4 =	vld [tilespmem:$0x6A0];
	_ =	sdelay $0x6  }
0x13d: {  	v8 =	vor.u32 $0x6A0, v0  }
0x13e: {  	[tilespmem:v4+s12+$0x0] =	vst.idx.msk $0xffff, v8  }
0x13f: {  	v4 =	vld [tilespmem:$0x6B0];
	_ =	sdelay $0x6  }
0x140: {  	v8 =	vor.u32 $0x6B0, v0  }
0x141: {  	[tilespmem:v4+s12+$0x0] =	vst.idx.msk $0xffff, v8  }
0x142: {  	v4 =	vld [tilespmem:$0x6C0];
	_ =	sdelay $0x6  }
0x143: {  	v8 =	vor.u32 $0x6C0, v0  }
0x144: {  	[tilespmem:v4+s12+$0x0] =	vst.idx.msk $0xffff, v8  }
0x145: {  	v4 =	vld [tilespmem:$0x6D0];
	_ =	sdelay $0x6  }
0x146: {  	v8 =	vor.u32 $0x6D0, v0  }
0x147: {  	[tilespmem:v4+s12+$0x0] =	vst.idx.msk $0xffff, v8  }
0x148: {  	v4 =	vld [tilespmem:$0x6E0];
	_ =	sdelay $0x6  }
0x149: {  	v8 =	vor.u32 $0x6E0, v0  }
0x14a: {  	[tilespmem:v4+s12+$0x0] =	vst.idx.msk $0xffff, v8  }
0x14b: {  	v4 =	vld [tilespmem:$0x6F0];
	_ =	sdelay $0x6  }
0x14c: {  	v8 =	vor.u32 $0x6F0, v0  }
0x14d: {  	[tilespmem:v4+s12+$0x0] =	vst.idx.msk $0xffff, v8  }
0x14e: {  	v4 =	vld [tilespmem:$0x700];
	_ =	sdelay $0x6  }
0x14f: {  	v8 =	vor.u32 $0x700, v0  }
0x150: {  	[tilespmem:v4+s12+$0x0] =	vst.idx.msk $0xffff, v8  }
0x151: {  	v4 =	vld [tilespmem:$0x710];
	_ =	sdelay $0x6  }
0x152: {  	v8 =	vor.u32 $0x710, v0  }
0x153: {  	[tilespmem:v4+s12+$0x0] =	vst.idx.msk $0xffff, v8  }
0x154: {  	v4 =	vld [tilespmem:$0x720];
	_ =	sdelay $0x6  }
0x155: {  	v8 =	vor.u32 $0x720, v0  }
0x156: {  	[tilespmem:v4+s12+$0x0] =	vst.idx.msk $0xffff, v8  }
0x157: {  	v4 =	vld [tilespmem:$0x730];
	_ =	sdelay $0x6  }
0x158: {  	v8 =	vor.u32 $0x730, v0  }
0x159: {  	[tilespmem:v4+s12+$0x0] =	vst.idx.msk $0xffff, v8  }
0x15a: {  	v4 =	vld [tilespmem:$0x740];
	_ =	sdelay $0x6  }
0x15b: {  	v8 =	vor.u32 $0x740, v0  }
0x15c: {  	[tilespmem:v4+s12+$0x0] =	vst.idx.msk $0xffff, v8  }
0x15d: {  	v4 =	vld [tilespmem:$0x750];
	_ =	sdelay $0x6  }
0x15e: {  	v8 =	vor.u32 $0x750, v0  }
0x15f: {  	[tilespmem:v4+s12+$0x0] =	vst.idx.msk $0xffff, v8  }
0x160: {  	v4 =	vld [tilespmem:$0x760];
	_ =	sdelay $0x6  }
0x161: {  	v8 =	vor.u32 $0x760, v0  }
0x162: {  	[tilespmem:v4+s12+$0x0] =	vst.idx.msk $0xffff, v8  }
0x163: {  	v4 =	vld [tilespmem:$0x770];
	_ =	sdelay $0x6  }
0x164: {  	v8 =	vor.u32 $0x770, v0  }
0x165: {  	[tilespmem:v4+s12+$0x0] =	vst.idx.msk $0xffff, v8  }
0x166: {  	v4 =	vld [tilespmem:$0x780];
	_ =	sdelay $0x6  }
0x167: {  	v8 =	vor.u32 $0x780, v0  }
0x168: {  	[tilespmem:v4+s12+$0x0] =	vst.idx.msk $0xffff, v8  }
0x169: {  	v4 =	vld [tilespmem:$0x790];
	_ =	sdelay $0x6  }
0x16a: {  	v8 =	vor.u32 $0x790, v0  }
0x16b: {  	[tilespmem:v4+s12+$0x0] =	vst.idx.msk $0xffff, v8  }
0x16c: {  	v4 =	vld [tilespmem:$0x7A0];
	_ =	sdelay $0x6  }
0x16d: {  	v8 =	vor.u32 $0x7A0, v0  }
0x16e: {  	[tilespmem:v4+s12+$0x0] =	vst.idx.msk $0xffff, v8  }
0x16f: {  	v4 =	vld [tilespmem:$0x7B0];
	_ =	sdelay $0x6  }
0x170: {  	v8 =	vor.u32 $0x7B0, v0  }
0x171: {  	[tilespmem:v4+s12+$0x0] =	vst.idx.msk $0xffff, v8  }
0x172: {  	v4 =	vld [tilespmem:$0x7C0];
	_ =	sdelay $0x6  }
0x173: {  	v8 =	vor.u32 $0x7C0, v0  }
0x174: {  	[tilespmem:v4+s12+$0x0] =	vst.idx.msk $0xffff, v8  }
0x175: {  	v4 =	vld [tilespmem:$0x7D0];
	_ =	sdelay $0x6  }
0x176: {  	v8 =	vor.u32 $0x7D0, v0  }
0x177: {  	[tilespmem:v4+s12+$0x0] =	vst.idx.msk $0xffff, v8  }
0x178: {  	v4 =	vld [tilespmem:$0x7E0];
	_ =	sdelay $0x6  }
0x179: {  	v8 =	vor.u32 $0x7E0, v0  }
0x17a: {  	[tilespmem:v4+s12+$0x0] =	vst.idx.msk $0xffff, v8  }
0x17b: {  	v4 =	vld [tilespmem:$0x7F0];
	_ =	sdelay $0x6  }
0x17c: {  	v8 =	vor.u32 $0x7F0, v0  }
0x17d: {  	[tilespmem:v4+s12+$0x0] =	vst.idx.msk $0xffff, v8  }
0x17e: {  	v4 =	vld.idx.msk [tilespmem:v1+s0+$0x0], $0xffff;
	_ =	sdelay $0x6  }
0x17f: {  	v8 =	vld.idx.msk [tilespmem:v1+s12+$0x0], $0xffff  }
0x180: {  	v13 =	vld.idx.msk [tilespmem:v4+s1+$0x0], $0xffff;
	_ =	sdelay $0x1  }
0x181: {  	v4 =	vld.idx.msk [tilespmem:v4+s9+$0x0], $0xffff;
	_ =	sdelay $0x2  }
0x182: {  	v8 =	vsub.s32 v8, v13  }
0x183: {  	v13 =	vshrl.u32 v8, $0x7  }
0x184: {  	v4 =	vadd.s32 v4, v13  }
0x185: {  	v13 =	vand.u32 $0x7F, v8;
	v4 =	vshll.u32 v4, $0x8  }
0x186: {  	v4 =	vor.u32 v13, v4  }
0x187: {  	v4 =	vor.u32 v2, v4  }
0x188: {  	[tilespmem:$0x1900] =	vst v4  }
0x189: {  	v13 =	vld.idx.msk [tilespmem:v5+s0+$0x0], $0xffff;
	_ =	sdelay $0x6  }
0x18a: {  	v17 =	vld.idx.msk [tilespmem:v5+s12+$0x0], $0xffff  }
0x18b: {  	v10 =	vld.idx.msk [tilespmem:v13+s1+$0x0], $0xffff;
	_ =	sdelay $0x1  }
0x18c: {  	v13 =	vld.idx.msk [tilespmem:v13+s9+$0x0], $0xffff;
	_ =	sdelay $0x2  }
0x18d: {  	v10 =	vsub.s32 v17, v10  }
0x18e: {  	v17 =	vshrl.u32 v10, $0x7  }
0x18f: {  	v13 =	vadd.s32 v13, v17  }
0x190: {  	v10 =	vand.u32 $0x7F, v10;
	v13 =	vshll.u32 v13, $0x8  }
0x191: {  	v10 =	vor.u32 v10, v13  }
0x192: {  	v10 =	vor.u32 v2, v10  }
0x193: {  	[tilespmem:$0x1910] =	vst v10  }
0x194: {  	v10 =	vld.idx.msk [tilespmem:v6+s0+$0x0], $0xffff;
	_ =	sdelay $0x6  }
0x195: {  	v13 =	vld.idx.msk [tilespmem:v6+s12+$0x0], $0xffff  }
0x196: {  	v17 =	vld.idx.msk [tilespmem:v10+s1+$0x0], $0xffff;
	_ =	sdelay $0x1  }
0x197: {  	v10 =	vld.idx.msk [tilespmem:v10+s9+$0x0], $0xffff;
	_ =	sdelay $0x1  }
0x198: {  	v12 =	vld [tilespmem:$0x1FF90]  }
0x199: {  	v13 =	vsub.s32 v13, v17  }
0x19a: {  	v17 =	vshrl.u32 v13, $0x7  }
0x19b: {  	v10 =	vadd.s32 v10, v17  }
0x19c: {  	v10 =	vshll.u32 v10, $0x8  }
0x19d: {  	v13 =	vand.u32 $0x7F, v13;
	v10 =	vadd.s32 v12, v10  }
0x19e: {  	v10 =	vor.u32 v13, v10  }
0x19f: {  	[tilespmem:$0x1980] =	vst v10  }
0x1a0: {  	v10 =	vld.idx.msk [tilespmem:v9+s0+$0x0], $0xffff;
	_ =	sdelay $0x6  }
0x1a1: {  	v13 =	vld.idx.msk [tilespmem:v9+s12+$0x0], $0xffff  }
0x1a2: {  	v17 =	vld.idx.msk [tilespmem:v10+s1+$0x0], $0xffff;
	_ =	sdelay $0x1  }
0x1a3: {  	v10 =	vld.idx.msk [tilespmem:v10+s9+$0x0], $0xffff;
	_ =	sdelay $0x2  }
0x1a4: {  	v13 =	vsub.s32 v13, v17  }
0x1a5: {  	v17 =	vshrl.u32 v13, $0x7  }
0x1a6: {  	v10 =	vadd.s32 v10, v17  }
0x1a7: {  	v13 =	vand.u32 $0x7F, v13;
	v10 =	vshll.u32 v10, $0x8  }
0x1a8: {  	v10 =	vor.u32 v13, v10  }
0x1a9: {  	v10 =	vor.u32 v2, v10  }
0x1aa: {  	[tilespmem:$0x1990] =	vst v10  }
0x1ab: {  	v10 =	vld.idx.msk [tilespmem:v11+s0+$0x0], $0xffff;
	_ =	sdelay $0x6  }
0x1ac: {  	v13 =	vld.idx.msk [tilespmem:v11+s12+$0x0], $0xffff  }
0x1ad: {  	v17 =	vld.idx.msk [tilespmem:v10+s1+$0x0], $0xffff;
	_ =	sdelay $0x1  }
0x1ae: {  	v10 =	vld.idx.msk [tilespmem:v10+s9+$0x0], $0xffff;
	_ =	sdelay $0x1  }
0x1af: {  	v12 =	vld [tilespmem:$0x1FFC0]  }
0x1b0: {  	v13 =	vsub.s32 v13, v17  }
0x1b1: {  	v17 =	vshrl.u32 v13, $0x7  }
0x1b2: {  	v10 =	vadd.s32 v10, v17  }
0x1b3: {  	v10 =	vshll.u32 v10, $0x8  }
0x1b4: {  	v13 =	vand.u32 $0x7F, v13;
	v10 =	vadd.s32 v12, v10  }
0x1b5: {  	v10 =	vor.u32 v13, v10  }
0x1b6: {  	[tilespmem:$0x1A00] =	vst v10  }
0x1b7: {  	v10 =	vld.idx.msk [tilespmem:v14+s0+$0x0], $0xffff;
	_ =	sdelay $0x6  }
0x1b8: {  	v13 =	vld.idx.msk [tilespmem:v14+s12+$0x0], $0xffff  }
0x1b9: {  	v17 =	vld.idx.msk [tilespmem:v10+s1+$0x0], $0xffff;
	_ =	sdelay $0x1  }
0x1ba: {  	v10 =	vld.idx.msk [tilespmem:v10+s9+$0x0], $0xffff;
	_ =	sdelay $0x2  }
0x1bb: {  	v13 =	vsub.s32 v13, v17  }
0x1bc: {  	v17 =	vshrl.u32 v13, $0x7  }
0x1bd: {  	v10 =	vadd.s32 v10, v17  }
0x1be: {  	v13 =	vand.u32 $0x7F, v13;
	v10 =	vshll.u32 v10, $0x8  }
0x1bf: {  	v10 =	vor.u32 v13, v10  }
0x1c0: {  	v10 =	vor.u32 v2, v10  }
0x1c1: {  	[tilespmem:$0x1A10] =	vst v10  }
0x1c2: {  	v10 =	vld.idx.msk [tilespmem:v16+s0+$0x0], $0xffff;
	_ =	sdelay $0x6  }
0x1c3: {  	v13 =	vld.idx.msk [tilespmem:v16+s12+$0x0], $0xffff  }
0x1c4: {  	v17 =	vld.idx.msk [tilespmem:v10+s1+$0x0], $0xffff;
	_ =	sdelay $0x1  }
0x1c5: {  	v10 =	vld.idx.msk [tilespmem:v10+s9+$0x0], $0xffff;
	_ =	sdelay $0x1  }
0x1c6: {  	v12 =	vld [tilespmem:$0x1FFE0]  }
0x1c7: {  	v13 =	vsub.s32 v13, v17  }
0x1c8: {  	v17 =	vshrl.u32 v13, $0x7  }
0x1c9: {  	v10 =	vadd.s32 v10, v17  }
0x1ca: {  	v10 =	vshll.u32 v10, $0x8  }
0x1cb: {  	v13 =	vand.u32 $0x7F, v13;
	v10 =	vadd.s32 v12, v10  }
0x1cc: {  	v10 =	vor.u32 v13, v10  }
0x1cd: {  	[tilespmem:$0x1A80] =	vst v10  }
0x1ce: {  	v10 =	vld.idx.msk [tilespmem:v19+s0+$0x0], $0xffff;
	_ =	sdelay $0x6  }
0x1cf: {  	v17 =	vld.idx.msk [tilespmem:v19+s12+$0x0], $0xffff  }
0x1d0: {  	v12 =	vld.idx.msk [tilespmem:v10+s1+$0x0], $0xffff;
	_ =	sdelay $0x1  }
0x1d1: {  	v4 =	vshll.u32 v4, $0x3;
	v10 =	vld.idx.msk [tilespmem:v10+s9+$0x0], $0xffff  }
0x1d2: {  	v8 =	vand.u32 $0x7, v8;
	v4 =	vand.u32 $0xFFFFFFC0, v4  }
0x1d3: {  	v20 =	vor.u32 v8, v4;
	v4 =	vshrl.u32 v0, $0x3;
	v13 =	vand.u32 $0x7, v0  }
0x1d4: {  	v4 =	vmul.u32 $0x8, v4;
	v8 =	vsub.s32 v17, v12;
	v12 =	vperm.xlane v20, v13  }
0x1d5: {  	v17 =	vshrl.u32 v8, $0x7  }
0x1d6: {  	v10 =	vadd.s32 v10, v17;
	v12 =	vadd.s32 v4, v12  }
0x1d7: {  	v8 =	vand.u32 $0x7F, v8;
	v10 =	vshll.u32 v10, $0x8  }
0x1d8: {  	v8 =	vor.u32 v8, v10  }
0x1d9: {  	v8 =	vor.u32 v2, v8  }
0x1da: {  	[tilespmem:$0x1A90] =	vst v8  }
0x1db: {  	v8 =	vor.u32 $0x8, v0;
	[tilespmem:s30], [sflag:$0x1] =	stream.indirect_vreg.gather [hbm4b:s10+s2], $0x80, v12, vm0, $0xb8;
	[tilespmem:$0x11B00] =	vst v63  }
0x1dc: {  	v10 =	vperm.xlane v20, v8  }
0x1dd: {  	[tilespmem:s31], [sflag:$0x1] =	stream.indirect_vreg.gather [hbm4b:s4+s2], $0x80, v12, vm0, $0xb8;
	[tilespmem:$0x11B00] =	vst v63  }
0x1de: {  	s7 =	simm.s32 $0x2B00;
	v10 =	vadd.s32 v4, v10  }
0x1df: {  	[tilespmem:s7], [sflag:$0x1] =	stream.indirect_vreg.gather [hbm4b:s5+s2], $0x80, v12, vm0, $0xb8;
	[tilespmem:$0x11B00] =	vst v63  }
0x1e0: {  	s0 =	simm.s32 $0x3300  }
0x1e1: {  	[tilespmem:s0], [sflag:$0x1] =	stream.indirect_vreg.gather [hbm4b:s6+s2], $0x80, v12, vm0, $0xb8;
	[tilespmem:$0x11B00] =	vst v63  }
0x1e2: {  	_ = 	snop  }
0x1e3: {  	[tilespmem:s14], [sflag:$0x1] =	stream.indirect_vreg.gather [hbm4b:s10+s2], $0x80, v10, vm0, $0xb8;
	[tilespmem:$0x11B00] =	vst v63  }
0x1e4: {  	_ = 	snop  }
0x1e5: {  	[tilespmem:s15], [sflag:$0x1] =	stream.indirect_vreg.gather [hbm4b:s4+s2], $0x80, v10, vm0, $0xb8;
	[tilespmem:$0x11B00] =	vst v63  }
0x1e6: {  	_ = 	snop  }
0x1e7: {  	[tilespmem:s16], [sflag:$0x1] =	stream.indirect_vreg.gather [hbm4b:s5+s2], $0x80, v10, vm0, $0xb8;
	[tilespmem:$0x11B00] =	vst v63  }
0x1e8: {  	_ = 	snop  }
0x1e9: {  	[tilespmem:s17], [sflag:$0x1] =	stream.indirect_vreg.gather [hbm4b:s6+s2], $0x80, v10, vm0, $0xb8;
	[tilespmem:$0x11B00] =	vst v63  }
0x1ea: {  	v10 =	vld [tilespmem:$0x1910];
	_ =	sdelay $0x4  }
0x1eb: {  	v12 =	vshll.u32 v10, $0x3  }
0x1ec: {  	v10 =	vand.u32 $0x7, v10;
	v12 =	vand.u32 $0xFFFFFFC0, v12  }
0x1ed: {  	v10 =	vor.u32 v10, v12  }
0x1ee: {  	v12 =	vperm.xlane v10, v13;
	_ =	sdelay $0x1  }
0x1ef: {  	v12 =	vadd.s32 v4, v12;
	_ =	sdelay $0x4  }
0x1f0: {  	[tilespmem:s18], [sflag:$0x1] =	stream.indirect_vreg.gather [hbm4b:s10+s2], $0x80, v12, vm0, $0xb8;
	[tilespmem:$0x11B00] =	vst v63  }
0x1f1: {  	v10 =	vperm.xlane v10, v8  }
0x1f2: {  	[tilespmem:s19], [sflag:$0x1] =	stream.indirect_vreg.gather [hbm4b:s4+s2], $0x80, v12, vm0, $0xb8;
	[tilespmem:$0x11B00] =	vst v63  }
0x1f3: {  	v10 =	vadd.s32 v4, v10  }
0x1f4: {  	[tilespmem:s20], [sflag:$0x1] =	stream.indirect_vreg.gather [hbm4b:s5+s2], $0x80, v12, vm0, $0xb8;
	[tilespmem:$0x11B00] =	vst v63  }
0x1f5: {  	_ = 	snop  }
0x1f6: {  	[tilespmem:s21], [sflag:$0x1] =	stream.indirect_vreg.gather [hbm4b:s6+s2], $0x80, v12, vm0, $0xb8;
	[tilespmem:$0x11B00] =	vst v63  }
0x1f7: {  	_ = 	snop  }
0x1f8: {  	[tilespmem:s22], [sflag:$0x1] =	stream.indirect_vreg.gather [hbm4b:s10+s2], $0x80, v10, vm0, $0xb8;
	[tilespmem:$0x11B00] =	vst v63  }
0x1f9: {  	_ = 	snop  }
0x1fa: {  	[tilespmem:s23], [sflag:$0x1] =	stream.indirect_vreg.gather [hbm4b:s4+s2], $0x80, v10, vm0, $0xb8;
	[tilespmem:$0x11B00] =	vst v63  }
0x1fb: {  	_ = 	snop  }
0x1fc: {  	[tilespmem:s24], [sflag:$0x1] =	stream.indirect_vreg.gather [hbm4b:s5+s2], $0x80, v10, vm0, $0xb8;
	[tilespmem:$0x11B00] =	vst v63  }
0x1fd: {  	_ = 	snop  }
0x1fe: {  	[tilespmem:s25], [sflag:$0x1] =	stream.indirect_vreg.gather [hbm4b:s6+s2], $0x80, v10, vm0, $0xb8;
	[tilespmem:$0x11B00] =	vst v63  }
0x1ff: {  	v10 =	vld [tilespmem:$0x1980];
	_ =	sdelay $0x4  }
0x200: {  	v12 =	vshll.u32 v10, $0x3  }
0x201: {  	v10 =	vand.u32 $0x7, v10;
	v12 =	vand.u32 $0xFFFFFFC0, v12  }
0x202: {  	v10 =	vor.u32 v10, v12  }
0x203: {  	v12 =	vperm.xlane v10, v13;
	_ =	sdelay $0x1  }
0x204: {  	v12 =	vadd.s32 v4, v12;
	_ =	sdelay $0x3  }
0x205: {  	s9 =	simm.s32 $0x9B00  }
0x206: {  	[tilespmem:s9], [sflag:$0x1] =	stream.indirect_vreg.gather [hbm4b:s10+s2], $0x80, v12, vm0, $0xb8;
	[tilespmem:$0x11B00] =	vst v63  }
0x207: {  	v10 =	vperm.xlane v10, v8  }
0x208: {  	[tilespmem:s13], [sflag:$0x1] =	stream.indirect_vreg.gather [hbm4b:s4+s2], $0x80, v12, vm0, $0xb8;
	[tilespmem:$0x11B00] =	vst v63  }
0x209: {  	s8 =	simm.s32 $0xAB00;
	v10 =	vadd.s32 v4, v10  }
0x20a: {  	[tilespmem:s8], [sflag:$0x1] =	stream.indirect_vreg.gather [hbm4b:s5+s2], $0x80, v12, vm0, $0xb8;
	[tilespmem:$0x11B00] =	vst v63  }
0x20b: {  	_ = 	snop  }
0x20c: {  	[tilespmem:s11], [sflag:$0x1] =	stream.indirect_vreg.gather [hbm4b:s6+s2], $0x80, v12, vm0, $0xb8;
	[tilespmem:$0x11B00] =	vst v63  }
0x20d: {  	s8 =	simm.s32 $0xBB00  }
0x20e: {  	[tilespmem:s8], [sflag:$0x1] =	stream.indirect_vreg.gather [hbm4b:s10+s2], $0x80, v10, vm0, $0xb8;
	[tilespmem:$0x11B00] =	vst v63  }
0x20f: {  	_ = 	snop  }
0x210: {  	[tilespmem:s26], [sflag:$0x1] =	stream.indirect_vreg.gather [hbm4b:s4+s2], $0x80, v10, vm0, $0xb8;
	[tilespmem:$0x11B00] =	vst v63  }
0x211: {  	_ = 	snop  }
0x212: {  	[tilespmem:s28], [sflag:$0x1] =	stream.indirect_vreg.gather [hbm4b:s5+s2], $0x80, v10, vm0, $0xb8;
	[tilespmem:$0x11B00] =	vst v63  }
0x213: {  	s29 =	simm.s32 $0xD300  }
0x214: {  	[tilespmem:s29], [sflag:$0x1] =	stream.indirect_vreg.gather [hbm4b:s6+s2], $0x80, v10, vm0, $0xb8;
	[tilespmem:$0x11B00] =	vst v63  }
0x215: {  	v10 =	vld [tilespmem:$0x1990];
	_ =	sdelay $0x4  }
0x216: {  	v12 =	vshll.u32 v10, $0x3  }
0x217: {  	v10 =	vand.u32 $0x7, v10;
	v12 =	vand.u32 $0xFFFFFFC0, v12  }
0x218: {  	v10 =	vor.u32 v10, v12  }
0x219: {  	v12 =	vperm.xlane v10, v13;
	_ =	sdelay $0x1  }
0x21a: {  	v12 =	vadd.s32 v4, v12;
	_ =	sdelay $0x3  }
0x21b: {  	s29 =	simm.s32 $0xDB00  }
0x21c: {  	[tilespmem:s29], [sflag:$0x1] =	stream.indirect_vreg.gather [hbm4b:s10+s2], $0x80, v12, vm0, $0xb8;
	[tilespmem:$0x11B00] =	vst v63  }
0x21d: {  	v10 =	vperm.xlane v10, v8;
	s29 =	simm.s32 $0xE300  }
0x21e: {  	[tilespmem:s29], [sflag:$0x1] =	stream.indirect_vreg.gather [hbm4b:s4+s2], $0x80, v12, vm0, $0xb8;
	[tilespmem:$0x11B00] =	vst v63  }
0x21f: {  	v10 =	vadd.s32 v4, v10;
	s29 =	simm.s32 $0xEB00  }
0x220: {  	[tilespmem:s29], [sflag:$0x1] =	stream.indirect_vreg.gather [hbm4b:s5+s2], $0x80, v12, vm0, $0xb8;
	[tilespmem:$0x11B00] =	vst v63  }
0x221: {  	s29 =	simm.s32 $0xF300  }
0x222: {  	[tilespmem:s29], [sflag:$0x1] =	stream.indirect_vreg.gather [hbm4b:s6+s2], $0x80, v12, vm0, $0xb8;
	[tilespmem:$0x11B00] =	vst v63  }
0x223: {  	s29 =	simm.s32 $0xFB00  }
0x224: {  	[tilespmem:s29], [sflag:$0x1] =	stream.indirect_vreg.gather [hbm4b:s10+s2], $0x80, v10, vm0, $0xb8;
	[tilespmem:$0x11B00] =	vst v63  }
0x225: {  	s29 =	simm.s32 $0x10300  }
0x226: {  	[tilespmem:s29], [sflag:$0x1] =	stream.indirect_vreg.gather [hbm4b:s4+s2], $0x80, v10, vm0, $0xb8;
	[tilespmem:$0x11B00] =	vst v63  }
0x227: {  	s29 =	simm.s32 $0x10B00  }
0x228: {  	[tilespmem:s29], [sflag:$0x1] =	stream.indirect_vreg.gather [hbm4b:s5+s2], $0x80, v10, vm0, $0xb8;
	[tilespmem:$0x11B00] =	vst v63  }
0x229: {  	s1 =	simm.s32 $0x1;
	s29 =	simm.s32 $0x11300  }
0x22a: {  	[tilespmem:s29], [sflag:$0x1] =	stream.indirect_vreg.gather [hbm4b:s6+s2], $0x80, v10, vm0, $0xb8;
	[tilespmem:$0x11B00] =	vst v63  }
0x22b: {  	_ =	swait.ge [sflag:s1], $0x8000  }
0x22c: {  	[sflag:s1] =	ssyncset.done $0x0  }
0x22d: {  	s29 =	rddreg [dreg:$0x8];
	[sflag:s1] =	ssyncadd.s32 $0xFFFF8000  }
0x22e: {  	[hbm4b:s29+s2] =	stream.linear.scatter [tilespmem:s30], [sflag:$0x2], $0x8000, $0x38;
	[tilespmem:$0x11B00] =	vst v63  }
0x22f: {  	_ =	swait.ge [sflag:s3], $0x8000  }
0x230: {  	[sflag:s3] =	ssyncset.done $0x0  }
0x231: {  	[sflag:s3] =	ssyncadd.s32 $0xFFFF8000  }
0x232: {  	v10 =	vld [tilespmem:$0x1A00];
	_ =	sdelay $0x4  }
0x233: {  	v12 =	vshll.u32 v10, $0x3  }
0x234: {  	v10 =	vand.u32 $0x7, v10;
	v12 =	vand.u32 $0xFFFFFFC0, v12  }
0x235: {  	v10 =	vor.u32 v10, v12  }
0x236: {  	v12 =	vperm.xlane v10, v13;
	_ =	sdelay $0x1  }
0x237: {  	v12 =	vadd.s32 v4, v12;
	_ =	sdelay $0x4  }
0x238: {  	[tilespmem:s30], [sflag:$0x1] =	stream.indirect_vreg.gather [hbm4b:s10+s2], $0x80, v12, vm0, $0xb8;
	[tilespmem:$0x11B00] =	vst v63  }
0x239: {  	v10 =	vperm.xlane v10, v8  }
0x23a: {  	[tilespmem:s31], [sflag:$0x1] =	stream.indirect_vreg.gather [hbm4b:s4+s2], $0x80, v12, vm0, $0xb8;
	[tilespmem:$0x11B00] =	vst v63  }
0x23b: {  	v10 =	vadd.s32 v4, v10  }
0x23c: {  	[tilespmem:s7], [sflag:$0x1] =	stream.indirect_vreg.gather [hbm4b:s5+s2], $0x80, v12, vm0, $0xb8;
	[tilespmem:$0x11B00] =	vst v63  }
0x23d: {  	_ = 	snop  }
0x23e: {  	[tilespmem:s0], [sflag:$0x1] =	stream.indirect_vreg.gather [hbm4b:s6+s2], $0x80, v12, vm0, $0xb8;
	[tilespmem:$0x11B00] =	vst v63  }
0x23f: {  	_ = 	snop  }
0x240: {  	[tilespmem:s14], [sflag:$0x1] =	stream.indirect_vreg.gather [hbm4b:s10+s2], $0x80, v10, vm0, $0xb8;
	[tilespmem:$0x11B00] =	vst v63  }
0x241: {  	_ = 	snop  }
0x242: {  	[tilespmem:s15], [sflag:$0x1] =	stream.indirect_vreg.gather [hbm4b:s4+s2], $0x80, v10, vm0, $0xb8;
	[tilespmem:$0x11B00] =	vst v63  }
0x243: {  	_ = 	snop  }
0x244: {  	[tilespmem:s16], [sflag:$0x1] =	stream.indirect_vreg.gather [hbm4b:s5+s2], $0x80, v10, vm0, $0xb8;
	[tilespmem:$0x11B00] =	vst v63  }
0x245: {  	_ = 	snop  }
0x246: {  	[tilespmem:s17], [sflag:$0x1] =	stream.indirect_vreg.gather [hbm4b:s6+s2], $0x80, v10, vm0, $0xb8;
	[tilespmem:$0x11B00] =	vst v63  }
0x247: {  	v10 =	vld [tilespmem:$0x1A10];
	_ =	sdelay $0x4  }
0x248: {  	v12 =	vshll.u32 v10, $0x3  }
0x249: {  	v10 =	vand.u32 $0x7, v10;
	v12 =	vand.u32 $0xFFFFFFC0, v12  }
0x24a: {  	v10 =	vor.u32 v10, v12  }
0x24b: {  	v12 =	vperm.xlane v10, v13;
	_ =	sdelay $0x1  }
0x24c: {  	v12 =	vadd.s32 v4, v12;
	_ =	sdelay $0x4  }
0x24d: {  	[tilespmem:s18], [sflag:$0x1] =	stream.indirect_vreg.gather [hbm4b:s10+s2], $0x80, v12, vm0, $0xb8;
	[tilespmem:$0x11B00] =	vst v63  }
0x24e: {  	v10 =	vperm.xlane v10, v8  }
0x24f: {  	[tilespmem:s19], [sflag:$0x1] =	stream.indirect_vreg.gather [hbm4b:s4+s2], $0x80, v12, vm0, $0xb8;
	[tilespmem:$0x11B00] =	vst v63  }
0x250: {  	v10 =	vadd.s32 v4, v10  }
0x251: {  	[tilespmem:s20], [sflag:$0x1] =	stream.indirect_vreg.gather [hbm4b:s5+s2], $0x80, v12, vm0, $0xb8;
	[tilespmem:$0x11B00] =	vst v63  }
0x252: {  	_ = 	snop  }
0x253: {  	[tilespmem:s21], [sflag:$0x1] =	stream.indirect_vreg.gather [hbm4b:s6+s2], $0x80, v12, vm0, $0xb8;
	[tilespmem:$0x11B00] =	vst v63  }
0x254: {  	_ = 	snop  }
0x255: {  	[tilespmem:s22], [sflag:$0x1] =	stream.indirect_vreg.gather [hbm4b:s10+s2], $0x80, v10, vm0, $0xb8;
	[tilespmem:$0x11B00] =	vst v63  }
0x256: {  	_ = 	snop  }
0x257: {  	[tilespmem:s23], [sflag:$0x1] =	stream.indirect_vreg.gather [hbm4b:s4+s2], $0x80, v10, vm0, $0xb8;
	[tilespmem:$0x11B00] =	vst v63  }
0x258: {  	_ = 	snop  }
0x259: {  	[tilespmem:s24], [sflag:$0x1] =	stream.indirect_vreg.gather [hbm4b:s5+s2], $0x80, v10, vm0, $0xb8;
	[tilespmem:$0x11B00] =	vst v63  }
0x25a: {  	_ = 	snop  }
0x25b: {  	[tilespmem:s25], [sflag:$0x1] =	stream.indirect_vreg.gather [hbm4b:s6+s2], $0x80, v10, vm0, $0xb8;
	[tilespmem:$0x11B00] =	vst v63  }
0x25c: {  	s0 =	rddreg [dreg:$0xc];
	_ =	swait.ge [sflag:s1], $0x8000  }
0x25d: {  	[sflag:s1] =	ssyncset.done $0x0  }
0x25e: {  	s7 =	rddreg [dreg:$0x9];
	[sflag:s1] =	ssyncadd.s32 $0xFFFF8000  }
0x25f: {  	[hbm4b:s7+s2] =	stream.linear.scatter [tilespmem:s9], [sflag:$0x2], $0x8000, $0x38;
	[tilespmem:$0x11B00] =	vst v63  }
0x260: {  	_ =	swait.ge [sflag:s3], $0x8000  }
0x261: {  	[sflag:s3] =	ssyncset.done $0x0  }
0x262: {  	[sflag:s3] =	ssyncadd.s32 $0xFFFF8000  }
0x263: {  	v10 =	vld [tilespmem:$0x1A80];
	_ =	sdelay $0x4  }
0x264: {  	v12 =	vshll.u32 v10, $0x3  }
0x265: {  	v10 =	vand.u32 $0x7, v10;
	v12 =	vand.u32 $0xFFFFFFC0, v12  }
0x266: {  	v10 =	vor.u32 v10, v12  }
0x267: {  	v12 =	vperm.xlane v10, v13;
	_ =	sdelay $0x1  }
0x268: {  	v12 =	vadd.s32 v4, v12;
	_ =	sdelay $0x4  }
0x269: {  	[tilespmem:s9], [sflag:$0x1] =	stream.indirect_vreg.gather [hbm4b:s10+s2], $0x80, v12, vm0, $0xb8;
	[tilespmem:$0x11B00] =	vst v63  }
0x26a: {  	v10 =	vperm.xlane v10, v8  }
0x26b: {  	[tilespmem:s13], [sflag:$0x1] =	stream.indirect_vreg.gather [hbm4b:s4+s2], $0x80, v12, vm0, $0xb8;
	[tilespmem:$0x11B00] =	vst v63  }
0x26c: {  	s29 =	simm.s32 $0xAB00;
	v10 =	vadd.s32 v4, v10  }
0x26d: {  	[tilespmem:s29], [sflag:$0x1] =	stream.indirect_vreg.gather [hbm4b:s5+s2], $0x80, v12, vm0, $0xb8;
	[tilespmem:$0x11B00] =	vst v63  }
0x26e: {  	_ = 	snop  }
0x26f: {  	[tilespmem:s11], [sflag:$0x1] =	stream.indirect_vreg.gather [hbm4b:s6+s2], $0x80, v12, vm0, $0xb8;
	[tilespmem:$0x11B00] =	vst v63  }
0x270: {  	_ = 	snop  }
0x271: {  	[tilespmem:s8], [sflag:$0x1] =	stream.indirect_vreg.gather [hbm4b:s10+s2], $0x80, v10, vm0, $0xb8;
	[tilespmem:$0x11B00] =	vst v63  }
0x272: {  	_ = 	snop  }
0x273: {  	[tilespmem:s26], [sflag:$0x1] =	stream.indirect_vreg.gather [hbm4b:s4+s2], $0x80, v10, vm0, $0xb8;
	[tilespmem:$0x11B00] =	vst v63  }
0x274: {  	_ = 	snop  }
0x275: {  	[tilespmem:s28], [sflag:$0x1] =	stream.indirect_vreg.gather [hbm4b:s5+s2], $0x80, v10, vm0, $0xb8;
	[tilespmem:$0x11B00] =	vst v63  }
0x276: {  	s29 =	simm.s32 $0xD300  }
0x277: {  	[tilespmem:s29], [sflag:$0x1] =	stream.indirect_vreg.gather [hbm4b:s6+s2], $0x80, v10, vm0, $0xb8;
	[tilespmem:$0x11B00] =	vst v63  }
0x278: {  	v10 =	vld [tilespmem:$0x1A90];
	_ =	sdelay $0x4  }
0x279: {  	v12 =	vshll.u32 v10, $0x3  }
0x27a: {  	v10 =	vand.u32 $0x7, v10;
	v12 =	vand.u32 $0xFFFFFFC0, v12  }
0x27b: {  	v10 =	vor.u32 v10, v12  }
0x27c: {  	v12 =	vperm.xlane v10, v13;
	_ =	sdelay $0x1  }
0x27d: {  	v12 =	vadd.s32 v4, v12;
	_ =	sdelay $0x3  }
0x27e: {  	s8 =	simm.s32 $0xDB00  }
0x27f: {  	[tilespmem:s8], [sflag:$0x1] =	stream.indirect_vreg.gather [hbm4b:s10+s2], $0x80, v12, vm0, $0xb8;
	[tilespmem:$0x11B00] =	vst v63  }
0x280: {  	s29 =	simm.s32 $0xE300;
	v8 =	vperm.xlane v10, v8  }
0x281: {  	[tilespmem:s29], [sflag:$0x1] =	stream.indirect_vreg.gather [hbm4b:s4+s2], $0x80, v12, vm0, $0xb8;
	[tilespmem:$0x11B00] =	vst v63  }
0x282: {  	v4 =	vadd.s32 v4, v8;
	s8 =	simm.s32 $0xEB00  }
0x283: {  	[tilespmem:s8], [sflag:$0x1] =	stream.indirect_vreg.gather [hbm4b:s5+s2], $0x80, v12, vm0, $0xb8;
	[tilespmem:$0x11B00] =	vst v63  }
0x284: {  	s29 =	simm.s32 $0xF300  }
0x285: {  	[tilespmem:s29], [sflag:$0x1] =	stream.indirect_vreg.gather [hbm4b:s6+s2], $0x80, v12, vm0, $0xb8;
	[tilespmem:$0x11B00] =	vst v63  }
0x286: {  	s8 =	simm.s32 $0xFB00  }
0x287: {  	[tilespmem:s8], [sflag:$0x1] =	stream.indirect_vreg.gather [hbm4b:s10+s2], $0x80, v4, vm0, $0xb8;
	[tilespmem:$0x11B00] =	vst v63  }
0x288: {  	s29 =	simm.s32 $0x10300  }
0x289: {  	[tilespmem:s29], [sflag:$0x1] =	stream.indirect_vreg.gather [hbm4b:s4+s2], $0x80, v4, vm0, $0xb8;
	[tilespmem:$0x11B00] =	vst v63  }
0x28a: {  	s8 =	simm.s32 $0x10B00  }
0x28b: {  	[tilespmem:s8], [sflag:$0x1] =	stream.indirect_vreg.gather [hbm4b:s5+s2], $0x80, v4, vm0, $0xb8;
	[tilespmem:$0x11B00] =	vst v63  }
0x28c: {  	s29 =	simm.s32 $0x11300  }
0x28d: {  	[tilespmem:s29], [sflag:$0x1] =	stream.indirect_vreg.gather [hbm4b:s6+s2], $0x80, v4, vm0, $0xb8;
	[tilespmem:$0x11B00] =	vst v63  }
0x28e: {  	_ =	swait.ge [sflag:s1], $0x8000  }
0x28f: {  	[sflag:s1] =	ssyncset.done $0x0  }
0x290: {  	s7 =	rddreg [dreg:$0xa];
	[sflag:s1] =	ssyncadd.s32 $0xFFFF8000  }
0x291: {  	[hbm4b:s7+s2] =	stream.linear.scatter [tilespmem:s30], [sflag:$0x2], $0x8000, $0x38;
	[tilespmem:$0x11B00] =	vst v63  }
0x292: {  	_ =	swait.ge [sflag:s1], $0x8000  }
0x293: {  	[sflag:s1] =	ssyncset.done $0x0  }
0x294: {  	s8 =	rddreg [dreg:$0xb];
	[sflag:s1] =	ssyncadd.s32 $0xFFFF8000  }
0x295: {  	[hbm4b:s8+s2] =	stream.linear.scatter [tilespmem:s9], [sflag:$0x2], $0x8000, $0x38;
	[tilespmem:$0x11B00] =	vst v63  }
0x296: {  	p0 =	sne.s32 s0, $0x1;
	_ =	swait.ge [sflag:s3], $0x8000  }
.Ltmp0:
0x297: {  	[sflag:s3] =	ssyncset.done $0x0;
	(pc) =	sbr.rel @p0 .LBB2_1-.Ltmp0, $4  }
0x298: {  	[sflag:s3] =	ssyncadd.s32 $0xFFFF8000  }
0x299: {  	_ =	swait.ge [sflag:s3], $0x8000  }
0x29a: {  	[sflag:s3] =	ssyncset.done $0x0  }
0x29b: {  	s0 =	sadd.s32 $0xFFFFFFFF, s0;
	[sflag:s3] =	ssyncadd.s32 $0xFFFF8000  }
0x29c: {  	_ =	sfence.sel $0x180000  }
0x29d: {  	[bflag:$0x0] =	sbarrier.arrive $0xFFFF  }
0x29e: {  	_ =	strace $0x9000004A  }
0x29f: {  	s0 =	stileid.u32;
	[bflag:$0x2] =	sbarrier.arrive $0xFFFF  }
0x2a0: {  	p0 =	sne.s32 s0, $0x0;
	s0 =	rddreg [dreg:$0x3]  }
0x2a1: {  	s0 =	sadd.s32 @!p0 $0x100000, s0  }
0x2a2: {  	[sflag:s0] =	ssyncadd.tile.s32 @!p0 $0x1;
	_ =	shalt  }
.Lfunc_end2:
_tile_overlayer_lowered:
.L_overlay_start_2:
0x2a3: {  	(tag) =	ssettag $0x2  }
0x2a4: {  	s0 =	rddreg [dreg:$0x0];
	s2 =	stileid.u32  }
0x2a5: {  	s1 =	rddreg [dreg:$0x1];
	p0 =	sne.s32 s2, $0x0  }
0x2a6: {  	s3 =	rddreg [dreg:$0x2];
	[bflag:$0x3] =	sbarrier.arrive $0xFFFF;
	s2 =	simm.s32 @!p0 $0x1C03  }
0x2a7: {  	[timem:s3], [sflag:s2] =	dma.local @!p0 [hbm:s0], s1  }
0x2a8: {  	s0 =	simm.s32 @!p0 $0x3  }
0x2a9: {  	_ =	swait.ge @!p0 [sflag:s0], s1  }
0x2aa: {  	s1 =	ssub.s32 @!p0 $0x0, s1;
	[sflag:s0] =	ssyncset.done @!p0 $0x0  }
0x2ab: {  	[sflag:s0] =	ssyncadd.s32 @!p0 s1  }
0x2ac: {  	[bflag:$0x3] =	sbarrier.arrive $0xFFFF  }
0x2ad: {  	_ =	shalt  }

</sc_bundles>
